<compile_context>
chip_gen: v7x
topology: tpu7x:2x2x1
jax: 0.10.2.dev20260603
libtpu: 0.0.44.dev20260713+nightly
codegen_flags: <defaults>
</compile_context>

<pallas_src>
import functools

import jax
import jax.numpy as jnp
from jax import lax
from jax.experimental import pallas as pl
from jax.experimental.pallas import tpu as pltpu
from jax.experimental.pallas import tpu_sc as plsc

D = 32
BATCH = 4096
SEQ = 200
NC = 2
NS = 16
NW = NC * NS
BT = BATCH // NW
ST = SEQ // 8
DT = D // 8
NB = 5
JB = BT // 16
DB = D // 16
NBLK = JB * DB

_mesh = plsc.VectorSubcoreMesh(core_axis_name="c", subcore_axis_name="s")


@functools.partial(
    pl.kernel,
    out_type=(
        jax.ShapeDtypeStruct((SEQ, DT, NW, 8 * BT), jnp.float32),
        jax.ShapeDtypeStruct((DT, NW, 8 * BT), jnp.float32),
    ),
    mesh=_mesh,
    compiler_params=pltpu.CompilerParams(
        use_tc_tiling_on_sc=False, needs_layout_passes=False),
    scratch_types=[
        pltpu.VMEM((ST, 8, BT), jnp.int32),
        pltpu.VMEM((NB, BT, D), jnp.float32),
        pltpu.VMEM((NB, DT, 8 * BT), jnp.float32),
        pltpu.VMEM((NBLK * 16, 16), jnp.float32),
        pltpu.VMEM((DT, 8 * BT), jnp.float32),
        pltpu.SemaphoreType.DMA,
        pltpu.SemaphoreType.DMA,
        pltpu.SemaphoreType.DMA,
        pltpu.SemaphoreType.DMA,
        pltpu.SemaphoreType.DMA,
        pltpu.SemaphoreType.DMA,
        pltpu.SemaphoreType.DMA,
        pltpu.SemaphoreType.DMA,
        pltpu.SemaphoreType.DMA,
        pltpu.SemaphoreType.DMA,
    ],
)
def _embed_pool(ids_hbm, table_hbm, x_hbm, mean_hbm,
                idx_v, buf_v, tbuf_v, macc_v, mtb_v,
                g0, g1, g2, g3, g4, w0, w1, w2, w3, w4):
    gsems = (g0, g1, g2, g3, g4)
    wsems = (w0, w1, w2, w3, w4)
    wid = lax.axis_index("s") * NC + lax.axis_index("c")
    inv = jnp.float32(1.0 / SEQ)
    zero16 = jnp.zeros((16,), jnp.float32)
    lane = lax.iota(jnp.int32, 16)
    j0lanes = [jb * 16 + lane for jb in range(JB)]

    pltpu.sync_copy(ids_hbm.at[:, wid], idx_v)

    def zstep(r, _):
        macc_v[r, :] = zero16
        return 0
    lax.fori_loop(0, NBLK * 16, zstep, 0)

    def start_gather(s, b):
        pltpu.async_copy(table_hbm.at[idx_v.at[s // 8, s % 8]],
                         buf_v.at[b], gsems[b])

    for b in range(NB):
        start_gather(b, b)

    @pl.loop(0, SEQ, step=NB)
    def _round(s0):
        for b in range(NB):
            s = s0 + b
            buf = buf_v.at[b]
            tbuf = tbuf_v.at[b]
            pltpu.make_async_copy(
                table_hbm.at[pl.ds(0, BT)], buf, gsems[b]).wait()

            @pl.when(s >= NB)
            def _():
                pltpu.make_async_copy(
                    x_hbm.at[0, :, 0], tbuf, wsems[b]).wait()

            def tstep(t, _, buf=buf, tbuf=tbuf):
                rot = (lane + t) & 15
                rot3 = rot >> 3
                rotcol = (rot & 7) << 7
                for db in range(DB):
                    dvec = db * 16 + rot
                    dtv = db * 2 + rot3
                    for jb in range(JB):
                        v = plsc.load_gather(buf, [j0lanes[jb], dvec])
                        plsc.store_scatter(
                            tbuf, [dtv, rotcol + j0lanes[jb]], v)
                        plsc.addupdate(
                            macc_v.at[(jb * DB + db) * 16 + t, :], v)
                return 0
            lax.fori_loop(0, 16, tstep, 0)

            pltpu.async_copy(tbuf, x_hbm.at[s, :, wid], wsems[b])

            @pl.when(s + NB < SEQ)
            def _():
                start_gather(s + NB, b)

    for b in range(NB):
        pltpu.make_async_copy(x_hbm.at[0, :, 0], tbuf_v.at[b], wsems[b]).wait()

    def mstep(t, _):
        rot = (lane + t) & 15
        rot3 = rot >> 3
        rotcol = (rot & 7) << 7
        for db in range(DB):
            dtv = db * 2 + rot3
            for jb in range(JB):
                v = macc_v[(jb * DB + db) * 16 + t, :] * inv
                plsc.store_scatter(mtb_v, [dtv, rotcol + j0lanes[jb]], v)
        return 0
    lax.fori_loop(0, 16, mstep, 0)
    pltpu.sync_copy(mtb_v, mean_hbm.at[:, wid])


def kernel(input_ids, embedding_weight):
    ids5 = input_ids.T.reshape(ST, 8, NW, BT).transpose(0, 2, 1, 3)
    x5, m4 = _embed_pool(ids5, embedding_weight)
    x = (x5.reshape(SEQ, DT, NW, 8, BT)
         .transpose(2, 4, 0, 1, 3).reshape(BATCH, SEQ, D))
    mean = (m4.reshape(DT, NW, 8, BT)
            .transpose(1, 3, 0, 2).reshape(BATCH, D))
    return x, mean

# --- scband reference (transcript-rebuilt; emitter-appended) ---
"""Pipeline reference for scband-log-bertplus-plus-58566174048404 (READ-ONLY COPY).

The authoritative reference and input builder live on the scoring server;
editing this copy changes nothing except your own understanding.
"""

import jax, jax.numpy as jnp
import numpy as np

VOCAB = 1000000
EMBED_DIM = 32
BATCH = 4096
SEQ = 200

def setup_inputs(seed: int = 0) -> dict:
    key = jax.random.key(seed)
    k1, k2 = jax.random.split(key)
    input_ids = jax.random.randint(k1, (BATCH, SEQ), 0, VOCAB, dtype=jnp.int32)
    embedding_weight = jax.random.normal(k2, (VOCAB, EMBED_DIM), dtype=jnp.float32) * 0.02
    return {"input_ids": input_ids, "embedding_weight": embedding_weight}

def reference(input_ids, embedding_weight):
    # x = self.embedding(input_ids)
    x = jnp.take(embedding_weight, input_ids, axis=0)
    # return (x, x.mean(dim=1))
    return (x, x.mean(axis=1))

if __name__ == "__main__":
    import jax
    _d = setup_inputs()
    print(jax.jit(kernel)(*tuple(_d.values())))

</pallas_src>

<mosaic_0001>
#map = affine_map<(d0, d1) -> (0, 0, 0, 0)>
#map1 = affine_map<(d0, d1) -> (0, 0)>
#map2 = affine_map<(d0, d1) -> (0, 0, 0)>
module attributes {stable_mosaic.version = 14 : i64} {
  func.func @_embed_pool(%arg0: i32, %arg1: i32, %arg2: memref<25x32x8x128xi32, #tpu.memory_space<hbm>>, %arg3: memref<1000000x32xf32, #tpu.memory_space<hbm>>, %arg4: memref<200x4x32x1024xf32, #tpu.memory_space<hbm>>, %arg5: memref<4x32x1024xf32, #tpu.memory_space<hbm>>, %arg6: memref<25x8x128xi32, #tpu.memory_space<vmem>>, %arg7: memref<5x128x32xf32, #tpu.memory_space<vmem>>, %arg8: memref<5x4x1024xf32, #tpu.memory_space<vmem>>, %arg9: memref<256x16xf32, #tpu.memory_space<vmem>>, %arg10: memref<4x1024xf32, #tpu.memory_space<vmem>>, %arg11: memref<!tpu.dma_semaphore, #tpu.memory_space<semaphore_mem>>, %arg12: memref<!tpu.dma_semaphore, #tpu.memory_space<semaphore_mem>>, %arg13: memref<!tpu.dma_semaphore, #tpu.memory_space<semaphore_mem>>, %arg14: memref<!tpu.dma_semaphore, #tpu.memory_space<semaphore_mem>>, %arg15: memref<!tpu.dma_semaphore, #tpu.memory_space<semaphore_mem>>, %arg16: memref<!tpu.dma_semaphore, #tpu.memory_space<semaphore_mem>>, %arg17: memref<!tpu.dma_semaphore, #tpu.memory_space<semaphore_mem>>, %arg18: memref<!tpu.dma_semaphore, #tpu.memory_space<semaphore_mem>>, %arg19: memref<!tpu.dma_semaphore, #tpu.memory_space<semaphore_mem>>, %arg20: memref<!tpu.dma_semaphore, #tpu.memory_space<semaphore_mem>>) attributes {dimension_semantics = [#tpu.dimension_semantics<core_parallel>, #tpu.dimension_semantics<subcore_parallel>], iteration_bounds = array<i64: 2, 16>, scalar_prefetch = 0 : i64, scratch_operands = 15 : i64, tpu.core_type = #tpu.core_type<sc_vector_subcore>, window_params = [{transform_indices = #map}, {transform_indices = #map1}, {transform_indices = #map}, {transform_indices = #map2}]} {
    %mul3A = arith.constant 2 : i32
    %mul3A_0 = arith.muli %arg1, %mul3A : i32
    %add3A = arith.addi %mul3A_0, %arg0 : i32
    %broadcast_in_dim3A = arith.constant 0.000000e+00 : f32
    %broadcast_in_dim3A_1 = vector.broadcast %broadcast_in_dim3A : f32 to vector<16xf32>
    %iota3A = tpu.iota {dimensions = array<i32: 0>} : vector<16xi32>
    %add3A_2 = arith.constant 0 : i32
    %add3A_3 = vector.broadcast %add3A_2 : i32 to vector<16xi32>
    %add3A_4 = arith.addi %add3A_3, %iota3A : vector<16xi32>
    %add3A_5 = arith.constant 16 : i32
    %add3A_6 = vector.broadcast %add3A_5 : i32 to vector<16xi32>
    %add3A_7 = arith.addi %add3A_6, %iota3A : vector<16xi32>
    %add3A_8 = arith.constant 32 : i32
    %add3A_9 = vector.broadcast %add3A_8 : i32 to vector<16xi32>
    %add3A_10 = arith.addi %add3A_9, %iota3A : vector<16xi32>
    %add3A_11 = arith.constant 48 : i32
    %add3A_12 = vector.broadcast %add3A_11 : i32 to vector<16xi32>
    %add3A_13 = arith.addi %add3A_12, %iota3A : vector<16xi32>
    %add3A_14 = arith.constant 64 : i32
    %add3A_15 = vector.broadcast %add3A_14 : i32 to vector<16xi32>
    %add3A_16 = arith.addi %add3A_15, %iota3A : vector<16xi32>
    %add3A_17 = arith.constant 80 : i32
    %add3A_18 = vector.broadcast %add3A_17 : i32 to vector<16xi32>
    %add3A_19 = arith.addi %add3A_18, %iota3A : vector<16xi32>
    %add3A_20 = arith.constant 96 : i32
    %add3A_21 = vector.broadcast %add3A_20 : i32 to vector<16xi32>
    %add3A_22 = arith.addi %add3A_21, %iota3A : vector<16xi32>
    %add3A_23 = arith.constant 112 : i32
    %add3A_24 = vector.broadcast %add3A_23 : i32 to vector<16xi32>
    %add3A_25 = arith.addi %add3A_24, %iota3A : vector<16xi32>
    "tpu.region"() ({
      %run_scoped3A = tpu.sem_alloc : memref<!tpu.dma_semaphore, #tpu.memory_space<semaphore_mem>>
      %dma_start3A_203 = arith.constant 0 : i32
      %dma_start3A_204 = arith.constant 0 : i32
      %dma_start3A_205 = arith.constant 0 : i32
      %dma_start3A_206 = tpu.memref_slice %arg2[%dma_start3A_203, %add3A, %dma_start3A_204, %dma_start3A_205] : memref<25x32x8x128xi32, #tpu.memory_space<hbm>> -> memref<25x1x8x128xi32, #tpu.memory_space<hbm>>
      %dma_start3A_207 = tpu.memref_squeeze %dma_start3A_206 : memref<25x1x8x128xi32, #tpu.memory_space<hbm>> -> memref<25x8x128xi32, #tpu.memory_space<hbm>>
      %dma_start3A_208 = arith.constant 0 : i32
      %dma_start3A_209 = arith.constant 0 : i32
      %dma_start3A_210 = arith.constant 0 : i32
      %dma_start3A_211 = tpu.memref_slice %arg2[%dma_start3A_208, %add3A, %dma_start3A_209, %dma_start3A_210] : memref<25x32x8x128xi32, #tpu.memory_space<hbm>> -> memref<25x1x8x128xi32, #tpu.memory_space<hbm>>
      %dma_start3A_212 = tpu.memref_squeeze %dma_start3A_211 : memref<25x1x8x128xi32, #tpu.memory_space<hbm>> -> memref<25x8x128xi32, #tpu.memory_space<hbm>>
      tpu.enqueue_dma source(%dma_start3A_212 : memref<25x8x128xi32, #tpu.memory_space<hbm>>) target(%arg6 : memref<25x8x128xi32, #tpu.memory_space<vmem>>) target_semaphore(%run_scoped3A : memref<!tpu.dma_semaphore, #tpu.memory_space<semaphore_mem>>)
      %dma_wait3A_213 = arith.constant 0 : i32
      %dma_wait3A_214 = arith.constant 0 : i32
      %dma_wait3A_215 = arith.constant 0 : i32
      %dma_wait3A_216 = tpu.memref_slice %arg2[%dma_wait3A_213, %add3A, %dma_wait3A_214, %dma_wait3A_215] : memref<25x32x8x128xi32, #tpu.memory_space<hbm>> -> memref<25x1x8x128xi32, #tpu.memory_space<hbm>>
      %dma_wait3A_217 = tpu.memref_squeeze %dma_wait3A_216 : memref<25x1x8x128xi32, #tpu.memory_space<hbm>> -> memref<25x8x128xi32, #tpu.memory_space<hbm>>
      %dma_wait3A_218 = arith.constant 0 : i32
      %dma_wait3A_219 = arith.constant 0 : i32
      %dma_wait3A_220 = arith.constant 0 : i32
      %dma_wait3A_221 = tpu.memref_slice %arg2[%dma_wait3A_218, %add3A, %dma_wait3A_219, %dma_wait3A_220] : memref<25x32x8x128xi32, #tpu.memory_space<hbm>> -> memref<25x1x8x128xi32, #tpu.memory_space<hbm>>
      %dma_wait3A_222 = tpu.memref_squeeze %dma_wait3A_221 : memref<25x1x8x128xi32, #tpu.memory_space<hbm>> -> memref<25x8x128xi32, #tpu.memory_space<hbm>>
      tpu.wait_dma2 semaphore(%run_scoped3A : memref<!tpu.dma_semaphore, #tpu.memory_space<semaphore_mem>>) src(%dma_wait3A_222 : memref<25x8x128xi32, #tpu.memory_space<hbm>>) dst(%arg6 : memref<25x8x128xi32, #tpu.memory_space<vmem>>)
      tpu.yield
    }) : () -> ()
    %scan3A = arith.constant 0 : i32
    %scan3A_26 = arith.constant 0 : i32
    %scan3A_27 = arith.constant 256 : i32
    %scan3A_28 = arith.addi %scan3A_26, %scan3A_27 : i32
    %scan3A_29 = arith.constant 1 : i32
    %scan3A_30 = scf.for %scan3A_203 = %scan3A_26 to %scan3A_28 step %scan3A_29 iter_args(%scan3A_204 = %scan3A) -> (i32)  : i32 {
      %swap3A = arith.index_cast %scan3A_203 : i32 to index
      %swap3A_205 = arith.constant 0 : index
      %swap3A_206 = tpu.vector_load %arg9[%swap3A, %swap3A_205] {strides = array<i32>} : memref<256x16xf32, #tpu.memory_space<vmem>>, vector<16xf32>,
      tpu.vector_store %arg9[%swap3A, %swap3A_205], %broadcast_in_dim3A_1 {strides = array<i32>} : memref<256x16xf32, #tpu.memory_space<vmem>>, vector<16xf32>,
      %scan3A_207 = arith.constant 0 : i32
      scf.yield %scan3A_207 : i32
    }
    %scan3A_31 = arith.constant 256 : i32
    %dma_start3A = arith.constant 0 : i32
    %dma_start3A_32 = arith.constant 0 : i32
    %dma_start3A_33 = arith.constant 0 : i32
    %dma_start3A_34 = arith.constant 0 : i32
    %dma_start3A_35 = arith.constant 0 : i32
    %dma_start3A_36 = tpu.memref_slice %arg7[%dma_start3A_33, %dma_start3A_34, %dma_start3A_35] : memref<5x128x32xf32, #tpu.memory_space<vmem>> -> memref<1x128x32xf32, #tpu.memory_space<vmem>>
    %dma_start3A_37 = tpu.memref_squeeze %dma_start3A_36 : memref<1x128x32xf32, #tpu.memory_space<vmem>> -> memref<128x32xf32, #tpu.memory_space<vmem>>
    %dma_start3A_38 = arith.constant 0 : i32
    %dma_start3A_39 = tpu.memref_slice %arg6[%dma_start3A, %dma_start3A_32, %dma_start3A_38] : memref<25x8x128xi32, #tpu.memory_space<vmem>> -> memref<1x1x128xi32, #tpu.memory_space<vmem>>
    %dma_start3A_40 = tpu.memref_squeeze %dma_start3A_39 : memref<1x1x128xi32, #tpu.memory_space<vmem>> -> memref<128xi32, #tpu.memory_space<vmem>>
    %dma_start3A_41 = arith.constant 0 : i32
    %dma_start3A_42 = arith.constant 0 : i32
    %dma_start3A_43 = tpu.memref_slice %arg3[%dma_start3A_41, %dma_start3A_42] : memref<1000000x32xf32, #tpu.memory_space<hbm>> -> memref<1000000x32xf32, #tpu.memory_space<hbm>>
    tpu.enqueue_indirect_dma source(%dma_start3A_43 : memref<1000000x32xf32, #tpu.memory_space<hbm>>) target(%dma_start3A_37 : memref<128x32xf32, #tpu.memory_space<vmem>>) offsets(%dma_start3A_40 : memref<128xi32, #tpu.memory_space<vmem>>) semaphore(%arg11 : memref<!tpu.dma_semaphore, #tpu.memory_space<semaphore_mem>>)
    %dma_start3A_44 = arith.constant 0 : i32
    %dma_start3A_45 = arith.constant 1 : i32
    %dma_start3A_46 = arith.constant 1 : i32
    %dma_start3A_47 = arith.constant 0 : i32
    %dma_start3A_48 = arith.constant 0 : i32
    %dma_start3A_49 = tpu.memref_slice %arg7[%dma_start3A_46, %dma_start3A_47, %dma_start3A_48] : memref<5x128x32xf32, #tpu.memory_space<vmem>> -> memref<1x128x32xf32, #tpu.memory_space<vmem>>
    %dma_start3A_50 = tpu.memref_squeeze %dma_start3A_49 : memref<1x128x32xf32, #tpu.memory_space<vmem>> -> memref<128x32xf32, #tpu.memory_space<vmem>>
    %dma_start3A_51 = arith.constant 0 : i32
    %dma_start3A_52 = tpu.memref_slice %arg6[%dma_start3A_44, %dma_start3A_45, %dma_start3A_51] : memref<25x8x128xi32, #tpu.memory_space<vmem>> -> memref<1x1x128xi32, #tpu.memory_space<vmem>>
    %dma_start3A_53 = tpu.memref_squeeze %dma_start3A_52 : memref<1x1x128xi32, #tpu.memory_space<vmem>> -> memref<128xi32, #tpu.memory_space<vmem>>
    %dma_start3A_54 = arith.constant 0 : i32
    %dma_start3A_55 = arith.constant 0 : i32
    %dma_start3A_56 = tpu.memref_slice %arg3[%dma_start3A_54, %dma_start3A_55] : memref<1000000x32xf32, #tpu.memory_space<hbm>> -> memref<1000000x32xf32, #tpu.memory_space<hbm>>
    tpu.enqueue_indirect_dma source(%dma_start3A_56 : memref<1000000x32xf32, #tpu.memory_space<hbm>>) target(%dma_start3A_50 : memref<128x32xf32, #tpu.memory_space<vmem>>) offsets(%dma_start3A_53 : memref<128xi32, #tpu.memory_space<vmem>>) semaphore(%arg12 : memref<!tpu.dma_semaphore, #tpu.memory_space<semaphore_mem>>)
    %dma_start3A_57 = arith.constant 0 : i32
    %dma_start3A_58 = arith.constant 2 : i32
    %dma_start3A_59 = arith.constant 2 : i32
    %dma_start3A_60 = arith.constant 0 : i32
    %dma_start3A_61 = arith.constant 0 : i32
    %dma_start3A_62 = tpu.memref_slice %arg7[%dma_start3A_59, %dma_start3A_60, %dma_start3A_61] : memref<5x128x32xf32, #tpu.memory_space<vmem>> -> memref<1x128x32xf32, #tpu.memory_space<vmem>>
    %dma_start3A_63 = tpu.memref_squeeze %dma_start3A_62 : memref<1x128x32xf32, #tpu.memory_space<vmem>> -> memref<128x32xf32, #tpu.memory_space<vmem>>
    %dma_start3A_64 = arith.constant 0 : i32
    %dma_start3A_65 = tpu.memref_slice %arg6[%dma_start3A_57, %dma_start3A_58, %dma_start3A_64] : memref<25x8x128xi32, #tpu.memory_space<vmem>> -> memref<1x1x128xi32, #tpu.memory_space<vmem>>
    %dma_start3A_66 = tpu.memref_squeeze %dma_start3A_65 : memref<1x1x128xi32, #tpu.memory_space<vmem>> -> memref<128xi32, #tpu.memory_space<vmem>>
    %dma_start3A_67 = arith.constant 0 : i32
    %dma_start3A_68 = arith.constant 0 : i32
    %dma_start3A_69 = tpu.memref_slice %arg3[%dma_start3A_67, %dma_start3A_68] : memref<1000000x32xf32, #tpu.memory_space<hbm>> -> memref<1000000x32xf32, #tpu.memory_space<hbm>>
    tpu.enqueue_indirect_dma source(%dma_start3A_69 : memref<1000000x32xf32, #tpu.memory_space<hbm>>) target(%dma_start3A_63 : memref<128x32xf32, #tpu.memory_space<vmem>>) offsets(%dma_start3A_66 : memref<128xi32, #tpu.memory_space<vmem>>) semaphore(%arg13 : memref<!tpu.dma_semaphore, #tpu.memory_space<semaphore_mem>>)
    %dma_start3A_70 = arith.constant 0 : i32
    %dma_start3A_71 = arith.constant 3 : i32
    %dma_start3A_72 = arith.constant 3 : i32
    %dma_start3A_73 = arith.constant 0 : i32
    %dma_start3A_74 = arith.constant 0 : i32
    %dma_start3A_75 = tpu.memref_slice %arg7[%dma_start3A_72, %dma_start3A_73, %dma_start3A_74] : memref<5x128x32xf32, #tpu.memory_space<vmem>> -> memref<1x128x32xf32, #tpu.memory_space<vmem>>
    %dma_start3A_76 = tpu.memref_squeeze %dma_start3A_75 : memref<1x128x32xf32, #tpu.memory_space<vmem>> -> memref<128x32xf32, #tpu.memory_space<vmem>>
    %dma_start3A_77 = arith.constant 0 : i32
    %dma_start3A_78 = tpu.memref_slice %arg6[%dma_start3A_70, %dma_start3A_71, %dma_start3A_77] : memref<25x8x128xi32, #tpu.memory_space<vmem>> -> memref<1x1x128xi32, #tpu.memory_space<vmem>>
    %dma_start3A_79 = tpu.memref_squeeze %dma_start3A_78 : memref<1x1x128xi32, #tpu.memory_space<vmem>> -> memref<128xi32, #tpu.memory_space<vmem>>
    %dma_start3A_80 = arith.constant 0 : i32
    %dma_start3A_81 = arith.constant 0 : i32
    %dma_start3A_82 = tpu.memref_slice %arg3[%dma_start3A_80, %dma_start3A_81] : memref<1000000x32xf32, #tpu.memory_space<hbm>> -> memref<1000000x32xf32, #tpu.memory_space<hbm>>
    tpu.enqueue_indirect_dma source(%dma_start3A_82 : memref<1000000x32xf32, #tpu.memory_space<hbm>>) target(%dma_start3A_76 : memref<128x32xf32, #tpu.memory_space<vmem>>) offsets(%dma_start3A_79 : memref<128xi32, #tpu.memory_space<vmem>>) semaphore(%arg14 : memref<!tpu.dma_semaphore, #tpu.memory_space<semaphore_mem>>)
    %dma_start3A_83 = arith.constant 0 : i32
    %dma_start3A_84 = arith.constant 4 : i32
    %dma_start3A_85 = arith.constant 4 : i32
    %dma_start3A_86 = arith.constant 0 : i32
    %dma_start3A_87 = arith.constant 0 : i32
    %dma_start3A_88 = tpu.memref_slice %arg7[%dma_start3A_85, %dma_start3A_86, %dma_start3A_87] : memref<5x128x32xf32, #tpu.memory_space<vmem>> -> memref<1x128x32xf32, #tpu.memory_space<vmem>>
    %dma_start3A_89 = tpu.memref_squeeze %dma_start3A_88 : memref<1x128x32xf32, #tpu.memory_space<vmem>> -> memref<128x32xf32, #tpu.memory_space<vmem>>
    %dma_start3A_90 = arith.constant 0 : i32
    %dma_start3A_91 = tpu.memref_slice %arg6[%dma_start3A_83, %dma_start3A_84, %dma_start3A_90] : memref<25x8x128xi32, #tpu.memory_space<vmem>> -> memref<1x1x128xi32, #tpu.memory_space<vmem>>
    %dma_start3A_92 = tpu.memref_squeeze %dma_start3A_91 : memref<1x1x128xi32, #tpu.memory_space<vmem>> -> memref<128xi32, #tpu.memory_space<vmem>>
    %dma_start3A_93 = arith.constant 0 : i32
    %dma_start3A_94 = arith.constant 0 : i32
    %dma_start3A_95 = tpu.memref_slice %arg3[%dma_start3A_93, %dma_start3A_94] : memref<1000000x32xf32, #tpu.memory_space<hbm>> -> memref<1000000x32xf32, #tpu.memory_space<hbm>>
    tpu.enqueue_indirect_dma source(%dma_start3A_95 : memref<1000000x32xf32, #tpu.memory_space<hbm>>) target(%dma_start3A_89 : memref<128x32xf32, #tpu.memory_space<vmem>>) offsets(%dma_start3A_92 : memref<128xi32, #tpu.memory_space<vmem>>) semaphore(%arg15 : memref<!tpu.dma_semaphore, #tpu.memory_space<semaphore_mem>>)
    %scan3A_96 = arith.constant 0 : i32
    %scan3A_97 = arith.constant 40 : i32
    %scan3A_98 = arith.addi %scan3A_96, %scan3A_97 : i32
    %scan3A_99 = arith.constant 1 : i32
    scf.for %scan3A_203 = %scan3A_96 to %scan3A_98 step %scan3A_99  : i32 {
      %mul3A_204 = arith.constant 5 : i32
      %mul3A_205 = arith.muli %scan3A_203, %mul3A_204 : i32
      %add3A_206 = arith.constant 0 : i32
      %add3A_207 = arith.addi %add3A_206, %mul3A_205 : i32
      %add3A_208 = arith.constant 0 : i32
      %add3A_209 = arith.addi %add3A_207, %add3A_208 : i32
      %dma_wait3A_210 = arith.constant 0 : i32
      %dma_wait3A_211 = arith.constant 0 : i32
      %dma_wait3A_212 = arith.constant 0 : i32
      %dma_wait3A_213 = tpu.memref_slice %arg7[%dma_wait3A_210, %dma_wait3A_211, %dma_wait3A_212] : memref<5x128x32xf32, #tpu.memory_space<vmem>> -> memref<1x128x32xf32, #tpu.memory_space<vmem>>
      %dma_wait3A_214 = tpu.memref_squeeze %dma_wait3A_213 : memref<1x128x32xf32, #tpu.memory_space<vmem>> -> memref<128x32xf32, #tpu.memory_space<vmem>>
      %dma_wait3A_215 = arith.constant 0 : i32
      %dma_wait3A_216 = arith.constant 0 : i32
      %dma_wait3A_217 = tpu.memref_slice %arg3[%dma_wait3A_215, %dma_wait3A_216] : memref<1000000x32xf32, #tpu.memory_space<hbm>> -> memref<128x32xf32, #tpu.memory_space<hbm>>
      %dma_wait3A_218 = arith.constant 0 : i32
      %dma_wait3A_219 = arith.constant 0 : i32
      %dma_wait3A_220 = tpu.memref_slice %arg7[%dma_wait3A_210, %dma_wait3A_218, %dma_wait3A_219] : memref<5x128x32xf32, #tpu.memory_space<vmem>> -> memref<1x128x32xf32, #tpu.memory_space<vmem>>
      %dma_wait3A_221 = tpu.memref_squeeze %dma_wait3A_220 : memref<1x128x32xf32, #tpu.memory_space<vmem>> -> memref<128x32xf32, #tpu.memory_space<vmem>>
      %dma_wait3A_222 = arith.constant 0 : i32
      %dma_wait3A_223 = arith.constant 0 : i32
      %dma_wait3A_224 = tpu.memref_slice %arg3[%dma_wait3A_222, %dma_wait3A_223] : memref<1000000x32xf32, #tpu.memory_space<hbm>> -> memref<128x32xf32, #tpu.memory_space<hbm>>
      tpu.wait_dma2 semaphore(%arg11 : memref<!tpu.dma_semaphore, #tpu.memory_space<semaphore_mem>>) src(%dma_wait3A_224 : memref<128x32xf32, #tpu.memory_space<hbm>>) dst(%dma_wait3A_221 : memref<128x32xf32, #tpu.memory_space<vmem>>)
      %ge3A = arith.constant 5 : i32
      %ge3A_225 = arith.cmpi sge, %add3A_209, %ge3A : i32
      %convert_element_type3A = arith.extui %ge3A_225 : i1 to i32
      %cond3A = arith.constant 0 : i32
      %cond3A_226 = arith.constant 0 : i32
      %cond3A_227 = arith.cmpi ne, %convert_element_type3A, %cond3A_226 : i32
      scf.if %cond3A_227 {
        %dma_wait3A_484 = arith.constant 0 : i32
        %dma_wait3A_485 = arith.constant 0 : i32
        %dma_wait3A_486 = arith.constant 0 : i32
        %dma_wait3A_487 = arith.constant 0 : i32
        %dma_wait3A_488 = tpu.memref_slice %arg8[%cond3A, %dma_wait3A_486, %dma_wait3A_487] : memref<5x4x1024xf32, #tpu.memory_space<vmem>> -> memref<1x4x1024xf32, #tpu.memory_space<vmem>>
        %dma_wait3A_489 = tpu.memref_squeeze %dma_wait3A_488 : memref<1x4x1024xf32, #tpu.memory_space<vmem>> -> memref<4x1024xf32, #tpu.memory_space<vmem>>
        %dma_wait3A_490 = arith.constant 0 : i32
        %dma_wait3A_491 = arith.constant 0 : i32
        %dma_wait3A_492 = tpu.memref_slice %arg4[%dma_wait3A_484, %dma_wait3A_490, %dma_wait3A_485, %dma_wait3A_491] : memref<200x4x32x1024xf32, #tpu.memory_space<hbm>> -> memref<1x4x1x1024xf32, #tpu.memory_space<hbm>>
        %dma_wait3A_493 = tpu.memref_squeeze %dma_wait3A_492 : memref<1x4x1x1024xf32, #tpu.memory_space<hbm>> -> memref<4x1024xf32, #tpu.memory_space<hbm>>
        %dma_wait3A_494 = arith.constant 0 : i32
        %dma_wait3A_495 = arith.constant 0 : i32
        %dma_wait3A_496 = tpu.memref_slice %arg8[%cond3A, %dma_wait3A_494, %dma_wait3A_495] : memref<5x4x1024xf32, #tpu.memory_space<vmem>> -> memref<1x4x1024xf32, #tpu.memory_space<vmem>>
        %dma_wait3A_497 = tpu.memref_squeeze %dma_wait3A_496 : memref<1x4x1024xf32, #tpu.memory_space<vmem>> -> memref<4x1024xf32, #tpu.memory_space<vmem>>
        %dma_wait3A_498 = arith.constant 0 : i32
        %dma_wait3A_499 = arith.constant 0 : i32
        %dma_wait3A_500 = tpu.memref_slice %arg4[%dma_wait3A_484, %dma_wait3A_498, %dma_wait3A_485, %dma_wait3A_499] : memref<200x4x32x1024xf32, #tpu.memory_space<hbm>> -> memref<1x4x1x1024xf32, #tpu.memory_space<hbm>>
        %dma_wait3A_501 = tpu.memref_squeeze %dma_wait3A_500 : memref<1x4x1x1024xf32, #tpu.memory_space<hbm>> -> memref<4x1024xf32, #tpu.memory_space<hbm>>
        tpu.wait_dma2 semaphore(%arg16 : memref<!tpu.dma_semaphore, #tpu.memory_space<semaphore_mem>>) src(%dma_wait3A_501 : memref<4x1024xf32, #tpu.memory_space<hbm>>) dst(%dma_wait3A_497 : memref<4x1024xf32, #tpu.memory_space<vmem>>)
      } else {
      }
      %scan3A_228 = arith.constant 0 : i32
      %scan3A_229 = arith.constant 0 : i32
      %scan3A_230 = arith.constant 0 : i32
      %scan3A_231 = arith.constant 0 : i32
      %scan3A_232 = arith.constant 16 : i32
      %scan3A_233 = arith.addi %scan3A_231, %scan3A_232 : i32
      %scan3A_234 = arith.constant 1 : i32
      %scan3A_235 = scf.for %scan3A_484 = %scan3A_231 to %scan3A_233 step %scan3A_234 iter_args(%scan3A_485 = %scan3A_230) -> (i32)  : i32 {
        %add3A_486 = vector.broadcast %scan3A_484 : i32 to vector<16xi32>
        %add3A_487 = arith.addi %iota3A, %add3A_486 : vector<16xi32>
        %and3A = arith.constant 15 : i32
        %and3A_488 = vector.broadcast %and3A : i32 to vector<16xi32>
        %and3A_489 = arith.andi %add3A_487, %and3A_488 : vector<16xi32>
        %shift_right_arithmetic3A = arith.constant 3 : i32
        %shift_right_arithmetic3A_490 = vector.broadcast %shift_right_arithmetic3A : i32 to vector<16xi32>
        %shift_right_arithmetic3A_491 = arith.shrsi %and3A_489, %shift_right_arithmetic3A_490 : vector<16xi32>
        %and3A_492 = arith.constant 7 : i32
        %and3A_493 = vector.broadcast %and3A_492 : i32 to vector<16xi32>
        %and3A_494 = arith.andi %and3A_489, %and3A_493 : vector<16xi32>
        %shift_left3A = arith.constant 7 : i32
        %shift_left3A_495 = vector.broadcast %shift_left3A : i32 to vector<16xi32>
        %shift_left3A_496 = arith.shli %and3A_494, %shift_left3A_495 : vector<16xi32>
        %add3A_497 = arith.constant 0 : i32
        %add3A_498 = vector.broadcast %add3A_497 : i32 to vector<16xi32>
        %add3A_499 = arith.addi %add3A_498, %and3A_489 : vector<16xi32>
        %add3A_500 = arith.constant 0 : i32
        %add3A_501 = vector.broadcast %add3A_500 : i32 to vector<16xi32>
        %add3A_502 = arith.addi %add3A_501, %shift_right_arithmetic3A_491 : vector<16xi32>
        %gather3A = arith.constant 0 : i32
        %gather3A_503 = arith.constant 0 : i32
        %gather3A_504 = tpu.memref_slice %arg7[%scan3A_228, %gather3A, %gather3A_503] : memref<5x128x32xf32, #tpu.memory_space<vmem>> -> memref<1x128x32xf32, #tpu.memory_space<vmem>>
        %gather3A_505 = tpu.memref_squeeze %gather3A_504 : memref<1x128x32xf32, #tpu.memory_space<vmem>> -> memref<128x32xf32, #tpu.memory_space<vmem>>
        %gather3A_506 = tpu.vector_load_idx %gather3A_505[%add3A_4, %add3A_499] : memref<128x32xf32, #tpu.memory_space<vmem>>[vector<16xi32>, vector<16xi32>], vector<16xf32>,
        %add3A_507 = arith.addi %shift_left3A_496, %add3A_4 : vector<16xi32>
        %scatter3A = arith.constant 0 : i32
        %scatter3A_508 = arith.constant 0 : i32
        %scatter3A_509 = tpu.memref_slice %arg8[%scan3A_229, %scatter3A, %scatter3A_508] : memref<5x4x1024xf32, #tpu.memory_space<vmem>> -> memref<1x4x1024xf32, #tpu.memory_space<vmem>>
        %scatter3A_510 = tpu.memref_squeeze %scatter3A_509 : memref<1x4x1024xf32, #tpu.memory_space<vmem>> -> memref<4x1024xf32, #tpu.memory_space<vmem>>
        tpu.vector_store_idx %scatter3A_510[%add3A_502, %add3A_507], %gather3A_506 : memref<4x1024xf32, #tpu.memory_space<vmem>>[vector<16xi32>, vector<16xi32>], vector<16xf32>,
        %add3A_511 = arith.constant 0 : i32
        %add3A_512 = arith.addi %add3A_511, %scan3A_484 : i32
        %swap3A = arith.index_cast %add3A_512 : i32 to index
        %swap3A_513 = arith.constant 0 : index
        %swap3A_514 = tpu.vector_load %arg9[%swap3A, %swap3A_513] {strides = array<i32>} : memref<256x16xf32, #tpu.memory_space<vmem>>, vector<16xf32>,
        tpu.vector_store %arg9[%swap3A, %swap3A_513], %gather3A_506 {add = true, strides = array<i32>} : memref<256x16xf32, #tpu.memory_space<vmem>>, vector<16xf32>,
        %gather3A_515 = arith.constant 0 : i32
        %gather3A_516 = arith.constant 0 : i32
        %gather3A_517 = tpu.memref_slice %arg7[%scan3A_228, %gather3A_515, %gather3A_516] : memref<5x128x32xf32, #tpu.memory_space<vmem>> -> memref<1x128x32xf32, #tpu.memory_space<vmem>>
        %gather3A_518 = tpu.memref_squeeze %gather3A_517 : memref<1x128x32xf32, #tpu.memory_space<vmem>> -> memref<128x32xf32, #tpu.memory_space<vmem>>
        %gather3A_519 = tpu.vector_load_idx %gather3A_518[%add3A_7, %add3A_499] : memref<128x32xf32, #tpu.memory_space<vmem>>[vector<16xi32>, vector<16xi32>], vector<16xf32>,
        %add3A_520 = arith.addi %shift_left3A_496, %add3A_7 : vector<16xi32>
        %scatter3A_521 = arith.constant 0 : i32
        %scatter3A_522 = arith.constant 0 : i32
        %scatter3A_523 = tpu.memref_slice %arg8[%scan3A_229, %scatter3A_521, %scatter3A_522] : memref<5x4x1024xf32, #tpu.memory_space<vmem>> -> memref<1x4x1024xf32, #tpu.memory_space<vmem>>
        %scatter3A_524 = tpu.memref_squeeze %scatter3A_523 : memref<1x4x1024xf32, #tpu.memory_space<vmem>> -> memref<4x1024xf32, #tpu.memory_space<vmem>>
        tpu.vector_store_idx %scatter3A_524[%add3A_502, %add3A_520], %gather3A_519 : memref<4x1024xf32, #tpu.memory_space<vmem>>[vector<16xi32>, vector<16xi32>], vector<16xf32>,
        %add3A_525 = arith.constant 32 : i32
        %add3A_526 = arith.addi %add3A_525, %scan3A_484 : i32
        %swap3A_527 = arith.index_cast %add3A_526 : i32 to index
        %swap3A_528 = arith.constant 0 : index
        %swap3A_529 = tpu.vector_load %arg9[%swap3A_527, %swap3A_528] {strides = array<i32>} : memref<256x16xf32, #tpu.memory_space<vmem>>, vector<16xf32>,
        tpu.vector_store %arg9[%swap3A_527, %swap3A_528], %gather3A_519 {add = true, strides = array<i32>} : memref<256x16xf32, #tpu.memory_space<vmem>>, vector<16xf32>,
        %gather3A_530 = arith.constant 0 : i32
        %gather3A_531 = arith.constant 0 : i32
        %gather3A_532 = tpu.memref_slice %arg7[%scan3A_228, %gather3A_530, %gather3A_531] : memref<5x128x32xf32, #tpu.memory_space<vmem>> -> memref<1x128x32xf32, #tpu.memory_space<vmem>>
        %gather3A_533 = tpu.memref_squeeze %gather3A_532 : memref<1x128x32xf32, #tpu.memory_space<vmem>> -> memref<128x32xf32, #tpu.memory_space<vmem>>
        %gather3A_534 = tpu.vector_load_idx %gather3A_533[%add3A_10, %add3A_499] : memref<128x32xf32, #tpu.memory_space<vmem>>[vector<16xi32>, vector<16xi32>], vector<16xf32>,
        %add3A_535 = arith.addi %shift_left3A_496, %add3A_10 : vector<16xi32>
        %scatter3A_536 = arith.constant 0 : i32
        %scatter3A_537 = arith.constant 0 : i32
        %scatter3A_538 = tpu.memref_slice %arg8[%scan3A_229, %scatter3A_536, %scatter3A_537] : memref<5x4x1024xf32, #tpu.memory_space<vmem>> -> memref<1x4x1024xf32, #tpu.memory_space<vmem>>
        %scatter3A_539 = tpu.memref_squeeze %scatter3A_538 : memref<1x4x1024xf32, #tpu.memory_space<vmem>> -> memref<4x1024xf32, #tpu.memory_space<vmem>>
        tpu.vector_store_idx %scatter3A_539[%add3A_502, %add3A_535], %gather3A_534 : memref<4x1024xf32, #tpu.memory_space<vmem>>[vector<16xi32>, vector<16xi32>], vector<16xf32>,
        %add3A_540 = arith.constant 64 : i32
        %add3A_541 = arith.addi %add3A_540, %scan3A_484 : i32
        %swap3A_542 = arith.index_cast %add3A_541 : i32 to index
        %swap3A_543 = arith.constant 0 : index
        %swap3A_544 = tpu.vector_load %arg9[%swap3A_542, %swap3A_543] {strides = array<i32>} : memref<256x16xf32, #tpu.memory_space<vmem>>, vector<16xf32>,
        tpu.vector_store %arg9[%swap3A_542, %swap3A_543], %gather3A_534 {add = true, strides = array<i32>} : memref<256x16xf32, #tpu.memory_space<vmem>>, vector<16xf32>,
        %gather3A_545 = arith.constant 0 : i32
        %gather3A_546 = arith.constant 0 : i32
        %gather3A_547 = tpu.memref_slice %arg7[%scan3A_228, %gather3A_545, %gather3A_546] : memref<5x128x32xf32, #tpu.memory_space<vmem>> -> memref<1x128x32xf32, #tpu.memory_space<vmem>>
        %gather3A_548 = tpu.memref_squeeze %gather3A_547 : memref<1x128x32xf32, #tpu.memory_space<vmem>> -> memref<128x32xf32, #tpu.memory_space<vmem>>
        %gather3A_549 = tpu.vector_load_idx %gather3A_548[%add3A_13, %add3A_499] : memref<128x32xf32, #tpu.memory_space<vmem>>[vector<16xi32>, vector<16xi32>], vector<16xf32>,
        %add3A_550 = arith.addi %shift_left3A_496, %add3A_13 : vector<16xi32>
        %scatter3A_551 = arith.constant 0 : i32
        %scatter3A_552 = arith.constant 0 : i32
        %scatter3A_553 = tpu.memref_slice %arg8[%scan3A_229, %scatter3A_551, %scatter3A_552] : memref<5x4x1024xf32, #tpu.memory_space<vmem>> -> memref<1x4x1024xf32, #tpu.memory_space<vmem>>
        %scatter3A_554 = tpu.memref_squeeze %scatter3A_553 : memref<1x4x1024xf32, #tpu.memory_space<vmem>> -> memref<4x1024xf32, #tpu.memory_space<vmem>>
        tpu.vector_store_idx %scatter3A_554[%add3A_502, %add3A_550], %gather3A_549 : memref<4x1024xf32, #tpu.memory_space<vmem>>[vector<16xi32>, vector<16xi32>], vector<16xf32>,
        %add3A_555 = arith.constant 96 : i32
        %add3A_556 = arith.addi %add3A_555, %scan3A_484 : i32
        %swap3A_557 = arith.index_cast %add3A_556 : i32 to index
        %swap3A_558 = arith.constant 0 : index
        %swap3A_559 = tpu.vector_load %arg9[%swap3A_557, %swap3A_558] {strides = array<i32>} : memref<256x16xf32, #tpu.memory_space<vmem>>, vector<16xf32>,
        tpu.vector_store %arg9[%swap3A_557, %swap3A_558], %gather3A_549 {add = true, strides = array<i32>} : memref<256x16xf32, #tpu.memory_space<vmem>>, vector<16xf32>,
        %gather3A_560 = arith.constant 0 : i32
        %gather3A_561 = arith.constant 0 : i32
        %gather3A_562 = tpu.memref_slice %arg7[%scan3A_228, %gather3A_560, %gather3A_561] : memref<5x128x32xf32, #tpu.memory_space<vmem>> -> memref<1x128x32xf32, #tpu.memory_space<vmem>>
        %gather3A_563 = tpu.memref_squeeze %gather3A_562 : memref<1x128x32xf32, #tpu.memory_space<vmem>> -> memref<128x32xf32, #tpu.memory_space<vmem>>
        %gather3A_564 = tpu.vector_load_idx %gather3A_563[%add3A_16, %add3A_499] : memref<128x32xf32, #tpu.memory_space<vmem>>[vector<16xi32>, vector<16xi32>], vector<16xf32>,
        %add3A_565 = arith.addi %shift_left3A_496, %add3A_16 : vector<16xi32>
        %scatter3A_566 = arith.constant 0 : i32
        %scatter3A_567 = arith.constant 0 : i32
        %scatter3A_568 = tpu.memref_slice %arg8[%scan3A_229, %scatter3A_566, %scatter3A_567] : memref<5x4x1024xf32, #tpu.memory_space<vmem>> -> memref<1x4x1024xf32, #tpu.memory_space<vmem>>
        %scatter3A_569 = tpu.memref_squeeze %scatter3A_568 : memref<1x4x1024xf32, #tpu.memory_space<vmem>> -> memref<4x1024xf32, #tpu.memory_space<vmem>>
        tpu.vector_store_idx %scatter3A_569[%add3A_502, %add3A_565], %gather3A_564 : memref<4x1024xf32, #tpu.memory_space<vmem>>[vector<16xi32>, vector<16xi32>], vector<16xf32>,
        %add3A_570 = arith.constant 128 : i32
        %add3A_571 = arith.addi %add3A_570, %scan3A_484 : i32
        %swap3A_572 = arith.index_cast %add3A_571 : i32 to index
        %swap3A_573 = arith.constant 0 : index
        %swap3A_574 = tpu.vector_load %arg9[%swap3A_572, %swap3A_573] {strides = array<i32>} : memref<256x16xf32, #tpu.memory_space<vmem>>, vector<16xf32>,
        tpu.vector_store %arg9[%swap3A_572, %swap3A_573], %gather3A_564 {add = true, strides = array<i32>} : memref<256x16xf32, #tpu.memory_space<vmem>>, vector<16xf32>,
        %gather3A_575 = arith.constant 0 : i32
        %gather3A_576 = arith.constant 0 : i32
        %gather3A_577 = tpu.memref_slice %arg7[%scan3A_228, %gather3A_575, %gather3A_576] : memref<5x128x32xf32, #tpu.memory_space<vmem>> -> memref<1x128x32xf32, #tpu.memory_space<vmem>>
        %gather3A_578 = tpu.memref_squeeze %gather3A_577 : memref<1x128x32xf32, #tpu.memory_space<vmem>> -> memref<128x32xf32, #tpu.memory_space<vmem>>
        %gather3A_579 = tpu.vector_load_idx %gather3A_578[%add3A_19, %add3A_499] : memref<128x32xf32, #tpu.memory_space<vmem>>[vector<16xi32>, vector<16xi32>], vector<16xf32>,
        %add3A_580 = arith.addi %shift_left3A_496, %add3A_19 : vector<16xi32>
        %scatter3A_581 = arith.constant 0 : i32
        %scatter3A_582 = arith.constant 0 : i32
        %scatter3A_583 = tpu.memref_slice %arg8[%scan3A_229, %scatter3A_581, %scatter3A_582] : memref<5x4x1024xf32, #tpu.memory_space<vmem>> -> memref<1x4x1024xf32, #tpu.memory_space<vmem>>
        %scatter3A_584 = tpu.memref_squeeze %scatter3A_583 : memref<1x4x1024xf32, #tpu.memory_space<vmem>> -> memref<4x1024xf32, #tpu.memory_space<vmem>>
        tpu.vector_store_idx %scatter3A_584[%add3A_502, %add3A_580], %gather3A_579 : memref<4x1024xf32, #tpu.memory_space<vmem>>[vector<16xi32>, vector<16xi32>], vector<16xf32>,
        %add3A_585 = arith.constant 160 : i32
        %add3A_586 = arith.addi %add3A_585, %scan3A_484 : i32
        %swap3A_587 = arith.index_cast %add3A_586 : i32 to index
        %swap3A_588 = arith.constant 0 : index
        %swap3A_589 = tpu.vector_load %arg9[%swap3A_587, %swap3A_588] {strides = array<i32>} : memref<256x16xf32, #tpu.memory_space<vmem>>, vector<16xf32>,
        tpu.vector_store %arg9[%swap3A_587, %swap3A_588], %gather3A_579 {add = true, strides = array<i32>} : memref<256x16xf32, #tpu.memory_space<vmem>>, vector<16xf32>,
        %gather3A_590 = arith.constant 0 : i32
        %gather3A_591 = arith.constant 0 : i32
        %gather3A_592 = tpu.memref_slice %arg7[%scan3A_228, %gather3A_590, %gather3A_591] : memref<5x128x32xf32, #tpu.memory_space<vmem>> -> memref<1x128x32xf32, #tpu.memory_space<vmem>>
        %gather3A_593 = tpu.memref_squeeze %gather3A_592 : memref<1x128x32xf32, #tpu.memory_space<vmem>> -> memref<128x32xf32, #tpu.memory_space<vmem>>
        %gather3A_594 = tpu.vector_load_idx %gather3A_593[%add3A_22, %add3A_499] : memref<128x32xf32, #tpu.memory_space<vmem>>[vector<16xi32>, vector<16xi32>], vector<16xf32>,
        %add3A_595 = arith.addi %shift_left3A_496, %add3A_22 : vector<16xi32>
        %scatter3A_596 = arith.constant 0 : i32
        %scatter3A_597 = arith.constant 0 : i32
        %scatter3A_598 = tpu.memref_slice %arg8[%scan3A_229, %scatter3A_596, %scatter3A_597] : memref<5x4x1024xf32, #tpu.memory_space<vmem>> -> memref<1x4x1024xf32, #tpu.memory_space<vmem>>
        %scatter3A_599 = tpu.memref_squeeze %scatter3A_598 : memref<1x4x1024xf32, #tpu.memory_space<vmem>> -> memref<4x1024xf32, #tpu.memory_space<vmem>>
        tpu.vector_store_idx %scatter3A_599[%add3A_502, %add3A_595], %gather3A_594 : memref<4x1024xf32, #tpu.memory_space<vmem>>[vector<16xi32>, vector<16xi32>], vector<16xf32>,
        %add3A_600 = arith.constant 192 : i32
        %add3A_601 = arith.addi %add3A_600, %scan3A_484 : i32
        %swap3A_602 = arith.index_cast %add3A_601 : i32 to index
        %swap3A_603 = arith.constant 0 : index
        %swap3A_604 = tpu.vector_load %arg9[%swap3A_602, %swap3A_603] {strides = array<i32>} : memref<256x16xf32, #tpu.memory_space<vmem>>, vector<16xf32>,
        tpu.vector_store %arg9[%swap3A_602, %swap3A_603], %gather3A_594 {add = true, strides = array<i32>} : memref<256x16xf32, #tpu.memory_space<vmem>>, vector<16xf32>,
        %gather3A_605 = arith.constant 0 : i32
        %gather3A_606 = arith.constant 0 : i32
        %gather3A_607 = tpu.memref_slice %arg7[%scan3A_228, %gather3A_605, %gather3A_606] : memref<5x128x32xf32, #tpu.memory_space<vmem>> -> memref<1x128x32xf32, #tpu.memory_space<vmem>>
        %gather3A_608 = tpu.memref_squeeze %gather3A_607 : memref<1x128x32xf32, #tpu.memory_space<vmem>> -> memref<128x32xf32, #tpu.memory_space<vmem>>
        %gather3A_609 = tpu.vector_load_idx %gather3A_608[%add3A_25, %add3A_499] : memref<128x32xf32, #tpu.memory_space<vmem>>[vector<16xi32>, vector<16xi32>], vector<16xf32>,
        %add3A_610 = arith.addi %shift_left3A_496, %add3A_25 : vector<16xi32>
        %scatter3A_611 = arith.constant 0 : i32
        %scatter3A_612 = arith.constant 0 : i32
        %scatter3A_613 = tpu.memref_slice %arg8[%scan3A_229, %scatter3A_611, %scatter3A_612] : memref<5x4x1024xf32, #tpu.memory_space<vmem>> -> memref<1x4x1024xf32, #tpu.memory_space<vmem>>
        %scatter3A_614 = tpu.memref_squeeze %scatter3A_613 : memref<1x4x1024xf32, #tpu.memory_space<vmem>> -> memref<4x1024xf32, #tpu.memory_space<vmem>>
        tpu.vector_store_idx %scatter3A_614[%add3A_502, %add3A_610], %gather3A_609 : memref<4x1024xf32, #tpu.memory_space<vmem>>[vector<16xi32>, vector<16xi32>], vector<16xf32>,
        %add3A_615 = arith.constant 224 : i32
        %add3A_616 = arith.addi %add3A_615, %scan3A_484 : i32
        %swap3A_617 = arith.index_cast %add3A_616 : i32 to index
        %swap3A_618 = arith.constant 0 : index
        %swap3A_619 = tpu.vector_load %arg9[%swap3A_617, %swap3A_618] {strides = array<i32>} : memref<256x16xf32, #tpu.memory_space<vmem>>, vector<16xf32>,
        tpu.vector_store %arg9[%swap3A_617, %swap3A_618], %gather3A_609 {add = true, strides = array<i32>} : memref<256x16xf32, #tpu.memory_space<vmem>>, vector<16xf32>,
        %add3A_620 = arith.constant 16 : i32
        %add3A_621 = vector.broadcast %add3A_620 : i32 to vector<16xi32>
        %add3A_622 = arith.addi %add3A_621, %and3A_489 : vector<16xi32>
        %add3A_623 = arith.constant 2 : i32
        %add3A_624 = vector.broadcast %add3A_623 : i32 to vector<16xi32>
        %add3A_625 = arith.addi %add3A_624, %shift_right_arithmetic3A_491 : vector<16xi32>
        %gather3A_626 = arith.constant 0 : i32
        %gather3A_627 = arith.constant 0 : i32
        %gather3A_628 = tpu.memref_slice %arg7[%scan3A_228, %gather3A_626, %gather3A_627] : memref<5x128x32xf32, #tpu.memory_space<vmem>> -> memref<1x128x32xf32, #tpu.memory_space<vmem>>
        %gather3A_629 = tpu.memref_squeeze %gather3A_628 : memref<1x128x32xf32, #tpu.memory_space<vmem>> -> memref<128x32xf32, #tpu.memory_space<vmem>>
        %gather3A_630 = tpu.vector_load_idx %gather3A_629[%add3A_4, %add3A_622] : memref<128x32xf32, #tpu.memory_space<vmem>>[vector<16xi32>, vector<16xi32>], vector<16xf32>,
        %add3A_631 = arith.addi %shift_left3A_496, %add3A_4 : vector<16xi32>
        %scatter3A_632 = arith.constant 0 : i32
        %scatter3A_633 = arith.constant 0 : i32
        %scatter3A_634 = tpu.memref_slice %arg8[%scan3A_229, %scatter3A_632, %scatter3A_633] : memref<5x4x1024xf32, #tpu.memory_space<vmem>> -> memref<1x4x1024xf32, #tpu.memory_space<vmem>>
        %scatter3A_635 = tpu.memref_squeeze %scatter3A_634 : memref<1x4x1024xf32, #tpu.memory_space<vmem>> -> memref<4x1024xf32, #tpu.memory_space<vmem>>
        tpu.vector_store_idx %scatter3A_635[%add3A_625, %add3A_631], %gather3A_630 : memref<4x1024xf32, #tpu.memory_space<vmem>>[vector<16xi32>, vector<16xi32>], vector<16xf32>,
        %add3A_636 = arith.constant 16 : i32
        %add3A_637 = arith.addi %add3A_636, %scan3A_484 : i32
        %swap3A_638 = arith.index_cast %add3A_637 : i32 to index
        %swap3A_639 = arith.constant 0 : index
        %swap3A_640 = tpu.vector_load %arg9[%swap3A_638, %swap3A_639] {strides = array<i32>} : memref<256x16xf32, #tpu.memory_space<vmem>>, vector<16xf32>,
        tpu.vector_store %arg9[%swap3A_638, %swap3A_639], %gather3A_630 {add = true, strides = array<i32>} : memref<256x16xf32, #tpu.memory_space<vmem>>, vector<16xf32>,
        %gather3A_641 = arith.constant 0 : i32
        %gather3A_642 = arith.constant 0 : i32
        %gather3A_643 = tpu.memref_slice %arg7[%scan3A_228, %gather3A_641, %gather3A_642] : memref<5x128x32xf32, #tpu.memory_space<vmem>> -> memref<1x128x32xf32, #tpu.memory_space<vmem>>
        %gather3A_644 = tpu.memref_squeeze %gather3A_643 : memref<1x128x32xf32, #tpu.memory_space<vmem>> -> memref<128x32xf32, #tpu.memory_space<vmem>>
        %gather3A_645 = tpu.vector_load_idx %gather3A_644[%add3A_7, %add3A_622] : memref<128x32xf32, #tpu.memory_space<vmem>>[vector<16xi32>, vector<16xi32>], vector<16xf32>,
        %add3A_646 = arith.addi %shift_left3A_496, %add3A_7 : vector<16xi32>
        %scatter3A_647 = arith.constant 0 : i32
        %scatter3A_648 = arith.constant 0 : i32
        %scatter3A_649 = tpu.memref_slice %arg8[%scan3A_229, %scatter3A_647, %scatter3A_648] : memref<5x4x1024xf32, #tpu.memory_space<vmem>> -> memref<1x4x1024xf32, #tpu.memory_space<vmem>>
        %scatter3A_650 = tpu.memref_squeeze %scatter3A_649 : memref<1x4x1024xf32, #tpu.memory_space<vmem>> -> memref<4x1024xf32, #tpu.memory_space<vmem>>
        tpu.vector_store_idx %scatter3A_650[%add3A_625, %add3A_646], %gather3A_645 : memref<4x1024xf32, #tpu.memory_space<vmem>>[vector<16xi32>, vector<16xi32>], vector<16xf32>,
        %add3A_651 = arith.constant 48 : i32
        %add3A_652 = arith.addi %add3A_651, %scan3A_484 : i32
        %swap3A_653 = arith.index_cast %add3A_652 : i32 to index
        %swap3A_654 = arith.constant 0 : index
        %swap3A_655 = tpu.vector_load %arg9[%swap3A_653, %swap3A_654] {strides = array<i32>} : memref<256x16xf32, #tpu.memory_space<vmem>>, vector<16xf32>,
        tpu.vector_store %arg9[%swap3A_653, %swap3A_654], %gather3A_645 {add = true, strides = array<i32>} : memref<256x16xf32, #tpu.memory_space<vmem>>, vector<16xf32>,
        %gather3A_656 = arith.constant 0 : i32
        %gather3A_657 = arith.constant 0 : i32
        %gather3A_658 = tpu.memref_slice %arg7[%scan3A_228, %gather3A_656, %gather3A_657] : memref<5x128x32xf32, #tpu.memory_space<vmem>> -> memref<1x128x32xf32, #tpu.memory_space<vmem>>
        %gather3A_659 = tpu.memref_squeeze %gather3A_658 : memref<1x128x32xf32, #tpu.memory_space<vmem>> -> memref<128x32xf32, #tpu.memory_space<vmem>>
        %gather3A_660 = tpu.vector_load_idx %gather3A_659[%add3A_10, %add3A_622] : memref<128x32xf32, #tpu.memory_space<vmem>>[vector<16xi32>, vector<16xi32>], vector<16xf32>,
        %add3A_661 = arith.addi %shift_left3A_496, %add3A_10 : vector<16xi32>
        %scatter3A_662 = arith.constant 0 : i32
        %scatter3A_663 = arith.constant 0 : i32
        %scatter3A_664 = tpu.memref_slice %arg8[%scan3A_229, %scatter3A_662, %scatter3A_663] : memref<5x4x1024xf32, #tpu.memory_space<vmem>> -> memref<1x4x1024xf32, #tpu.memory_space<vmem>>
        %scatter3A_665 = tpu.memref_squeeze %scatter3A_664 : memref<1x4x1024xf32, #tpu.memory_space<vmem>> -> memref<4x1024xf32, #tpu.memory_space<vmem>>
        tpu.vector_store_idx %scatter3A_665[%add3A_625, %add3A_661], %gather3A_660 : memref<4x1024xf32, #tpu.memory_space<vmem>>[vector<16xi32>, vector<16xi32>], vector<16xf32>,
        %add3A_666 = arith.constant 80 : i32
        %add3A_667 = arith.addi %add3A_666, %scan3A_484 : i32
        %swap3A_668 = arith.index_cast %add3A_667 : i32 to index
        %swap3A_669 = arith.constant 0 : index
        %swap3A_670 = tpu.vector_load %arg9[%swap3A_668, %swap3A_669] {strides = array<i32>} : memref<256x16xf32, #tpu.memory_space<vmem>>, vector<16xf32>,
        tpu.vector_store %arg9[%swap3A_668, %swap3A_669], %gather3A_660 {add = true, strides = array<i32>} : memref<256x16xf32, #tpu.memory_space<vmem>>, vector<16xf32>,
        %gather3A_671 = arith.constant 0 : i32
        %gather3A_672 = arith.constant 0 : i32
        %gather3A_673 = tpu.memref_slice %arg7[%scan3A_228, %gather3A_671, %gather3A_672] : memref<5x128x32xf32, #tpu.memory_space<vmem>> -> memref<1x128x32xf32, #tpu.memory_space<vmem>>
        %gather3A_674 = tpu.memref_squeeze %gather3A_673 : memref<1x128x32xf32, #tpu.memory_space<vmem>> -> memref<128x32xf32, #tpu.memory_space<vmem>>
        %gather3A_675 = tpu.vector_load_idx %gather3A_674[%add3A_13, %add3A_622] : memref<128x32xf32, #tpu.memory_space<vmem>>[vector<16xi32>, vector<16xi32>], vector<16xf32>,
        %add3A_676 = arith.addi %shift_left3A_496, %add3A_13 : vector<16xi32>
        %scatter3A_677 = arith.constant 0 : i32
        %scatter3A_678 = arith.constant 0 : i32
        %scatter3A_679 = tpu.memref_slice %arg8[%scan3A_229, %scatter3A_677, %scatter3A_678] : memref<5x4x1024xf32, #tpu.memory_space<vmem>> -> memref<1x4x1024xf32, #tpu.memory_space<vmem>>
        %scatter3A_680 = tpu.memref_squeeze %scatter3A_679 : memref<1x4x1024xf32, #tpu.memory_space<vmem>> -> memref<4x1024xf32, #tpu.memory_space<vmem>>
        tpu.vector_store_idx %scatter3A_680[%add3A_625, %add3A_676], %gather3A_675 : memref<4x1024xf32, #tpu.memory_space<vmem>>[vector<16xi32>, vector<16xi32>], vector<16xf32>,
        %add3A_681 = arith.constant 112 : i32
        %add3A_682 = arith.addi %add3A_681, %scan3A_484 : i32
        %swap3A_683 = arith.index_cast %add3A_682 : i32 to index
        %swap3A_684 = arith.constant 0 : index
        %swap3A_685 = tpu.vector_load %arg9[%swap3A_683, %swap3A_684] {strides = array<i32>} : memref<256x16xf32, #tpu.memory_space<vmem>>, vector<16xf32>,
        tpu.vector_store %arg9[%swap3A_683, %swap3A_684], %gather3A_675 {add = true, strides = array<i32>} : memref<256x16xf32, #tpu.memory_space<vmem>>, vector<16xf32>,
        %gather3A_686 = arith.constant 0 : i32
        %gather3A_687 = arith.constant 0 : i32
        %gather3A_688 = tpu.memref_slice %arg7[%scan3A_228, %gather3A_686, %gather3A_687] : memref<5x128x32xf32, #tpu.memory_space<vmem>> -> memref<1x128x32xf32, #tpu.memory_space<vmem>>
        %gather3A_689 = tpu.memref_squeeze %gather3A_688 : memref<1x128x32xf32, #tpu.memory_space<vmem>> -> memref<128x32xf32, #tpu.memory_space<vmem>>
        %gather3A_690 = tpu.vector_load_idx %gather3A_689[%add3A_16, %add3A_622] : memref<128x32xf32, #tpu.memory_space<vmem>>[vector<16xi32>, vector<16xi32>], vector<16xf32>,
        %add3A_691 = arith.addi %shift_left3A_496, %add3A_16 : vector<16xi32>
        %scatter3A_692 = arith.constant 0 : i32
        %scatter3A_693 = arith.constant 0 : i32
        %scatter3A_694 = tpu.memref_slice %arg8[%scan3A_229, %scatter3A_692, %scatter3A_693] : memref<5x4x1024xf32, #tpu.memory_space<vmem>> -> memref<1x4x1024xf32, #tpu.memory_space<vmem>>
        %scatter3A_695 = tpu.memref_squeeze %scatter3A_694 : memref<1x4x1024xf32, #tpu.memory_space<vmem>> -> memref<4x1024xf32, #tpu.memory_space<vmem>>
        tpu.vector_store_idx %scatter3A_695[%add3A_625, %add3A_691], %gather3A_690 : memref<4x1024xf32, #tpu.memory_space<vmem>>[vector<16xi32>, vector<16xi32>], vector<16xf32>,
        %add3A_696 = arith.constant 144 : i32
        %add3A_697 = arith.addi %add3A_696, %scan3A_484 : i32
        %swap3A_698 = arith.index_cast %add3A_697 : i32 to index
        %swap3A_699 = arith.constant 0 : index
        %swap3A_700 = tpu.vector_load %arg9[%swap3A_698, %swap3A_699] {strides = array<i32>} : memref<256x16xf32, #tpu.memory_space<vmem>>, vector<16xf32>,
        tpu.vector_store %arg9[%swap3A_698, %swap3A_699], %gather3A_690 {add = true, strides = array<i32>} : memref<256x16xf32, #tpu.memory_space<vmem>>, vector<16xf32>,
        %gather3A_701 = arith.constant 0 : i32
        %gather3A_702 = arith.constant 0 : i32
        %gather3A_703 = tpu.memref_slice %arg7[%scan3A_228, %gather3A_701, %gather3A_702] : memref<5x128x32xf32, #tpu.memory_space<vmem>> -> memref<1x128x32xf32, #tpu.memory_space<vmem>>
        %gather3A_704 = tpu.memref_squeeze %gather3A_703 : memref<1x128x32xf32, #tpu.memory_space<vmem>> -> memref<128x32xf32, #tpu.memory_space<vmem>>
        %gather3A_705 = tpu.vector_load_idx %gather3A_704[%add3A_19, %add3A_622] : memref<128x32xf32, #tpu.memory_space<vmem>>[vector<16xi32>, vector<16xi32>], vector<16xf32>,
        %add3A_706 = arith.addi %shift_left3A_496, %add3A_19 : vector<16xi32>
        %scatter3A_707 = arith.constant 0 : i32
        %scatter3A_708 = arith.constant 0 : i32
        %scatter3A_709 = tpu.memref_slice %arg8[%scan3A_229, %scatter3A_707, %scatter3A_708] : memref<5x4x1024xf32, #tpu.memory_space<vmem>> -> memref<1x4x1024xf32, #tpu.memory_space<vmem>>
        %scatter3A_710 = tpu.memref_squeeze %scatter3A_709 : memref<1x4x1024xf32, #tpu.memory_space<vmem>> -> memref<4x1024xf32, #tpu.memory_space<vmem>>
        tpu.vector_store_idx %scatter3A_710[%add3A_625, %add3A_706], %gather3A_705 : memref<4x1024xf32, #tpu.memory_space<vmem>>[vector<16xi32>, vector<16xi32>], vector<16xf32>,
        %add3A_711 = arith.constant 176 : i32
        %add3A_712 = arith.addi %add3A_711, %scan3A_484 : i32
        %swap3A_713 = arith.index_cast %add3A_712 : i32 to index
        %swap3A_714 = arith.constant 0 : index
        %swap3A_715 = tpu.vector_load %arg9[%swap3A_713, %swap3A_714] {strides = array<i32>} : memref<256x16xf32, #tpu.memory_space<vmem>>, vector<16xf32>,
        tpu.vector_store %arg9[%swap3A_713, %swap3A_714], %gather3A_705 {add = true, strides = array<i32>} : memref<256x16xf32, #tpu.memory_space<vmem>>, vector<16xf32>,
        %gather3A_716 = arith.constant 0 : i32
        %gather3A_717 = arith.constant 0 : i32
        %gather3A_718 = tpu.memref_slice %arg7[%scan3A_228, %gather3A_716, %gather3A_717] : memref<5x128x32xf32, #tpu.memory_space<vmem>> -> memref<1x128x32xf32, #tpu.memory_space<vmem>>
        %gather3A_719 = tpu.memref_squeeze %gather3A_718 : memref<1x128x32xf32, #tpu.memory_space<vmem>> -> memref<128x32xf32, #tpu.memory_space<vmem>>
        %gather3A_720 = tpu.vector_load_idx %gather3A_719[%add3A_22, %add3A_622] : memref<128x32xf32, #tpu.memory_space<vmem>>[vector<16xi32>, vector<16xi32>], vector<16xf32>,
        %add3A_721 = arith.addi %shift_left3A_496, %add3A_22 : vector<16xi32>
        %scatter3A_722 = arith.constant 0 : i32
        %scatter3A_723 = arith.constant 0 : i32
        %scatter3A_724 = tpu.memref_slice %arg8[%scan3A_229, %scatter3A_722, %scatter3A_723] : memref<5x4x1024xf32, #tpu.memory_space<vmem>> -> memref<1x4x1024xf32, #tpu.memory_space<vmem>>
        %scatter3A_725 = tpu.memref_squeeze %scatter3A_724 : memref<1x4x1024xf32, #tpu.memory_space<vmem>> -> memref<4x1024xf32, #tpu.memory_space<vmem>>
        tpu.vector_store_idx %scatter3A_725[%add3A_625, %add3A_721], %gather3A_720 : memref<4x1024xf32, #tpu.memory_space<vmem>>[vector<16xi32>, vector<16xi32>], vector<16xf32>,
        %add3A_726 = arith.constant 208 : i32
        %add3A_727 = arith.addi %add3A_726, %scan3A_484 : i32
        %swap3A_728 = arith.index_cast %add3A_727 : i32 to index
        %swap3A_729 = arith.constant 0 : index
        %swap3A_730 = tpu.vector_load %arg9[%swap3A_728, %swap3A_729] {strides = array<i32>} : memref<256x16xf32, #tpu.memory_space<vmem>>, vector<16xf32>,
        tpu.vector_store %arg9[%swap3A_728, %swap3A_729], %gather3A_720 {add = true, strides = array<i32>} : memref<256x16xf32, #tpu.memory_space<vmem>>, vector<16xf32>,
        %gather3A_731 = arith.constant 0 : i32
        %gather3A_732 = arith.constant 0 : i32
        %gather3A_733 = tpu.memref_slice %arg7[%scan3A_228, %gather3A_731, %gather3A_732] : memref<5x128x32xf32, #tpu.memory_space<vmem>> -> memref<1x128x32xf32, #tpu.memory_space<vmem>>
        %gather3A_734 = tpu.memref_squeeze %gather3A_733 : memref<1x128x32xf32, #tpu.memory_space<vmem>> -> memref<128x32xf32, #tpu.memory_space<vmem>>
        %gather3A_735 = tpu.vector_load_idx %gather3A_734[%add3A_25, %add3A_622] : memref<128x32xf32, #tpu.memory_space<vmem>>[vector<16xi32>, vector<16xi32>], vector<16xf32>,
        %add3A_736 = arith.addi %shift_left3A_496, %add3A_25 : vector<16xi32>
        %scatter3A_737 = arith.constant 0 : i32
        %scatter3A_738 = arith.constant 0 : i32
        %scatter3A_739 = tpu.memref_slice %arg8[%scan3A_229, %scatter3A_737, %scatter3A_738] : memref<5x4x1024xf32, #tpu.memory_space<vmem>> -> memref<1x4x1024xf32, #tpu.memory_space<vmem>>
        %scatter3A_740 = tpu.memref_squeeze %scatter3A_739 : memref<1x4x1024xf32, #tpu.memory_space<vmem>> -> memref<4x1024xf32, #tpu.memory_space<vmem>>
        tpu.vector_store_idx %scatter3A_740[%add3A_625, %add3A_736], %gather3A_735 : memref<4x1024xf32, #tpu.memory_space<vmem>>[vector<16xi32>, vector<16xi32>], vector<16xf32>,
        %add3A_741 = arith.constant 240 : i32
        %add3A_742 = arith.addi %add3A_741, %scan3A_484 : i32
        %swap3A_743 = arith.index_cast %add3A_742 : i32 to index
        %swap3A_744 = arith.constant 0 : index
        %swap3A_745 = tpu.vector_load %arg9[%swap3A_743, %swap3A_744] {strides = array<i32>} : memref<256x16xf32, #tpu.memory_space<vmem>>, vector<16xf32>,
        tpu.vector_store %arg9[%swap3A_743, %swap3A_744], %gather3A_735 {add = true, strides = array<i32>} : memref<256x16xf32, #tpu.memory_space<vmem>>, vector<16xf32>,
        %scan3A_746 = arith.constant 0 : i32
        scf.yield %scan3A_746 : i32
      }
      %scan3A_236 = arith.constant 16 : i32
      %dma_start3A_237 = arith.constant 0 : i32
      %dma_start3A_238 = arith.constant 0 : i32
      %dma_start3A_239 = arith.constant 0 : i32
      %dma_start3A_240 = tpu.memref_slice %arg8[%dma_start3A_237, %dma_start3A_238, %dma_start3A_239] : memref<5x4x1024xf32, #tpu.memory_space<vmem>> -> memref<1x4x1024xf32, #tpu.memory_space<vmem>>
      %dma_start3A_241 = tpu.memref_squeeze %dma_start3A_240 : memref<1x4x1024xf32, #tpu.memory_space<vmem>> -> memref<4x1024xf32, #tpu.memory_space<vmem>>
      %dma_start3A_242 = arith.constant 0 : i32
      %dma_start3A_243 = arith.constant 0 : i32
      %dma_start3A_244 = tpu.memref_slice %arg4[%add3A_209, %dma_start3A_242, %add3A, %dma_start3A_243] : memref<200x4x32x1024xf32, #tpu.memory_space<hbm>> -> memref<1x4x1x1024xf32, #tpu.memory_space<hbm>>
      %dma_start3A_245 = tpu.memref_squeeze %dma_start3A_244 : memref<1x4x1x1024xf32, #tpu.memory_space<hbm>> -> memref<4x1024xf32, #tpu.memory_space<hbm>>
      %dma_start3A_246 = arith.constant 0 : i32
      %dma_start3A_247 = arith.constant 0 : i32
      %dma_start3A_248 = tpu.memref_slice %arg4[%add3A_209, %dma_start3A_246, %add3A, %dma_start3A_247] : memref<200x4x32x1024xf32, #tpu.memory_space<hbm>> -> memref<1x4x1x1024xf32, #tpu.memory_space<hbm>>
      %dma_start3A_249 = tpu.memref_squeeze %dma_start3A_248 : memref<1x4x1x1024xf32, #tpu.memory_space<hbm>> -> memref<4x1024xf32, #tpu.memory_space<hbm>>
      %dma_start3A_250 = arith.constant 0 : i32
      %dma_start3A_251 = arith.constant 0 : i32
      %dma_start3A_252 = tpu.memref_slice %arg8[%dma_start3A_237, %dma_start3A_250, %dma_start3A_251] : memref<5x4x1024xf32, #tpu.memory_space<vmem>> -> memref<1x4x1024xf32, #tpu.memory_space<vmem>>
      %dma_start3A_253 = tpu.memref_squeeze %dma_start3A_252 : memref<1x4x1024xf32, #tpu.memory_space<vmem>> -> memref<4x1024xf32, #tpu.memory_space<vmem>>
      tpu.enqueue_dma source(%dma_start3A_253 : memref<4x1024xf32, #tpu.memory_space<vmem>>) target(%dma_start3A_249 : memref<4x1024xf32, #tpu.memory_space<hbm>>) target_semaphore(%arg16 : memref<!tpu.dma_semaphore, #tpu.memory_space<semaphore_mem>>)
      %add3A_254 = arith.constant 5 : i32
      %add3A_255 = arith.addi %add3A_209, %add3A_254 : i32
      %lt3A = arith.constant 200 : i32
      %lt3A_256 = arith.cmpi slt, %add3A_255, %lt3A : i32
      %convert_element_type3A_257 = arith.extui %lt3A_256 : i1 to i32
      %cond3A_258 = arith.constant 0 : i32
      %cond3A_259 = arith.cmpi ne, %convert_element_type3A_257, %cond3A_258 : i32
      scf.if %cond3A_259 {
        %add3A_484 = arith.constant 5 : i32
        %add3A_485 = arith.addi %add3A_209, %add3A_484 : i32
        %jit3A = arith.constant 8 : i32
        %div3A = arith.divsi %add3A_485, %jit3A : i32
        %sign3A = arith.constant 0 : i32
        %sign3A_486 = arith.cmpi sgt, %add3A_485, %sign3A : i32
        %sign3A_487 = arith.extui %sign3A_486 : i1 to i32
        %sign3A_488 = arith.constant 0 : i32
        %sign3A_489 = arith.cmpi slt, %add3A_485, %sign3A_488 : i32
        %sign3A_490 = arith.extui %sign3A_489 : i1 to i32
        %sign3A_491 = arith.subi %sign3A_487, %sign3A_490 : i32
        %sign3A_492 = arith.constant 0 : i32
        %sign3A_493 = arith.cmpi sgt, %jit3A, %sign3A_492 : i32
        %sign3A_494 = arith.extui %sign3A_493 : i1 to i32
        %sign3A_495 = arith.constant 0 : i32
        %sign3A_496 = arith.cmpi slt, %jit3A, %sign3A_495 : i32
        %sign3A_497 = arith.extui %sign3A_496 : i1 to i32
        %sign3A_498 = arith.subi %sign3A_494, %sign3A_497 : i32
        %ne3A = arith.cmpi ne, %sign3A_491, %sign3A_498 : i32
        %rem3A = arith.remsi %add3A_485, %jit3A : i32
        %ne3A_499 = arith.constant 0 : i32
        %ne3A_500 = arith.cmpi ne, %rem3A, %ne3A_499 : i32
        %and3A = arith.andi %ne3A, %ne3A_500 : i1
        %sub3A = arith.constant 1 : i32
        %sub3A_501 = arith.subi %div3A, %sub3A : i32
        %select_n3A = arith.select %and3A, %sub3A_501, %div3A : i32
        %jit3A_502 = arith.constant 8 : i32
        %eq3A = arith.constant 0 : i32
        %eq3A_503 = arith.cmpi eq, %jit3A_502, %eq3A : i32
        %jit3A_504 = arith.constant 1 : i32
        %select_n3A_505 = arith.select %eq3A_503, %jit3A_504, %jit3A_502 : i32
        %rem3A_506 = arith.remsi %add3A_485, %select_n3A_505 : i32
        %ne3A_507 = arith.constant 0 : i32
        %ne3A_508 = arith.cmpi ne, %rem3A_506, %ne3A_507 : i32
        %lt3A_509 = arith.constant 0 : i32
        %lt3A_510 = arith.cmpi slt, %rem3A_506, %lt3A_509 : i32
        %lt3A_511 = arith.constant 0 : i32
        %lt3A_512 = arith.cmpi slt, %select_n3A_505, %lt3A_511 : i32
        %ne3A_513 = arith.xori %lt3A_510, %lt3A_512 : i1
        %and3A_514 = arith.andi %ne3A_513, %ne3A_508 : i1
        %add3A_515 = arith.addi %rem3A_506, %select_n3A_505 : i32
        %select_n3A_516 = arith.select %and3A_514, %add3A_515, %rem3A_506 : i32
        %dma_start3A_517 = arith.constant 0 : i32
        %dma_start3A_518 = arith.constant 0 : i32
        %dma_start3A_519 = arith.constant 0 : i32
        %dma_start3A_520 = tpu.memref_slice %arg7[%dma_start3A_517, %dma_start3A_518, %dma_start3A_519] : memref<5x128x32xf32, #tpu.memory_space<vmem>> -> memref<1x128x32xf32, #tpu.memory_space<vmem>>
        %dma_start3A_521 = tpu.memref_squeeze %dma_start3A_520 : memref<1x128x32xf32, #tpu.memory_space<vmem>> -> memref<128x32xf32, #tpu.memory_space<vmem>>
        %dma_start3A_522 = arith.constant 0 : i32
        %dma_start3A_523 = tpu.memref_slice %arg6[%select_n3A, %select_n3A_516, %dma_start3A_522] : memref<25x8x128xi32, #tpu.memory_space<vmem>> -> memref<1x1x128xi32, #tpu.memory_space<vmem>>
        %dma_start3A_524 = tpu.memref_squeeze %dma_start3A_523 : memref<1x1x128xi32, #tpu.memory_space<vmem>> -> memref<128xi32, #tpu.memory_space<vmem>>
        %dma_start3A_525 = arith.constant 0 : i32
        %dma_start3A_526 = arith.constant 0 : i32
        %dma_start3A_527 = tpu.memref_slice %arg3[%dma_start3A_525, %dma_start3A_526] : memref<1000000x32xf32, #tpu.memory_space<hbm>> -> memref<1000000x32xf32, #tpu.memory_space<hbm>>
        tpu.enqueue_indirect_dma source(%dma_start3A_527 : memref<1000000x32xf32, #tpu.memory_space<hbm>>) target(%dma_start3A_521 : memref<128x32xf32, #tpu.memory_space<vmem>>) offsets(%dma_start3A_524 : memref<128xi32, #tpu.memory_space<vmem>>) semaphore(%arg11 : memref<!tpu.dma_semaphore, #tpu.memory_space<semaphore_mem>>)
      } else {
      }
      %add3A_260 = arith.constant 1 : i32
      %add3A_261 = arith.addi %add3A_207, %add3A_260 : i32
      %dma_wait3A_262 = arith.constant 1 : i32
      %dma_wait3A_263 = arith.constant 0 : i32
      %dma_wait3A_264 = arith.constant 0 : i32
      %dma_wait3A_265 = tpu.memref_slice %arg7[%dma_wait3A_262, %dma_wait3A_263, %dma_wait3A_264] : memref<5x128x32xf32, #tpu.memory_space<vmem>> -> memref<1x128x32xf32, #tpu.memory_space<vmem>>
      %dma_wait3A_266 = tpu.memref_squeeze %dma_wait3A_265 : memref<1x128x32xf32, #tpu.memory_space<vmem>> -> memref<128x32xf32, #tpu.memory_space<vmem>>
      %dma_wait3A_267 = arith.constant 0 : i32
      %dma_wait3A_268 = arith.constant 0 : i32
      %dma_wait3A_269 = tpu.memref_slice %arg3[%dma_wait3A_267, %dma_wait3A_268] : memref<1000000x32xf32, #tpu.memory_space<hbm>> -> memref<128x32xf32, #tpu.memory_space<hbm>>
      %dma_wait3A_270 = arith.constant 0 : i32
      %dma_wait3A_271 = arith.constant 0 : i32
      %dma_wait3A_272 = tpu.memref_slice %arg7[%dma_wait3A_262, %dma_wait3A_270, %dma_wait3A_271] : memref<5x128x32xf32, #tpu.memory_space<vmem>> -> memref<1x128x32xf32, #tpu.memory_space<vmem>>
      %dma_wait3A_273 = tpu.memref_squeeze %dma_wait3A_272 : memref<1x128x32xf32, #tpu.memory_space<vmem>> -> memref<128x32xf32, #tpu.memory_space<vmem>>
      %dma_wait3A_274 = arith.constant 0 : i32
      %dma_wait3A_275 = arith.constant 0 : i32
      %dma_wait3A_276 = tpu.memref_slice %arg3[%dma_wait3A_274, %dma_wait3A_275] : memref<1000000x32xf32, #tpu.memory_space<hbm>> -> memref<128x32xf32, #tpu.memory_space<hbm>>
      tpu.wait_dma2 semaphore(%arg12 : memref<!tpu.dma_semaphore, #tpu.memory_space<semaphore_mem>>) src(%dma_wait3A_276 : memref<128x32xf32, #tpu.memory_space<hbm>>) dst(%dma_wait3A_273 : memref<128x32xf32, #tpu.memory_space<vmem>>)
      %ge3A_277 = arith.constant 5 : i32
      %ge3A_278 = arith.cmpi sge, %add3A_261, %ge3A_277 : i32
      %convert_element_type3A_279 = arith.extui %ge3A_278 : i1 to i32
      %cond3A_280 = arith.constant 1 : i32
      %cond3A_281 = arith.constant 0 : i32
      %cond3A_282 = arith.cmpi ne, %convert_element_type3A_279, %cond3A_281 : i32
      scf.if %cond3A_282 {
        %dma_wait3A_484 = arith.constant 0 : i32
        %dma_wait3A_485 = arith.constant 0 : i32
        %dma_wait3A_486 = arith.constant 0 : i32
        %dma_wait3A_487 = arith.constant 0 : i32
        %dma_wait3A_488 = tpu.memref_slice %arg8[%cond3A_280, %dma_wait3A_486, %dma_wait3A_487] : memref<5x4x1024xf32, #tpu.memory_space<vmem>> -> memref<1x4x1024xf32, #tpu.memory_space<vmem>>
        %dma_wait3A_489 = tpu.memref_squeeze %dma_wait3A_488 : memref<1x4x1024xf32, #tpu.memory_space<vmem>> -> memref<4x1024xf32, #tpu.memory_space<vmem>>
        %dma_wait3A_490 = arith.constant 0 : i32
        %dma_wait3A_491 = arith.constant 0 : i32
        %dma_wait3A_492 = tpu.memref_slice %arg4[%dma_wait3A_484, %dma_wait3A_490, %dma_wait3A_485, %dma_wait3A_491] : memref<200x4x32x1024xf32, #tpu.memory_space<hbm>> -> memref<1x4x1x1024xf32, #tpu.memory_space<hbm>>
        %dma_wait3A_493 = tpu.memref_squeeze %dma_wait3A_492 : memref<1x4x1x1024xf32, #tpu.memory_space<hbm>> -> memref<4x1024xf32, #tpu.memory_space<hbm>>
        %dma_wait3A_494 = arith.constant 0 : i32
        %dma_wait3A_495 = arith.constant 0 : i32
        %dma_wait3A_496 = tpu.memref_slice %arg8[%cond3A_280, %dma_wait3A_494, %dma_wait3A_495] : memref<5x4x1024xf32, #tpu.memory_space<vmem>> -> memref<1x4x1024xf32, #tpu.memory_space<vmem>>
        %dma_wait3A_497 = tpu.memref_squeeze %dma_wait3A_496 : memref<1x4x1024xf32, #tpu.memory_space<vmem>> -> memref<4x1024xf32, #tpu.memory_space<vmem>>
        %dma_wait3A_498 = arith.constant 0 : i32
        %dma_wait3A_499 = arith.constant 0 : i32
        %dma_wait3A_500 = tpu.memref_slice %arg4[%dma_wait3A_484, %dma_wait3A_498, %dma_wait3A_485, %dma_wait3A_499] : memref<200x4x32x1024xf32, #tpu.memory_space<hbm>> -> memref<1x4x1x1024xf32, #tpu.memory_space<hbm>>
        %dma_wait3A_501 = tpu.memref_squeeze %dma_wait3A_500 : memref<1x4x1x1024xf32, #tpu.memory_space<hbm>> -> memref<4x1024xf32, #tpu.memory_space<hbm>>
        tpu.wait_dma2 semaphore(%arg17 : memref<!tpu.dma_semaphore, #tpu.memory_space<semaphore_mem>>) src(%dma_wait3A_501 : memref<4x1024xf32, #tpu.memory_space<hbm>>) dst(%dma_wait3A_497 : memref<4x1024xf32, #tpu.memory_space<vmem>>)
      } else {
      }
      %scan3A_283 = arith.constant 1 : i32
      %scan3A_284 = arith.constant 1 : i32
      %scan3A_285 = arith.constant 0 : i32
      %scan3A_286 = arith.constant 0 : i32
      %scan3A_287 = arith.constant 16 : i32
      %scan3A_288 = arith.addi %scan3A_286, %scan3A_287 : i32
      %scan3A_289 = arith.constant 1 : i32
      %scan3A_290 = scf.for %scan3A_484 = %scan3A_286 to %scan3A_288 step %scan3A_289 iter_args(%scan3A_485 = %scan3A_285) -> (i32)  : i32 {
        %add3A_486 = vector.broadcast %scan3A_484 : i32 to vector<16xi32>
        %add3A_487 = arith.addi %iota3A, %add3A_486 : vector<16xi32>
        %and3A = arith.constant 15 : i32
        %and3A_488 = vector.broadcast %and3A : i32 to vector<16xi32>
        %and3A_489 = arith.andi %add3A_487, %and3A_488 : vector<16xi32>
        %shift_right_arithmetic3A = arith.constant 3 : i32
        %shift_right_arithmetic3A_490 = vector.broadcast %shift_right_arithmetic3A : i32 to vector<16xi32>
        %shift_right_arithmetic3A_491 = arith.shrsi %and3A_489, %shift_right_arithmetic3A_490 : vector<16xi32>
        %and3A_492 = arith.constant 7 : i32
        %and3A_493 = vector.broadcast %and3A_492 : i32 to vector<16xi32>
        %and3A_494 = arith.andi %and3A_489, %and3A_493 : vector<16xi32>
        %shift_left3A = arith.constant 7 : i32
        %shift_left3A_495 = vector.broadcast %shift_left3A : i32 to vector<16xi32>
        %shift_left3A_496 = arith.shli %and3A_494, %shift_left3A_495 : vector<16xi32>
        %add3A_497 = arith.constant 0 : i32
        %add3A_498 = vector.broadcast %add3A_497 : i32 to vector<16xi32>
        %add3A_499 = arith.addi %add3A_498, %and3A_489 : vector<16xi32>
        %add3A_500 = arith.constant 0 : i32
        %add3A_501 = vector.broadcast %add3A_500 : i32 to vector<16xi32>
        %add3A_502 = arith.addi %add3A_501, %shift_right_arithmetic3A_491 : vector<16xi32>
        %gather3A = arith.constant 0 : i32
        %gather3A_503 = arith.constant 0 : i32
        %gather3A_504 = tpu.memref_slice %arg7[%scan3A_283, %gather3A, %gather3A_503] : memref<5x128x32xf32, #tpu.memory_space<vmem>> -> memref<1x128x32xf32, #tpu.memory_space<vmem>>
        %gather3A_505 = tpu.memref_squeeze %gather3A_504 : memref<1x128x32xf32, #tpu.memory_space<vmem>> -> memref<128x32xf32, #tpu.memory_space<vmem>>
        %gather3A_506 = tpu.vector_load_idx %gather3A_505[%add3A_4, %add3A_499] : memref<128x32xf32, #tpu.memory_space<vmem>>[vector<16xi32>, vector<16xi32>], vector<16xf32>,
        %add3A_507 = arith.addi %shift_left3A_496, %add3A_4 : vector<16xi32>
        %scatter3A = arith.constant 0 : i32
        %scatter3A_508 = arith.constant 0 : i32
        %scatter3A_509 = tpu.memref_slice %arg8[%scan3A_284, %scatter3A, %scatter3A_508] : memref<5x4x1024xf32, #tpu.memory_space<vmem>> -> memref<1x4x1024xf32, #tpu.memory_space<vmem>>
        %scatter3A_510 = tpu.memref_squeeze %scatter3A_509 : memref<1x4x1024xf32, #tpu.memory_space<vmem>> -> memref<4x1024xf32, #tpu.memory_space<vmem>>
        tpu.vector_store_idx %scatter3A_510[%add3A_502, %add3A_507], %gather3A_506 : memref<4x1024xf32, #tpu.memory_space<vmem>>[vector<16xi32>, vector<16xi32>], vector<16xf32>,
        %add3A_511 = arith.constant 0 : i32
        %add3A_512 = arith.addi %add3A_511, %scan3A_484 : i32
        %swap3A = arith.index_cast %add3A_512 : i32 to index
        %swap3A_513 = arith.constant 0 : index
        %swap3A_514 = tpu.vector_load %arg9[%swap3A, %swap3A_513] {strides = array<i32>} : memref<256x16xf32, #tpu.memory_space<vmem>>, vector<16xf32>,
        tpu.vector_store %arg9[%swap3A, %swap3A_513], %gather3A_506 {add = true, strides = array<i32>} : memref<256x16xf32, #tpu.memory_space<vmem>>, vector<16xf32>,
        %gather3A_515 = arith.constant 0 : i32
        %gather3A_516 = arith.constant 0 : i32
        %gather3A_517 = tpu.memref_slice %arg7[%scan3A_283, %gather3A_515, %gather3A_516] : memref<5x128x32xf32, #tpu.memory_space<vmem>> -> memref<1x128x32xf32, #tpu.memory_space<vmem>>
        %gather3A_518 = tpu.memref_squeeze %gather3A_517 : memref<1x128x32xf32, #tpu.memory_space<vmem>> -> memref<128x32xf32, #tpu.memory_space<vmem>>
        %gather3A_519 = tpu.vector_load_idx %gather3A_518[%add3A_7, %add3A_499] : memref<128x32xf32, #tpu.memory_space<vmem>>[vector<16xi32>, vector<16xi32>], vector<16xf32>,
        %add3A_520 = arith.addi %shift_left3A_496, %add3A_7 : vector<16xi32>
        %scatter3A_521 = arith.constant 0 : i32
        %scatter3A_522 = arith.constant 0 : i32
        %scatter3A_523 = tpu.memref_slice %arg8[%scan3A_284, %scatter3A_521, %scatter3A_522] : memref<5x4x1024xf32, #tpu.memory_space<vmem>> -> memref<1x4x1024xf32, #tpu.memory_space<vmem>>
        %scatter3A_524 = tpu.memref_squeeze %scatter3A_523 : memref<1x4x1024xf32, #tpu.memory_space<vmem>> -> memref<4x1024xf32, #tpu.memory_space<vmem>>
        tpu.vector_store_idx %scatter3A_524[%add3A_502, %add3A_520], %gather3A_519 : memref<4x1024xf32, #tpu.memory_space<vmem>>[vector<16xi32>, vector<16xi32>], vector<16xf32>,
        %add3A_525 = arith.constant 32 : i32
        %add3A_526 = arith.addi %add3A_525, %scan3A_484 : i32
        %swap3A_527 = arith.index_cast %add3A_526 : i32 to index
        %swap3A_528 = arith.constant 0 : index
        %swap3A_529 = tpu.vector_load %arg9[%swap3A_527, %swap3A_528] {strides = array<i32>} : memref<256x16xf32, #tpu.memory_space<vmem>>, vector<16xf32>,
        tpu.vector_store %arg9[%swap3A_527, %swap3A_528], %gather3A_519 {add = true, strides = array<i32>} : memref<256x16xf32, #tpu.memory_space<vmem>>, vector<16xf32>,
        %gather3A_530 = arith.constant 0 : i32
        %gather3A_531 = arith.constant 0 : i32
        %gather3A_532 = tpu.memref_slice %arg7[%scan3A_283, %gather3A_530, %gather3A_531] : memref<5x128x32xf32, #tpu.memory_space<vmem>> -> memref<1x128x32xf32, #tpu.memory_space<vmem>>
        %gather3A_533 = tpu.memref_squeeze %gather3A_532 : memref<1x128x32xf32, #tpu.memory_space<vmem>> -> memref<128x32xf32, #tpu.memory_space<vmem>>
        %gather3A_534 = tpu.vector_load_idx %gather3A_533[%add3A_10, %add3A_499] : memref<128x32xf32, #tpu.memory_space<vmem>>[vector<16xi32>, vector<16xi32>], vector<16xf32>,
        %add3A_535 = arith.addi %shift_left3A_496, %add3A_10 : vector<16xi32>
        %scatter3A_536 = arith.constant 0 : i32
        %scatter3A_537 = arith.constant 0 : i32
        %scatter3A_538 = tpu.memref_slice %arg8[%scan3A_284, %scatter3A_536, %scatter3A_537] : memref<5x4x1024xf32, #tpu.memory_space<vmem>> -> memref<1x4x1024xf32, #tpu.memory_space<vmem>>
        %scatter3A_539 = tpu.memref_squeeze %scatter3A_538 : memref<1x4x1024xf32, #tpu.memory_space<vmem>> -> memref<4x1024xf32, #tpu.memory_space<vmem>>
        tpu.vector_store_idx %scatter3A_539[%add3A_502, %add3A_535], %gather3A_534 : memref<4x1024xf32, #tpu.memory_space<vmem>>[vector<16xi32>, vector<16xi32>], vector<16xf32>,
        %add3A_540 = arith.constant 64 : i32
        %add3A_541 = arith.addi %add3A_540, %scan3A_484 : i32
        %swap3A_542 = arith.index_cast %add3A_541 : i32 to index
        %swap3A_543 = arith.constant 0 : index
        %swap3A_544 = tpu.vector_load %arg9[%swap3A_542, %swap3A_543] {strides = array<i32>} : memref<256x16xf32, #tpu.memory_space<vmem>>, vector<16xf32>,
        tpu.vector_store %arg9[%swap3A_542, %swap3A_543], %gather3A_534 {add = true, strides = array<i32>} : memref<256x16xf32, #tpu.memory_space<vmem>>, vector<16xf32>,
        %gather3A_545 = arith.constant 0 : i32
        %gather3A_546 = arith.constant 0 : i32
        %gather3A_547 = tpu.memref_slice %arg7[%scan3A_283, %gather3A_545, %gather3A_546] : memref<5x128x32xf32, #tpu.memory_space<vmem>> -> memref<1x128x32xf32, #tpu.memory_space<vmem>>
        %gather3A_548 = tpu.memref_squeeze %gather3A_547 : memref<1x128x32xf32, #tpu.memory_space<vmem>> -> memref<128x32xf32, #tpu.memory_space<vmem>>
        %gather3A_549 = tpu.vector_load_idx %gather3A_548[%add3A_13, %add3A_499] : memref<128x32xf32, #tpu.memory_space<vmem>>[vector<16xi32>, vector<16xi32>], vector<16xf32>,
        %add3A_550 = arith.addi %shift_left3A_496, %add3A_13 : vector<16xi32>
        %scatter3A_551 = arith.constant 0 : i32
        %scatter3A_552 = arith.constant 0 : i32
        %scatter3A_553 = tpu.memref_slice %arg8[%scan3A_284, %scatter3A_551, %scatter3A_552] : memref<5x4x1024xf32, #tpu.memory_space<vmem>> -> memref<1x4x1024xf32, #tpu.memory_space<vmem>>
        %scatter3A_554 = tpu.memref_squeeze %scatter3A_553 : memref<1x4x1024xf32, #tpu.memory_space<vmem>> -> memref<4x1024xf32, #tpu.memory_space<vmem>>
        tpu.vector_store_idx %scatter3A_554[%add3A_502, %add3A_550], %gather3A_549 : memref<4x1024xf32, #tpu.memory_space<vmem>>[vector<16xi32>, vector<16xi32>], vector<16xf32>,
        %add3A_555 = arith.constant 96 : i32
        %add3A_556 = arith.addi %add3A_555, %scan3A_484 : i32
        %swap3A_557 = arith.index_cast %add3A_556 : i32 to index
        %swap3A_558 = arith.constant 0 : index
        %swap3A_559 = tpu.vector_load %arg9[%swap3A_557, %swap3A_558] {strides = array<i32>} : memref<256x16xf32, #tpu.memory_space<vmem>>, vector<16xf32>,
        tpu.vector_store %arg9[%swap3A_557, %swap3A_558], %gather3A_549 {add = true, strides = array<i32>} : memref<256x16xf32, #tpu.memory_space<vmem>>, vector<16xf32>,
        %gather3A_560 = arith.constant 0 : i32
        %gather3A_561 = arith.constant 0 : i32
        %gather3A_562 = tpu.memref_slice %arg7[%scan3A_283, %gather3A_560, %gather3A_561] : memref<5x128x32xf32, #tpu.memory_space<vmem>> -> memref<1x128x32xf32, #tpu.memory_space<vmem>>
        %gather3A_563 = tpu.memref_squeeze %gather3A_562 : memref<1x128x32xf32, #tpu.memory_space<vmem>> -> memref<128x32xf32, #tpu.memory_space<vmem>>
        %gather3A_564 = tpu.vector_load_idx %gather3A_563[%add3A_16, %add3A_499] : memref<128x32xf32, #tpu.memory_space<vmem>>[vector<16xi32>, vector<16xi32>], vector<16xf32>,
        %add3A_565 = arith.addi %shift_left3A_496, %add3A_16 : vector<16xi32>
        %scatter3A_566 = arith.constant 0 : i32
        %scatter3A_567 = arith.constant 0 : i32
        %scatter3A_568 = tpu.memref_slice %arg8[%scan3A_284, %scatter3A_566, %scatter3A_567] : memref<5x4x1024xf32, #tpu.memory_space<vmem>> -> memref<1x4x1024xf32, #tpu.memory_space<vmem>>
        %scatter3A_569 = tpu.memref_squeeze %scatter3A_568 : memref<1x4x1024xf32, #tpu.memory_space<vmem>> -> memref<4x1024xf32, #tpu.memory_space<vmem>>
        tpu.vector_store_idx %scatter3A_569[%add3A_502, %add3A_565], %gather3A_564 : memref<4x1024xf32, #tpu.memory_space<vmem>>[vector<16xi32>, vector<16xi32>], vector<16xf32>,
        %add3A_570 = arith.constant 128 : i32
        %add3A_571 = arith.addi %add3A_570, %scan3A_484 : i32
        %swap3A_572 = arith.index_cast %add3A_571 : i32 to index
        %swap3A_573 = arith.constant 0 : index
        %swap3A_574 = tpu.vector_load %arg9[%swap3A_572, %swap3A_573] {strides = array<i32>} : memref<256x16xf32, #tpu.memory_space<vmem>>, vector<16xf32>,
        tpu.vector_store %arg9[%swap3A_572, %swap3A_573], %gather3A_564 {add = true, strides = array<i32>} : memref<256x16xf32, #tpu.memory_space<vmem>>, vector<16xf32>,
        %gather3A_575 = arith.constant 0 : i32
        %gather3A_576 = arith.constant 0 : i32
        %gather3A_577 = tpu.memref_slice %arg7[%scan3A_283, %gather3A_575, %gather3A_576] : memref<5x128x32xf32, #tpu.memory_space<vmem>> -> memref<1x128x32xf32, #tpu.memory_space<vmem>>
        %gather3A_578 = tpu.memref_squeeze %gather3A_577 : memref<1x128x32xf32, #tpu.memory_space<vmem>> -> memref<128x32xf32, #tpu.memory_space<vmem>>
        %gather3A_579 = tpu.vector_load_idx %gather3A_578[%add3A_19, %add3A_499] : memref<128x32xf32, #tpu.memory_space<vmem>>[vector<16xi32>, vector<16xi32>], vector<16xf32>,
        %add3A_580 = arith.addi %shift_left3A_496, %add3A_19 : vector<16xi32>
        %scatter3A_581 = arith.constant 0 : i32
        %scatter3A_582 = arith.constant 0 : i32
        %scatter3A_583 = tpu.memref_slice %arg8[%scan3A_284, %scatter3A_581, %scatter3A_582] : memref<5x4x1024xf32, #tpu.memory_space<vmem>> -> memref<1x4x1024xf32, #tpu.memory_space<vmem>>
        %scatter3A_584 = tpu.memref_squeeze %scatter3A_583 : memref<1x4x1024xf32, #tpu.memory_space<vmem>> -> memref<4x1024xf32, #tpu.memory_space<vmem>>
        tpu.vector_store_idx %scatter3A_584[%add3A_502, %add3A_580], %gather3A_579 : memref<4x1024xf32, #tpu.memory_space<vmem>>[vector<16xi32>, vector<16xi32>], vector<16xf32>,
        %add3A_585 = arith.constant 160 : i32
        %add3A_586 = arith.addi %add3A_585, %scan3A_484 : i32
        %swap3A_587 = arith.index_cast %add3A_586 : i32 to index
        %swap3A_588 = arith.constant 0 : index
        %swap3A_589 = tpu.vector_load %arg9[%swap3A_587, %swap3A_588] {strides = array<i32>} : memref<256x16xf32, #tpu.memory_space<vmem>>, vector<16xf32>,
        tpu.vector_store %arg9[%swap3A_587, %swap3A_588], %gather3A_579 {add = true, strides = array<i32>} : memref<256x16xf32, #tpu.memory_space<vmem>>, vector<16xf32>,
        %gather3A_590 = arith.constant 0 : i32
        %gather3A_591 = arith.constant 0 : i32
        %gather3A_592 = tpu.memref_slice %arg7[%scan3A_283, %gather3A_590, %gather3A_591] : memref<5x128x32xf32, #tpu.memory_space<vmem>> -> memref<1x128x32xf32, #tpu.memory_space<vmem>>
        %gather3A_593 = tpu.memref_squeeze %gather3A_592 : memref<1x128x32xf32, #tpu.memory_space<vmem>> -> memref<128x32xf32, #tpu.memory_space<vmem>>
        %gather3A_594 = tpu.vector_load_idx %gather3A_593[%add3A_22, %add3A_499] : memref<128x32xf32, #tpu.memory_space<vmem>>[vector<16xi32>, vector<16xi32>], vector<16xf32>,
        %add3A_595 = arith.addi %shift_left3A_496, %add3A_22 : vector<16xi32>
        %scatter3A_596 = arith.constant 0 : i32
        %scatter3A_597 = arith.constant 0 : i32
        %scatter3A_598 = tpu.memref_slice %arg8[%scan3A_284, %scatter3A_596, %scatter3A_597] : memref<5x4x1024xf32, #tpu.memory_space<vmem>> -> memref<1x4x1024xf32, #tpu.memory_space<vmem>>
        %scatter3A_599 = tpu.memref_squeeze %scatter3A_598 : memref<1x4x1024xf32, #tpu.memory_space<vmem>> -> memref<4x1024xf32, #tpu.memory_space<vmem>>
        tpu.vector_store_idx %scatter3A_599[%add3A_502, %add3A_595], %gather3A_594 : memref<4x1024xf32, #tpu.memory_space<vmem>>[vector<16xi32>, vector<16xi32>], vector<16xf32>,
        %add3A_600 = arith.constant 192 : i32
        %add3A_601 = arith.addi %add3A_600, %scan3A_484 : i32
        %swap3A_602 = arith.index_cast %add3A_601 : i32 to index
        %swap3A_603 = arith.constant 0 : index
        %swap3A_604 = tpu.vector_load %arg9[%swap3A_602, %swap3A_603] {strides = array<i32>} : memref<256x16xf32, #tpu.memory_space<vmem>>, vector<16xf32>,
        tpu.vector_store %arg9[%swap3A_602, %swap3A_603], %gather3A_594 {add = true, strides = array<i32>} : memref<256x16xf32, #tpu.memory_space<vmem>>, vector<16xf32>,
        %gather3A_605 = arith.constant 0 : i32
        %gather3A_606 = arith.constant 0 : i32
        %gather3A_607 = tpu.memref_slice %arg7[%scan3A_283, %gather3A_605, %gather3A_606] : memref<5x128x32xf32, #tpu.memory_space<vmem>> -> memref<1x128x32xf32, #tpu.memory_space<vmem>>
        %gather3A_608 = tpu.memref_squeeze %gather3A_607 : memref<1x128x32xf32, #tpu.memory_space<vmem>> -> memref<128x32xf32, #tpu.memory_space<vmem>>
        %gather3A_609 = tpu.vector_load_idx %gather3A_608[%add3A_25, %add3A_499] : memref<128x32xf32, #tpu.memory_space<vmem>>[vector<16xi32>, vector<16xi32>], vector<16xf32>,
        %add3A_610 = arith.addi %shift_left3A_496, %add3A_25 : vector<16xi32>
        %scatter3A_611 = arith.constant 0 : i32
        %scatter3A_612 = arith.constant 0 : i32
        %scatter3A_613 = tpu.memref_slice %arg8[%scan3A_284, %scatter3A_611, %scatter3A_612] : memref<5x4x1024xf32, #tpu.memory_space<vmem>> -> memref<1x4x1024xf32, #tpu.memory_space<vmem>>
        %scatter3A_614 = tpu.memref_squeeze %scatter3A_613 : memref<1x4x1024xf32, #tpu.memory_space<vmem>> -> memref<4x1024xf32, #tpu.memory_space<vmem>>
        tpu.vector_store_idx %scatter3A_614[%add3A_502, %add3A_610], %gather3A_609 : memref<4x1024xf32, #tpu.memory_space<vmem>>[vector<16xi32>, vector<16xi32>], vector<16xf32>,
        %add3A_615 = arith.constant 224 : i32
        %add3A_616 = arith.addi %add3A_615, %scan3A_484 : i32
        %swap3A_617 = arith.index_cast %add3A_616 : i32 to index
        %swap3A_618 = arith.constant 0 : index
        %swap3A_619 = tpu.vector_load %arg9[%swap3A_617, %swap3A_618] {strides = array<i32>} : memref<256x16xf32, #tpu.memory_space<vmem>>, vector<16xf32>,
        tpu.vector_store %arg9[%swap3A_617, %swap3A_618], %gather3A_609 {add = true, strides = array<i32>} : memref<256x16xf32, #tpu.memory_space<vmem>>, vector<16xf32>,
        %add3A_620 = arith.constant 16 : i32
        %add3A_621 = vector.broadcast %add3A_620 : i32 to vector<16xi32>
        %add3A_622 = arith.addi %add3A_621, %and3A_489 : vector<16xi32>
        %add3A_623 = arith.constant 2 : i32
        %add3A_624 = vector.broadcast %add3A_623 : i32 to vector<16xi32>
        %add3A_625 = arith.addi %add3A_624, %shift_right_arithmetic3A_491 : vector<16xi32>
        %gather3A_626 = arith.constant 0 : i32
        %gather3A_627 = arith.constant 0 : i32
        %gather3A_628 = tpu.memref_slice %arg7[%scan3A_283, %gather3A_626, %gather3A_627] : memref<5x128x32xf32, #tpu.memory_space<vmem>> -> memref<1x128x32xf32, #tpu.memory_space<vmem>>
        %gather3A_629 = tpu.memref_squeeze %gather3A_628 : memref<1x128x32xf32, #tpu.memory_space<vmem>> -> memref<128x32xf32, #tpu.memory_space<vmem>>
        %gather3A_630 = tpu.vector_load_idx %gather3A_629[%add3A_4, %add3A_622] : memref<128x32xf32, #tpu.memory_space<vmem>>[vector<16xi32>, vector<16xi32>], vector<16xf32>,
        %add3A_631 = arith.addi %shift_left3A_496, %add3A_4 : vector<16xi32>
        %scatter3A_632 = arith.constant 0 : i32
        %scatter3A_633 = arith.constant 0 : i32
        %scatter3A_634 = tpu.memref_slice %arg8[%scan3A_284, %scatter3A_632, %scatter3A_633] : memref<5x4x1024xf32, #tpu.memory_space<vmem>> -> memref<1x4x1024xf32, #tpu.memory_space<vmem>>
        %scatter3A_635 = tpu.memref_squeeze %scatter3A_634 : memref<1x4x1024xf32, #tpu.memory_space<vmem>> -> memref<4x1024xf32, #tpu.memory_space<vmem>>
        tpu.vector_store_idx %scatter3A_635[%add3A_625, %add3A_631], %gather3A_630 : memref<4x1024xf32, #tpu.memory_space<vmem>>[vector<16xi32>, vector<16xi32>], vector<16xf32>,
        %add3A_636 = arith.constant 16 : i32
        %add3A_637 = arith.addi %add3A_636, %scan3A_484 : i32
        %swap3A_638 = arith.index_cast %add3A_637 : i32 to index
        %swap3A_639 = arith.constant 0 : index
        %swap3A_640 = tpu.vector_load %arg9[%swap3A_638, %swap3A_639] {strides = array<i32>} : memref<256x16xf32, #tpu.memory_space<vmem>>, vector<16xf32>,
        tpu.vector_store %arg9[%swap3A_638, %swap3A_639], %gather3A_630 {add = true, strides = array<i32>} : memref<256x16xf32, #tpu.memory_space<vmem>>, vector<16xf32>,
        %gather3A_641 = arith.constant 0 : i32
        %gather3A_642 = arith.constant 0 : i32
        %gather3A_643 = tpu.memref_slice %arg7[%scan3A_283, %gather3A_641, %gather3A_642] : memref<5x128x32xf32, #tpu.memory_space<vmem>> -> memref<1x128x32xf32, #tpu.memory_space<vmem>>
        %gather3A_644 = tpu.memref_squeeze %gather3A_643 : memref<1x128x32xf32, #tpu.memory_space<vmem>> -> memref<128x32xf32, #tpu.memory_space<vmem>>
        %gather3A_645 = tpu.vector_load_idx %gather3A_644[%add3A_7, %add3A_622] : memref<128x32xf32, #tpu.memory_space<vmem>>[vector<16xi32>, vector<16xi32>], vector<16xf32>,
        %add3A_646 = arith.addi %shift_left3A_496, %add3A_7 : vector<16xi32>
        %scatter3A_647 = arith.constant 0 : i32
        %scatter3A_648 = arith.constant 0 : i32
        %scatter3A_649 = tpu.memref_slice %arg8[%scan3A_284, %scatter3A_647, %scatter3A_648] : memref<5x4x1024xf32, #tpu.memory_space<vmem>> -> memref<1x4x1024xf32, #tpu.memory_space<vmem>>
        %scatter3A_650 = tpu.memref_squeeze %scatter3A_649 : memref<1x4x1024xf32, #tpu.memory_space<vmem>> -> memref<4x1024xf32, #tpu.memory_space<vmem>>
        tpu.vector_store_idx %scatter3A_650[%add3A_625, %add3A_646], %gather3A_645 : memref<4x1024xf32, #tpu.memory_space<vmem>>[vector<16xi32>, vector<16xi32>], vector<16xf32>,
        %add3A_651 = arith.constant 48 : i32
        %add3A_652 = arith.addi %add3A_651, %scan3A_484 : i32
        %swap3A_653 = arith.index_cast %add3A_652 : i32 to index
        %swap3A_654 = arith.constant 0 : index
        %swap3A_655 = tpu.vector_load %arg9[%swap3A_653, %swap3A_654] {strides = array<i32>} : memref<256x16xf32, #tpu.memory_space<vmem>>, vector<16xf32>,
        tpu.vector_store %arg9[%swap3A_653, %swap3A_654], %gather3A_645 {add = true, strides = array<i32>} : memref<256x16xf32, #tpu.memory_space<vmem>>, vector<16xf32>,
        %gather3A_656 = arith.constant 0 : i32
        %gather3A_657 = arith.constant 0 : i32
        %gather3A_658 = tpu.memref_slice %arg7[%scan3A_283, %gather3A_656, %gather3A_657] : memref<5x128x32xf32, #tpu.memory_space<vmem>> -> memref<1x128x32xf32, #tpu.memory_space<vmem>>
        %gather3A_659 = tpu.memref_squeeze %gather3A_658 : memref<1x128x32xf32, #tpu.memory_space<vmem>> -> memref<128x32xf32, #tpu.memory_space<vmem>>
        %gather3A_660 = tpu.vector_load_idx %gather3A_659[%add3A_10, %add3A_622] : memref<128x32xf32, #tpu.memory_space<vmem>>[vector<16xi32>, vector<16xi32>], vector<16xf32>,
        %add3A_661 = arith.addi %shift_left3A_496, %add3A_10 : vector<16xi32>
        %scatter3A_662 = arith.constant 0 : i32
        %scatter3A_663 = arith.constant 0 : i32
        %scatter3A_664 = tpu.memref_slice %arg8[%scan3A_284, %scatter3A_662, %scatter3A_663] : memref<5x4x1024xf32, #tpu.memory_space<vmem>> -> memref<1x4x1024xf32, #tpu.memory_space<vmem>>
        %scatter3A_665 = tpu.memref_squeeze %scatter3A_664 : memref<1x4x1024xf32, #tpu.memory_space<vmem>> -> memref<4x1024xf32, #tpu.memory_space<vmem>>
        tpu.vector_store_idx %scatter3A_665[%add3A_625, %add3A_661], %gather3A_660 : memref<4x1024xf32, #tpu.memory_space<vmem>>[vector<16xi32>, vector<16xi32>], vector<16xf32>,
        %add3A_666 = arith.constant 80 : i32
        %add3A_667 = arith.addi %add3A_666, %scan3A_484 : i32
        %swap3A_668 = arith.index_cast %add3A_667 : i32 to index
        %swap3A_669 = arith.constant 0 : index
        %swap3A_670 = tpu.vector_load %arg9[%swap3A_668, %swap3A_669] {strides = array<i32>} : memref<256x16xf32, #tpu.memory_space<vmem>>, vector<16xf32>,
        tpu.vector_store %arg9[%swap3A_668, %swap3A_669], %gather3A_660 {add = true, strides = array<i32>} : memref<256x16xf32, #tpu.memory_space<vmem>>, vector<16xf32>,
        %gather3A_671 = arith.constant 0 : i32
        %gather3A_672 = arith.constant 0 : i32
        %gather3A_673 = tpu.memref_slice %arg7[%scan3A_283, %gather3A_671, %gather3A_672] : memref<5x128x32xf32, #tpu.memory_space<vmem>> -> memref<1x128x32xf32, #tpu.memory_space<vmem>>
        %gather3A_674 = tpu.memref_squeeze %gather3A_673 : memref<1x128x32xf32, #tpu.memory_space<vmem>> -> memref<128x32xf32, #tpu.memory_space<vmem>>
        %gather3A_675 = tpu.vector_load_idx %gather3A_674[%add3A_13, %add3A_622] : memref<128x32xf32, #tpu.memory_space<vmem>>[vector<16xi32>, vector<16xi32>], vector<16xf32>,
        %add3A_676 = arith.addi %shift_left3A_496, %add3A_13 : vector<16xi32>
        %scatter3A_677 = arith.constant 0 : i32
        %scatter3A_678 = arith.constant 0 : i32
        %scatter3A_679 = tpu.memref_slice %arg8[%scan3A_284, %scatter3A_677, %scatter3A_678] : memref<5x4x1024xf32, #tpu.memory_space<vmem>> -> memref<1x4x1024xf32, #tpu.memory_space<vmem>>
        %scatter3A_680 = tpu.memref_squeeze %scatter3A_679 : memref<1x4x1024xf32, #tpu.memory_space<vmem>> -> memref<4x1024xf32, #tpu.memory_space<vmem>>
        tpu.vector_store_idx %scatter3A_680[%add3A_625, %add3A_676], %gather3A_675 : memref<4x1024xf32, #tpu.memory_space<vmem>>[vector<16xi32>, vector<16xi32>], vector<16xf32>,
        %add3A_681 = arith.constant 112 : i32
        %add3A_682 = arith.addi %add3A_681, %scan3A_484 : i32
        %swap3A_683 = arith.index_cast %add3A_682 : i32 to index
        %swap3A_684 = arith.constant 0 : index
        %swap3A_685 = tpu.vector_load %arg9[%swap3A_683, %swap3A_684] {strides = array<i32>} : memref<256x16xf32, #tpu.memory_space<vmem>>, vector<16xf32>,
        tpu.vector_store %arg9[%swap3A_683, %swap3A_684], %gather3A_675 {add = true, strides = array<i32>} : memref<256x16xf32, #tpu.memory_space<vmem>>, vector<16xf32>,
        %gather3A_686 = arith.constant 0 : i32
        %gather3A_687 = arith.constant 0 : i32
        %gather3A_688 = tpu.memref_slice %arg7[%scan3A_283, %gather3A_686, %gather3A_687] : memref<5x128x32xf32, #tpu.memory_space<vmem>> -> memref<1x128x32xf32, #tpu.memory_space<vmem>>
        %gather3A_689 = tpu.memref_squeeze %gather3A_688 : memref<1x128x32xf32, #tpu.memory_space<vmem>> -> memref<128x32xf32, #tpu.memory_space<vmem>>
        %gather3A_690 = tpu.vector_load_idx %gather3A_689[%add3A_16, %add3A_622] : memref<128x32xf32, #tpu.memory_space<vmem>>[vector<16xi32>, vector<16xi32>], vector<16xf32>,
        %add3A_691 = arith.addi %shift_left3A_496, %add3A_16 : vector<16xi32>
        %scatter3A_692 = arith.constant 0 : i32
        %scatter3A_693 = arith.constant 0 : i32
        %scatter3A_694 = tpu.memref_slice %arg8[%scan3A_284, %scatter3A_692, %scatter3A_693] : memref<5x4x1024xf32, #tpu.memory_space<vmem>> -> memref<1x4x1024xf32, #tpu.memory_space<vmem>>
        %scatter3A_695 = tpu.memref_squeeze %scatter3A_694 : memref<1x4x1024xf32, #tpu.memory_space<vmem>> -> memref<4x1024xf32, #tpu.memory_space<vmem>>
        tpu.vector_store_idx %scatter3A_695[%add3A_625, %add3A_691], %gather3A_690 : memref<4x1024xf32, #tpu.memory_space<vmem>>[vector<16xi32>, vector<16xi32>], vector<16xf32>,
        %add3A_696 = arith.constant 144 : i32
        %add3A_697 = arith.addi %add3A_696, %scan3A_484 : i32
        %swap3A_698 = arith.index_cast %add3A_697 : i32 to index
        %swap3A_699 = arith.constant 0 : index
        %swap3A_700 = tpu.vector_load %arg9[%swap3A_698, %swap3A_699] {strides = array<i32>} : memref<256x16xf32, #tpu.memory_space<vmem>>, vector<16xf32>,
        tpu.vector_store %arg9[%swap3A_698, %swap3A_699], %gather3A_690 {add = true, strides = array<i32>} : memref<256x16xf32, #tpu.memory_space<vmem>>, vector<16xf32>,
        %gather3A_701 = arith.constant 0 : i32
        %gather3A_702 = arith.constant 0 : i32
        %gather3A_703 = tpu.memref_slice %arg7[%scan3A_283, %gather3A_701, %gather3A_702] : memref<5x128x32xf32, #tpu.memory_space<vmem>> -> memref<1x128x32xf32, #tpu.memory_space<vmem>>
        %gather3A_704 = tpu.memref_squeeze %gather3A_703 : memref<1x128x32xf32, #tpu.memory_space<vmem>> -> memref<128x32xf32, #tpu.memory_space<vmem>>
        %gather3A_705 = tpu.vector_load_idx %gather3A_704[%add3A_19, %add3A_622] : memref<128x32xf32, #tpu.memory_space<vmem>>[vector<16xi32>, vector<16xi32>], vector<16xf32>,
        %add3A_706 = arith.addi %shift_left3A_496, %add3A_19 : vector<16xi32>
        %scatter3A_707 = arith.constant 0 : i32
        %scatter3A_708 = arith.constant 0 : i32
        %scatter3A_709 = tpu.memref_slice %arg8[%scan3A_284, %scatter3A_707, %scatter3A_708] : memref<5x4x1024xf32, #tpu.memory_space<vmem>> -> memref<1x4x1024xf32, #tpu.memory_space<vmem>>
        %scatter3A_710 = tpu.memref_squeeze %scatter3A_709 : memref<1x4x1024xf32, #tpu.memory_space<vmem>> -> memref<4x1024xf32, #tpu.memory_space<vmem>>
        tpu.vector_store_idx %scatter3A_710[%add3A_625, %add3A_706], %gather3A_705 : memref<4x1024xf32, #tpu.memory_space<vmem>>[vector<16xi32>, vector<16xi32>], vector<16xf32>,
        %add3A_711 = arith.constant 176 : i32
        %add3A_712 = arith.addi %add3A_711, %scan3A_484 : i32
        %swap3A_713 = arith.index_cast %add3A_712 : i32 to index
        %swap3A_714 = arith.constant 0 : index
        %swap3A_715 = tpu.vector_load %arg9[%swap3A_713, %swap3A_714] {strides = array<i32>} : memref<256x16xf32, #tpu.memory_space<vmem>>, vector<16xf32>,
        tpu.vector_store %arg9[%swap3A_713, %swap3A_714], %gather3A_705 {add = true, strides = array<i32>} : memref<256x16xf32, #tpu.memory_space<vmem>>, vector<16xf32>,
        %gather3A_716 = arith.constant 0 : i32
        %gather3A_717 = arith.constant 0 : i32
        %gather3A_718 = tpu.memref_slice %arg7[%scan3A_283, %gather3A_716, %gather3A_717] : memref<5x128x32xf32, #tpu.memory_space<vmem>> -> memref<1x128x32xf32, #tpu.memory_space<vmem>>
        %gather3A_719 = tpu.memref_squeeze %gather3A_718 : memref<1x128x32xf32, #tpu.memory_space<vmem>> -> memref<128x32xf32, #tpu.memory_space<vmem>>
        %gather3A_720 = tpu.vector_load_idx %gather3A_719[%add3A_22, %add3A_622] : memref<128x32xf32, #tpu.memory_space<vmem>>[vector<16xi32>, vector<16xi32>], vector<16xf32>,
        %add3A_721 = arith.addi %shift_left3A_496, %add3A_22 : vector<16xi32>
        %scatter3A_722 = arith.constant 0 : i32
        %scatter3A_723 = arith.constant 0 : i32
        %scatter3A_724 = tpu.memref_slice %arg8[%scan3A_284, %scatter3A_722, %scatter3A_723] : memref<5x4x1024xf32, #tpu.memory_space<vmem>> -> memref<1x4x1024xf32, #tpu.memory_space<vmem>>
        %scatter3A_725 = tpu.memref_squeeze %scatter3A_724 : memref<1x4x1024xf32, #tpu.memory_space<vmem>> -> memref<4x1024xf32, #tpu.memory_space<vmem>>
        tpu.vector_store_idx %scatter3A_725[%add3A_625, %add3A_721], %gather3A_720 : memref<4x1024xf32, #tpu.memory_space<vmem>>[vector<16xi32>, vector<16xi32>], vector<16xf32>,
        %add3A_726 = arith.constant 208 : i32
        %add3A_727 = arith.addi %add3A_726, %scan3A_484 : i32
        %swap3A_728 = arith.index_cast %add3A_727 : i32 to index
        %swap3A_729 = arith.constant 0 : index
        %swap3A_730 = tpu.vector_load %arg9[%swap3A_728, %swap3A_729] {strides = array<i32>} : memref<256x16xf32, #tpu.memory_space<vmem>>, vector<16xf32>,
        tpu.vector_store %arg9[%swap3A_728, %swap3A_729], %gather3A_720 {add = true, strides = array<i32>} : memref<256x16xf32, #tpu.memory_space<vmem>>, vector<16xf32>,
        %gather3A_731 = arith.constant 0 : i32
        %gather3A_732 = arith.constant 0 : i32
        %gather3A_733 = tpu.memref_slice %arg7[%scan3A_283, %gather3A_731, %gather3A_732] : memref<5x128x32xf32, #tpu.memory_space<vmem>> -> memref<1x128x32xf32, #tpu.memory_space<vmem>>
        %gather3A_734 = tpu.memref_squeeze %gather3A_733 : memref<1x128x32xf32, #tpu.memory_space<vmem>> -> memref<128x32xf32, #tpu.memory_space<vmem>>
        %gather3A_735 = tpu.vector_load_idx %gather3A_734[%add3A_25, %add3A_622] : memref<128x32xf32, #tpu.memory_space<vmem>>[vector<16xi32>, vector<16xi32>], vector<16xf32>,
        %add3A_736 = arith.addi %shift_left3A_496, %add3A_25 : vector<16xi32>
        %scatter3A_737 = arith.constant 0 : i32
        %scatter3A_738 = arith.constant 0 : i32
        %scatter3A_739 = tpu.memref_slice %arg8[%scan3A_284, %scatter3A_737, %scatter3A_738] : memref<5x4x1024xf32, #tpu.memory_space<vmem>> -> memref<1x4x1024xf32, #tpu.memory_space<vmem>>
        %scatter3A_740 = tpu.memref_squeeze %scatter3A_739 : memref<1x4x1024xf32, #tpu.memory_space<vmem>> -> memref<4x1024xf32, #tpu.memory_space<vmem>>
        tpu.vector_store_idx %scatter3A_740[%add3A_625, %add3A_736], %gather3A_735 : memref<4x1024xf32, #tpu.memory_space<vmem>>[vector<16xi32>, vector<16xi32>], vector<16xf32>,
        %add3A_741 = arith.constant 240 : i32
        %add3A_742 = arith.addi %add3A_741, %scan3A_484 : i32
        %swap3A_743 = arith.index_cast %add3A_742 : i32 to index
        %swap3A_744 = arith.constant 0 : index
        %swap3A_745 = tpu.vector_load %arg9[%swap3A_743, %swap3A_744] {strides = array<i32>} : memref<256x16xf32, #tpu.memory_space<vmem>>, vector<16xf32>,
        tpu.vector_store %arg9[%swap3A_743, %swap3A_744], %gather3A_735 {add = true, strides = array<i32>} : memref<256x16xf32, #tpu.memory_space<vmem>>, vector<16xf32>,
        %scan3A_746 = arith.constant 0 : i32
        scf.yield %scan3A_746 : i32
      }
      %scan3A_291 = arith.constant 16 : i32
      %dma_start3A_292 = arith.constant 1 : i32
      %dma_start3A_293 = arith.constant 0 : i32
      %dma_start3A_294 = arith.constant 0 : i32
      %dma_start3A_295 = tpu.memref_slice %arg8[%dma_start3A_292, %dma_start3A_293, %dma_start3A_294] : memref<5x4x1024xf32, #tpu.memory_space<vmem>> -> memref<1x4x1024xf32, #tpu.memory_space<vmem>>
      %dma_start3A_296 = tpu.memref_squeeze %dma_start3A_295 : memref<1x4x1024xf32, #tpu.memory_space<vmem>> -> memref<4x1024xf32, #tpu.memory_space<vmem>>
      %dma_start3A_297 = arith.constant 0 : i32
      %dma_start3A_298 = arith.constant 0 : i32
      %dma_start3A_299 = tpu.memref_slice %arg4[%add3A_261, %dma_start3A_297, %add3A, %dma_start3A_298] : memref<200x4x32x1024xf32, #tpu.memory_space<hbm>> -> memref<1x4x1x1024xf32, #tpu.memory_space<hbm>>
      %dma_start3A_300 = tpu.memref_squeeze %dma_start3A_299 : memref<1x4x1x1024xf32, #tpu.memory_space<hbm>> -> memref<4x1024xf32, #tpu.memory_space<hbm>>
      %dma_start3A_301 = arith.constant 0 : i32
      %dma_start3A_302 = arith.constant 0 : i32
      %dma_start3A_303 = tpu.memref_slice %arg4[%add3A_261, %dma_start3A_301, %add3A, %dma_start3A_302] : memref<200x4x32x1024xf32, #tpu.memory_space<hbm>> -> memref<1x4x1x1024xf32, #tpu.memory_space<hbm>>
      %dma_start3A_304 = tpu.memref_squeeze %dma_start3A_303 : memref<1x4x1x1024xf32, #tpu.memory_space<hbm>> -> memref<4x1024xf32, #tpu.memory_space<hbm>>
      %dma_start3A_305 = arith.constant 0 : i32
      %dma_start3A_306 = arith.constant 0 : i32
      %dma_start3A_307 = tpu.memref_slice %arg8[%dma_start3A_292, %dma_start3A_305, %dma_start3A_306] : memref<5x4x1024xf32, #tpu.memory_space<vmem>> -> memref<1x4x1024xf32, #tpu.memory_space<vmem>>
      %dma_start3A_308 = tpu.memref_squeeze %dma_start3A_307 : memref<1x4x1024xf32, #tpu.memory_space<vmem>> -> memref<4x1024xf32, #tpu.memory_space<vmem>>
      tpu.enqueue_dma source(%dma_start3A_308 : memref<4x1024xf32, #tpu.memory_space<vmem>>) target(%dma_start3A_304 : memref<4x1024xf32, #tpu.memory_space<hbm>>) target_semaphore(%arg17 : memref<!tpu.dma_semaphore, #tpu.memory_space<semaphore_mem>>)
      %add3A_309 = arith.constant 5 : i32
      %add3A_310 = arith.addi %add3A_261, %add3A_309 : i32
      %lt3A_311 = arith.constant 200 : i32
      %lt3A_312 = arith.cmpi slt, %add3A_310, %lt3A_311 : i32
      %convert_element_type3A_313 = arith.extui %lt3A_312 : i1 to i32
      %cond3A_314 = arith.constant 0 : i32
      %cond3A_315 = arith.cmpi ne, %convert_element_type3A_313, %cond3A_314 : i32
      scf.if %cond3A_315 {
        %add3A_484 = arith.constant 5 : i32
        %add3A_485 = arith.addi %add3A_261, %add3A_484 : i32
        %jit3A = arith.constant 8 : i32
        %div3A = arith.divsi %add3A_485, %jit3A : i32
        %sign3A = arith.constant 0 : i32
        %sign3A_486 = arith.cmpi sgt, %add3A_485, %sign3A : i32
        %sign3A_487 = arith.extui %sign3A_486 : i1 to i32
        %sign3A_488 = arith.constant 0 : i32
        %sign3A_489 = arith.cmpi slt, %add3A_485, %sign3A_488 : i32
        %sign3A_490 = arith.extui %sign3A_489 : i1 to i32
        %sign3A_491 = arith.subi %sign3A_487, %sign3A_490 : i32
        %sign3A_492 = arith.constant 0 : i32
        %sign3A_493 = arith.cmpi sgt, %jit3A, %sign3A_492 : i32
        %sign3A_494 = arith.extui %sign3A_493 : i1 to i32
        %sign3A_495 = arith.constant 0 : i32
        %sign3A_496 = arith.cmpi slt, %jit3A, %sign3A_495 : i32
        %sign3A_497 = arith.extui %sign3A_496 : i1 to i32
        %sign3A_498 = arith.subi %sign3A_494, %sign3A_497 : i32
        %ne3A = arith.cmpi ne, %sign3A_491, %sign3A_498 : i32
        %rem3A = arith.remsi %add3A_485, %jit3A : i32
        %ne3A_499 = arith.constant 0 : i32
        %ne3A_500 = arith.cmpi ne, %rem3A, %ne3A_499 : i32
        %and3A = arith.andi %ne3A, %ne3A_500 : i1
        %sub3A = arith.constant 1 : i32
        %sub3A_501 = arith.subi %div3A, %sub3A : i32
        %select_n3A = arith.select %and3A, %sub3A_501, %div3A : i32
        %jit3A_502 = arith.constant 8 : i32
        %eq3A = arith.constant 0 : i32
        %eq3A_503 = arith.cmpi eq, %jit3A_502, %eq3A : i32
        %jit3A_504 = arith.constant 1 : i32
        %select_n3A_505 = arith.select %eq3A_503, %jit3A_504, %jit3A_502 : i32
        %rem3A_506 = arith.remsi %add3A_485, %select_n3A_505 : i32
        %ne3A_507 = arith.constant 0 : i32
        %ne3A_508 = arith.cmpi ne, %rem3A_506, %ne3A_507 : i32
        %lt3A_509 = arith.constant 0 : i32
        %lt3A_510 = arith.cmpi slt, %rem3A_506, %lt3A_509 : i32
        %lt3A_511 = arith.constant 0 : i32
        %lt3A_512 = arith.cmpi slt, %select_n3A_505, %lt3A_511 : i32
        %ne3A_513 = arith.xori %lt3A_510, %lt3A_512 : i1
        %and3A_514 = arith.andi %ne3A_513, %ne3A_508 : i1
        %add3A_515 = arith.addi %rem3A_506, %select_n3A_505 : i32
        %select_n3A_516 = arith.select %and3A_514, %add3A_515, %rem3A_506 : i32
        %dma_start3A_517 = arith.constant 1 : i32
        %dma_start3A_518 = arith.constant 0 : i32
        %dma_start3A_519 = arith.constant 0 : i32
        %dma_start3A_520 = tpu.memref_slice %arg7[%dma_start3A_517, %dma_start3A_518, %dma_start3A_519] : memref<5x128x32xf32, #tpu.memory_space<vmem>> -> memref<1x128x32xf32, #tpu.memory_space<vmem>>
        %dma_start3A_521 = tpu.memref_squeeze %dma_start3A_520 : memref<1x128x32xf32, #tpu.memory_space<vmem>> -> memref<128x32xf32, #tpu.memory_space<vmem>>
        %dma_start3A_522 = arith.constant 0 : i32
        %dma_start3A_523 = tpu.memref_slice %arg6[%select_n3A, %select_n3A_516, %dma_start3A_522] : memref<25x8x128xi32, #tpu.memory_space<vmem>> -> memref<1x1x128xi32, #tpu.memory_space<vmem>>
        %dma_start3A_524 = tpu.memref_squeeze %dma_start3A_523 : memref<1x1x128xi32, #tpu.memory_space<vmem>> -> memref<128xi32, #tpu.memory_space<vmem>>
        %dma_start3A_525 = arith.constant 0 : i32
        %dma_start3A_526 = arith.constant 0 : i32
        %dma_start3A_527 = tpu.memref_slice %arg3[%dma_start3A_525, %dma_start3A_526] : memref<1000000x32xf32, #tpu.memory_space<hbm>> -> memref<1000000x32xf32, #tpu.memory_space<hbm>>
        tpu.enqueue_indirect_dma source(%dma_start3A_527 : memref<1000000x32xf32, #tpu.memory_space<hbm>>) target(%dma_start3A_521 : memref<128x32xf32, #tpu.memory_space<vmem>>) offsets(%dma_start3A_524 : memref<128xi32, #tpu.memory_space<vmem>>) semaphore(%arg12 : memref<!tpu.dma_semaphore, #tpu.memory_space<semaphore_mem>>)
      } else {
      }
      %add3A_316 = arith.constant 2 : i32
      %add3A_317 = arith.addi %add3A_207, %add3A_316 : i32
      %dma_wait3A_318 = arith.constant 2 : i32
      %dma_wait3A_319 = arith.constant 0 : i32
      %dma_wait3A_320 = arith.constant 0 : i32
      %dma_wait3A_321 = tpu.memref_slice %arg7[%dma_wait3A_318, %dma_wait3A_319, %dma_wait3A_320] : memref<5x128x32xf32, #tpu.memory_space<vmem>> -> memref<1x128x32xf32, #tpu.memory_space<vmem>>
      %dma_wait3A_322 = tpu.memref_squeeze %dma_wait3A_321 : memref<1x128x32xf32, #tpu.memory_space<vmem>> -> memref<128x32xf32, #tpu.memory_space<vmem>>
      %dma_wait3A_323 = arith.constant 0 : i32
      %dma_wait3A_324 = arith.constant 0 : i32
      %dma_wait3A_325 = tpu.memref_slice %arg3[%dma_wait3A_323, %dma_wait3A_324] : memref<1000000x32xf32, #tpu.memory_space<hbm>> -> memref<128x32xf32, #tpu.memory_space<hbm>>
      %dma_wait3A_326 = arith.constant 0 : i32
      %dma_wait3A_327 = arith.constant 0 : i32
      %dma_wait3A_328 = tpu.memref_slice %arg7[%dma_wait3A_318, %dma_wait3A_326, %dma_wait3A_327] : memref<5x128x32xf32, #tpu.memory_space<vmem>> -> memref<1x128x32xf32, #tpu.memory_space<vmem>>
      %dma_wait3A_329 = tpu.memref_squeeze %dma_wait3A_328 : memref<1x128x32xf32, #tpu.memory_space<vmem>> -> memref<128x32xf32, #tpu.memory_space<vmem>>
      %dma_wait3A_330 = arith.constant 0 : i32
      %dma_wait3A_331 = arith.constant 0 : i32
      %dma_wait3A_332 = tpu.memref_slice %arg3[%dma_wait3A_330, %dma_wait3A_331] : memref<1000000x32xf32, #tpu.memory_space<hbm>> -> memref<128x32xf32, #tpu.memory_space<hbm>>
      tpu.wait_dma2 semaphore(%arg13 : memref<!tpu.dma_semaphore, #tpu.memory_space<semaphore_mem>>) src(%dma_wait3A_332 : memref<128x32xf32, #tpu.memory_space<hbm>>) dst(%dma_wait3A_329 : memref<128x32xf32, #tpu.memory_space<vmem>>)
      %ge3A_333 = arith.constant 5 : i32
      %ge3A_334 = arith.cmpi sge, %add3A_317, %ge3A_333 : i32
      %convert_element_type3A_335 = arith.extui %ge3A_334 : i1 to i32
      %cond3A_336 = arith.constant 2 : i32
      %cond3A_337 = arith.constant 0 : i32
      %cond3A_338 = arith.cmpi ne, %convert_element_type3A_335, %cond3A_337 : i32
      scf.if %cond3A_338 {
        %dma_wait3A_484 = arith.constant 0 : i32
        %dma_wait3A_485 = arith.constant 0 : i32
        %dma_wait3A_486 = arith.constant 0 : i32
        %dma_wait3A_487 = arith.constant 0 : i32
        %dma_wait3A_488 = tpu.memref_slice %arg8[%cond3A_336, %dma_wait3A_486, %dma_wait3A_487] : memref<5x4x1024xf32, #tpu.memory_space<vmem>> -> memref<1x4x1024xf32, #tpu.memory_space<vmem>>
        %dma_wait3A_489 = tpu.memref_squeeze %dma_wait3A_488 : memref<1x4x1024xf32, #tpu.memory_space<vmem>> -> memref<4x1024xf32, #tpu.memory_space<vmem>>
        %dma_wait3A_490 = arith.constant 0 : i32
        %dma_wait3A_491 = arith.constant 0 : i32
        %dma_wait3A_492 = tpu.memref_slice %arg4[%dma_wait3A_484, %dma_wait3A_490, %dma_wait3A_485, %dma_wait3A_491] : memref<200x4x32x1024xf32, #tpu.memory_space<hbm>> -> memref<1x4x1x1024xf32, #tpu.memory_space<hbm>>
        %dma_wait3A_493 = tpu.memref_squeeze %dma_wait3A_492 : memref<1x4x1x1024xf32, #tpu.memory_space<hbm>> -> memref<4x1024xf32, #tpu.memory_space<hbm>>
        %dma_wait3A_494 = arith.constant 0 : i32
        %dma_wait3A_495 = arith.constant 0 : i32
        %dma_wait3A_496 = tpu.memref_slice %arg8[%cond3A_336, %dma_wait3A_494, %dma_wait3A_495] : memref<5x4x1024xf32, #tpu.memory_space<vmem>> -> memref<1x4x1024xf32, #tpu.memory_space<vmem>>
        %dma_wait3A_497 = tpu.memref_squeeze %dma_wait3A_496 : memref<1x4x1024xf32, #tpu.memory_space<vmem>> -> memref<4x1024xf32, #tpu.memory_space<vmem>>
        %dma_wait3A_498 = arith.constant 0 : i32
        %dma_wait3A_499 = arith.constant 0 : i32
        %dma_wait3A_500 = tpu.memref_slice %arg4[%dma_wait3A_484, %dma_wait3A_498, %dma_wait3A_485, %dma_wait3A_499] : memref<200x4x32x1024xf32, #tpu.memory_space<hbm>> -> memref<1x4x1x1024xf32, #tpu.memory_space<hbm>>
        %dma_wait3A_501 = tpu.memref_squeeze %dma_wait3A_500 : memref<1x4x1x1024xf32, #tpu.memory_space<hbm>> -> memref<4x1024xf32, #tpu.memory_space<hbm>>
        tpu.wait_dma2 semaphore(%arg18 : memref<!tpu.dma_semaphore, #tpu.memory_space<semaphore_mem>>) src(%dma_wait3A_501 : memref<4x1024xf32, #tpu.memory_space<hbm>>) dst(%dma_wait3A_497 : memref<4x1024xf32, #tpu.memory_space<vmem>>)
      } else {
      }
      %scan3A_339 = arith.constant 2 : i32
      %scan3A_340 = arith.constant 2 : i32
      %scan3A_341 = arith.constant 0 : i32
      %scan3A_342 = arith.constant 0 : i32
      %scan3A_343 = arith.constant 16 : i32
      %scan3A_344 = arith.addi %scan3A_342, %scan3A_343 : i32
      %scan3A_345 = arith.constant 1 : i32
      %scan3A_346 = scf.for %scan3A_484 = %scan3A_342 to %scan3A_344 step %scan3A_345 iter_args(%scan3A_485 = %scan3A_341) -> (i32)  : i32 {
        %add3A_486 = vector.broadcast %scan3A_484 : i32 to vector<16xi32>
        %add3A_487 = arith.addi %iota3A, %add3A_486 : vector<16xi32>
        %and3A = arith.constant 15 : i32
        %and3A_488 = vector.broadcast %and3A : i32 to vector<16xi32>
        %and3A_489 = arith.andi %add3A_487, %and3A_488 : vector<16xi32>
        %shift_right_arithmetic3A = arith.constant 3 : i32
        %shift_right_arithmetic3A_490 = vector.broadcast %shift_right_arithmetic3A : i32 to vector<16xi32>
        %shift_right_arithmetic3A_491 = arith.shrsi %and3A_489, %shift_right_arithmetic3A_490 : vector<16xi32>
        %and3A_492 = arith.constant 7 : i32
        %and3A_493 = vector.broadcast %and3A_492 : i32 to vector<16xi32>
        %and3A_494 = arith.andi %and3A_489, %and3A_493 : vector<16xi32>
        %shift_left3A = arith.constant 7 : i32
        %shift_left3A_495 = vector.broadcast %shift_left3A : i32 to vector<16xi32>
        %shift_left3A_496 = arith.shli %and3A_494, %shift_left3A_495 : vector<16xi32>
        %add3A_497 = arith.constant 0 : i32
        %add3A_498 = vector.broadcast %add3A_497 : i32 to vector<16xi32>
        %add3A_499 = arith.addi %add3A_498, %and3A_489 : vector<16xi32>
        %add3A_500 = arith.constant 0 : i32
        %add3A_501 = vector.broadcast %add3A_500 : i32 to vector<16xi32>
        %add3A_502 = arith.addi %add3A_501, %shift_right_arithmetic3A_491 : vector<16xi32>
        %gather3A = arith.constant 0 : i32
        %gather3A_503 = arith.constant 0 : i32
        %gather3A_504 = tpu.memref_slice %arg7[%scan3A_339, %gather3A, %gather3A_503] : memref<5x128x32xf32, #tpu.memory_space<vmem>> -> memref<1x128x32xf32, #tpu.memory_space<vmem>>
        %gather3A_505 = tpu.memref_squeeze %gather3A_504 : memref<1x128x32xf32, #tpu.memory_space<vmem>> -> memref<128x32xf32, #tpu.memory_space<vmem>>
        %gather3A_506 = tpu.vector_load_idx %gather3A_505[%add3A_4, %add3A_499] : memref<128x32xf32, #tpu.memory_space<vmem>>[vector<16xi32>, vector<16xi32>], vector<16xf32>,
        %add3A_507 = arith.addi %shift_left3A_496, %add3A_4 : vector<16xi32>
        %scatter3A = arith.constant 0 : i32
        %scatter3A_508 = arith.constant 0 : i32
        %scatter3A_509 = tpu.memref_slice %arg8[%scan3A_340, %scatter3A, %scatter3A_508] : memref<5x4x1024xf32, #tpu.memory_space<vmem>> -> memref<1x4x1024xf32, #tpu.memory_space<vmem>>
        %scatter3A_510 = tpu.memref_squeeze %scatter3A_509 : memref<1x4x1024xf32, #tpu.memory_space<vmem>> -> memref<4x1024xf32, #tpu.memory_space<vmem>>
        tpu.vector_store_idx %scatter3A_510[%add3A_502, %add3A_507], %gather3A_506 : memref<4x1024xf32, #tpu.memory_space<vmem>>[vector<16xi32>, vector<16xi32>], vector<16xf32>,
        %add3A_511 = arith.constant 0 : i32
        %add3A_512 = arith.addi %add3A_511, %scan3A_484 : i32
        %swap3A = arith.index_cast %add3A_512 : i32 to index
        %swap3A_513 = arith.constant 0 : index
        %swap3A_514 = tpu.vector_load %arg9[%swap3A, %swap3A_513] {strides = array<i32>} : memref<256x16xf32, #tpu.memory_space<vmem>>, vector<16xf32>,
        tpu.vector_store %arg9[%swap3A, %swap3A_513], %gather3A_506 {add = true, strides = array<i32>} : memref<256x16xf32, #tpu.memory_space<vmem>>, vector<16xf32>,
        %gather3A_515 = arith.constant 0 : i32
        %gather3A_516 = arith.constant 0 : i32
        %gather3A_517 = tpu.memref_slice %arg7[%scan3A_339, %gather3A_515, %gather3A_516] : memref<5x128x32xf32, #tpu.memory_space<vmem>> -> memref<1x128x32xf32, #tpu.memory_space<vmem>>
        %gather3A_518 = tpu.memref_squeeze %gather3A_517 : memref<1x128x32xf32, #tpu.memory_space<vmem>> -> memref<128x32xf32, #tpu.memory_space<vmem>>
        %gather3A_519 = tpu.vector_load_idx %gather3A_518[%add3A_7, %add3A_499] : memref<128x32xf32, #tpu.memory_space<vmem>>[vector<16xi32>, vector<16xi32>], vector<16xf32>,
        %add3A_520 = arith.addi %shift_left3A_496, %add3A_7 : vector<16xi32>
        %scatter3A_521 = arith.constant 0 : i32
        %scatter3A_522 = arith.constant 0 : i32
        %scatter3A_523 = tpu.memref_slice %arg8[%scan3A_340, %scatter3A_521, %scatter3A_522] : memref<5x4x1024xf32, #tpu.memory_space<vmem>> -> memref<1x4x1024xf32, #tpu.memory_space<vmem>>
        %scatter3A_524 = tpu.memref_squeeze %scatter3A_523 : memref<1x4x1024xf32, #tpu.memory_space<vmem>> -> memref<4x1024xf32, #tpu.memory_space<vmem>>
        tpu.vector_store_idx %scatter3A_524[%add3A_502, %add3A_520], %gather3A_519 : memref<4x1024xf32, #tpu.memory_space<vmem>>[vector<16xi32>, vector<16xi32>], vector<16xf32>,
        %add3A_525 = arith.constant 32 : i32
        %add3A_526 = arith.addi %add3A_525, %scan3A_484 : i32
        %swap3A_527 = arith.index_cast %add3A_526 : i32 to index
        %swap3A_528 = arith.constant 0 : index
        %swap3A_529 = tpu.vector_load %arg9[%swap3A_527, %swap3A_528] {strides = array<i32>} : memref<256x16xf32, #tpu.memory_space<vmem>>, vector<16xf32>,
        tpu.vector_store %arg9[%swap3A_527, %swap3A_528], %gather3A_519 {add = true, strides = array<i32>} : memref<256x16xf32, #tpu.memory_space<vmem>>, vector<16xf32>,
        %gather3A_530 = arith.constant 0 : i32
        %gather3A_531 = arith.constant 0 : i32
        %gather3A_532 = tpu.memref_slice %arg7[%scan3A_339, %gather3A_530, %gather3A_531] : memref<5x128x32xf32, #tpu.memory_space<vmem>> -> memref<1x128x32xf32, #tpu.memory_space<vmem>>
        %gather3A_533 = tpu.memref_squeeze %gather3A_532 : memref<1x128x32xf32, #tpu.memory_space<vmem>> -> memref<128x32xf32, #tpu.memory_space<vmem>>
        %gather3A_534 = tpu.vector_load_idx %gather3A_533[%add3A_10, %add3A_499] : memref<128x32xf32, #tpu.memory_space<vmem>>[vector<16xi32>, vector<16xi32>], vector<16xf32>,
        %add3A_535 = arith.addi %shift_left3A_496, %add3A_10 : vector<16xi32>
        %scatter3A_536 = arith.constant 0 : i32
        %scatter3A_537 = arith.constant 0 : i32
        %scatter3A_538 = tpu.memref_slice %arg8[%scan3A_340, %scatter3A_536, %scatter3A_537] : memref<5x4x1024xf32, #tpu.memory_space<vmem>> -> memref<1x4x1024xf32, #tpu.memory_space<vmem>>
        %scatter3A_539 = tpu.memref_squeeze %scatter3A_538 : memref<1x4x1024xf32, #tpu.memory_space<vmem>> -> memref<4x1024xf32, #tpu.memory_space<vmem>>
        tpu.vector_store_idx %scatter3A_539[%add3A_502, %add3A_535], %gather3A_534 : memref<4x1024xf32, #tpu.memory_space<vmem>>[vector<16xi32>, vector<16xi32>], vector<16xf32>,
        %add3A_540 = arith.constant 64 : i32
        %add3A_541 = arith.addi %add3A_540, %scan3A_484 : i32
        %swap3A_542 = arith.index_cast %add3A_541 : i32 to index
        %swap3A_543 = arith.constant 0 : index
        %swap3A_544 = tpu.vector_load %arg9[%swap3A_542, %swap3A_543] {strides = array<i32>} : memref<256x16xf32, #tpu.memory_space<vmem>>, vector<16xf32>,
        tpu.vector_store %arg9[%swap3A_542, %swap3A_543], %gather3A_534 {add = true, strides = array<i32>} : memref<256x16xf32, #tpu.memory_space<vmem>>, vector<16xf32>,
        %gather3A_545 = arith.constant 0 : i32
        %gather3A_546 = arith.constant 0 : i32
        %gather3A_547 = tpu.memref_slice %arg7[%scan3A_339, %gather3A_545, %gather3A_546] : memref<5x128x32xf32, #tpu.memory_space<vmem>> -> memref<1x128x32xf32, #tpu.memory_space<vmem>>
        %gather3A_548 = tpu.memref_squeeze %gather3A_547 : memref<1x128x32xf32, #tpu.memory_space<vmem>> -> memref<128x32xf32, #tpu.memory_space<vmem>>
        %gather3A_549 = tpu.vector_load_idx %gather3A_548[%add3A_13, %add3A_499] : memref<128x32xf32, #tpu.memory_space<vmem>>[vector<16xi32>, vector<16xi32>], vector<16xf32>,
        %add3A_550 = arith.addi %shift_left3A_496, %add3A_13 : vector<16xi32>
        %scatter3A_551 = arith.constant 0 : i32
        %scatter3A_552 = arith.constant 0 : i32
        %scatter3A_553 = tpu.memref_slice %arg8[%scan3A_340, %scatter3A_551, %scatter3A_552] : memref<5x4x1024xf32, #tpu.memory_space<vmem>> -> memref<1x4x1024xf32, #tpu.memory_space<vmem>>
        %scatter3A_554 = tpu.memref_squeeze %scatter3A_553 : memref<1x4x1024xf32, #tpu.memory_space<vmem>> -> memref<4x1024xf32, #tpu.memory_space<vmem>>
        tpu.vector_store_idx %scatter3A_554[%add3A_502, %add3A_550], %gather3A_549 : memref<4x1024xf32, #tpu.memory_space<vmem>>[vector<16xi32>, vector<16xi32>], vector<16xf32>,
        %add3A_555 = arith.constant 96 : i32
        %add3A_556 = arith.addi %add3A_555, %scan3A_484 : i32
        %swap3A_557 = arith.index_cast %add3A_556 : i32 to index
        %swap3A_558 = arith.constant 0 : index
        %swap3A_559 = tpu.vector_load %arg9[%swap3A_557, %swap3A_558] {strides = array<i32>} : memref<256x16xf32, #tpu.memory_space<vmem>>, vector<16xf32>,
        tpu.vector_store %arg9[%swap3A_557, %swap3A_558], %gather3A_549 {add = true, strides = array<i32>} : memref<256x16xf32, #tpu.memory_space<vmem>>, vector<16xf32>,
        %gather3A_560 = arith.constant 0 : i32
        %gather3A_561 = arith.constant 0 : i32
        %gather3A_562 = tpu.memref_slice %arg7[%scan3A_339, %gather3A_560, %gather3A_561] : memref<5x128x32xf32, #tpu.memory_space<vmem>> -> memref<1x128x32xf32, #tpu.memory_space<vmem>>
        %gather3A_563 = tpu.memref_squeeze %gather3A_562 : memref<1x128x32xf32, #tpu.memory_space<vmem>> -> memref<128x32xf32, #tpu.memory_space<vmem>>
        %gather3A_564 = tpu.vector_load_idx %gather3A_563[%add3A_16, %add3A_499] : memref<128x32xf32, #tpu.memory_space<vmem>>[vector<16xi32>, vector<16xi32>], vector<16xf32>,
        %add3A_565 = arith.addi %shift_left3A_496, %add3A_16 : vector<16xi32>
        %scatter3A_566 = arith.constant 0 : i32
        %scatter3A_567 = arith.constant 0 : i32
        %scatter3A_568 = tpu.memref_slice %arg8[%scan3A_340, %scatter3A_566, %scatter3A_567] : memref<5x4x1024xf32, #tpu.memory_space<vmem>> -> memref<1x4x1024xf32, #tpu.memory_space<vmem>>
        %scatter3A_569 = tpu.memref_squeeze %scatter3A_568 : memref<1x4x1024xf32, #tpu.memory_space<vmem>> -> memref<4x1024xf32, #tpu.memory_space<vmem>>
        tpu.vector_store_idx %scatter3A_569[%add3A_502, %add3A_565], %gather3A_564 : memref<4x1024xf32, #tpu.memory_space<vmem>>[vector<16xi32>, vector<16xi32>], vector<16xf32>,
        %add3A_570 = arith.constant 128 : i32
        %add3A_571 = arith.addi %add3A_570, %scan3A_484 : i32
        %swap3A_572 = arith.index_cast %add3A_571 : i32 to index
        %swap3A_573 = arith.constant 0 : index
        %swap3A_574 = tpu.vector_load %arg9[%swap3A_572, %swap3A_573] {strides = array<i32>} : memref<256x16xf32, #tpu.memory_space<vmem>>, vector<16xf32>,
        tpu.vector_store %arg9[%swap3A_572, %swap3A_573], %gather3A_564 {add = true, strides = array<i32>} : memref<256x16xf32, #tpu.memory_space<vmem>>, vector<16xf32>,
        %gather3A_575 = arith.constant 0 : i32
        %gather3A_576 = arith.constant 0 : i32
        %gather3A_577 = tpu.memref_slice %arg7[%scan3A_339, %gather3A_575, %gather3A_576] : memref<5x128x32xf32, #tpu.memory_space<vmem>> -> memref<1x128x32xf32, #tpu.memory_space<vmem>>
        %gather3A_578 = tpu.memref_squeeze %gather3A_577 : memref<1x128x32xf32, #tpu.memory_space<vmem>> -> memref<128x32xf32, #tpu.memory_space<vmem>>
        %gather3A_579 = tpu.vector_load_idx %gather3A_578[%add3A_19, %add3A_499] : memref<128x32xf32, #tpu.memory_space<vmem>>[vector<16xi32>, vector<16xi32>], vector<16xf32>,
        %add3A_580 = arith.addi %shift_left3A_496, %add3A_19 : vector<16xi32>
        %scatter3A_581 = arith.constant 0 : i32
        %scatter3A_582 = arith.constant 0 : i32
        %scatter3A_583 = tpu.memref_slice %arg8[%scan3A_340, %scatter3A_581, %scatter3A_582] : memref<5x4x1024xf32, #tpu.memory_space<vmem>> -> memref<1x4x1024xf32, #tpu.memory_space<vmem>>
        %scatter3A_584 = tpu.memref_squeeze %scatter3A_583 : memref<1x4x1024xf32, #tpu.memory_space<vmem>> -> memref<4x1024xf32, #tpu.memory_space<vmem>>
        tpu.vector_store_idx %scatter3A_584[%add3A_502, %add3A_580], %gather3A_579 : memref<4x1024xf32, #tpu.memory_space<vmem>>[vector<16xi32>, vector<16xi32>], vector<16xf32>,
        %add3A_585 = arith.constant 160 : i32
        %add3A_586 = arith.addi %add3A_585, %scan3A_484 : i32
        %swap3A_587 = arith.index_cast %add3A_586 : i32 to index
        %swap3A_588 = arith.constant 0 : index
        %swap3A_589 = tpu.vector_load %arg9[%swap3A_587, %swap3A_588] {strides = array<i32>} : memref<256x16xf32, #tpu.memory_space<vmem>>, vector<16xf32>,
        tpu.vector_store %arg9[%swap3A_587, %swap3A_588], %gather3A_579 {add = true, strides = array<i32>} : memref<256x16xf32, #tpu.memory_space<vmem>>, vector<16xf32>,
        %gather3A_590 = arith.constant 0 : i32
        %gather3A_591 = arith.constant 0 : i32
        %gather3A_592 = tpu.memref_slice %arg7[%scan3A_339, %gather3A_590, %gather3A_591] : memref<5x128x32xf32, #tpu.memory_space<vmem>> -> memref<1x128x32xf32, #tpu.memory_space<vmem>>
        %gather3A_593 = tpu.memref_squeeze %gather3A_592 : memref<1x128x32xf32, #tpu.memory_space<vmem>> -> memref<128x32xf32, #tpu.memory_space<vmem>>
        %gather3A_594 = tpu.vector_load_idx %gather3A_593[%add3A_22, %add3A_499] : memref<128x32xf32, #tpu.memory_space<vmem>>[vector<16xi32>, vector<16xi32>], vector<16xf32>,
        %add3A_595 = arith.addi %shift_left3A_496, %add3A_22 : vector<16xi32>
        %scatter3A_596 = arith.constant 0 : i32
        %scatter3A_597 = arith.constant 0 : i32
        %scatter3A_598 = tpu.memref_slice %arg8[%scan3A_340, %scatter3A_596, %scatter3A_597] : memref<5x4x1024xf32, #tpu.memory_space<vmem>> -> memref<1x4x1024xf32, #tpu.memory_space<vmem>>
        %scatter3A_599 = tpu.memref_squeeze %scatter3A_598 : memref<1x4x1024xf32, #tpu.memory_space<vmem>> -> memref<4x1024xf32, #tpu.memory_space<vmem>>
        tpu.vector_store_idx %scatter3A_599[%add3A_502, %add3A_595], %gather3A_594 : memref<4x1024xf32, #tpu.memory_space<vmem>>[vector<16xi32>, vector<16xi32>], vector<16xf32>,
        %add3A_600 = arith.constant 192 : i32
        %add3A_601 = arith.addi %add3A_600, %scan3A_484 : i32
        %swap3A_602 = arith.index_cast %add3A_601 : i32 to index
        %swap3A_603 = arith.constant 0 : index
        %swap3A_604 = tpu.vector_load %arg9[%swap3A_602, %swap3A_603] {strides = array<i32>} : memref<256x16xf32, #tpu.memory_space<vmem>>, vector<16xf32>,
        tpu.vector_store %arg9[%swap3A_602, %swap3A_603], %gather3A_594 {add = true, strides = array<i32>} : memref<256x16xf32, #tpu.memory_space<vmem>>, vector<16xf32>,
        %gather3A_605 = arith.constant 0 : i32
        %gather3A_606 = arith.constant 0 : i32
        %gather3A_607 = tpu.memref_slice %arg7[%scan3A_339, %gather3A_605, %gather3A_606] : memref<5x128x32xf32, #tpu.memory_space<vmem>> -> memref<1x128x32xf32, #tpu.memory_space<vmem>>
        %gather3A_608 = tpu.memref_squeeze %gather3A_607 : memref<1x128x32xf32, #tpu.memory_space<vmem>> -> memref<128x32xf32, #tpu.memory_space<vmem>>
        %gather3A_609 = tpu.vector_load_idx %gather3A_608[%add3A_25, %add3A_499] : memref<128x32xf32, #tpu.memory_space<vmem>>[vector<16xi32>, vector<16xi32>], vector<16xf32>,
        %add3A_610 = arith.addi %shift_left3A_496, %add3A_25 : vector<16xi32>
        %scatter3A_611 = arith.constant 0 : i32
        %scatter3A_612 = arith.constant 0 : i32
        %scatter3A_613 = tpu.memref_slice %arg8[%scan3A_340, %scatter3A_611, %scatter3A_612] : memref<5x4x1024xf32, #tpu.memory_space<vmem>> -> memref<1x4x1024xf32, #tpu.memory_space<vmem>>
        %scatter3A_614 = tpu.memref_squeeze %scatter3A_613 : memref<1x4x1024xf32, #tpu.memory_space<vmem>> -> memref<4x1024xf32, #tpu.memory_space<vmem>>
        tpu.vector_store_idx %scatter3A_614[%add3A_502, %add3A_610], %gather3A_609 : memref<4x1024xf32, #tpu.memory_space<vmem>>[vector<16xi32>, vector<16xi32>], vector<16xf32>,
        %add3A_615 = arith.constant 224 : i32
        %add3A_616 = arith.addi %add3A_615, %scan3A_484 : i32
        %swap3A_617 = arith.index_cast %add3A_616 : i32 to index
        %swap3A_618 = arith.constant 0 : index
        %swap3A_619 = tpu.vector_load %arg9[%swap3A_617, %swap3A_618] {strides = array<i32>} : memref<256x16xf32, #tpu.memory_space<vmem>>, vector<16xf32>,
        tpu.vector_store %arg9[%swap3A_617, %swap3A_618], %gather3A_609 {add = true, strides = array<i32>} : memref<256x16xf32, #tpu.memory_space<vmem>>, vector<16xf32>,
        %add3A_620 = arith.constant 16 : i32
        %add3A_621 = vector.broadcast %add3A_620 : i32 to vector<16xi32>
        %add3A_622 = arith.addi %add3A_621, %and3A_489 : vector<16xi32>
        %add3A_623 = arith.constant 2 : i32
        %add3A_624 = vector.broadcast %add3A_623 : i32 to vector<16xi32>
        %add3A_625 = arith.addi %add3A_624, %shift_right_arithmetic3A_491 : vector<16xi32>
        %gather3A_626 = arith.constant 0 : i32
        %gather3A_627 = arith.constant 0 : i32
        %gather3A_628 = tpu.memref_slice %arg7[%scan3A_339, %gather3A_626, %gather3A_627] : memref<5x128x32xf32, #tpu.memory_space<vmem>> -> memref<1x128x32xf32, #tpu.memory_space<vmem>>
        %gather3A_629 = tpu.memref_squeeze %gather3A_628 : memref<1x128x32xf32, #tpu.memory_space<vmem>> -> memref<128x32xf32, #tpu.memory_space<vmem>>
        %gather3A_630 = tpu.vector_load_idx %gather3A_629[%add3A_4, %add3A_622] : memref<128x32xf32, #tpu.memory_space<vmem>>[vector<16xi32>, vector<16xi32>], vector<16xf32>,
        %add3A_631 = arith.addi %shift_left3A_496, %add3A_4 : vector<16xi32>
        %scatter3A_632 = arith.constant 0 : i32
        %scatter3A_633 = arith.constant 0 : i32
        %scatter3A_634 = tpu.memref_slice %arg8[%scan3A_340, %scatter3A_632, %scatter3A_633] : memref<5x4x1024xf32, #tpu.memory_space<vmem>> -> memref<1x4x1024xf32, #tpu.memory_space<vmem>>
        %scatter3A_635 = tpu.memref_squeeze %scatter3A_634 : memref<1x4x1024xf32, #tpu.memory_space<vmem>> -> memref<4x1024xf32, #tpu.memory_space<vmem>>
        tpu.vector_store_idx %scatter3A_635[%add3A_625, %add3A_631], %gather3A_630 : memref<4x1024xf32, #tpu.memory_space<vmem>>[vector<16xi32>, vector<16xi32>], vector<16xf32>,
        %add3A_636 = arith.constant 16 : i32
        %add3A_637 = arith.addi %add3A_636, %scan3A_484 : i32
        %swap3A_638 = arith.index_cast %add3A_637 : i32 to index
        %swap3A_639 = arith.constant 0 : index
        %swap3A_640 = tpu.vector_load %arg9[%swap3A_638, %swap3A_639] {strides = array<i32>} : memref<256x16xf32, #tpu.memory_space<vmem>>, vector<16xf32>,
        tpu.vector_store %arg9[%swap3A_638, %swap3A_639], %gather3A_630 {add = true, strides = array<i32>} : memref<256x16xf32, #tpu.memory_space<vmem>>, vector<16xf32>,
        %gather3A_641 = arith.constant 0 : i32
        %gather3A_642 = arith.constant 0 : i32
        %gather3A_643 = tpu.memref_slice %arg7[%scan3A_339, %gather3A_641, %gather3A_642] : memref<5x128x32xf32, #tpu.memory_space<vmem>> -> memref<1x128x32xf32, #tpu.memory_space<vmem>>
        %gather3A_644 = tpu.memref_squeeze %gather3A_643 : memref<1x128x32xf32, #tpu.memory_space<vmem>> -> memref<128x32xf32, #tpu.memory_space<vmem>>
        %gather3A_645 = tpu.vector_load_idx %gather3A_644[%add3A_7, %add3A_622] : memref<128x32xf32, #tpu.memory_space<vmem>>[vector<16xi32>, vector<16xi32>], vector<16xf32>,
        %add3A_646 = arith.addi %shift_left3A_496, %add3A_7 : vector<16xi32>
        %scatter3A_647 = arith.constant 0 : i32
        %scatter3A_648 = arith.constant 0 : i32
        %scatter3A_649 = tpu.memref_slice %arg8[%scan3A_340, %scatter3A_647, %scatter3A_648] : memref<5x4x1024xf32, #tpu.memory_space<vmem>> -> memref<1x4x1024xf32, #tpu.memory_space<vmem>>
        %scatter3A_650 = tpu.memref_squeeze %scatter3A_649 : memref<1x4x1024xf32, #tpu.memory_space<vmem>> -> memref<4x1024xf32, #tpu.memory_space<vmem>>
        tpu.vector_store_idx %scatter3A_650[%add3A_625, %add3A_646], %gather3A_645 : memref<4x1024xf32, #tpu.memory_space<vmem>>[vector<16xi32>, vector<16xi32>], vector<16xf32>,
        %add3A_651 = arith.constant 48 : i32
        %add3A_652 = arith.addi %add3A_651, %scan3A_484 : i32
        %swap3A_653 = arith.index_cast %add3A_652 : i32 to index
        %swap3A_654 = arith.constant 0 : index
        %swap3A_655 = tpu.vector_load %arg9[%swap3A_653, %swap3A_654] {strides = array<i32>} : memref<256x16xf32, #tpu.memory_space<vmem>>, vector<16xf32>,
        tpu.vector_store %arg9[%swap3A_653, %swap3A_654], %gather3A_645 {add = true, strides = array<i32>} : memref<256x16xf32, #tpu.memory_space<vmem>>, vector<16xf32>,
        %gather3A_656 = arith.constant 0 : i32
        %gather3A_657 = arith.constant 0 : i32
        %gather3A_658 = tpu.memref_slice %arg7[%scan3A_339, %gather3A_656, %gather3A_657] : memref<5x128x32xf32, #tpu.memory_space<vmem>> -> memref<1x128x32xf32, #tpu.memory_space<vmem>>
        %gather3A_659 = tpu.memref_squeeze %gather3A_658 : memref<1x128x32xf32, #tpu.memory_space<vmem>> -> memref<128x32xf32, #tpu.memory_space<vmem>>
        %gather3A_660 = tpu.vector_load_idx %gather3A_659[%add3A_10, %add3A_622] : memref<128x32xf32, #tpu.memory_space<vmem>>[vector<16xi32>, vector<16xi32>], vector<16xf32>,
        %add3A_661 = arith.addi %shift_left3A_496, %add3A_10 : vector<16xi32>
        %scatter3A_662 = arith.constant 0 : i32
        %scatter3A_663 = arith.constant 0 : i32
        %scatter3A_664 = tpu.memref_slice %arg8[%scan3A_340, %scatter3A_662, %scatter3A_663] : memref<5x4x1024xf32, #tpu.memory_space<vmem>> -> memref<1x4x1024xf32, #tpu.memory_space<vmem>>
        %scatter3A_665 = tpu.memref_squeeze %scatter3A_664 : memref<1x4x1024xf32, #tpu.memory_space<vmem>> -> memref<4x1024xf32, #tpu.memory_space<vmem>>
        tpu.vector_store_idx %scatter3A_665[%add3A_625, %add3A_661], %gather3A_660 : memref<4x1024xf32, #tpu.memory_space<vmem>>[vector<16xi32>, vector<16xi32>], vector<16xf32>,
        %add3A_666 = arith.constant 80 : i32
        %add3A_667 = arith.addi %add3A_666, %scan3A_484 : i32
        %swap3A_668 = arith.index_cast %add3A_667 : i32 to index
        %swap3A_669 = arith.constant 0 : index
        %swap3A_670 = tpu.vector_load %arg9[%swap3A_668, %swap3A_669] {strides = array<i32>} : memref<256x16xf32, #tpu.memory_space<vmem>>, vector<16xf32>,
        tpu.vector_store %arg9[%swap3A_668, %swap3A_669], %gather3A_660 {add = true, strides = array<i32>} : memref<256x16xf32, #tpu.memory_space<vmem>>, vector<16xf32>,
        %gather3A_671 = arith.constant 0 : i32
        %gather3A_672 = arith.constant 0 : i32
        %gather3A_673 = tpu.memref_slice %arg7[%scan3A_339, %gather3A_671, %gather3A_672] : memref<5x128x32xf32, #tpu.memory_space<vmem>> -> memref<1x128x32xf32, #tpu.memory_space<vmem>>
        %gather3A_674 = tpu.memref_squeeze %gather3A_673 : memref<1x128x32xf32, #tpu.memory_space<vmem>> -> memref<128x32xf32, #tpu.memory_space<vmem>>
        %gather3A_675 = tpu.vector_load_idx %gather3A_674[%add3A_13, %add3A_622] : memref<128x32xf32, #tpu.memory_space<vmem>>[vector<16xi32>, vector<16xi32>], vector<16xf32>,
        %add3A_676 = arith.addi %shift_left3A_496, %add3A_13 : vector<16xi32>
        %scatter3A_677 = arith.constant 0 : i32
        %scatter3A_678 = arith.constant 0 : i32
        %scatter3A_679 = tpu.memref_slice %arg8[%scan3A_340, %scatter3A_677, %scatter3A_678] : memref<5x4x1024xf32, #tpu.memory_space<vmem>> -> memref<1x4x1024xf32, #tpu.memory_space<vmem>>
        %scatter3A_680 = tpu.memref_squeeze %scatter3A_679 : memref<1x4x1024xf32, #tpu.memory_space<vmem>> -> memref<4x1024xf32, #tpu.memory_space<vmem>>
        tpu.vector_store_idx %scatter3A_680[%add3A_625, %add3A_676], %gather3A_675 : memref<4x1024xf32, #tpu.memory_space<vmem>>[vector<16xi32>, vector<16xi32>], vector<16xf32>,
        %add3A_681 = arith.constant 112 : i32
        %add3A_682 = arith.addi %add3A_681, %scan3A_484 : i32
        %swap3A_683 = arith.index_cast %add3A_682 : i32 to index
        %swap3A_684 = arith.constant 0 : index
        %swap3A_685 = tpu.vector_load %arg9[%swap3A_683, %swap3A_684] {strides = array<i32>} : memref<256x16xf32, #tpu.memory_space<vmem>>, vector<16xf32>,
        tpu.vector_store %arg9[%swap3A_683, %swap3A_684], %gather3A_675 {add = true, strides = array<i32>} : memref<256x16xf32, #tpu.memory_space<vmem>>, vector<16xf32>,
        %gather3A_686 = arith.constant 0 : i32
        %gather3A_687 = arith.constant 0 : i32
        %gather3A_688 = tpu.memref_slice %arg7[%scan3A_339, %gather3A_686, %gather3A_687] : memref<5x128x32xf32, #tpu.memory_space<vmem>> -> memref<1x128x32xf32, #tpu.memory_space<vmem>>
        %gather3A_689 = tpu.memref_squeeze %gather3A_688 : memref<1x128x32xf32, #tpu.memory_space<vmem>> -> memref<128x32xf32, #tpu.memory_space<vmem>>
        %gather3A_690 = tpu.vector_load_idx %gather3A_689[%add3A_16, %add3A_622] : memref<128x32xf32, #tpu.memory_space<vmem>>[vector<16xi32>, vector<16xi32>], vector<16xf32>,
        %add3A_691 = arith.addi %shift_left3A_496, %add3A_16 : vector<16xi32>
        %scatter3A_692 = arith.constant 0 : i32
        %scatter3A_693 = arith.constant 0 : i32
        %scatter3A_694 = tpu.memref_slice %arg8[%scan3A_340, %scatter3A_692, %scatter3A_693] : memref<5x4x1024xf32, #tpu.memory_space<vmem>> -> memref<1x4x1024xf32, #tpu.memory_space<vmem>>
        %scatter3A_695 = tpu.memref_squeeze %scatter3A_694 : memref<1x4x1024xf32, #tpu.memory_space<vmem>> -> memref<4x1024xf32, #tpu.memory_space<vmem>>
        tpu.vector_store_idx %scatter3A_695[%add3A_625, %add3A_691], %gather3A_690 : memref<4x1024xf32, #tpu.memory_space<vmem>>[vector<16xi32>, vector<16xi32>], vector<16xf32>,
        %add3A_696 = arith.constant 144 : i32
        %add3A_697 = arith.addi %add3A_696, %scan3A_484 : i32
        %swap3A_698 = arith.index_cast %add3A_697 : i32 to index
        %swap3A_699 = arith.constant 0 : index
        %swap3A_700 = tpu.vector_load %arg9[%swap3A_698, %swap3A_699] {strides = array<i32>} : memref<256x16xf32, #tpu.memory_space<vmem>>, vector<16xf32>,
        tpu.vector_store %arg9[%swap3A_698, %swap3A_699], %gather3A_690 {add = true, strides = array<i32>} : memref<256x16xf32, #tpu.memory_space<vmem>>, vector<16xf32>,
        %gather3A_701 = arith.constant 0 : i32
        %gather3A_702 = arith.constant 0 : i32
        %gather3A_703 = tpu.memref_slice %arg7[%scan3A_339, %gather3A_701, %gather3A_702] : memref<5x128x32xf32, #tpu.memory_space<vmem>> -> memref<1x128x32xf32, #tpu.memory_space<vmem>>
        %gather3A_704 = tpu.memref_squeeze %gather3A_703 : memref<1x128x32xf32, #tpu.memory_space<vmem>> -> memref<128x32xf32, #tpu.memory_space<vmem>>
        %gather3A_705 = tpu.vector_load_idx %gather3A_704[%add3A_19, %add3A_622] : memref<128x32xf32, #tpu.memory_space<vmem>>[vector<16xi32>, vector<16xi32>], vector<16xf32>,
        %add3A_706 = arith.addi %shift_left3A_496, %add3A_19 : vector<16xi32>
        %scatter3A_707 = arith.constant 0 : i32
        %scatter3A_708 = arith.constant 0 : i32
        %scatter3A_709 = tpu.memref_slice %arg8[%scan3A_340, %scatter3A_707, %scatter3A_708] : memref<5x4x1024xf32, #tpu.memory_space<vmem>> -> memref<1x4x1024xf32, #tpu.memory_space<vmem>>
        %scatter3A_710 = tpu.memref_squeeze %scatter3A_709 : memref<1x4x1024xf32, #tpu.memory_space<vmem>> -> memref<4x1024xf32, #tpu.memory_space<vmem>>
        tpu.vector_store_idx %scatter3A_710[%add3A_625, %add3A_706], %gather3A_705 : memref<4x1024xf32, #tpu.memory_space<vmem>>[vector<16xi32>, vector<16xi32>], vector<16xf32>,
        %add3A_711 = arith.constant 176 : i32
        %add3A_712 = arith.addi %add3A_711, %scan3A_484 : i32
        %swap3A_713 = arith.index_cast %add3A_712 : i32 to index
        %swap3A_714 = arith.constant 0 : index
        %swap3A_715 = tpu.vector_load %arg9[%swap3A_713, %swap3A_714] {strides = array<i32>} : memref<256x16xf32, #tpu.memory_space<vmem>>, vector<16xf32>,
        tpu.vector_store %arg9[%swap3A_713, %swap3A_714], %gather3A_705 {add = true, strides = array<i32>} : memref<256x16xf32, #tpu.memory_space<vmem>>, vector<16xf32>,
        %gather3A_716 = arith.constant 0 : i32
        %gather3A_717 = arith.constant 0 : i32
        %gather3A_718 = tpu.memref_slice %arg7[%scan3A_339, %gather3A_716, %gather3A_717] : memref<5x128x32xf32, #tpu.memory_space<vmem>> -> memref<1x128x32xf32, #tpu.memory_space<vmem>>
        %gather3A_719 = tpu.memref_squeeze %gather3A_718 : memref<1x128x32xf32, #tpu.memory_space<vmem>> -> memref<128x32xf32, #tpu.memory_space<vmem>>
        %gather3A_720 = tpu.vector_load_idx %gather3A_719[%add3A_22, %add3A_622] : memref<128x32xf32, #tpu.memory_space<vmem>>[vector<16xi32>, vector<16xi32>], vector<16xf32>,
        %add3A_721 = arith.addi %shift_left3A_496, %add3A_22 : vector<16xi32>
        %scatter3A_722 = arith.constant 0 : i32
        %scatter3A_723 = arith.constant 0 : i32
        %scatter3A_724 = tpu.memref_slice %arg8[%scan3A_340, %scatter3A_722, %scatter3A_723] : memref<5x4x1024xf32, #tpu.memory_space<vmem>> -> memref<1x4x1024xf32, #tpu.memory_space<vmem>>
        %scatter3A_725 = tpu.memref_squeeze %scatter3A_724 : memref<1x4x1024xf32, #tpu.memory_space<vmem>> -> memref<4x1024xf32, #tpu.memory_space<vmem>>
        tpu.vector_store_idx %scatter3A_725[%add3A_625, %add3A_721], %gather3A_720 : memref<4x1024xf32, #tpu.memory_space<vmem>>[vector<16xi32>, vector<16xi32>], vector<16xf32>,
        %add3A_726 = arith.constant 208 : i32
        %add3A_727 = arith.addi %add3A_726, %scan3A_484 : i32
        %swap3A_728 = arith.index_cast %add3A_727 : i32 to index
        %swap3A_729 = arith.constant 0 : index
        %swap3A_730 = tpu.vector_load %arg9[%swap3A_728, %swap3A_729] {strides = array<i32>} : memref<256x16xf32, #tpu.memory_space<vmem>>, vector<16xf32>,
        tpu.vector_store %arg9[%swap3A_728, %swap3A_729], %gather3A_720 {add = true, strides = array<i32>} : memref<256x16xf32, #tpu.memory_space<vmem>>, vector<16xf32>,
        %gather3A_731 = arith.constant 0 : i32
        %gather3A_732 = arith.constant 0 : i32
        %gather3A_733 = tpu.memref_slice %arg7[%scan3A_339, %gather3A_731, %gather3A_732] : memref<5x128x32xf32, #tpu.memory_space<vmem>> -> memref<1x128x32xf32, #tpu.memory_space<vmem>>
        %gather3A_734 = tpu.memref_squeeze %gather3A_733 : memref<1x128x32xf32, #tpu.memory_space<vmem>> -> memref<128x32xf32, #tpu.memory_space<vmem>>
        %gather3A_735 = tpu.vector_load_idx %gather3A_734[%add3A_25, %add3A_622] : memref<128x32xf32, #tpu.memory_space<vmem>>[vector<16xi32>, vector<16xi32>], vector<16xf32>,
        %add3A_736 = arith.addi %shift_left3A_496, %add3A_25 : vector<16xi32>
        %scatter3A_737 = arith.constant 0 : i32
        %scatter3A_738 = arith.constant 0 : i32
        %scatter3A_739 = tpu.memref_slice %arg8[%scan3A_340, %scatter3A_737, %scatter3A_738] : memref<5x4x1024xf32, #tpu.memory_space<vmem>> -> memref<1x4x1024xf32, #tpu.memory_space<vmem>>
        %scatter3A_740 = tpu.memref_squeeze %scatter3A_739 : memref<1x4x1024xf32, #tpu.memory_space<vmem>> -> memref<4x1024xf32, #tpu.memory_space<vmem>>
        tpu.vector_store_idx %scatter3A_740[%add3A_625, %add3A_736], %gather3A_735 : memref<4x1024xf32, #tpu.memory_space<vmem>>[vector<16xi32>, vector<16xi32>], vector<16xf32>,
        %add3A_741 = arith.constant 240 : i32
        %add3A_742 = arith.addi %add3A_741, %scan3A_484 : i32
        %swap3A_743 = arith.index_cast %add3A_742 : i32 to index
        %swap3A_744 = arith.constant 0 : index
        %swap3A_745 = tpu.vector_load %arg9[%swap3A_743, %swap3A_744] {strides = array<i32>} : memref<256x16xf32, #tpu.memory_space<vmem>>, vector<16xf32>,
        tpu.vector_store %arg9[%swap3A_743, %swap3A_744], %gather3A_735 {add = true, strides = array<i32>} : memref<256x16xf32, #tpu.memory_space<vmem>>, vector<16xf32>,
        %scan3A_746 = arith.constant 0 : i32
        scf.yield %scan3A_746 : i32
      }
      %scan3A_347 = arith.constant 16 : i32
      %dma_start3A_348 = arith.constant 2 : i32
      %dma_start3A_349 = arith.constant 0 : i32
      %dma_start3A_350 = arith.constant 0 : i32
      %dma_start3A_351 = tpu.memref_slice %arg8[%dma_start3A_348, %dma_start3A_349, %dma_start3A_350] : memref<5x4x1024xf32, #tpu.memory_space<vmem>> -> memref<1x4x1024xf32, #tpu.memory_space<vmem>>
      %dma_start3A_352 = tpu.memref_squeeze %dma_start3A_351 : memref<1x4x1024xf32, #tpu.memory_space<vmem>> -> memref<4x1024xf32, #tpu.memory_space<vmem>>
      %dma_start3A_353 = arith.constant 0 : i32
      %dma_start3A_354 = arith.constant 0 : i32
      %dma_start3A_355 = tpu.memref_slice %arg4[%add3A_317, %dma_start3A_353, %add3A, %dma_start3A_354] : memref<200x4x32x1024xf32, #tpu.memory_space<hbm>> -> memref<1x4x1x1024xf32, #tpu.memory_space<hbm>>
      %dma_start3A_356 = tpu.memref_squeeze %dma_start3A_355 : memref<1x4x1x1024xf32, #tpu.memory_space<hbm>> -> memref<4x1024xf32, #tpu.memory_space<hbm>>
      %dma_start3A_357 = arith.constant 0 : i32
      %dma_start3A_358 = arith.constant 0 : i32
      %dma_start3A_359 = tpu.memref_slice %arg4[%add3A_317, %dma_start3A_357, %add3A, %dma_start3A_358] : memref<200x4x32x1024xf32, #tpu.memory_space<hbm>> -> memref<1x4x1x1024xf32, #tpu.memory_space<hbm>>
      %dma_start3A_360 = tpu.memref_squeeze %dma_start3A_359 : memref<1x4x1x1024xf32, #tpu.memory_space<hbm>> -> memref<4x1024xf32, #tpu.memory_space<hbm>>
      %dma_start3A_361 = arith.constant 0 : i32
      %dma_start3A_362 = arith.constant 0 : i32
      %dma_start3A_363 = tpu.memref_slice %arg8[%dma_start3A_348, %dma_start3A_361, %dma_start3A_362] : memref<5x4x1024xf32, #tpu.memory_space<vmem>> -> memref<1x4x1024xf32, #tpu.memory_space<vmem>>
      %dma_start3A_364 = tpu.memref_squeeze %dma_start3A_363 : memref<1x4x1024xf32, #tpu.memory_space<vmem>> -> memref<4x1024xf32, #tpu.memory_space<vmem>>
      tpu.enqueue_dma source(%dma_start3A_364 : memref<4x1024xf32, #tpu.memory_space<vmem>>) target(%dma_start3A_360 : memref<4x1024xf32, #tpu.memory_space<hbm>>) target_semaphore(%arg18 : memref<!tpu.dma_semaphore, #tpu.memory_space<semaphore_mem>>)
      %add3A_365 = arith.constant 5 : i32
      %add3A_366 = arith.addi %add3A_317, %add3A_365 : i32
      %lt3A_367 = arith.constant 200 : i32
      %lt3A_368 = arith.cmpi slt, %add3A_366, %lt3A_367 : i32
      %convert_element_type3A_369 = arith.extui %lt3A_368 : i1 to i32
      %cond3A_370 = arith.constant 0 : i32
      %cond3A_371 = arith.cmpi ne, %convert_element_type3A_369, %cond3A_370 : i32
      scf.if %cond3A_371 {
        %add3A_484 = arith.constant 5 : i32
        %add3A_485 = arith.addi %add3A_317, %add3A_484 : i32
        %jit3A = arith.constant 8 : i32
        %div3A = arith.divsi %add3A_485, %jit3A : i32
        %sign3A = arith.constant 0 : i32
        %sign3A_486 = arith.cmpi sgt, %add3A_485, %sign3A : i32
        %sign3A_487 = arith.extui %sign3A_486 : i1 to i32
        %sign3A_488 = arith.constant 0 : i32
        %sign3A_489 = arith.cmpi slt, %add3A_485, %sign3A_488 : i32
        %sign3A_490 = arith.extui %sign3A_489 : i1 to i32
        %sign3A_491 = arith.subi %sign3A_487, %sign3A_490 : i32
        %sign3A_492 = arith.constant 0 : i32
        %sign3A_493 = arith.cmpi sgt, %jit3A, %sign3A_492 : i32
        %sign3A_494 = arith.extui %sign3A_493 : i1 to i32
        %sign3A_495 = arith.constant 0 : i32
        %sign3A_496 = arith.cmpi slt, %jit3A, %sign3A_495 : i32
        %sign3A_497 = arith.extui %sign3A_496 : i1 to i32
        %sign3A_498 = arith.subi %sign3A_494, %sign3A_497 : i32
        %ne3A = arith.cmpi ne, %sign3A_491, %sign3A_498 : i32
        %rem3A = arith.remsi %add3A_485, %jit3A : i32
        %ne3A_499 = arith.constant 0 : i32
        %ne3A_500 = arith.cmpi ne, %rem3A, %ne3A_499 : i32
        %and3A = arith.andi %ne3A, %ne3A_500 : i1
        %sub3A = arith.constant 1 : i32
        %sub3A_501 = arith.subi %div3A, %sub3A : i32
        %select_n3A = arith.select %and3A, %sub3A_501, %div3A : i32
        %jit3A_502 = arith.constant 8 : i32
        %eq3A = arith.constant 0 : i32
        %eq3A_503 = arith.cmpi eq, %jit3A_502, %eq3A : i32
        %jit3A_504 = arith.constant 1 : i32
        %select_n3A_505 = arith.select %eq3A_503, %jit3A_504, %jit3A_502 : i32
        %rem3A_506 = arith.remsi %add3A_485, %select_n3A_505 : i32
        %ne3A_507 = arith.constant 0 : i32
        %ne3A_508 = arith.cmpi ne, %rem3A_506, %ne3A_507 : i32
        %lt3A_509 = arith.constant 0 : i32
        %lt3A_510 = arith.cmpi slt, %rem3A_506, %lt3A_509 : i32
        %lt3A_511 = arith.constant 0 : i32
        %lt3A_512 = arith.cmpi slt, %select_n3A_505, %lt3A_511 : i32
        %ne3A_513 = arith.xori %lt3A_510, %lt3A_512 : i1
        %and3A_514 = arith.andi %ne3A_513, %ne3A_508 : i1
        %add3A_515 = arith.addi %rem3A_506, %select_n3A_505 : i32
        %select_n3A_516 = arith.select %and3A_514, %add3A_515, %rem3A_506 : i32
        %dma_start3A_517 = arith.constant 2 : i32
        %dma_start3A_518 = arith.constant 0 : i32
        %dma_start3A_519 = arith.constant 0 : i32
        %dma_start3A_520 = tpu.memref_slice %arg7[%dma_start3A_517, %dma_start3A_518, %dma_start3A_519] : memref<5x128x32xf32, #tpu.memory_space<vmem>> -> memref<1x128x32xf32, #tpu.memory_space<vmem>>
        %dma_start3A_521 = tpu.memref_squeeze %dma_start3A_520 : memref<1x128x32xf32, #tpu.memory_space<vmem>> -> memref<128x32xf32, #tpu.memory_space<vmem>>
        %dma_start3A_522 = arith.constant 0 : i32
        %dma_start3A_523 = tpu.memref_slice %arg6[%select_n3A, %select_n3A_516, %dma_start3A_522] : memref<25x8x128xi32, #tpu.memory_space<vmem>> -> memref<1x1x128xi32, #tpu.memory_space<vmem>>
        %dma_start3A_524 = tpu.memref_squeeze %dma_start3A_523 : memref<1x1x128xi32, #tpu.memory_space<vmem>> -> memref<128xi32, #tpu.memory_space<vmem>>
        %dma_start3A_525 = arith.constant 0 : i32
        %dma_start3A_526 = arith.constant 0 : i32
        %dma_start3A_527 = tpu.memref_slice %arg3[%dma_start3A_525, %dma_start3A_526] : memref<1000000x32xf32, #tpu.memory_space<hbm>> -> memref<1000000x32xf32, #tpu.memory_space<hbm>>
        tpu.enqueue_indirect_dma source(%dma_start3A_527 : memref<1000000x32xf32, #tpu.memory_space<hbm>>) target(%dma_start3A_521 : memref<128x32xf32, #tpu.memory_space<vmem>>) offsets(%dma_start3A_524 : memref<128xi32, #tpu.memory_space<vmem>>) semaphore(%arg13 : memref<!tpu.dma_semaphore, #tpu.memory_space<semaphore_mem>>)
      } else {
      }
      %add3A_372 = arith.constant 3 : i32
      %add3A_373 = arith.addi %add3A_207, %add3A_372 : i32
      %dma_wait3A_374 = arith.constant 3 : i32
      %dma_wait3A_375 = arith.constant 0 : i32
      %dma_wait3A_376 = arith.constant 0 : i32
      %dma_wait3A_377 = tpu.memref_slice %arg7[%dma_wait3A_374, %dma_wait3A_375, %dma_wait3A_376] : memref<5x128x32xf32, #tpu.memory_space<vmem>> -> memref<1x128x32xf32, #tpu.memory_space<vmem>>
      %dma_wait3A_378 = tpu.memref_squeeze %dma_wait3A_377 : memref<1x128x32xf32, #tpu.memory_space<vmem>> -> memref<128x32xf32, #tpu.memory_space<vmem>>
      %dma_wait3A_379 = arith.constant 0 : i32
      %dma_wait3A_380 = arith.constant 0 : i32
      %dma_wait3A_381 = tpu.memref_slice %arg3[%dma_wait3A_379, %dma_wait3A_380] : memref<1000000x32xf32, #tpu.memory_space<hbm>> -> memref<128x32xf32, #tpu.memory_space<hbm>>
      %dma_wait3A_382 = arith.constant 0 : i32
      %dma_wait3A_383 = arith.constant 0 : i32
      %dma_wait3A_384 = tpu.memref_slice %arg7[%dma_wait3A_374, %dma_wait3A_382, %dma_wait3A_383] : memref<5x128x32xf32, #tpu.memory_space<vmem>> -> memref<1x128x32xf32, #tpu.memory_space<vmem>>
      %dma_wait3A_385 = tpu.memref_squeeze %dma_wait3A_384 : memref<1x128x32xf32, #tpu.memory_space<vmem>> -> memref<128x32xf32, #tpu.memory_space<vmem>>
      %dma_wait3A_386 = arith.constant 0 : i32
      %dma_wait3A_387 = arith.constant 0 : i32
      %dma_wait3A_388 = tpu.memref_slice %arg3[%dma_wait3A_386, %dma_wait3A_387] : memref<1000000x32xf32, #tpu.memory_space<hbm>> -> memref<128x32xf32, #tpu.memory_space<hbm>>
      tpu.wait_dma2 semaphore(%arg14 : memref<!tpu.dma_semaphore, #tpu.memory_space<semaphore_mem>>) src(%dma_wait3A_388 : memref<128x32xf32, #tpu.memory_space<hbm>>) dst(%dma_wait3A_385 : memref<128x32xf32, #tpu.memory_space<vmem>>)
      %ge3A_389 = arith.constant 5 : i32
      %ge3A_390 = arith.cmpi sge, %add3A_373, %ge3A_389 : i32
      %convert_element_type3A_391 = arith.extui %ge3A_390 : i1 to i32
      %cond3A_392 = arith.constant 3 : i32
      %cond3A_393 = arith.constant 0 : i32
      %cond3A_394 = arith.cmpi ne, %convert_element_type3A_391, %cond3A_393 : i32
      scf.if %cond3A_394 {
        %dma_wait3A_484 = arith.constant 0 : i32
        %dma_wait3A_485 = arith.constant 0 : i32
        %dma_wait3A_486 = arith.constant 0 : i32
        %dma_wait3A_487 = arith.constant 0 : i32
        %dma_wait3A_488 = tpu.memref_slice %arg8[%cond3A_392, %dma_wait3A_486, %dma_wait3A_487] : memref<5x4x1024xf32, #tpu.memory_space<vmem>> -> memref<1x4x1024xf32, #tpu.memory_space<vmem>>
        %dma_wait3A_489 = tpu.memref_squeeze %dma_wait3A_488 : memref<1x4x1024xf32, #tpu.memory_space<vmem>> -> memref<4x1024xf32, #tpu.memory_space<vmem>>
        %dma_wait3A_490 = arith.constant 0 : i32
        %dma_wait3A_491 = arith.constant 0 : i32
        %dma_wait3A_492 = tpu.memref_slice %arg4[%dma_wait3A_484, %dma_wait3A_490, %dma_wait3A_485, %dma_wait3A_491] : memref<200x4x32x1024xf32, #tpu.memory_space<hbm>> -> memref<1x4x1x1024xf32, #tpu.memory_space<hbm>>
        %dma_wait3A_493 = tpu.memref_squeeze %dma_wait3A_492 : memref<1x4x1x1024xf32, #tpu.memory_space<hbm>> -> memref<4x1024xf32, #tpu.memory_space<hbm>>
        %dma_wait3A_494 = arith.constant 0 : i32
        %dma_wait3A_495 = arith.constant 0 : i32
        %dma_wait3A_496 = tpu.memref_slice %arg8[%cond3A_392, %dma_wait3A_494, %dma_wait3A_495] : memref<5x4x1024xf32, #tpu.memory_space<vmem>> -> memref<1x4x1024xf32, #tpu.memory_space<vmem>>
        %dma_wait3A_497 = tpu.memref_squeeze %dma_wait3A_496 : memref<1x4x1024xf32, #tpu.memory_space<vmem>> -> memref<4x1024xf32, #tpu.memory_space<vmem>>
        %dma_wait3A_498 = arith.constant 0 : i32
        %dma_wait3A_499 = arith.constant 0 : i32
        %dma_wait3A_500 = tpu.memref_slice %arg4[%dma_wait3A_484, %dma_wait3A_498, %dma_wait3A_485, %dma_wait3A_499] : memref<200x4x32x1024xf32, #tpu.memory_space<hbm>> -> memref<1x4x1x1024xf32, #tpu.memory_space<hbm>>
        %dma_wait3A_501 = tpu.memref_squeeze %dma_wait3A_500 : memref<1x4x1x1024xf32, #tpu.memory_space<hbm>> -> memref<4x1024xf32, #tpu.memory_space<hbm>>
        tpu.wait_dma2 semaphore(%arg19 : memref<!tpu.dma_semaphore, #tpu.memory_space<semaphore_mem>>) src(%dma_wait3A_501 : memref<4x1024xf32, #tpu.memory_space<hbm>>) dst(%dma_wait3A_497 : memref<4x1024xf32, #tpu.memory_space<vmem>>)
      } else {
      }
      %scan3A_395 = arith.constant 3 : i32
      %scan3A_396 = arith.constant 3 : i32
      %scan3A_397 = arith.constant 0 : i32
      %scan3A_398 = arith.constant 0 : i32
      %scan3A_399 = arith.constant 16 : i32
      %scan3A_400 = arith.addi %scan3A_398, %scan3A_399 : i32
      %scan3A_401 = arith.constant 1 : i32
      %scan3A_402 = scf.for %scan3A_484 = %scan3A_398 to %scan3A_400 step %scan3A_401 iter_args(%scan3A_485 = %scan3A_397) -> (i32)  : i32 {
        %add3A_486 = vector.broadcast %scan3A_484 : i32 to vector<16xi32>
        %add3A_487 = arith.addi %iota3A, %add3A_486 : vector<16xi32>
        %and3A = arith.constant 15 : i32
        %and3A_488 = vector.broadcast %and3A : i32 to vector<16xi32>
        %and3A_489 = arith.andi %add3A_487, %and3A_488 : vector<16xi32>
        %shift_right_arithmetic3A = arith.constant 3 : i32
        %shift_right_arithmetic3A_490 = vector.broadcast %shift_right_arithmetic3A : i32 to vector<16xi32>
        %shift_right_arithmetic3A_491 = arith.shrsi %and3A_489, %shift_right_arithmetic3A_490 : vector<16xi32>
        %and3A_492 = arith.constant 7 : i32
        %and3A_493 = vector.broadcast %and3A_492 : i32 to vector<16xi32>
        %and3A_494 = arith.andi %and3A_489, %and3A_493 : vector<16xi32>
        %shift_left3A = arith.constant 7 : i32
        %shift_left3A_495 = vector.broadcast %shift_left3A : i32 to vector<16xi32>
        %shift_left3A_496 = arith.shli %and3A_494, %shift_left3A_495 : vector<16xi32>
        %add3A_497 = arith.constant 0 : i32
        %add3A_498 = vector.broadcast %add3A_497 : i32 to vector<16xi32>
        %add3A_499 = arith.addi %add3A_498, %and3A_489 : vector<16xi32>
        %add3A_500 = arith.constant 0 : i32
        %add3A_501 = vector.broadcast %add3A_500 : i32 to vector<16xi32>
        %add3A_502 = arith.addi %add3A_501, %shift_right_arithmetic3A_491 : vector<16xi32>
        %gather3A = arith.constant 0 : i32
        %gather3A_503 = arith.constant 0 : i32
        %gather3A_504 = tpu.memref_slice %arg7[%scan3A_395, %gather3A, %gather3A_503] : memref<5x128x32xf32, #tpu.memory_space<vmem>> -> memref<1x128x32xf32, #tpu.memory_space<vmem>>
        %gather3A_505 = tpu.memref_squeeze %gather3A_504 : memref<1x128x32xf32, #tpu.memory_space<vmem>> -> memref<128x32xf32, #tpu.memory_space<vmem>>
        %gather3A_506 = tpu.vector_load_idx %gather3A_505[%add3A_4, %add3A_499] : memref<128x32xf32, #tpu.memory_space<vmem>>[vector<16xi32>, vector<16xi32>], vector<16xf32>,
        %add3A_507 = arith.addi %shift_left3A_496, %add3A_4 : vector<16xi32>
        %scatter3A = arith.constant 0 : i32
        %scatter3A_508 = arith.constant 0 : i32
        %scatter3A_509 = tpu.memref_slice %arg8[%scan3A_396, %scatter3A, %scatter3A_508] : memref<5x4x1024xf32, #tpu.memory_space<vmem>> -> memref<1x4x1024xf32, #tpu.memory_space<vmem>>
        %scatter3A_510 = tpu.memref_squeeze %scatter3A_509 : memref<1x4x1024xf32, #tpu.memory_space<vmem>> -> memref<4x1024xf32, #tpu.memory_space<vmem>>
        tpu.vector_store_idx %scatter3A_510[%add3A_502, %add3A_507], %gather3A_506 : memref<4x1024xf32, #tpu.memory_space<vmem>>[vector<16xi32>, vector<16xi32>], vector<16xf32>,
        %add3A_511 = arith.constant 0 : i32
        %add3A_512 = arith.addi %add3A_511, %scan3A_484 : i32
        %swap3A = arith.index_cast %add3A_512 : i32 to index
        %swap3A_513 = arith.constant 0 : index
        %swap3A_514 = tpu.vector_load %arg9[%swap3A, %swap3A_513] {strides = array<i32>} : memref<256x16xf32, #tpu.memory_space<vmem>>, vector<16xf32>,
        tpu.vector_store %arg9[%swap3A, %swap3A_513], %gather3A_506 {add = true, strides = array<i32>} : memref<256x16xf32, #tpu.memory_space<vmem>>, vector<16xf32>,
        %gather3A_515 = arith.constant 0 : i32
        %gather3A_516 = arith.constant 0 : i32
        %gather3A_517 = tpu.memref_slice %arg7[%scan3A_395, %gather3A_515, %gather3A_516] : memref<5x128x32xf32, #tpu.memory_space<vmem>> -> memref<1x128x32xf32, #tpu.memory_space<vmem>>
        %gather3A_518 = tpu.memref_squeeze %gather3A_517 : memref<1x128x32xf32, #tpu.memory_space<vmem>> -> memref<128x32xf32, #tpu.memory_space<vmem>>
        %gather3A_519 = tpu.vector_load_idx %gather3A_518[%add3A_7, %add3A_499] : memref<128x32xf32, #tpu.memory_space<vmem>>[vector<16xi32>, vector<16xi32>], vector<16xf32>,
        %add3A_520 = arith.addi %shift_left3A_496, %add3A_7 : vector<16xi32>
        %scatter3A_521 = arith.constant 0 : i32
        %scatter3A_522 = arith.constant 0 : i32
        %scatter3A_523 = tpu.memref_slice %arg8[%scan3A_396, %scatter3A_521, %scatter3A_522] : memref<5x4x1024xf32, #tpu.memory_space<vmem>> -> memref<1x4x1024xf32, #tpu.memory_space<vmem>>
        %scatter3A_524 = tpu.memref_squeeze %scatter3A_523 : memref<1x4x1024xf32, #tpu.memory_space<vmem>> -> memref<4x1024xf32, #tpu.memory_space<vmem>>
        tpu.vector_store_idx %scatter3A_524[%add3A_502, %add3A_520], %gather3A_519 : memref<4x1024xf32, #tpu.memory_space<vmem>>[vector<16xi32>, vector<16xi32>], vector<16xf32>,
        %add3A_525 = arith.constant 32 : i32
        %add3A_526 = arith.addi %add3A_525, %scan3A_484 : i32
        %swap3A_527 = arith.index_cast %add3A_526 : i32 to index
        %swap3A_528 = arith.constant 0 : index
        %swap3A_529 = tpu.vector_load %arg9[%swap3A_527, %swap3A_528] {strides = array<i32>} : memref<256x16xf32, #tpu.memory_space<vmem>>, vector<16xf32>,
        tpu.vector_store %arg9[%swap3A_527, %swap3A_528], %gather3A_519 {add = true, strides = array<i32>} : memref<256x16xf32, #tpu.memory_space<vmem>>, vector<16xf32>,
        %gather3A_530 = arith.constant 0 : i32
        %gather3A_531 = arith.constant 0 : i32
        %gather3A_532 = tpu.memref_slice %arg7[%scan3A_395, %gather3A_530, %gather3A_531] : memref<5x128x32xf32, #tpu.memory_space<vmem>> -> memref<1x128x32xf32, #tpu.memory_space<vmem>>
        %gather3A_533 = tpu.memref_squeeze %gather3A_532 : memref<1x128x32xf32, #tpu.memory_space<vmem>> -> memref<128x32xf32, #tpu.memory_space<vmem>>
        %gather3A_534 = tpu.vector_load_idx %gather3A_533[%add3A_10, %add3A_499] : memref<128x32xf32, #tpu.memory_space<vmem>>[vector<16xi32>, vector<16xi32>], vector<16xf32>,
        %add3A_535 = arith.addi %shift_left3A_496, %add3A_10 : vector<16xi32>
        %scatter3A_536 = arith.constant 0 : i32
        %scatter3A_537 = arith.constant 0 : i32
        %scatter3A_538 = tpu.memref_slice %arg8[%scan3A_396, %scatter3A_536, %scatter3A_537] : memref<5x4x1024xf32, #tpu.memory_space<vmem>> -> memref<1x4x1024xf32, #tpu.memory_space<vmem>>
        %scatter3A_539 = tpu.memref_squeeze %scatter3A_538 : memref<1x4x1024xf32, #tpu.memory_space<vmem>> -> memref<4x1024xf32, #tpu.memory_space<vmem>>
        tpu.vector_store_idx %scatter3A_539[%add3A_502, %add3A_535], %gather3A_534 : memref<4x1024xf32, #tpu.memory_space<vmem>>[vector<16xi32>, vector<16xi32>], vector<16xf32>,
        %add3A_540 = arith.constant 64 : i32
        %add3A_541 = arith.addi %add3A_540, %scan3A_484 : i32
        %swap3A_542 = arith.index_cast %add3A_541 : i32 to index
        %swap3A_543 = arith.constant 0 : index
        %swap3A_544 = tpu.vector_load %arg9[%swap3A_542, %swap3A_543] {strides = array<i32>} : memref<256x16xf32, #tpu.memory_space<vmem>>, vector<16xf32>,
        tpu.vector_store %arg9[%swap3A_542, %swap3A_543], %gather3A_534 {add = true, strides = array<i32>} : memref<256x16xf32, #tpu.memory_space<vmem>>, vector<16xf32>,
        %gather3A_545 = arith.constant 0 : i32
        %gather3A_546 = arith.constant 0 : i32
        %gather3A_547 = tpu.memref_slice %arg7[%scan3A_395, %gather3A_545, %gather3A_546] : memref<5x128x32xf32, #tpu.memory_space<vmem>> -> memref<1x128x32xf32, #tpu.memory_space<vmem>>
        %gather3A_548 = tpu.memref_squeeze %gather3A_547 : memref<1x128x32xf32, #tpu.memory_space<vmem>> -> memref<128x32xf32, #tpu.memory_space<vmem>>
        %gather3A_549 = tpu.vector_load_idx %gather3A_548[%add3A_13, %add3A_499] : memref<128x32xf32, #tpu.memory_space<vmem>>[vector<16xi32>, vector<16xi32>], vector<16xf32>,
        %add3A_550 = arith.addi %shift_left3A_496, %add3A_13 : vector<16xi32>
        %scatter3A_551 = arith.constant 0 : i32
        %scatter3A_552 = arith.constant 0 : i32
        %scatter3A_553 = tpu.memref_slice %arg8[%scan3A_396, %scatter3A_551, %scatter3A_552] : memref<5x4x1024xf32, #tpu.memory_space<vmem>> -> memref<1x4x1024xf32, #tpu.memory_space<vmem>>
        %scatter3A_554 = tpu.memref_squeeze %scatter3A_553 : memref<1x4x1024xf32, #tpu.memory_space<vmem>> -> memref<4x1024xf32, #tpu.memory_space<vmem>>
        tpu.vector_store_idx %scatter3A_554[%add3A_502, %add3A_550], %gather3A_549 : memref<4x1024xf32, #tpu.memory_space<vmem>>[vector<16xi32>, vector<16xi32>], vector<16xf32>,
        %add3A_555 = arith.constant 96 : i32
        %add3A_556 = arith.addi %add3A_555, %scan3A_484 : i32
        %swap3A_557 = arith.index_cast %add3A_556 : i32 to index
        %swap3A_558 = arith.constant 0 : index
        %swap3A_559 = tpu.vector_load %arg9[%swap3A_557, %swap3A_558] {strides = array<i32>} : memref<256x16xf32, #tpu.memory_space<vmem>>, vector<16xf32>,
        tpu.vector_store %arg9[%swap3A_557, %swap3A_558], %gather3A_549 {add = true, strides = array<i32>} : memref<256x16xf32, #tpu.memory_space<vmem>>, vector<16xf32>,
        %gather3A_560 = arith.constant 0 : i32
        %gather3A_561 = arith.constant 0 : i32
        %gather3A_562 = tpu.memref_slice %arg7[%scan3A_395, %gather3A_560, %gather3A_561] : memref<5x128x32xf32, #tpu.memory_space<vmem>> -> memref<1x128x32xf32, #tpu.memory_space<vmem>>
        %gather3A_563 = tpu.memref_squeeze %gather3A_562 : memref<1x128x32xf32, #tpu.memory_space<vmem>> -> memref<128x32xf32, #tpu.memory_space<vmem>>
        %gather3A_564 = tpu.vector_load_idx %gather3A_563[%add3A_16, %add3A_499] : memref<128x32xf32, #tpu.memory_space<vmem>>[vector<16xi32>, vector<16xi32>], vector<16xf32>,
        %add3A_565 = arith.addi %shift_left3A_496, %add3A_16 : vector<16xi32>
        %scatter3A_566 = arith.constant 0 : i32
        %scatter3A_567 = arith.constant 0 : i32
        %scatter3A_568 = tpu.memref_slice %arg8[%scan3A_396, %scatter3A_566, %scatter3A_567] : memref<5x4x1024xf32, #tpu.memory_space<vmem>> -> memref<1x4x1024xf32, #tpu.memory_space<vmem>>
        %scatter3A_569 = tpu.memref_squeeze %scatter3A_568 : memref<1x4x1024xf32, #tpu.memory_space<vmem>> -> memref<4x1024xf32, #tpu.memory_space<vmem>>
        tpu.vector_store_idx %scatter3A_569[%add3A_502, %add3A_565], %gather3A_564 : memref<4x1024xf32, #tpu.memory_space<vmem>>[vector<16xi32>, vector<16xi32>], vector<16xf32>,
        %add3A_570 = arith.constant 128 : i32
        %add3A_571 = arith.addi %add3A_570, %scan3A_484 : i32
        %swap3A_572 = arith.index_cast %add3A_571 : i32 to index
        %swap3A_573 = arith.constant 0 : index
        %swap3A_574 = tpu.vector_load %arg9[%swap3A_572, %swap3A_573] {strides = array<i32>} : memref<256x16xf32, #tpu.memory_space<vmem>>, vector<16xf32>,
        tpu.vector_store %arg9[%swap3A_572, %swap3A_573], %gather3A_564 {add = true, strides = array<i32>} : memref<256x16xf32, #tpu.memory_space<vmem>>, vector<16xf32>,
        %gather3A_575 = arith.constant 0 : i32
        %gather3A_576 = arith.constant 0 : i32
        %gather3A_577 = tpu.memref_slice %arg7[%scan3A_395, %gather3A_575, %gather3A_576] : memref<5x128x32xf32, #tpu.memory_space<vmem>> -> memref<1x128x32xf32, #tpu.memory_space<vmem>>
        %gather3A_578 = tpu.memref_squeeze %gather3A_577 : memref<1x128x32xf32, #tpu.memory_space<vmem>> -> memref<128x32xf32, #tpu.memory_space<vmem>>
        %gather3A_579 = tpu.vector_load_idx %gather3A_578[%add3A_19, %add3A_499] : memref<128x32xf32, #tpu.memory_space<vmem>>[vector<16xi32>, vector<16xi32>], vector<16xf32>,
        %add3A_580 = arith.addi %shift_left3A_496, %add3A_19 : vector<16xi32>
        %scatter3A_581 = arith.constant 0 : i32
        %scatter3A_582 = arith.constant 0 : i32
        %scatter3A_583 = tpu.memref_slice %arg8[%scan3A_396, %scatter3A_581, %scatter3A_582] : memref<5x4x1024xf32, #tpu.memory_space<vmem>> -> memref<1x4x1024xf32, #tpu.memory_space<vmem>>
        %scatter3A_584 = tpu.memref_squeeze %scatter3A_583 : memref<1x4x1024xf32, #tpu.memory_space<vmem>> -> memref<4x1024xf32, #tpu.memory_space<vmem>>
        tpu.vector_store_idx %scatter3A_584[%add3A_502, %add3A_580], %gather3A_579 : memref<4x1024xf32, #tpu.memory_space<vmem>>[vector<16xi32>, vector<16xi32>], vector<16xf32>,
        %add3A_585 = arith.constant 160 : i32
        %add3A_586 = arith.addi %add3A_585, %scan3A_484 : i32
        %swap3A_587 = arith.index_cast %add3A_586 : i32 to index
        %swap3A_588 = arith.constant 0 : index
        %swap3A_589 = tpu.vector_load %arg9[%swap3A_587, %swap3A_588] {strides = array<i32>} : memref<256x16xf32, #tpu.memory_space<vmem>>, vector<16xf32>,
        tpu.vector_store %arg9[%swap3A_587, %swap3A_588], %gather3A_579 {add = true, strides = array<i32>} : memref<256x16xf32, #tpu.memory_space<vmem>>, vector<16xf32>,
        %gather3A_590 = arith.constant 0 : i32
        %gather3A_591 = arith.constant 0 : i32
        %gather3A_592 = tpu.memref_slice %arg7[%scan3A_395, %gather3A_590, %gather3A_591] : memref<5x128x32xf32, #tpu.memory_space<vmem>> -> memref<1x128x32xf32, #tpu.memory_space<vmem>>
        %gather3A_593 = tpu.memref_squeeze %gather3A_592 : memref<1x128x32xf32, #tpu.memory_space<vmem>> -> memref<128x32xf32, #tpu.memory_space<vmem>>
        %gather3A_594 = tpu.vector_load_idx %gather3A_593[%add3A_22, %add3A_499] : memref<128x32xf32, #tpu.memory_space<vmem>>[vector<16xi32>, vector<16xi32>], vector<16xf32>,
        %add3A_595 = arith.addi %shift_left3A_496, %add3A_22 : vector<16xi32>
        %scatter3A_596 = arith.constant 0 : i32
        %scatter3A_597 = arith.constant 0 : i32
        %scatter3A_598 = tpu.memref_slice %arg8[%scan3A_396, %scatter3A_596, %scatter3A_597] : memref<5x4x1024xf32, #tpu.memory_space<vmem>> -> memref<1x4x1024xf32, #tpu.memory_space<vmem>>
        %scatter3A_599 = tpu.memref_squeeze %scatter3A_598 : memref<1x4x1024xf32, #tpu.memory_space<vmem>> -> memref<4x1024xf32, #tpu.memory_space<vmem>>
        tpu.vector_store_idx %scatter3A_599[%add3A_502, %add3A_595], %gather3A_594 : memref<4x1024xf32, #tpu.memory_space<vmem>>[vector<16xi32>, vector<16xi32>], vector<16xf32>,
        %add3A_600 = arith.constant 192 : i32
        %add3A_601 = arith.addi %add3A_600, %scan3A_484 : i32
        %swap3A_602 = arith.index_cast %add3A_601 : i32 to index
        %swap3A_603 = arith.constant 0 : index
        %swap3A_604 = tpu.vector_load %arg9[%swap3A_602, %swap3A_603] {strides = array<i32>} : memref<256x16xf32, #tpu.memory_space<vmem>>, vector<16xf32>,
        tpu.vector_store %arg9[%swap3A_602, %swap3A_603], %gather3A_594 {add = true, strides = array<i32>} : memref<256x16xf32, #tpu.memory_space<vmem>>, vector<16xf32>,
        %gather3A_605 = arith.constant 0 : i32
        %gather3A_606 = arith.constant 0 : i32
        %gather3A_607 = tpu.memref_slice %arg7[%scan3A_395, %gather3A_605, %gather3A_606] : memref<5x128x32xf32, #tpu.memory_space<vmem>> -> memref<1x128x32xf32, #tpu.memory_space<vmem>>
        %gather3A_608 = tpu.memref_squeeze %gather3A_607 : memref<1x128x32xf32, #tpu.memory_space<vmem>> -> memref<128x32xf32, #tpu.memory_space<vmem>>
        %gather3A_609 = tpu.vector_load_idx %gather3A_608[%add3A_25, %add3A_499] : memref<128x32xf32, #tpu.memory_space<vmem>>[vector<16xi32>, vector<16xi32>], vector<16xf32>,
        %add3A_610 = arith.addi %shift_left3A_496, %add3A_25 : vector<16xi32>
        %scatter3A_611 = arith.constant 0 : i32
        %scatter3A_612 = arith.constant 0 : i32
        %scatter3A_613 = tpu.memref_slice %arg8[%scan3A_396, %scatter3A_611, %scatter3A_612] : memref<5x4x1024xf32, #tpu.memory_space<vmem>> -> memref<1x4x1024xf32, #tpu.memory_space<vmem>>
        %scatter3A_614 = tpu.memref_squeeze %scatter3A_613 : memref<1x4x1024xf32, #tpu.memory_space<vmem>> -> memref<4x1024xf32, #tpu.memory_space<vmem>>
        tpu.vector_store_idx %scatter3A_614[%add3A_502, %add3A_610], %gather3A_609 : memref<4x1024xf32, #tpu.memory_space<vmem>>[vector<16xi32>, vector<16xi32>], vector<16xf32>,
        %add3A_615 = arith.constant 224 : i32
        %add3A_616 = arith.addi %add3A_615, %scan3A_484 : i32
        %swap3A_617 = arith.index_cast %add3A_616 : i32 to index
        %swap3A_618 = arith.constant 0 : index
        %swap3A_619 = tpu.vector_load %arg9[%swap3A_617, %swap3A_618] {strides = array<i32>} : memref<256x16xf32, #tpu.memory_space<vmem>>, vector<16xf32>,
        tpu.vector_store %arg9[%swap3A_617, %swap3A_618], %gather3A_609 {add = true, strides = array<i32>} : memref<256x16xf32, #tpu.memory_space<vmem>>, vector<16xf32>,
        %add3A_620 = arith.constant 16 : i32
        %add3A_621 = vector.broadcast %add3A_620 : i32 to vector<16xi32>
        %add3A_622 = arith.addi %add3A_621, %and3A_489 : vector<16xi32>
        %add3A_623 = arith.constant 2 : i32
        %add3A_624 = vector.broadcast %add3A_623 : i32 to vector<16xi32>
        %add3A_625 = arith.addi %add3A_624, %shift_right_arithmetic3A_491 : vector<16xi32>
        %gather3A_626 = arith.constant 0 : i32
        %gather3A_627 = arith.constant 0 : i32
        %gather3A_628 = tpu.memref_slice %arg7[%scan3A_395, %gather3A_626, %gather3A_627] : memref<5x128x32xf32, #tpu.memory_space<vmem>> -> memref<1x128x32xf32, #tpu.memory_space<vmem>>
        %gather3A_629 = tpu.memref_squeeze %gather3A_628 : memref<1x128x32xf32, #tpu.memory_space<vmem>> -> memref<128x32xf32, #tpu.memory_space<vmem>>
        %gather3A_630 = tpu.vector_load_idx %gather3A_629[%add3A_4, %add3A_622] : memref<128x32xf32, #tpu.memory_space<vmem>>[vector<16xi32>, vector<16xi32>], vector<16xf32>,
        %add3A_631 = arith.addi %shift_left3A_496, %add3A_4 : vector<16xi32>
        %scatter3A_632 = arith.constant 0 : i32
        %scatter3A_633 = arith.constant 0 : i32
        %scatter3A_634 = tpu.memref_slice %arg8[%scan3A_396, %scatter3A_632, %scatter3A_633] : memref<5x4x1024xf32, #tpu.memory_space<vmem>> -> memref<1x4x1024xf32, #tpu.memory_space<vmem>>
        %scatter3A_635 = tpu.memref_squeeze %scatter3A_634 : memref<1x4x1024xf32, #tpu.memory_space<vmem>> -> memref<4x1024xf32, #tpu.memory_space<vmem>>
        tpu.vector_store_idx %scatter3A_635[%add3A_625, %add3A_631], %gather3A_630 : memref<4x1024xf32, #tpu.memory_space<vmem>>[vector<16xi32>, vector<16xi32>], vector<16xf32>,
        %add3A_636 = arith.constant 16 : i32
        %add3A_637 = arith.addi %add3A_636, %scan3A_484 : i32
        %swap3A_638 = arith.index_cast %add3A_637 : i32 to index
        %swap3A_639 = arith.constant 0 : index
        %swap3A_640 = tpu.vector_load %arg9[%swap3A_638, %swap3A_639] {strides = array<i32>} : memref<256x16xf32, #tpu.memory_space<vmem>>, vector<16xf32>,
        tpu.vector_store %arg9[%swap3A_638, %swap3A_639], %gather3A_630 {add = true, strides = array<i32>} : memref<256x16xf32, #tpu.memory_space<vmem>>, vector<16xf32>,
        %gather3A_641 = arith.constant 0 : i32
        %gather3A_642 = arith.constant 0 : i32
        %gather3A_643 = tpu.memref_slice %arg7[%scan3A_395, %gather3A_641, %gather3A_642] : memref<5x128x32xf32, #tpu.memory_space<vmem>> -> memref<1x128x32xf32, #tpu.memory_space<vmem>>
        %gather3A_644 = tpu.memref_squeeze %gather3A_643 : memref<1x128x32xf32, #tpu.memory_space<vmem>> -> memref<128x32xf32, #tpu.memory_space<vmem>>
        %gather3A_645 = tpu.vector_load_idx %gather3A_644[%add3A_7, %add3A_622] : memref<128x32xf32, #tpu.memory_space<vmem>>[vector<16xi32>, vector<16xi32>], vector<16xf32>,
        %add3A_646 = arith.addi %shift_left3A_496, %add3A_7 : vector<16xi32>
        %scatter3A_647 = arith.constant 0 : i32
        %scatter3A_648 = arith.constant 0 : i32
        %scatter3A_649 = tpu.memref_slice %arg8[%scan3A_396, %scatter3A_647, %scatter3A_648] : memref<5x4x1024xf32, #tpu.memory_space<vmem>> -> memref<1x4x1024xf32, #tpu.memory_space<vmem>>
        %scatter3A_650 = tpu.memref_squeeze %scatter3A_649 : memref<1x4x1024xf32, #tpu.memory_space<vmem>> -> memref<4x1024xf32, #tpu.memory_space<vmem>>
        tpu.vector_store_idx %scatter3A_650[%add3A_625, %add3A_646], %gather3A_645 : memref<4x1024xf32, #tpu.memory_space<vmem>>[vector<16xi32>, vector<16xi32>], vector<16xf32>,
        %add3A_651 = arith.constant 48 : i32
        %add3A_652 = arith.addi %add3A_651, %scan3A_484 : i32
        %swap3A_653 = arith.index_cast %add3A_652 : i32 to index
        %swap3A_654 = arith.constant 0 : index
        %swap3A_655 = tpu.vector_load %arg9[%swap3A_653, %swap3A_654] {strides = array<i32>} : memref<256x16xf32, #tpu.memory_space<vmem>>, vector<16xf32>,
        tpu.vector_store %arg9[%swap3A_653, %swap3A_654], %gather3A_645 {add = true, strides = array<i32>} : memref<256x16xf32, #tpu.memory_space<vmem>>, vector<16xf32>,
        %gather3A_656 = arith.constant 0 : i32
        %gather3A_657 = arith.constant 0 : i32
        %gather3A_658 = tpu.memref_slice %arg7[%scan3A_395, %gather3A_656, %gather3A_657] : memref<5x128x32xf32, #tpu.memory_space<vmem>> -> memref<1x128x32xf32, #tpu.memory_space<vmem>>
        %gather3A_659 = tpu.memref_squeeze %gather3A_658 : memref<1x128x32xf32, #tpu.memory_space<vmem>> -> memref<128x32xf32, #tpu.memory_space<vmem>>
        %gather3A_660 = tpu.vector_load_idx %gather3A_659[%add3A_10, %add3A_622] : memref<128x32xf32, #tpu.memory_space<vmem>>[vector<16xi32>, vector<16xi32>], vector<16xf32>,
        %add3A_661 = arith.addi %shift_left3A_496, %add3A_10 : vector<16xi32>
        %scatter3A_662 = arith.constant 0 : i32
        %scatter3A_663 = arith.constant 0 : i32
        %scatter3A_664 = tpu.memref_slice %arg8[%scan3A_396, %scatter3A_662, %scatter3A_663] : memref<5x4x1024xf32, #tpu.memory_space<vmem>> -> memref<1x4x1024xf32, #tpu.memory_space<vmem>>
        %scatter3A_665 = tpu.memref_squeeze %scatter3A_664 : memref<1x4x1024xf32, #tpu.memory_space<vmem>> -> memref<4x1024xf32, #tpu.memory_space<vmem>>
        tpu.vector_store_idx %scatter3A_665[%add3A_625, %add3A_661], %gather3A_660 : memref<4x1024xf32, #tpu.memory_space<vmem>>[vector<16xi32>, vector<16xi32>], vector<16xf32>,
        %add3A_666 = arith.constant 80 : i32
        %add3A_667 = arith.addi %add3A_666, %scan3A_484 : i32
        %swap3A_668 = arith.index_cast %add3A_667 : i32 to index
        %swap3A_669 = arith.constant 0 : index
        %swap3A_670 = tpu.vector_load %arg9[%swap3A_668, %swap3A_669] {strides = array<i32>} : memref<256x16xf32, #tpu.memory_space<vmem>>, vector<16xf32>,
        tpu.vector_store %arg9[%swap3A_668, %swap3A_669], %gather3A_660 {add = true, strides = array<i32>} : memref<256x16xf32, #tpu.memory_space<vmem>>, vector<16xf32>,
        %gather3A_671 = arith.constant 0 : i32
        %gather3A_672 = arith.constant 0 : i32
        %gather3A_673 = tpu.memref_slice %arg7[%scan3A_395, %gather3A_671, %gather3A_672] : memref<5x128x32xf32, #tpu.memory_space<vmem>> -> memref<1x128x32xf32, #tpu.memory_space<vmem>>
        %gather3A_674 = tpu.memref_squeeze %gather3A_673 : memref<1x128x32xf32, #tpu.memory_space<vmem>> -> memref<128x32xf32, #tpu.memory_space<vmem>>
        %gather3A_675 = tpu.vector_load_idx %gather3A_674[%add3A_13, %add3A_622] : memref<128x32xf32, #tpu.memory_space<vmem>>[vector<16xi32>, vector<16xi32>], vector<16xf32>,
        %add3A_676 = arith.addi %shift_left3A_496, %add3A_13 : vector<16xi32>
        %scatter3A_677 = arith.constant 0 : i32
        %scatter3A_678 = arith.constant 0 : i32
        %scatter3A_679 = tpu.memref_slice %arg8[%scan3A_396, %scatter3A_677, %scatter3A_678] : memref<5x4x1024xf32, #tpu.memory_space<vmem>> -> memref<1x4x1024xf32, #tpu.memory_space<vmem>>
        %scatter3A_680 = tpu.memref_squeeze %scatter3A_679 : memref<1x4x1024xf32, #tpu.memory_space<vmem>> -> memref<4x1024xf32, #tpu.memory_space<vmem>>
        tpu.vector_store_idx %scatter3A_680[%add3A_625, %add3A_676], %gather3A_675 : memref<4x1024xf32, #tpu.memory_space<vmem>>[vector<16xi32>, vector<16xi32>], vector<16xf32>,
        %add3A_681 = arith.constant 112 : i32
        %add3A_682 = arith.addi %add3A_681, %scan3A_484 : i32
        %swap3A_683 = arith.index_cast %add3A_682 : i32 to index
        %swap3A_684 = arith.constant 0 : index
        %swap3A_685 = tpu.vector_load %arg9[%swap3A_683, %swap3A_684] {strides = array<i32>} : memref<256x16xf32, #tpu.memory_space<vmem>>, vector<16xf32>,
        tpu.vector_store %arg9[%swap3A_683, %swap3A_684], %gather3A_675 {add = true, strides = array<i32>} : memref<256x16xf32, #tpu.memory_space<vmem>>, vector<16xf32>,
        %gather3A_686 = arith.constant 0 : i32
        %gather3A_687 = arith.constant 0 : i32
        %gather3A_688 = tpu.memref_slice %arg7[%scan3A_395, %gather3A_686, %gather3A_687] : memref<5x128x32xf32, #tpu.memory_space<vmem>> -> memref<1x128x32xf32, #tpu.memory_space<vmem>>
        %gather3A_689 = tpu.memref_squeeze %gather3A_688 : memref<1x128x32xf32, #tpu.memory_space<vmem>> -> memref<128x32xf32, #tpu.memory_space<vmem>>
        %gather3A_690 = tpu.vector_load_idx %gather3A_689[%add3A_16, %add3A_622] : memref<128x32xf32, #tpu.memory_space<vmem>>[vector<16xi32>, vector<16xi32>], vector<16xf32>,
        %add3A_691 = arith.addi %shift_left3A_496, %add3A_16 : vector<16xi32>
        %scatter3A_692 = arith.constant 0 : i32
        %scatter3A_693 = arith.constant 0 : i32
        %scatter3A_694 = tpu.memref_slice %arg8[%scan3A_396, %scatter3A_692, %scatter3A_693] : memref<5x4x1024xf32, #tpu.memory_space<vmem>> -> memref<1x4x1024xf32, #tpu.memory_space<vmem>>
        %scatter3A_695 = tpu.memref_squeeze %scatter3A_694 : memref<1x4x1024xf32, #tpu.memory_space<vmem>> -> memref<4x1024xf32, #tpu.memory_space<vmem>>
        tpu.vector_store_idx %scatter3A_695[%add3A_625, %add3A_691], %gather3A_690 : memref<4x1024xf32, #tpu.memory_space<vmem>>[vector<16xi32>, vector<16xi32>], vector<16xf32>,
        %add3A_696 = arith.constant 144 : i32
        %add3A_697 = arith.addi %add3A_696, %scan3A_484 : i32
        %swap3A_698 = arith.index_cast %add3A_697 : i32 to index
        %swap3A_699 = arith.constant 0 : index
        %swap3A_700 = tpu.vector_load %arg9[%swap3A_698, %swap3A_699] {strides = array<i32>} : memref<256x16xf32, #tpu.memory_space<vmem>>, vector<16xf32>,
        tpu.vector_store %arg9[%swap3A_698, %swap3A_699], %gather3A_690 {add = true, strides = array<i32>} : memref<256x16xf32, #tpu.memory_space<vmem>>, vector<16xf32>,
        %gather3A_701 = arith.constant 0 : i32
        %gather3A_702 = arith.constant 0 : i32
        %gather3A_703 = tpu.memref_slice %arg7[%scan3A_395, %gather3A_701, %gather3A_702] : memref<5x128x32xf32, #tpu.memory_space<vmem>> -> memref<1x128x32xf32, #tpu.memory_space<vmem>>
        %gather3A_704 = tpu.memref_squeeze %gather3A_703 : memref<1x128x32xf32, #tpu.memory_space<vmem>> -> memref<128x32xf32, #tpu.memory_space<vmem>>
        %gather3A_705 = tpu.vector_load_idx %gather3A_704[%add3A_19, %add3A_622] : memref<128x32xf32, #tpu.memory_space<vmem>>[vector<16xi32>, vector<16xi32>], vector<16xf32>,
        %add3A_706 = arith.addi %shift_left3A_496, %add3A_19 : vector<16xi32>
        %scatter3A_707 = arith.constant 0 : i32
        %scatter3A_708 = arith.constant 0 : i32
        %scatter3A_709 = tpu.memref_slice %arg8[%scan3A_396, %scatter3A_707, %scatter3A_708] : memref<5x4x1024xf32, #tpu.memory_space<vmem>> -> memref<1x4x1024xf32, #tpu.memory_space<vmem>>
        %scatter3A_710 = tpu.memref_squeeze %scatter3A_709 : memref<1x4x1024xf32, #tpu.memory_space<vmem>> -> memref<4x1024xf32, #tpu.memory_space<vmem>>
        tpu.vector_store_idx %scatter3A_710[%add3A_625, %add3A_706], %gather3A_705 : memref<4x1024xf32, #tpu.memory_space<vmem>>[vector<16xi32>, vector<16xi32>], vector<16xf32>,
        %add3A_711 = arith.constant 176 : i32
        %add3A_712 = arith.addi %add3A_711, %scan3A_484 : i32
        %swap3A_713 = arith.index_cast %add3A_712 : i32 to index
        %swap3A_714 = arith.constant 0 : index
        %swap3A_715 = tpu.vector_load %arg9[%swap3A_713, %swap3A_714] {strides = array<i32>} : memref<256x16xf32, #tpu.memory_space<vmem>>, vector<16xf32>,
        tpu.vector_store %arg9[%swap3A_713, %swap3A_714], %gather3A_705 {add = true, strides = array<i32>} : memref<256x16xf32, #tpu.memory_space<vmem>>, vector<16xf32>,
        %gather3A_716 = arith.constant 0 : i32
        %gather3A_717 = arith.constant 0 : i32
        %gather3A_718 = tpu.memref_slice %arg7[%scan3A_395, %gather3A_716, %gather3A_717] : memref<5x128x32xf32, #tpu.memory_space<vmem>> -> memref<1x128x32xf32, #tpu.memory_space<vmem>>
        %gather3A_719 = tpu.memref_squeeze %gather3A_718 : memref<1x128x32xf32, #tpu.memory_space<vmem>> -> memref<128x32xf32, #tpu.memory_space<vmem>>
        %gather3A_720 = tpu.vector_load_idx %gather3A_719[%add3A_22, %add3A_622] : memref<128x32xf32, #tpu.memory_space<vmem>>[vector<16xi32>, vector<16xi32>], vector<16xf32>,
        %add3A_721 = arith.addi %shift_left3A_496, %add3A_22 : vector<16xi32>
        %scatter3A_722 = arith.constant 0 : i32
        %scatter3A_723 = arith.constant 0 : i32
        %scatter3A_724 = tpu.memref_slice %arg8[%scan3A_396, %scatter3A_722, %scatter3A_723] : memref<5x4x1024xf32, #tpu.memory_space<vmem>> -> memref<1x4x1024xf32, #tpu.memory_space<vmem>>
        %scatter3A_725 = tpu.memref_squeeze %scatter3A_724 : memref<1x4x1024xf32, #tpu.memory_space<vmem>> -> memref<4x1024xf32, #tpu.memory_space<vmem>>
        tpu.vector_store_idx %scatter3A_725[%add3A_625, %add3A_721], %gather3A_720 : memref<4x1024xf32, #tpu.memory_space<vmem>>[vector<16xi32>, vector<16xi32>], vector<16xf32>,
        %add3A_726 = arith.constant 208 : i32
        %add3A_727 = arith.addi %add3A_726, %scan3A_484 : i32
        %swap3A_728 = arith.index_cast %add3A_727 : i32 to index
        %swap3A_729 = arith.constant 0 : index
        %swap3A_730 = tpu.vector_load %arg9[%swap3A_728, %swap3A_729] {strides = array<i32>} : memref<256x16xf32, #tpu.memory_space<vmem>>, vector<16xf32>,
        tpu.vector_store %arg9[%swap3A_728, %swap3A_729], %gather3A_720 {add = true, strides = array<i32>} : memref<256x16xf32, #tpu.memory_space<vmem>>, vector<16xf32>,
        %gather3A_731 = arith.constant 0 : i32
        %gather3A_732 = arith.constant 0 : i32
        %gather3A_733 = tpu.memref_slice %arg7[%scan3A_395, %gather3A_731, %gather3A_732] : memref<5x128x32xf32, #tpu.memory_space<vmem>> -> memref<1x128x32xf32, #tpu.memory_space<vmem>>
        %gather3A_734 = tpu.memref_squeeze %gather3A_733 : memref<1x128x32xf32, #tpu.memory_space<vmem>> -> memref<128x32xf32, #tpu.memory_space<vmem>>
        %gather3A_735 = tpu.vector_load_idx %gather3A_734[%add3A_25, %add3A_622] : memref<128x32xf32, #tpu.memory_space<vmem>>[vector<16xi32>, vector<16xi32>], vector<16xf32>,
        %add3A_736 = arith.addi %shift_left3A_496, %add3A_25 : vector<16xi32>
        %scatter3A_737 = arith.constant 0 : i32
        %scatter3A_738 = arith.constant 0 : i32
        %scatter3A_739 = tpu.memref_slice %arg8[%scan3A_396, %scatter3A_737, %scatter3A_738] : memref<5x4x1024xf32, #tpu.memory_space<vmem>> -> memref<1x4x1024xf32, #tpu.memory_space<vmem>>
        %scatter3A_740 = tpu.memref_squeeze %scatter3A_739 : memref<1x4x1024xf32, #tpu.memory_space<vmem>> -> memref<4x1024xf32, #tpu.memory_space<vmem>>
        tpu.vector_store_idx %scatter3A_740[%add3A_625, %add3A_736], %gather3A_735 : memref<4x1024xf32, #tpu.memory_space<vmem>>[vector<16xi32>, vector<16xi32>], vector<16xf32>,
        %add3A_741 = arith.constant 240 : i32
        %add3A_742 = arith.addi %add3A_741, %scan3A_484 : i32
        %swap3A_743 = arith.index_cast %add3A_742 : i32 to index
        %swap3A_744 = arith.constant 0 : index
        %swap3A_745 = tpu.vector_load %arg9[%swap3A_743, %swap3A_744] {strides = array<i32>} : memref<256x16xf32, #tpu.memory_space<vmem>>, vector<16xf32>,
        tpu.vector_store %arg9[%swap3A_743, %swap3A_744], %gather3A_735 {add = true, strides = array<i32>} : memref<256x16xf32, #tpu.memory_space<vmem>>, vector<16xf32>,
        %scan3A_746 = arith.constant 0 : i32
        scf.yield %scan3A_746 : i32
      }
      %scan3A_403 = arith.constant 16 : i32
      %dma_start3A_404 = arith.constant 3 : i32
      %dma_start3A_405 = arith.constant 0 : i32
      %dma_start3A_406 = arith.constant 0 : i32
      %dma_start3A_407 = tpu.memref_slice %arg8[%dma_start3A_404, %dma_start3A_405, %dma_start3A_406] : memref<5x4x1024xf32, #tpu.memory_space<vmem>> -> memref<1x4x1024xf32, #tpu.memory_space<vmem>>
      %dma_start3A_408 = tpu.memref_squeeze %dma_start3A_407 : memref<1x4x1024xf32, #tpu.memory_space<vmem>> -> memref<4x1024xf32, #tpu.memory_space<vmem>>
      %dma_start3A_409 = arith.constant 0 : i32
      %dma_start3A_410 = arith.constant 0 : i32
      %dma_start3A_411 = tpu.memref_slice %arg4[%add3A_373, %dma_start3A_409, %add3A, %dma_start3A_410] : memref<200x4x32x1024xf32, #tpu.memory_space<hbm>> -> memref<1x4x1x1024xf32, #tpu.memory_space<hbm>>
      %dma_start3A_412 = tpu.memref_squeeze %dma_start3A_411 : memref<1x4x1x1024xf32, #tpu.memory_space<hbm>> -> memref<4x1024xf32, #tpu.memory_space<hbm>>
      %dma_start3A_413 = arith.constant 0 : i32
      %dma_start3A_414 = arith.constant 0 : i32
      %dma_start3A_415 = tpu.memref_slice %arg4[%add3A_373, %dma_start3A_413, %add3A, %dma_start3A_414] : memref<200x4x32x1024xf32, #tpu.memory_space<hbm>> -> memref<1x4x1x1024xf32, #tpu.memory_space<hbm>>
      %dma_start3A_416 = tpu.memref_squeeze %dma_start3A_415 : memref<1x4x1x1024xf32, #tpu.memory_space<hbm>> -> memref<4x1024xf32, #tpu.memory_space<hbm>>
      %dma_start3A_417 = arith.constant 0 : i32
      %dma_start3A_418 = arith.constant 0 : i32
      %dma_start3A_419 = tpu.memref_slice %arg8[%dma_start3A_404, %dma_start3A_417, %dma_start3A_418] : memref<5x4x1024xf32, #tpu.memory_space<vmem>> -> memref<1x4x1024xf32, #tpu.memory_space<vmem>>
      %dma_start3A_420 = tpu.memref_squeeze %dma_start3A_419 : memref<1x4x1024xf32, #tpu.memory_space<vmem>> -> memref<4x1024xf32, #tpu.memory_space<vmem>>
      tpu.enqueue_dma source(%dma_start3A_420 : memref<4x1024xf32, #tpu.memory_space<vmem>>) target(%dma_start3A_416 : memref<4x1024xf32, #tpu.memory_space<hbm>>) target_semaphore(%arg19 : memref<!tpu.dma_semaphore, #tpu.memory_space<semaphore_mem>>)
      %add3A_421 = arith.constant 5 : i32
      %add3A_422 = arith.addi %add3A_373, %add3A_421 : i32
      %lt3A_423 = arith.constant 200 : i32
      %lt3A_424 = arith.cmpi slt, %add3A_422, %lt3A_423 : i32
      %convert_element_type3A_425 = arith.extui %lt3A_424 : i1 to i32
      %cond3A_426 = arith.constant 0 : i32
      %cond3A_427 = arith.cmpi ne, %convert_element_type3A_425, %cond3A_426 : i32
      scf.if %cond3A_427 {
        %add3A_484 = arith.constant 5 : i32
        %add3A_485 = arith.addi %add3A_373, %add3A_484 : i32
        %jit3A = arith.constant 8 : i32
        %div3A = arith.divsi %add3A_485, %jit3A : i32
        %sign3A = arith.constant 0 : i32
        %sign3A_486 = arith.cmpi sgt, %add3A_485, %sign3A : i32
        %sign3A_487 = arith.extui %sign3A_486 : i1 to i32
        %sign3A_488 = arith.constant 0 : i32
        %sign3A_489 = arith.cmpi slt, %add3A_485, %sign3A_488 : i32
        %sign3A_490 = arith.extui %sign3A_489 : i1 to i32
        %sign3A_491 = arith.subi %sign3A_487, %sign3A_490 : i32
        %sign3A_492 = arith.constant 0 : i32
        %sign3A_493 = arith.cmpi sgt, %jit3A, %sign3A_492 : i32
        %sign3A_494 = arith.extui %sign3A_493 : i1 to i32
        %sign3A_495 = arith.constant 0 : i32
        %sign3A_496 = arith.cmpi slt, %jit3A, %sign3A_495 : i32
        %sign3A_497 = arith.extui %sign3A_496 : i1 to i32
        %sign3A_498 = arith.subi %sign3A_494, %sign3A_497 : i32
        %ne3A = arith.cmpi ne, %sign3A_491, %sign3A_498 : i32
        %rem3A = arith.remsi %add3A_485, %jit3A : i32
        %ne3A_499 = arith.constant 0 : i32
        %ne3A_500 = arith.cmpi ne, %rem3A, %ne3A_499 : i32
        %and3A = arith.andi %ne3A, %ne3A_500 : i1
        %sub3A = arith.constant 1 : i32
        %sub3A_501 = arith.subi %div3A, %sub3A : i32
        %select_n3A = arith.select %and3A, %sub3A_501, %div3A : i32
        %jit3A_502 = arith.constant 8 : i32
        %eq3A = arith.constant 0 : i32
        %eq3A_503 = arith.cmpi eq, %jit3A_502, %eq3A : i32
        %jit3A_504 = arith.constant 1 : i32
        %select_n3A_505 = arith.select %eq3A_503, %jit3A_504, %jit3A_502 : i32
        %rem3A_506 = arith.remsi %add3A_485, %select_n3A_505 : i32
        %ne3A_507 = arith.constant 0 : i32
        %ne3A_508 = arith.cmpi ne, %rem3A_506, %ne3A_507 : i32
        %lt3A_509 = arith.constant 0 : i32
        %lt3A_510 = arith.cmpi slt, %rem3A_506, %lt3A_509 : i32
        %lt3A_511 = arith.constant 0 : i32
        %lt3A_512 = arith.cmpi slt, %select_n3A_505, %lt3A_511 : i32
        %ne3A_513 = arith.xori %lt3A_510, %lt3A_512 : i1
        %and3A_514 = arith.andi %ne3A_513, %ne3A_508 : i1
        %add3A_515 = arith.addi %rem3A_506, %select_n3A_505 : i32
        %select_n3A_516 = arith.select %and3A_514, %add3A_515, %rem3A_506 : i32
        %dma_start3A_517 = arith.constant 3 : i32
        %dma_start3A_518 = arith.constant 0 : i32
        %dma_start3A_519 = arith.constant 0 : i32
        %dma_start3A_520 = tpu.memref_slice %arg7[%dma_start3A_517, %dma_start3A_518, %dma_start3A_519] : memref<5x128x32xf32, #tpu.memory_space<vmem>> -> memref<1x128x32xf32, #tpu.memory_space<vmem>>
        %dma_start3A_521 = tpu.memref_squeeze %dma_start3A_520 : memref<1x128x32xf32, #tpu.memory_space<vmem>> -> memref<128x32xf32, #tpu.memory_space<vmem>>
        %dma_start3A_522 = arith.constant 0 : i32
        %dma_start3A_523 = tpu.memref_slice %arg6[%select_n3A, %select_n3A_516, %dma_start3A_522] : memref<25x8x128xi32, #tpu.memory_space<vmem>> -> memref<1x1x128xi32, #tpu.memory_space<vmem>>
        %dma_start3A_524 = tpu.memref_squeeze %dma_start3A_523 : memref<1x1x128xi32, #tpu.memory_space<vmem>> -> memref<128xi32, #tpu.memory_space<vmem>>
        %dma_start3A_525 = arith.constant 0 : i32
        %dma_start3A_526 = arith.constant 0 : i32
        %dma_start3A_527 = tpu.memref_slice %arg3[%dma_start3A_525, %dma_start3A_526] : memref<1000000x32xf32, #tpu.memory_space<hbm>> -> memref<1000000x32xf32, #tpu.memory_space<hbm>>
        tpu.enqueue_indirect_dma source(%dma_start3A_527 : memref<1000000x32xf32, #tpu.memory_space<hbm>>) target(%dma_start3A_521 : memref<128x32xf32, #tpu.memory_space<vmem>>) offsets(%dma_start3A_524 : memref<128xi32, #tpu.memory_space<vmem>>) semaphore(%arg14 : memref<!tpu.dma_semaphore, #tpu.memory_space<semaphore_mem>>)
      } else {
      }
      %add3A_428 = arith.constant 4 : i32
      %add3A_429 = arith.addi %add3A_207, %add3A_428 : i32
      %dma_wait3A_430 = arith.constant 4 : i32
      %dma_wait3A_431 = arith.constant 0 : i32
      %dma_wait3A_432 = arith.constant 0 : i32
      %dma_wait3A_433 = tpu.memref_slice %arg7[%dma_wait3A_430, %dma_wait3A_431, %dma_wait3A_432] : memref<5x128x32xf32, #tpu.memory_space<vmem>> -> memref<1x128x32xf32, #tpu.memory_space<vmem>>
      %dma_wait3A_434 = tpu.memref_squeeze %dma_wait3A_433 : memref<1x128x32xf32, #tpu.memory_space<vmem>> -> memref<128x32xf32, #tpu.memory_space<vmem>>
      %dma_wait3A_435 = arith.constant 0 : i32
      %dma_wait3A_436 = arith.constant 0 : i32
      %dma_wait3A_437 = tpu.memref_slice %arg3[%dma_wait3A_435, %dma_wait3A_436] : memref<1000000x32xf32, #tpu.memory_space<hbm>> -> memref<128x32xf32, #tpu.memory_space<hbm>>
      %dma_wait3A_438 = arith.constant 0 : i32
      %dma_wait3A_439 = arith.constant 0 : i32
      %dma_wait3A_440 = tpu.memref_slice %arg7[%dma_wait3A_430, %dma_wait3A_438, %dma_wait3A_439] : memref<5x128x32xf32, #tpu.memory_space<vmem>> -> memref<1x128x32xf32, #tpu.memory_space<vmem>>
      %dma_wait3A_441 = tpu.memref_squeeze %dma_wait3A_440 : memref<1x128x32xf32, #tpu.memory_space<vmem>> -> memref<128x32xf32, #tpu.memory_space<vmem>>
      %dma_wait3A_442 = arith.constant 0 : i32
      %dma_wait3A_443 = arith.constant 0 : i32
      %dma_wait3A_444 = tpu.memref_slice %arg3[%dma_wait3A_442, %dma_wait3A_443] : memref<1000000x32xf32, #tpu.memory_space<hbm>> -> memref<128x32xf32, #tpu.memory_space<hbm>>
      tpu.wait_dma2 semaphore(%arg15 : memref<!tpu.dma_semaphore, #tpu.memory_space<semaphore_mem>>) src(%dma_wait3A_444 : memref<128x32xf32, #tpu.memory_space<hbm>>) dst(%dma_wait3A_441 : memref<128x32xf32, #tpu.memory_space<vmem>>)
      %ge3A_445 = arith.constant 5 : i32
      %ge3A_446 = arith.cmpi sge, %add3A_429, %ge3A_445 : i32
      %convert_element_type3A_447 = arith.extui %ge3A_446 : i1 to i32
      %cond3A_448 = arith.constant 4 : i32
      %cond3A_449 = arith.constant 0 : i32
      %cond3A_450 = arith.cmpi ne, %convert_element_type3A_447, %cond3A_449 : i32
      scf.if %cond3A_450 {
        %dma_wait3A_484 = arith.constant 0 : i32
        %dma_wait3A_485 = arith.constant 0 : i32
        %dma_wait3A_486 = arith.constant 0 : i32
        %dma_wait3A_487 = arith.constant 0 : i32
        %dma_wait3A_488 = tpu.memref_slice %arg8[%cond3A_448, %dma_wait3A_486, %dma_wait3A_487] : memref<5x4x1024xf32, #tpu.memory_space<vmem>> -> memref<1x4x1024xf32, #tpu.memory_space<vmem>>
        %dma_wait3A_489 = tpu.memref_squeeze %dma_wait3A_488 : memref<1x4x1024xf32, #tpu.memory_space<vmem>> -> memref<4x1024xf32, #tpu.memory_space<vmem>>
        %dma_wait3A_490 = arith.constant 0 : i32
        %dma_wait3A_491 = arith.constant 0 : i32
        %dma_wait3A_492 = tpu.memref_slice %arg4[%dma_wait3A_484, %dma_wait3A_490, %dma_wait3A_485, %dma_wait3A_491] : memref<200x4x32x1024xf32, #tpu.memory_space<hbm>> -> memref<1x4x1x1024xf32, #tpu.memory_space<hbm>>
        %dma_wait3A_493 = tpu.memref_squeeze %dma_wait3A_492 : memref<1x4x1x1024xf32, #tpu.memory_space<hbm>> -> memref<4x1024xf32, #tpu.memory_space<hbm>>
        %dma_wait3A_494 = arith.constant 0 : i32
        %dma_wait3A_495 = arith.constant 0 : i32
        %dma_wait3A_496 = tpu.memref_slice %arg8[%cond3A_448, %dma_wait3A_494, %dma_wait3A_495] : memref<5x4x1024xf32, #tpu.memory_space<vmem>> -> memref<1x4x1024xf32, #tpu.memory_space<vmem>>
        %dma_wait3A_497 = tpu.memref_squeeze %dma_wait3A_496 : memref<1x4x1024xf32, #tpu.memory_space<vmem>> -> memref<4x1024xf32, #tpu.memory_space<vmem>>
        %dma_wait3A_498 = arith.constant 0 : i32
        %dma_wait3A_499 = arith.constant 0 : i32
        %dma_wait3A_500 = tpu.memref_slice %arg4[%dma_wait3A_484, %dma_wait3A_498, %dma_wait3A_485, %dma_wait3A_499] : memref<200x4x32x1024xf32, #tpu.memory_space<hbm>> -> memref<1x4x1x1024xf32, #tpu.memory_space<hbm>>
        %dma_wait3A_501 = tpu.memref_squeeze %dma_wait3A_500 : memref<1x4x1x1024xf32, #tpu.memory_space<hbm>> -> memref<4x1024xf32, #tpu.memory_space<hbm>>
        tpu.wait_dma2 semaphore(%arg20 : memref<!tpu.dma_semaphore, #tpu.memory_space<semaphore_mem>>) src(%dma_wait3A_501 : memref<4x1024xf32, #tpu.memory_space<hbm>>) dst(%dma_wait3A_497 : memref<4x1024xf32, #tpu.memory_space<vmem>>)
      } else {
      }
      %scan3A_451 = arith.constant 4 : i32
      %scan3A_452 = arith.constant 4 : i32
      %scan3A_453 = arith.constant 0 : i32
      %scan3A_454 = arith.constant 0 : i32
      %scan3A_455 = arith.constant 16 : i32
      %scan3A_456 = arith.addi %scan3A_454, %scan3A_455 : i32
      %scan3A_457 = arith.constant 1 : i32
      %scan3A_458 = scf.for %scan3A_484 = %scan3A_454 to %scan3A_456 step %scan3A_457 iter_args(%scan3A_485 = %scan3A_453) -> (i32)  : i32 {
        %add3A_486 = vector.broadcast %scan3A_484 : i32 to vector<16xi32>
        %add3A_487 = arith.addi %iota3A, %add3A_486 : vector<16xi32>
        %and3A = arith.constant 15 : i32
        %and3A_488 = vector.broadcast %and3A : i32 to vector<16xi32>
        %and3A_489 = arith.andi %add3A_487, %and3A_488 : vector<16xi32>
        %shift_right_arithmetic3A = arith.constant 3 : i32
        %shift_right_arithmetic3A_490 = vector.broadcast %shift_right_arithmetic3A : i32 to vector<16xi32>
        %shift_right_arithmetic3A_491 = arith.shrsi %and3A_489, %shift_right_arithmetic3A_490 : vector<16xi32>
        %and3A_492 = arith.constant 7 : i32
        %and3A_493 = vector.broadcast %and3A_492 : i32 to vector<16xi32>
        %and3A_494 = arith.andi %and3A_489, %and3A_493 : vector<16xi32>
        %shift_left3A = arith.constant 7 : i32
        %shift_left3A_495 = vector.broadcast %shift_left3A : i32 to vector<16xi32>
        %shift_left3A_496 = arith.shli %and3A_494, %shift_left3A_495 : vector<16xi32>
        %add3A_497 = arith.constant 0 : i32
        %add3A_498 = vector.broadcast %add3A_497 : i32 to vector<16xi32>
        %add3A_499 = arith.addi %add3A_498, %and3A_489 : vector<16xi32>
        %add3A_500 = arith.constant 0 : i32
        %add3A_501 = vector.broadcast %add3A_500 : i32 to vector<16xi32>
        %add3A_502 = arith.addi %add3A_501, %shift_right_arithmetic3A_491 : vector<16xi32>
        %gather3A = arith.constant 0 : i32
        %gather3A_503 = arith.constant 0 : i32
        %gather3A_504 = tpu.memref_slice %arg7[%scan3A_451, %gather3A, %gather3A_503] : memref<5x128x32xf32, #tpu.memory_space<vmem>> -> memref<1x128x32xf32, #tpu.memory_space<vmem>>
        %gather3A_505 = tpu.memref_squeeze %gather3A_504 : memref<1x128x32xf32, #tpu.memory_space<vmem>> -> memref<128x32xf32, #tpu.memory_space<vmem>>
        %gather3A_506 = tpu.vector_load_idx %gather3A_505[%add3A_4, %add3A_499] : memref<128x32xf32, #tpu.memory_space<vmem>>[vector<16xi32>, vector<16xi32>], vector<16xf32>,
        %add3A_507 = arith.addi %shift_left3A_496, %add3A_4 : vector<16xi32>
        %scatter3A = arith.constant 0 : i32
        %scatter3A_508 = arith.constant 0 : i32
        %scatter3A_509 = tpu.memref_slice %arg8[%scan3A_452, %scatter3A, %scatter3A_508] : memref<5x4x1024xf32, #tpu.memory_space<vmem>> -> memref<1x4x1024xf32, #tpu.memory_space<vmem>>
        %scatter3A_510 = tpu.memref_squeeze %scatter3A_509 : memref<1x4x1024xf32, #tpu.memory_space<vmem>> -> memref<4x1024xf32, #tpu.memory_space<vmem>>
        tpu.vector_store_idx %scatter3A_510[%add3A_502, %add3A_507], %gather3A_506 : memref<4x1024xf32, #tpu.memory_space<vmem>>[vector<16xi32>, vector<16xi32>], vector<16xf32>,
        %add3A_511 = arith.constant 0 : i32
        %add3A_512 = arith.addi %add3A_511, %scan3A_484 : i32
        %swap3A = arith.index_cast %add3A_512 : i32 to index
        %swap3A_513 = arith.constant 0 : index
        %swap3A_514 = tpu.vector_load %arg9[%swap3A, %swap3A_513] {strides = array<i32>} : memref<256x16xf32, #tpu.memory_space<vmem>>, vector<16xf32>,
        tpu.vector_store %arg9[%swap3A, %swap3A_513], %gather3A_506 {add = true, strides = array<i32>} : memref<256x16xf32, #tpu.memory_space<vmem>>, vector<16xf32>,
        %gather3A_515 = arith.constant 0 : i32
        %gather3A_516 = arith.constant 0 : i32
        %gather3A_517 = tpu.memref_slice %arg7[%scan3A_451, %gather3A_515, %gather3A_516] : memref<5x128x32xf32, #tpu.memory_space<vmem>> -> memref<1x128x32xf32, #tpu.memory_space<vmem>>
        %gather3A_518 = tpu.memref_squeeze %gather3A_517 : memref<1x128x32xf32, #tpu.memory_space<vmem>> -> memref<128x32xf32, #tpu.memory_space<vmem>>
        %gather3A_519 = tpu.vector_load_idx %gather3A_518[%add3A_7, %add3A_499] : memref<128x32xf32, #tpu.memory_space<vmem>>[vector<16xi32>, vector<16xi32>], vector<16xf32>,
        %add3A_520 = arith.addi %shift_left3A_496, %add3A_7 : vector<16xi32>
        %scatter3A_521 = arith.constant 0 : i32
        %scatter3A_522 = arith.constant 0 : i32
        %scatter3A_523 = tpu.memref_slice %arg8[%scan3A_452, %scatter3A_521, %scatter3A_522] : memref<5x4x1024xf32, #tpu.memory_space<vmem>> -> memref<1x4x1024xf32, #tpu.memory_space<vmem>>
        %scatter3A_524 = tpu.memref_squeeze %scatter3A_523 : memref<1x4x1024xf32, #tpu.memory_space<vmem>> -> memref<4x1024xf32, #tpu.memory_space<vmem>>
        tpu.vector_store_idx %scatter3A_524[%add3A_502, %add3A_520], %gather3A_519 : memref<4x1024xf32, #tpu.memory_space<vmem>>[vector<16xi32>, vector<16xi32>], vector<16xf32>,
        %add3A_525 = arith.constant 32 : i32
        %add3A_526 = arith.addi %add3A_525, %scan3A_484 : i32
        %swap3A_527 = arith.index_cast %add3A_526 : i32 to index
        %swap3A_528 = arith.constant 0 : index
        %swap3A_529 = tpu.vector_load %arg9[%swap3A_527, %swap3A_528] {strides = array<i32>} : memref<256x16xf32, #tpu.memory_space<vmem>>, vector<16xf32>,
        tpu.vector_store %arg9[%swap3A_527, %swap3A_528], %gather3A_519 {add = true, strides = array<i32>} : memref<256x16xf32, #tpu.memory_space<vmem>>, vector<16xf32>,
        %gather3A_530 = arith.constant 0 : i32
        %gather3A_531 = arith.constant 0 : i32
        %gather3A_532 = tpu.memref_slice %arg7[%scan3A_451, %gather3A_530, %gather3A_531] : memref<5x128x32xf32, #tpu.memory_space<vmem>> -> memref<1x128x32xf32, #tpu.memory_space<vmem>>
        %gather3A_533 = tpu.memref_squeeze %gather3A_532 : memref<1x128x32xf32, #tpu.memory_space<vmem>> -> memref<128x32xf32, #tpu.memory_space<vmem>>
        %gather3A_534 = tpu.vector_load_idx %gather3A_533[%add3A_10, %add3A_499] : memref<128x32xf32, #tpu.memory_space<vmem>>[vector<16xi32>, vector<16xi32>], vector<16xf32>,
        %add3A_535 = arith.addi %shift_left3A_496, %add3A_10 : vector<16xi32>
        %scatter3A_536 = arith.constant 0 : i32
        %scatter3A_537 = arith.constant 0 : i32
        %scatter3A_538 = tpu.memref_slice %arg8[%scan3A_452, %scatter3A_536, %scatter3A_537] : memref<5x4x1024xf32, #tpu.memory_space<vmem>> -> memref<1x4x1024xf32, #tpu.memory_space<vmem>>
        %scatter3A_539 = tpu.memref_squeeze %scatter3A_538 : memref<1x4x1024xf32, #tpu.memory_space<vmem>> -> memref<4x1024xf32, #tpu.memory_space<vmem>>
        tpu.vector_store_idx %scatter3A_539[%add3A_502, %add3A_535], %gather3A_534 : memref<4x1024xf32, #tpu.memory_space<vmem>>[vector<16xi32>, vector<16xi32>], vector<16xf32>,
        %add3A_540 = arith.constant 64 : i32
        %add3A_541 = arith.addi %add3A_540, %scan3A_484 : i32
        %swap3A_542 = arith.index_cast %add3A_541 : i32 to index
        %swap3A_543 = arith.constant 0 : index
        %swap3A_544 = tpu.vector_load %arg9[%swap3A_542, %swap3A_543] {strides = array<i32>} : memref<256x16xf32, #tpu.memory_space<vmem>>, vector<16xf32>,
        tpu.vector_store %arg9[%swap3A_542, %swap3A_543], %gather3A_534 {add = true, strides = array<i32>} : memref<256x16xf32, #tpu.memory_space<vmem>>, vector<16xf32>,
        %gather3A_545 = arith.constant 0 : i32
        %gather3A_546 = arith.constant 0 : i32
        %gather3A_547 = tpu.memref_slice %arg7[%scan3A_451, %gather3A_545, %gather3A_546] : memref<5x128x32xf32, #tpu.memory_space<vmem>> -> memref<1x128x32xf32, #tpu.memory_space<vmem>>
        %gather3A_548 = tpu.memref_squeeze %gather3A_547 : memref<1x128x32xf32, #tpu.memory_space<vmem>> -> memref<128x32xf32, #tpu.memory_space<vmem>>
        %gather3A_549 = tpu.vector_load_idx %gather3A_548[%add3A_13, %add3A_499] : memref<128x32xf32, #tpu.memory_space<vmem>>[vector<16xi32>, vector<16xi32>], vector<16xf32>,
        %add3A_550 = arith.addi %shift_left3A_496, %add3A_13 : vector<16xi32>
        %scatter3A_551 = arith.constant 0 : i32
        %scatter3A_552 = arith.constant 0 : i32
        %scatter3A_553 = tpu.memref_slice %arg8[%scan3A_452, %scatter3A_551, %scatter3A_552] : memref<5x4x1024xf32, #tpu.memory_space<vmem>> -> memref<1x4x1024xf32, #tpu.memory_space<vmem>>
        %scatter3A_554 = tpu.memref_squeeze %scatter3A_553 : memref<1x4x1024xf32, #tpu.memory_space<vmem>> -> memref<4x1024xf32, #tpu.memory_space<vmem>>
        tpu.vector_store_idx %scatter3A_554[%add3A_502, %add3A_550], %gather3A_549 : memref<4x1024xf32, #tpu.memory_space<vmem>>[vector<16xi32>, vector<16xi32>], vector<16xf32>,
        %add3A_555 = arith.constant 96 : i32
        %add3A_556 = arith.addi %add3A_555, %scan3A_484 : i32
        %swap3A_557 = arith.index_cast %add3A_556 : i32 to index
        %swap3A_558 = arith.constant 0 : index
        %swap3A_559 = tpu.vector_load %arg9[%swap3A_557, %swap3A_558] {strides = array<i32>} : memref<256x16xf32, #tpu.memory_space<vmem>>, vector<16xf32>,
        tpu.vector_store %arg9[%swap3A_557, %swap3A_558], %gather3A_549 {add = true, strides = array<i32>} : memref<256x16xf32, #tpu.memory_space<vmem>>, vector<16xf32>,
        %gather3A_560 = arith.constant 0 : i32
        %gather3A_561 = arith.constant 0 : i32
        %gather3A_562 = tpu.memref_slice %arg7[%scan3A_451, %gather3A_560, %gather3A_561] : memref<5x128x32xf32, #tpu.memory_space<vmem>> -> memref<1x128x32xf32, #tpu.memory_space<vmem>>
        %gather3A_563 = tpu.memref_squeeze %gather3A_562 : memref<1x128x32xf32, #tpu.memory_space<vmem>> -> memref<128x32xf32, #tpu.memory_space<vmem>>
        %gather3A_564 = tpu.vector_load_idx %gather3A_563[%add3A_16, %add3A_499] : memref<128x32xf32, #tpu.memory_space<vmem>>[vector<16xi32>, vector<16xi32>], vector<16xf32>,
        %add3A_565 = arith.addi %shift_left3A_496, %add3A_16 : vector<16xi32>
        %scatter3A_566 = arith.constant 0 : i32
        %scatter3A_567 = arith.constant 0 : i32
        %scatter3A_568 = tpu.memref_slice %arg8[%scan3A_452, %scatter3A_566, %scatter3A_567] : memref<5x4x1024xf32, #tpu.memory_space<vmem>> -> memref<1x4x1024xf32, #tpu.memory_space<vmem>>
        %scatter3A_569 = tpu.memref_squeeze %scatter3A_568 : memref<1x4x1024xf32, #tpu.memory_space<vmem>> -> memref<4x1024xf32, #tpu.memory_space<vmem>>
        tpu.vector_store_idx %scatter3A_569[%add3A_502, %add3A_565], %gather3A_564 : memref<4x1024xf32, #tpu.memory_space<vmem>>[vector<16xi32>, vector<16xi32>], vector<16xf32>,
        %add3A_570 = arith.constant 128 : i32
        %add3A_571 = arith.addi %add3A_570, %scan3A_484 : i32
        %swap3A_572 = arith.index_cast %add3A_571 : i32 to index
        %swap3A_573 = arith.constant 0 : index
        %swap3A_574 = tpu.vector_load %arg9[%swap3A_572, %swap3A_573] {strides = array<i32>} : memref<256x16xf32, #tpu.memory_space<vmem>>, vector<16xf32>,
        tpu.vector_store %arg9[%swap3A_572, %swap3A_573], %gather3A_564 {add = true, strides = array<i32>} : memref<256x16xf32, #tpu.memory_space<vmem>>, vector<16xf32>,
        %gather3A_575 = arith.constant 0 : i32
        %gather3A_576 = arith.constant 0 : i32
        %gather3A_577 = tpu.memref_slice %arg7[%scan3A_451, %gather3A_575, %gather3A_576] : memref<5x128x32xf32, #tpu.memory_space<vmem>> -> memref<1x128x32xf32, #tpu.memory_space<vmem>>
        %gather3A_578 = tpu.memref_squeeze %gather3A_577 : memref<1x128x32xf32, #tpu.memory_space<vmem>> -> memref<128x32xf32, #tpu.memory_space<vmem>>
        %gather3A_579 = tpu.vector_load_idx %gather3A_578[%add3A_19, %add3A_499] : memref<128x32xf32, #tpu.memory_space<vmem>>[vector<16xi32>, vector<16xi32>], vector<16xf32>,
        %add3A_580 = arith.addi %shift_left3A_496, %add3A_19 : vector<16xi32>
        %scatter3A_581 = arith.constant 0 : i32
        %scatter3A_582 = arith.constant 0 : i32
        %scatter3A_583 = tpu.memref_slice %arg8[%scan3A_452, %scatter3A_581, %scatter3A_582] : memref<5x4x1024xf32, #tpu.memory_space<vmem>> -> memref<1x4x1024xf32, #tpu.memory_space<vmem>>
        %scatter3A_584 = tpu.memref_squeeze %scatter3A_583 : memref<1x4x1024xf32, #tpu.memory_space<vmem>> -> memref<4x1024xf32, #tpu.memory_space<vmem>>
        tpu.vector_store_idx %scatter3A_584[%add3A_502, %add3A_580], %gather3A_579 : memref<4x1024xf32, #tpu.memory_space<vmem>>[vector<16xi32>, vector<16xi32>], vector<16xf32>,
        %add3A_585 = arith.constant 160 : i32
        %add3A_586 = arith.addi %add3A_585, %scan3A_484 : i32
        %swap3A_587 = arith.index_cast %add3A_586 : i32 to index
        %swap3A_588 = arith.constant 0 : index
        %swap3A_589 = tpu.vector_load %arg9[%swap3A_587, %swap3A_588] {strides = array<i32>} : memref<256x16xf32, #tpu.memory_space<vmem>>, vector<16xf32>,
        tpu.vector_store %arg9[%swap3A_587, %swap3A_588], %gather3A_579 {add = true, strides = array<i32>} : memref<256x16xf32, #tpu.memory_space<vmem>>, vector<16xf32>,
        %gather3A_590 = arith.constant 0 : i32
        %gather3A_591 = arith.constant 0 : i32
        %gather3A_592 = tpu.memref_slice %arg7[%scan3A_451, %gather3A_590, %gather3A_591] : memref<5x128x32xf32, #tpu.memory_space<vmem>> -> memref<1x128x32xf32, #tpu.memory_space<vmem>>
        %gather3A_593 = tpu.memref_squeeze %gather3A_592 : memref<1x128x32xf32, #tpu.memory_space<vmem>> -> memref<128x32xf32, #tpu.memory_space<vmem>>
        %gather3A_594 = tpu.vector_load_idx %gather3A_593[%add3A_22, %add3A_499] : memref<128x32xf32, #tpu.memory_space<vmem>>[vector<16xi32>, vector<16xi32>], vector<16xf32>,
        %add3A_595 = arith.addi %shift_left3A_496, %add3A_22 : vector<16xi32>
        %scatter3A_596 = arith.constant 0 : i32
        %scatter3A_597 = arith.constant 0 : i32
        %scatter3A_598 = tpu.memref_slice %arg8[%scan3A_452, %scatter3A_596, %scatter3A_597] : memref<5x4x1024xf32, #tpu.memory_space<vmem>> -> memref<1x4x1024xf32, #tpu.memory_space<vmem>>
        %scatter3A_599 = tpu.memref_squeeze %scatter3A_598 : memref<1x4x1024xf32, #tpu.memory_space<vmem>> -> memref<4x1024xf32, #tpu.memory_space<vmem>>
        tpu.vector_store_idx %scatter3A_599[%add3A_502, %add3A_595], %gather3A_594 : memref<4x1024xf32, #tpu.memory_space<vmem>>[vector<16xi32>, vector<16xi32>], vector<16xf32>,
        %add3A_600 = arith.constant 192 : i32
        %add3A_601 = arith.addi %add3A_600, %scan3A_484 : i32
        %swap3A_602 = arith.index_cast %add3A_601 : i32 to index
        %swap3A_603 = arith.constant 0 : index
        %swap3A_604 = tpu.vector_load %arg9[%swap3A_602, %swap3A_603] {strides = array<i32>} : memref<256x16xf32, #tpu.memory_space<vmem>>, vector<16xf32>,
        tpu.vector_store %arg9[%swap3A_602, %swap3A_603], %gather3A_594 {add = true, strides = array<i32>} : memref<256x16xf32, #tpu.memory_space<vmem>>, vector<16xf32>,
        %gather3A_605 = arith.constant 0 : i32
        %gather3A_606 = arith.constant 0 : i32
        %gather3A_607 = tpu.memref_slice %arg7[%scan3A_451, %gather3A_605, %gather3A_606] : memref<5x128x32xf32, #tpu.memory_space<vmem>> -> memref<1x128x32xf32, #tpu.memory_space<vmem>>
        %gather3A_608 = tpu.memref_squeeze %gather3A_607 : memref<1x128x32xf32, #tpu.memory_space<vmem>> -> memref<128x32xf32, #tpu.memory_space<vmem>>
        %gather3A_609 = tpu.vector_load_idx %gather3A_608[%add3A_25, %add3A_499] : memref<128x32xf32, #tpu.memory_space<vmem>>[vector<16xi32>, vector<16xi32>], vector<16xf32>,
        %add3A_610 = arith.addi %shift_left3A_496, %add3A_25 : vector<16xi32>
        %scatter3A_611 = arith.constant 0 : i32
        %scatter3A_612 = arith.constant 0 : i32
        %scatter3A_613 = tpu.memref_slice %arg8[%scan3A_452, %scatter3A_611, %scatter3A_612] : memref<5x4x1024xf32, #tpu.memory_space<vmem>> -> memref<1x4x1024xf32, #tpu.memory_space<vmem>>
        %scatter3A_614 = tpu.memref_squeeze %scatter3A_613 : memref<1x4x1024xf32, #tpu.memory_space<vmem>> -> memref<4x1024xf32, #tpu.memory_space<vmem>>
        tpu.vector_store_idx %scatter3A_614[%add3A_502, %add3A_610], %gather3A_609 : memref<4x1024xf32, #tpu.memory_space<vmem>>[vector<16xi32>, vector<16xi32>], vector<16xf32>,
        %add3A_615 = arith.constant 224 : i32
        %add3A_616 = arith.addi %add3A_615, %scan3A_484 : i32
        %swap3A_617 = arith.index_cast %add3A_616 : i32 to index
        %swap3A_618 = arith.constant 0 : index
        %swap3A_619 = tpu.vector_load %arg9[%swap3A_617, %swap3A_618] {strides = array<i32>} : memref<256x16xf32, #tpu.memory_space<vmem>>, vector<16xf32>,
        tpu.vector_store %arg9[%swap3A_617, %swap3A_618], %gather3A_609 {add = true, strides = array<i32>} : memref<256x16xf32, #tpu.memory_space<vmem>>, vector<16xf32>,
        %add3A_620 = arith.constant 16 : i32
        %add3A_621 = vector.broadcast %add3A_620 : i32 to vector<16xi32>
        %add3A_622 = arith.addi %add3A_621, %and3A_489 : vector<16xi32>
        %add3A_623 = arith.constant 2 : i32
        %add3A_624 = vector.broadcast %add3A_623 : i32 to vector<16xi32>
        %add3A_625 = arith.addi %add3A_624, %shift_right_arithmetic3A_491 : vector<16xi32>
        %gather3A_626 = arith.constant 0 : i32
        %gather3A_627 = arith.constant 0 : i32
        %gather3A_628 = tpu.memref_slice %arg7[%scan3A_451, %gather3A_626, %gather3A_627] : memref<5x128x32xf32, #tpu.memory_space<vmem>> -> memref<1x128x32xf32, #tpu.memory_space<vmem>>
        %gather3A_629 = tpu.memref_squeeze %gather3A_628 : memref<1x128x32xf32, #tpu.memory_space<vmem>> -> memref<128x32xf32, #tpu.memory_space<vmem>>
        %gather3A_630 = tpu.vector_load_idx %gather3A_629[%add3A_4, %add3A_622] : memref<128x32xf32, #tpu.memory_space<vmem>>[vector<16xi32>, vector<16xi32>], vector<16xf32>,
        %add3A_631 = arith.addi %shift_left3A_496, %add3A_4 : vector<16xi32>
        %scatter3A_632 = arith.constant 0 : i32
        %scatter3A_633 = arith.constant 0 : i32
        %scatter3A_634 = tpu.memref_slice %arg8[%scan3A_452, %scatter3A_632, %scatter3A_633] : memref<5x4x1024xf32, #tpu.memory_space<vmem>> -> memref<1x4x1024xf32, #tpu.memory_space<vmem>>
        %scatter3A_635 = tpu.memref_squeeze %scatter3A_634 : memref<1x4x1024xf32, #tpu.memory_space<vmem>> -> memref<4x1024xf32, #tpu.memory_space<vmem>>
        tpu.vector_store_idx %scatter3A_635[%add3A_625, %add3A_631], %gather3A_630 : memref<4x1024xf32, #tpu.memory_space<vmem>>[vector<16xi32>, vector<16xi32>], vector<16xf32>,
        %add3A_636 = arith.constant 16 : i32
        %add3A_637 = arith.addi %add3A_636, %scan3A_484 : i32
        %swap3A_638 = arith.index_cast %add3A_637 : i32 to index
        %swap3A_639 = arith.constant 0 : index
        %swap3A_640 = tpu.vector_load %arg9[%swap3A_638, %swap3A_639] {strides = array<i32>} : memref<256x16xf32, #tpu.memory_space<vmem>>, vector<16xf32>,
        tpu.vector_store %arg9[%swap3A_638, %swap3A_639], %gather3A_630 {add = true, strides = array<i32>} : memref<256x16xf32, #tpu.memory_space<vmem>>, vector<16xf32>,
        %gather3A_641 = arith.constant 0 : i32
        %gather3A_642 = arith.constant 0 : i32
        %gather3A_643 = tpu.memref_slice %arg7[%scan3A_451, %gather3A_641, %gather3A_642] : memref<5x128x32xf32, #tpu.memory_space<vmem>> -> memref<1x128x32xf32, #tpu.memory_space<vmem>>
        %gather3A_644 = tpu.memref_squeeze %gather3A_643 : memref<1x128x32xf32, #tpu.memory_space<vmem>> -> memref<128x32xf32, #tpu.memory_space<vmem>>
        %gather3A_645 = tpu.vector_load_idx %gather3A_644[%add3A_7, %add3A_622] : memref<128x32xf32, #tpu.memory_space<vmem>>[vector<16xi32>, vector<16xi32>], vector<16xf32>,
        %add3A_646 = arith.addi %shift_left3A_496, %add3A_7 : vector<16xi32>
        %scatter3A_647 = arith.constant 0 : i32
        %scatter3A_648 = arith.constant 0 : i32
        %scatter3A_649 = tpu.memref_slice %arg8[%scan3A_452, %scatter3A_647, %scatter3A_648] : memref<5x4x1024xf32, #tpu.memory_space<vmem>> -> memref<1x4x1024xf32, #tpu.memory_space<vmem>>
        %scatter3A_650 = tpu.memref_squeeze %scatter3A_649 : memref<1x4x1024xf32, #tpu.memory_space<vmem>> -> memref<4x1024xf32, #tpu.memory_space<vmem>>
        tpu.vector_store_idx %scatter3A_650[%add3A_625, %add3A_646], %gather3A_645 : memref<4x1024xf32, #tpu.memory_space<vmem>>[vector<16xi32>, vector<16xi32>], vector<16xf32>,
        %add3A_651 = arith.constant 48 : i32
        %add3A_652 = arith.addi %add3A_651, %scan3A_484 : i32
        %swap3A_653 = arith.index_cast %add3A_652 : i32 to index
        %swap3A_654 = arith.constant 0 : index
        %swap3A_655 = tpu.vector_load %arg9[%swap3A_653, %swap3A_654] {strides = array<i32>} : memref<256x16xf32, #tpu.memory_space<vmem>>, vector<16xf32>,
        tpu.vector_store %arg9[%swap3A_653, %swap3A_654], %gather3A_645 {add = true, strides = array<i32>} : memref<256x16xf32, #tpu.memory_space<vmem>>, vector<16xf32>,
        %gather3A_656 = arith.constant 0 : i32
        %gather3A_657 = arith.constant 0 : i32
        %gather3A_658 = tpu.memref_slice %arg7[%scan3A_451, %gather3A_656, %gather3A_657] : memref<5x128x32xf32, #tpu.memory_space<vmem>> -> memref<1x128x32xf32, #tpu.memory_space<vmem>>
        %gather3A_659 = tpu.memref_squeeze %gather3A_658 : memref<1x128x32xf32, #tpu.memory_space<vmem>> -> memref<128x32xf32, #tpu.memory_space<vmem>>
        %gather3A_660 = tpu.vector_load_idx %gather3A_659[%add3A_10, %add3A_622] : memref<128x32xf32, #tpu.memory_space<vmem>>[vector<16xi32>, vector<16xi32>], vector<16xf32>,
        %add3A_661 = arith.addi %shift_left3A_496, %add3A_10 : vector<16xi32>
        %scatter3A_662 = arith.constant 0 : i32
        %scatter3A_663 = arith.constant 0 : i32
        %scatter3A_664 = tpu.memref_slice %arg8[%scan3A_452, %scatter3A_662, %scatter3A_663] : memref<5x4x1024xf32, #tpu.memory_space<vmem>> -> memref<1x4x1024xf32, #tpu.memory_space<vmem>>
        %scatter3A_665 = tpu.memref_squeeze %scatter3A_664 : memref<1x4x1024xf32, #tpu.memory_space<vmem>> -> memref<4x1024xf32, #tpu.memory_space<vmem>>
        tpu.vector_store_idx %scatter3A_665[%add3A_625, %add3A_661], %gather3A_660 : memref<4x1024xf32, #tpu.memory_space<vmem>>[vector<16xi32>, vector<16xi32>], vector<16xf32>,
        %add3A_666 = arith.constant 80 : i32
        %add3A_667 = arith.addi %add3A_666, %scan3A_484 : i32
        %swap3A_668 = arith.index_cast %add3A_667 : i32 to index
        %swap3A_669 = arith.constant 0 : index
        %swap3A_670 = tpu.vector_load %arg9[%swap3A_668, %swap3A_669] {strides = array<i32>} : memref<256x16xf32, #tpu.memory_space<vmem>>, vector<16xf32>,
        tpu.vector_store %arg9[%swap3A_668, %swap3A_669], %gather3A_660 {add = true, strides = array<i32>} : memref<256x16xf32, #tpu.memory_space<vmem>>, vector<16xf32>,
        %gather3A_671 = arith.constant 0 : i32
        %gather3A_672 = arith.constant 0 : i32
        %gather3A_673 = tpu.memref_slice %arg7[%scan3A_451, %gather3A_671, %gather3A_672] : memref<5x128x32xf32, #tpu.memory_space<vmem>> -> memref<1x128x32xf32, #tpu.memory_space<vmem>>
        %gather3A_674 = tpu.memref_squeeze %gather3A_673 : memref<1x128x32xf32, #tpu.memory_space<vmem>> -> memref<128x32xf32, #tpu.memory_space<vmem>>
        %gather3A_675 = tpu.vector_load_idx %gather3A_674[%add3A_13, %add3A_622] : memref<128x32xf32, #tpu.memory_space<vmem>>[vector<16xi32>, vector<16xi32>], vector<16xf32>,
        %add3A_676 = arith.addi %shift_left3A_496, %add3A_13 : vector<16xi32>
        %scatter3A_677 = arith.constant 0 : i32
        %scatter3A_678 = arith.constant 0 : i32
        %scatter3A_679 = tpu.memref_slice %arg8[%scan3A_452, %scatter3A_677, %scatter3A_678] : memref<5x4x1024xf32, #tpu.memory_space<vmem>> -> memref<1x4x1024xf32, #tpu.memory_space<vmem>>
        %scatter3A_680 = tpu.memref_squeeze %scatter3A_679 : memref<1x4x1024xf32, #tpu.memory_space<vmem>> -> memref<4x1024xf32, #tpu.memory_space<vmem>>
        tpu.vector_store_idx %scatter3A_680[%add3A_625, %add3A_676], %gather3A_675 : memref<4x1024xf32, #tpu.memory_space<vmem>>[vector<16xi32>, vector<16xi32>], vector<16xf32>,
        %add3A_681 = arith.constant 112 : i32
        %add3A_682 = arith.addi %add3A_681, %scan3A_484 : i32
        %swap3A_683 = arith.index_cast %add3A_682 : i32 to index
        %swap3A_684 = arith.constant 0 : index
        %swap3A_685 = tpu.vector_load %arg9[%swap3A_683, %swap3A_684] {strides = array<i32>} : memref<256x16xf32, #tpu.memory_space<vmem>>, vector<16xf32>,
        tpu.vector_store %arg9[%swap3A_683, %swap3A_684], %gather3A_675 {add = true, strides = array<i32>} : memref<256x16xf32, #tpu.memory_space<vmem>>, vector<16xf32>,
        %gather3A_686 = arith.constant 0 : i32
        %gather3A_687 = arith.constant 0 : i32
        %gather3A_688 = tpu.memref_slice %arg7[%scan3A_451, %gather3A_686, %gather3A_687] : memref<5x128x32xf32, #tpu.memory_space<vmem>> -> memref<1x128x32xf32, #tpu.memory_space<vmem>>
        %gather3A_689 = tpu.memref_squeeze %gather3A_688 : memref<1x128x32xf32, #tpu.memory_space<vmem>> -> memref<128x32xf32, #tpu.memory_space<vmem>>
        %gather3A_690 = tpu.vector_load_idx %gather3A_689[%add3A_16, %add3A_622] : memref<128x32xf32, #tpu.memory_space<vmem>>[vector<16xi32>, vector<16xi32>], vector<16xf32>,
        %add3A_691 = arith.addi %shift_left3A_496, %add3A_16 : vector<16xi32>
        %scatter3A_692 = arith.constant 0 : i32
        %scatter3A_693 = arith.constant 0 : i32
        %scatter3A_694 = tpu.memref_slice %arg8[%scan3A_452, %scatter3A_692, %scatter3A_693] : memref<5x4x1024xf32, #tpu.memory_space<vmem>> -> memref<1x4x1024xf32, #tpu.memory_space<vmem>>
        %scatter3A_695 = tpu.memref_squeeze %scatter3A_694 : memref<1x4x1024xf32, #tpu.memory_space<vmem>> -> memref<4x1024xf32, #tpu.memory_space<vmem>>
        tpu.vector_store_idx %scatter3A_695[%add3A_625, %add3A_691], %gather3A_690 : memref<4x1024xf32, #tpu.memory_space<vmem>>[vector<16xi32>, vector<16xi32>], vector<16xf32>,
        %add3A_696 = arith.constant 144 : i32
        %add3A_697 = arith.addi %add3A_696, %scan3A_484 : i32
        %swap3A_698 = arith.index_cast %add3A_697 : i32 to index
        %swap3A_699 = arith.constant 0 : index
        %swap3A_700 = tpu.vector_load %arg9[%swap3A_698, %swap3A_699] {strides = array<i32>} : memref<256x16xf32, #tpu.memory_space<vmem>>, vector<16xf32>,
        tpu.vector_store %arg9[%swap3A_698, %swap3A_699], %gather3A_690 {add = true, strides = array<i32>} : memref<256x16xf32, #tpu.memory_space<vmem>>, vector<16xf32>,
        %gather3A_701 = arith.constant 0 : i32
        %gather3A_702 = arith.constant 0 : i32
        %gather3A_703 = tpu.memref_slice %arg7[%scan3A_451, %gather3A_701, %gather3A_702] : memref<5x128x32xf32, #tpu.memory_space<vmem>> -> memref<1x128x32xf32, #tpu.memory_space<vmem>>
        %gather3A_704 = tpu.memref_squeeze %gather3A_703 : memref<1x128x32xf32, #tpu.memory_space<vmem>> -> memref<128x32xf32, #tpu.memory_space<vmem>>
        %gather3A_705 = tpu.vector_load_idx %gather3A_704[%add3A_19, %add3A_622] : memref<128x32xf32, #tpu.memory_space<vmem>>[vector<16xi32>, vector<16xi32>], vector<16xf32>,
        %add3A_706 = arith.addi %shift_left3A_496, %add3A_19 : vector<16xi32>
        %scatter3A_707 = arith.constant 0 : i32
        %scatter3A_708 = arith.constant 0 : i32
        %scatter3A_709 = tpu.memref_slice %arg8[%scan3A_452, %scatter3A_707, %scatter3A_708] : memref<5x4x1024xf32, #tpu.memory_space<vmem>> -> memref<1x4x1024xf32, #tpu.memory_space<vmem>>
        %scatter3A_710 = tpu.memref_squeeze %scatter3A_709 : memref<1x4x1024xf32, #tpu.memory_space<vmem>> -> memref<4x1024xf32, #tpu.memory_space<vmem>>
        tpu.vector_store_idx %scatter3A_710[%add3A_625, %add3A_706], %gather3A_705 : memref<4x1024xf32, #tpu.memory_space<vmem>>[vector<16xi32>, vector<16xi32>], vector<16xf32>,
        %add3A_711 = arith.constant 176 : i32
        %add3A_712 = arith.addi %add3A_711, %scan3A_484 : i32
        %swap3A_713 = arith.index_cast %add3A_712 : i32 to index
        %swap3A_714 = arith.constant 0 : index
        %swap3A_715 = tpu.vector_load %arg9[%swap3A_713, %swap3A_714] {strides = array<i32>} : memref<256x16xf32, #tpu.memory_space<vmem>>, vector<16xf32>,
        tpu.vector_store %arg9[%swap3A_713, %swap3A_714], %gather3A_705 {add = true, strides = array<i32>} : memref<256x16xf32, #tpu.memory_space<vmem>>, vector<16xf32>,
        %gather3A_716 = arith.constant 0 : i32
        %gather3A_717 = arith.constant 0 : i32
        %gather3A_718 = tpu.memref_slice %arg7[%scan3A_451, %gather3A_716, %gather3A_717] : memref<5x128x32xf32, #tpu.memory_space<vmem>> -> memref<1x128x32xf32, #tpu.memory_space<vmem>>
        %gather3A_719 = tpu.memref_squeeze %gather3A_718 : memref<1x128x32xf32, #tpu.memory_space<vmem>> -> memref<128x32xf32, #tpu.memory_space<vmem>>
        %gather3A_720 = tpu.vector_load_idx %gather3A_719[%add3A_22, %add3A_622] : memref<128x32xf32, #tpu.memory_space<vmem>>[vector<16xi32>, vector<16xi32>], vector<16xf32>,
        %add3A_721 = arith.addi %shift_left3A_496, %add3A_22 : vector<16xi32>
        %scatter3A_722 = arith.constant 0 : i32
        %scatter3A_723 = arith.constant 0 : i32
        %scatter3A_724 = tpu.memref_slice %arg8[%scan3A_452, %scatter3A_722, %scatter3A_723] : memref<5x4x1024xf32, #tpu.memory_space<vmem>> -> memref<1x4x1024xf32, #tpu.memory_space<vmem>>
        %scatter3A_725 = tpu.memref_squeeze %scatter3A_724 : memref<1x4x1024xf32, #tpu.memory_space<vmem>> -> memref<4x1024xf32, #tpu.memory_space<vmem>>
        tpu.vector_store_idx %scatter3A_725[%add3A_625, %add3A_721], %gather3A_720 : memref<4x1024xf32, #tpu.memory_space<vmem>>[vector<16xi32>, vector<16xi32>], vector<16xf32>,
        %add3A_726 = arith.constant 208 : i32
        %add3A_727 = arith.addi %add3A_726, %scan3A_484 : i32
        %swap3A_728 = arith.index_cast %add3A_727 : i32 to index
        %swap3A_729 = arith.constant 0 : index
        %swap3A_730 = tpu.vector_load %arg9[%swap3A_728, %swap3A_729] {strides = array<i32>} : memref<256x16xf32, #tpu.memory_space<vmem>>, vector<16xf32>,
        tpu.vector_store %arg9[%swap3A_728, %swap3A_729], %gather3A_720 {add = true, strides = array<i32>} : memref<256x16xf32, #tpu.memory_space<vmem>>, vector<16xf32>,
        %gather3A_731 = arith.constant 0 : i32
        %gather3A_732 = arith.constant 0 : i32
        %gather3A_733 = tpu.memref_slice %arg7[%scan3A_451, %gather3A_731, %gather3A_732] : memref<5x128x32xf32, #tpu.memory_space<vmem>> -> memref<1x128x32xf32, #tpu.memory_space<vmem>>
        %gather3A_734 = tpu.memref_squeeze %gather3A_733 : memref<1x128x32xf32, #tpu.memory_space<vmem>> -> memref<128x32xf32, #tpu.memory_space<vmem>>
        %gather3A_735 = tpu.vector_load_idx %gather3A_734[%add3A_25, %add3A_622] : memref<128x32xf32, #tpu.memory_space<vmem>>[vector<16xi32>, vector<16xi32>], vector<16xf32>,
        %add3A_736 = arith.addi %shift_left3A_496, %add3A_25 : vector<16xi32>
        %scatter3A_737 = arith.constant 0 : i32
        %scatter3A_738 = arith.constant 0 : i32
        %scatter3A_739 = tpu.memref_slice %arg8[%scan3A_452, %scatter3A_737, %scatter3A_738] : memref<5x4x1024xf32, #tpu.memory_space<vmem>> -> memref<1x4x1024xf32, #tpu.memory_space<vmem>>
        %scatter3A_740 = tpu.memref_squeeze %scatter3A_739 : memref<1x4x1024xf32, #tpu.memory_space<vmem>> -> memref<4x1024xf32, #tpu.memory_space<vmem>>
        tpu.vector_store_idx %scatter3A_740[%add3A_625, %add3A_736], %gather3A_735 : memref<4x1024xf32, #tpu.memory_space<vmem>>[vector<16xi32>, vector<16xi32>], vector<16xf32>,
        %add3A_741 = arith.constant 240 : i32
        %add3A_742 = arith.addi %add3A_741, %scan3A_484 : i32
        %swap3A_743 = arith.index_cast %add3A_742 : i32 to index
        %swap3A_744 = arith.constant 0 : index
        %swap3A_745 = tpu.vector_load %arg9[%swap3A_743, %swap3A_744] {strides = array<i32>} : memref<256x16xf32, #tpu.memory_space<vmem>>, vector<16xf32>,
        tpu.vector_store %arg9[%swap3A_743, %swap3A_744], %gather3A_735 {add = true, strides = array<i32>} : memref<256x16xf32, #tpu.memory_space<vmem>>, vector<16xf32>,
        %scan3A_746 = arith.constant 0 : i32
        scf.yield %scan3A_746 : i32
      }
      %scan3A_459 = arith.constant 16 : i32
      %dma_start3A_460 = arith.constant 4 : i32
      %dma_start3A_461 = arith.constant 0 : i32
      %dma_start3A_462 = arith.constant 0 : i32
      %dma_start3A_463 = tpu.memref_slice %arg8[%dma_start3A_460, %dma_start3A_461, %dma_start3A_462] : memref<5x4x1024xf32, #tpu.memory_space<vmem>> -> memref<1x4x1024xf32, #tpu.memory_space<vmem>>
      %dma_start3A_464 = tpu.memref_squeeze %dma_start3A_463 : memref<1x4x1024xf32, #tpu.memory_space<vmem>> -> memref<4x1024xf32, #tpu.memory_space<vmem>>
      %dma_start3A_465 = arith.constant 0 : i32
      %dma_start3A_466 = arith.constant 0 : i32
      %dma_start3A_467 = tpu.memref_slice %arg4[%add3A_429, %dma_start3A_465, %add3A, %dma_start3A_466] : memref<200x4x32x1024xf32, #tpu.memory_space<hbm>> -> memref<1x4x1x1024xf32, #tpu.memory_space<hbm>>
      %dma_start3A_468 = tpu.memref_squeeze %dma_start3A_467 : memref<1x4x1x1024xf32, #tpu.memory_space<hbm>> -> memref<4x1024xf32, #tpu.memory_space<hbm>>
      %dma_start3A_469 = arith.constant 0 : i32
      %dma_start3A_470 = arith.constant 0 : i32
      %dma_start3A_471 = tpu.memref_slice %arg4[%add3A_429, %dma_start3A_469, %add3A, %dma_start3A_470] : memref<200x4x32x1024xf32, #tpu.memory_space<hbm>> -> memref<1x4x1x1024xf32, #tpu.memory_space<hbm>>
      %dma_start3A_472 = tpu.memref_squeeze %dma_start3A_471 : memref<1x4x1x1024xf32, #tpu.memory_space<hbm>> -> memref<4x1024xf32, #tpu.memory_space<hbm>>
      %dma_start3A_473 = arith.constant 0 : i32
      %dma_start3A_474 = arith.constant 0 : i32
      %dma_start3A_475 = tpu.memref_slice %arg8[%dma_start3A_460, %dma_start3A_473, %dma_start3A_474] : memref<5x4x1024xf32, #tpu.memory_space<vmem>> -> memref<1x4x1024xf32, #tpu.memory_space<vmem>>
      %dma_start3A_476 = tpu.memref_squeeze %dma_start3A_475 : memref<1x4x1024xf32, #tpu.memory_space<vmem>> -> memref<4x1024xf32, #tpu.memory_space<vmem>>
      tpu.enqueue_dma source(%dma_start3A_476 : memref<4x1024xf32, #tpu.memory_space<vmem>>) target(%dma_start3A_472 : memref<4x1024xf32, #tpu.memory_space<hbm>>) target_semaphore(%arg20 : memref<!tpu.dma_semaphore, #tpu.memory_space<semaphore_mem>>)
      %add3A_477 = arith.constant 5 : i32
      %add3A_478 = arith.addi %add3A_429, %add3A_477 : i32
      %lt3A_479 = arith.constant 200 : i32
      %lt3A_480 = arith.cmpi slt, %add3A_478, %lt3A_479 : i32
      %convert_element_type3A_481 = arith.extui %lt3A_480 : i1 to i32
      %cond3A_482 = arith.constant 0 : i32
      %cond3A_483 = arith.cmpi ne, %convert_element_type3A_481, %cond3A_482 : i32
      scf.if %cond3A_483 {
        %add3A_484 = arith.constant 5 : i32
        %add3A_485 = arith.addi %add3A_429, %add3A_484 : i32
        %jit3A = arith.constant 8 : i32
        %div3A = arith.divsi %add3A_485, %jit3A : i32
        %sign3A = arith.constant 0 : i32
        %sign3A_486 = arith.cmpi sgt, %add3A_485, %sign3A : i32
        %sign3A_487 = arith.extui %sign3A_486 : i1 to i32
        %sign3A_488 = arith.constant 0 : i32
        %sign3A_489 = arith.cmpi slt, %add3A_485, %sign3A_488 : i32
        %sign3A_490 = arith.extui %sign3A_489 : i1 to i32
        %sign3A_491 = arith.subi %sign3A_487, %sign3A_490 : i32
        %sign3A_492 = arith.constant 0 : i32
        %sign3A_493 = arith.cmpi sgt, %jit3A, %sign3A_492 : i32
        %sign3A_494 = arith.extui %sign3A_493 : i1 to i32
        %sign3A_495 = arith.constant 0 : i32
        %sign3A_496 = arith.cmpi slt, %jit3A, %sign3A_495 : i32
        %sign3A_497 = arith.extui %sign3A_496 : i1 to i32
        %sign3A_498 = arith.subi %sign3A_494, %sign3A_497 : i32
        %ne3A = arith.cmpi ne, %sign3A_491, %sign3A_498 : i32
        %rem3A = arith.remsi %add3A_485, %jit3A : i32
        %ne3A_499 = arith.constant 0 : i32
        %ne3A_500 = arith.cmpi ne, %rem3A, %ne3A_499 : i32
        %and3A = arith.andi %ne3A, %ne3A_500 : i1
        %sub3A = arith.constant 1 : i32
        %sub3A_501 = arith.subi %div3A, %sub3A : i32
        %select_n3A = arith.select %and3A, %sub3A_501, %div3A : i32
        %jit3A_502 = arith.constant 8 : i32
        %eq3A = arith.constant 0 : i32
        %eq3A_503 = arith.cmpi eq, %jit3A_502, %eq3A : i32
        %jit3A_504 = arith.constant 1 : i32
        %select_n3A_505 = arith.select %eq3A_503, %jit3A_504, %jit3A_502 : i32
        %rem3A_506 = arith.remsi %add3A_485, %select_n3A_505 : i32
        %ne3A_507 = arith.constant 0 : i32
        %ne3A_508 = arith.cmpi ne, %rem3A_506, %ne3A_507 : i32
        %lt3A_509 = arith.constant 0 : i32
        %lt3A_510 = arith.cmpi slt, %rem3A_506, %lt3A_509 : i32
        %lt3A_511 = arith.constant 0 : i32
        %lt3A_512 = arith.cmpi slt, %select_n3A_505, %lt3A_511 : i32
        %ne3A_513 = arith.xori %lt3A_510, %lt3A_512 : i1
        %and3A_514 = arith.andi %ne3A_513, %ne3A_508 : i1
        %add3A_515 = arith.addi %rem3A_506, %select_n3A_505 : i32
        %select_n3A_516 = arith.select %and3A_514, %add3A_515, %rem3A_506 : i32
        %dma_start3A_517 = arith.constant 4 : i32
        %dma_start3A_518 = arith.constant 0 : i32
        %dma_start3A_519 = arith.constant 0 : i32
        %dma_start3A_520 = tpu.memref_slice %arg7[%dma_start3A_517, %dma_start3A_518, %dma_start3A_519] : memref<5x128x32xf32, #tpu.memory_space<vmem>> -> memref<1x128x32xf32, #tpu.memory_space<vmem>>
        %dma_start3A_521 = tpu.memref_squeeze %dma_start3A_520 : memref<1x128x32xf32, #tpu.memory_space<vmem>> -> memref<128x32xf32, #tpu.memory_space<vmem>>
        %dma_start3A_522 = arith.constant 0 : i32
        %dma_start3A_523 = tpu.memref_slice %arg6[%select_n3A, %select_n3A_516, %dma_start3A_522] : memref<25x8x128xi32, #tpu.memory_space<vmem>> -> memref<1x1x128xi32, #tpu.memory_space<vmem>>
        %dma_start3A_524 = tpu.memref_squeeze %dma_start3A_523 : memref<1x1x128xi32, #tpu.memory_space<vmem>> -> memref<128xi32, #tpu.memory_space<vmem>>
        %dma_start3A_525 = arith.constant 0 : i32
        %dma_start3A_526 = arith.constant 0 : i32
        %dma_start3A_527 = tpu.memref_slice %arg3[%dma_start3A_525, %dma_start3A_526] : memref<1000000x32xf32, #tpu.memory_space<hbm>> -> memref<1000000x32xf32, #tpu.memory_space<hbm>>
        tpu.enqueue_indirect_dma source(%dma_start3A_527 : memref<1000000x32xf32, #tpu.memory_space<hbm>>) target(%dma_start3A_521 : memref<128x32xf32, #tpu.memory_space<vmem>>) offsets(%dma_start3A_524 : memref<128xi32, #tpu.memory_space<vmem>>) semaphore(%arg15 : memref<!tpu.dma_semaphore, #tpu.memory_space<semaphore_mem>>)
      } else {
      }
    }
    %scan3A_100 = arith.constant 40 : i32
    %dma_wait3A = arith.constant 0 : i32
    %dma_wait3A_101 = arith.constant 0 : i32
    %dma_wait3A_102 = arith.constant 0 : i32
    %dma_wait3A_103 = arith.constant 0 : i32
    %dma_wait3A_104 = arith.constant 0 : i32
    %dma_wait3A_105 = tpu.memref_slice %arg8[%dma_wait3A_102, %dma_wait3A_103, %dma_wait3A_104] : memref<5x4x1024xf32, #tpu.memory_space<vmem>> -> memref<1x4x1024xf32, #tpu.memory_space<vmem>>
    %dma_wait3A_106 = tpu.memref_squeeze %dma_wait3A_105 : memref<1x4x1024xf32, #tpu.memory_space<vmem>> -> memref<4x1024xf32, #tpu.memory_space<vmem>>
    %dma_wait3A_107 = arith.constant 0 : i32
    %dma_wait3A_108 = arith.constant 0 : i32
    %dma_wait3A_109 = tpu.memref_slice %arg4[%dma_wait3A, %dma_wait3A_107, %dma_wait3A_101, %dma_wait3A_108] : memref<200x4x32x1024xf32, #tpu.memory_space<hbm>> -> memref<1x4x1x1024xf32, #tpu.memory_space<hbm>>
    %dma_wait3A_110 = tpu.memref_squeeze %dma_wait3A_109 : memref<1x4x1x1024xf32, #tpu.memory_space<hbm>> -> memref<4x1024xf32, #tpu.memory_space<hbm>>
    %dma_wait3A_111 = arith.constant 0 : i32
    %dma_wait3A_112 = arith.constant 0 : i32
    %dma_wait3A_113 = tpu.memref_slice %arg8[%dma_wait3A_102, %dma_wait3A_111, %dma_wait3A_112] : memref<5x4x1024xf32, #tpu.memory_space<vmem>> -> memref<1x4x1024xf32, #tpu.memory_space<vmem>>
    %dma_wait3A_114 = tpu.memref_squeeze %dma_wait3A_113 : memref<1x4x1024xf32, #tpu.memory_space<vmem>> -> memref<4x1024xf32, #tpu.memory_space<vmem>>
    %dma_wait3A_115 = arith.constant 0 : i32
    %dma_wait3A_116 = arith.constant 0 : i32
    %dma_wait3A_117 = tpu.memref_slice %arg4[%dma_wait3A, %dma_wait3A_115, %dma_wait3A_101, %dma_wait3A_116] : memref<200x4x32x1024xf32, #tpu.memory_space<hbm>> -> memref<1x4x1x1024xf32, #tpu.memory_space<hbm>>
    %dma_wait3A_118 = tpu.memref_squeeze %dma_wait3A_117 : memref<1x4x1x1024xf32, #tpu.memory_space<hbm>> -> memref<4x1024xf32, #tpu.memory_space<hbm>>
    tpu.wait_dma2 semaphore(%arg16 : memref<!tpu.dma_semaphore, #tpu.memory_space<semaphore_mem>>) src(%dma_wait3A_118 : memref<4x1024xf32, #tpu.memory_space<hbm>>) dst(%dma_wait3A_114 : memref<4x1024xf32, #tpu.memory_space<vmem>>)
    %dma_wait3A_119 = arith.constant 0 : i32
    %dma_wait3A_120 = arith.constant 0 : i32
    %dma_wait3A_121 = arith.constant 1 : i32
    %dma_wait3A_122 = arith.constant 0 : i32
    %dma_wait3A_123 = arith.constant 0 : i32
    %dma_wait3A_124 = tpu.memref_slice %arg8[%dma_wait3A_121, %dma_wait3A_122, %dma_wait3A_123] : memref<5x4x1024xf32, #tpu.memory_space<vmem>> -> memref<1x4x1024xf32, #tpu.memory_space<vmem>>
    %dma_wait3A_125 = tpu.memref_squeeze %dma_wait3A_124 : memref<1x4x1024xf32, #tpu.memory_space<vmem>> -> memref<4x1024xf32, #tpu.memory_space<vmem>>
    %dma_wait3A_126 = arith.constant 0 : i32
    %dma_wait3A_127 = arith.constant 0 : i32
    %dma_wait3A_128 = tpu.memref_slice %arg4[%dma_wait3A_119, %dma_wait3A_126, %dma_wait3A_120, %dma_wait3A_127] : memref<200x4x32x1024xf32, #tpu.memory_space<hbm>> -> memref<1x4x1x1024xf32, #tpu.memory_space<hbm>>
    %dma_wait3A_129 = tpu.memref_squeeze %dma_wait3A_128 : memref<1x4x1x1024xf32, #tpu.memory_space<hbm>> -> memref<4x1024xf32, #tpu.memory_space<hbm>>
    %dma_wait3A_130 = arith.constant 0 : i32
    %dma_wait3A_131 = arith.constant 0 : i32
    %dma_wait3A_132 = tpu.memref_slice %arg8[%dma_wait3A_121, %dma_wait3A_130, %dma_wait3A_131] : memref<5x4x1024xf32, #tpu.memory_space<vmem>> -> memref<1x4x1024xf32, #tpu.memory_space<vmem>>
    %dma_wait3A_133 = tpu.memref_squeeze %dma_wait3A_132 : memref<1x4x1024xf32, #tpu.memory_space<vmem>> -> memref<4x1024xf32, #tpu.memory_space<vmem>>
    %dma_wait3A_134 = arith.constant 0 : i32
    %dma_wait3A_135 = arith.constant 0 : i32
    %dma_wait3A_136 = tpu.memref_slice %arg4[%dma_wait3A_119, %dma_wait3A_134, %dma_wait3A_120, %dma_wait3A_135] : memref<200x4x32x1024xf32, #tpu.memory_space<hbm>> -> memref<1x4x1x1024xf32, #tpu.memory_space<hbm>>
    %dma_wait3A_137 = tpu.memref_squeeze %dma_wait3A_136 : memref<1x4x1x1024xf32, #tpu.memory_space<hbm>> -> memref<4x1024xf32, #tpu.memory_space<hbm>>
    tpu.wait_dma2 semaphore(%arg17 : memref<!tpu.dma_semaphore, #tpu.memory_space<semaphore_mem>>) src(%dma_wait3A_137 : memref<4x1024xf32, #tpu.memory_space<hbm>>) dst(%dma_wait3A_133 : memref<4x1024xf32, #tpu.memory_space<vmem>>)
    %dma_wait3A_138 = arith.constant 0 : i32
    %dma_wait3A_139 = arith.constant 0 : i32
    %dma_wait3A_140 = arith.constant 2 : i32
    %dma_wait3A_141 = arith.constant 0 : i32
    %dma_wait3A_142 = arith.constant 0 : i32
    %dma_wait3A_143 = tpu.memref_slice %arg8[%dma_wait3A_140, %dma_wait3A_141, %dma_wait3A_142] : memref<5x4x1024xf32, #tpu.memory_space<vmem>> -> memref<1x4x1024xf32, #tpu.memory_space<vmem>>
    %dma_wait3A_144 = tpu.memref_squeeze %dma_wait3A_143 : memref<1x4x1024xf32, #tpu.memory_space<vmem>> -> memref<4x1024xf32, #tpu.memory_space<vmem>>
    %dma_wait3A_145 = arith.constant 0 : i32
    %dma_wait3A_146 = arith.constant 0 : i32
    %dma_wait3A_147 = tpu.memref_slice %arg4[%dma_wait3A_138, %dma_wait3A_145, %dma_wait3A_139, %dma_wait3A_146] : memref<200x4x32x1024xf32, #tpu.memory_space<hbm>> -> memref<1x4x1x1024xf32, #tpu.memory_space<hbm>>
    %dma_wait3A_148 = tpu.memref_squeeze %dma_wait3A_147 : memref<1x4x1x1024xf32, #tpu.memory_space<hbm>> -> memref<4x1024xf32, #tpu.memory_space<hbm>>
    %dma_wait3A_149 = arith.constant 0 : i32
    %dma_wait3A_150 = arith.constant 0 : i32
    %dma_wait3A_151 = tpu.memref_slice %arg8[%dma_wait3A_140, %dma_wait3A_149, %dma_wait3A_150] : memref<5x4x1024xf32, #tpu.memory_space<vmem>> -> memref<1x4x1024xf32, #tpu.memory_space<vmem>>
    %dma_wait3A_152 = tpu.memref_squeeze %dma_wait3A_151 : memref<1x4x1024xf32, #tpu.memory_space<vmem>> -> memref<4x1024xf32, #tpu.memory_space<vmem>>
    %dma_wait3A_153 = arith.constant 0 : i32
    %dma_wait3A_154 = arith.constant 0 : i32
    %dma_wait3A_155 = tpu.memref_slice %arg4[%dma_wait3A_138, %dma_wait3A_153, %dma_wait3A_139, %dma_wait3A_154] : memref<200x4x32x1024xf32, #tpu.memory_space<hbm>> -> memref<1x4x1x1024xf32, #tpu.memory_space<hbm>>
    %dma_wait3A_156 = tpu.memref_squeeze %dma_wait3A_155 : memref<1x4x1x1024xf32, #tpu.memory_space<hbm>> -> memref<4x1024xf32, #tpu.memory_space<hbm>>
    tpu.wait_dma2 semaphore(%arg18 : memref<!tpu.dma_semaphore, #tpu.memory_space<semaphore_mem>>) src(%dma_wait3A_156 : memref<4x1024xf32, #tpu.memory_space<hbm>>) dst(%dma_wait3A_152 : memref<4x1024xf32, #tpu.memory_space<vmem>>)
    %dma_wait3A_157 = arith.constant 0 : i32
    %dma_wait3A_158 = arith.constant 0 : i32
    %dma_wait3A_159 = arith.constant 3 : i32
    %dma_wait3A_160 = arith.constant 0 : i32
    %dma_wait3A_161 = arith.constant 0 : i32
    %dma_wait3A_162 = tpu.memref_slice %arg8[%dma_wait3A_159, %dma_wait3A_160, %dma_wait3A_161] : memref<5x4x1024xf32, #tpu.memory_space<vmem>> -> memref<1x4x1024xf32, #tpu.memory_space<vmem>>
    %dma_wait3A_163 = tpu.memref_squeeze %dma_wait3A_162 : memref<1x4x1024xf32, #tpu.memory_space<vmem>> -> memref<4x1024xf32, #tpu.memory_space<vmem>>
    %dma_wait3A_164 = arith.constant 0 : i32
    %dma_wait3A_165 = arith.constant 0 : i32
    %dma_wait3A_166 = tpu.memref_slice %arg4[%dma_wait3A_157, %dma_wait3A_164, %dma_wait3A_158, %dma_wait3A_165] : memref<200x4x32x1024xf32, #tpu.memory_space<hbm>> -> memref<1x4x1x1024xf32, #tpu.memory_space<hbm>>
    %dma_wait3A_167 = tpu.memref_squeeze %dma_wait3A_166 : memref<1x4x1x1024xf32, #tpu.memory_space<hbm>> -> memref<4x1024xf32, #tpu.memory_space<hbm>>
    %dma_wait3A_168 = arith.constant 0 : i32
    %dma_wait3A_169 = arith.constant 0 : i32
    %dma_wait3A_170 = tpu.memref_slice %arg8[%dma_wait3A_159, %dma_wait3A_168, %dma_wait3A_169] : memref<5x4x1024xf32, #tpu.memory_space<vmem>> -> memref<1x4x1024xf32, #tpu.memory_space<vmem>>
    %dma_wait3A_171 = tpu.memref_squeeze %dma_wait3A_170 : memref<1x4x1024xf32, #tpu.memory_space<vmem>> -> memref<4x1024xf32, #tpu.memory_space<vmem>>
    %dma_wait3A_172 = arith.constant 0 : i32
    %dma_wait3A_173 = arith.constant 0 : i32
    %dma_wait3A_174 = tpu.memref_slice %arg4[%dma_wait3A_157, %dma_wait3A_172, %dma_wait3A_158, %dma_wait3A_173] : memref<200x4x32x1024xf32, #tpu.memory_space<hbm>> -> memref<1x4x1x1024xf32, #tpu.memory_space<hbm>>
    %dma_wait3A_175 = tpu.memref_squeeze %dma_wait3A_174 : memref<1x4x1x1024xf32, #tpu.memory_space<hbm>> -> memref<4x1024xf32, #tpu.memory_space<hbm>>
    tpu.wait_dma2 semaphore(%arg19 : memref<!tpu.dma_semaphore, #tpu.memory_space<semaphore_mem>>) src(%dma_wait3A_175 : memref<4x1024xf32, #tpu.memory_space<hbm>>) dst(%dma_wait3A_171 : memref<4x1024xf32, #tpu.memory_space<vmem>>)
    %dma_wait3A_176 = arith.constant 0 : i32
    %dma_wait3A_177 = arith.constant 0 : i32
    %dma_wait3A_178 = arith.constant 4 : i32
    %dma_wait3A_179 = arith.constant 0 : i32
    %dma_wait3A_180 = arith.constant 0 : i32
    %dma_wait3A_181 = tpu.memref_slice %arg8[%dma_wait3A_178, %dma_wait3A_179, %dma_wait3A_180] : memref<5x4x1024xf32, #tpu.memory_space<vmem>> -> memref<1x4x1024xf32, #tpu.memory_space<vmem>>
    %dma_wait3A_182 = tpu.memref_squeeze %dma_wait3A_181 : memref<1x4x1024xf32, #tpu.memory_space<vmem>> -> memref<4x1024xf32, #tpu.memory_space<vmem>>
    %dma_wait3A_183 = arith.constant 0 : i32
    %dma_wait3A_184 = arith.constant 0 : i32
    %dma_wait3A_185 = tpu.memref_slice %arg4[%dma_wait3A_176, %dma_wait3A_183, %dma_wait3A_177, %dma_wait3A_184] : memref<200x4x32x1024xf32, #tpu.memory_space<hbm>> -> memref<1x4x1x1024xf32, #tpu.memory_space<hbm>>
    %dma_wait3A_186 = tpu.memref_squeeze %dma_wait3A_185 : memref<1x4x1x1024xf32, #tpu.memory_space<hbm>> -> memref<4x1024xf32, #tpu.memory_space<hbm>>
    %dma_wait3A_187 = arith.constant 0 : i32
    %dma_wait3A_188 = arith.constant 0 : i32
    %dma_wait3A_189 = tpu.memref_slice %arg8[%dma_wait3A_178, %dma_wait3A_187, %dma_wait3A_188] : memref<5x4x1024xf32, #tpu.memory_space<vmem>> -> memref<1x4x1024xf32, #tpu.memory_space<vmem>>
    %dma_wait3A_190 = tpu.memref_squeeze %dma_wait3A_189 : memref<1x4x1024xf32, #tpu.memory_space<vmem>> -> memref<4x1024xf32, #tpu.memory_space<vmem>>
    %dma_wait3A_191 = arith.constant 0 : i32
    %dma_wait3A_192 = arith.constant 0 : i32
    %dma_wait3A_193 = tpu.memref_slice %arg4[%dma_wait3A_176, %dma_wait3A_191, %dma_wait3A_177, %dma_wait3A_192] : memref<200x4x32x1024xf32, #tpu.memory_space<hbm>> -> memref<1x4x1x1024xf32, #tpu.memory_space<hbm>>
    %dma_wait3A_194 = tpu.memref_squeeze %dma_wait3A_193 : memref<1x4x1x1024xf32, #tpu.memory_space<hbm>> -> memref<4x1024xf32, #tpu.memory_space<hbm>>
    tpu.wait_dma2 semaphore(%arg20 : memref<!tpu.dma_semaphore, #tpu.memory_space<semaphore_mem>>) src(%dma_wait3A_194 : memref<4x1024xf32, #tpu.memory_space<hbm>>) dst(%dma_wait3A_190 : memref<4x1024xf32, #tpu.memory_space<vmem>>)
    %scan3A_195 = arith.constant 5.000000e-03 : f32
    %scan3A_196 = arith.constant 0 : i32
    %scan3A_197 = arith.constant 0 : i32
    %scan3A_198 = arith.constant 16 : i32
    %scan3A_199 = arith.addi %scan3A_197, %scan3A_198 : i32
    %scan3A_200 = arith.constant 1 : i32
    %scan3A_201 = scf.for %scan3A_203 = %scan3A_197 to %scan3A_199 step %scan3A_200 iter_args(%scan3A_204 = %scan3A_196) -> (i32)  : i32 {
      %add3A_205 = vector.broadcast %scan3A_203 : i32 to vector<16xi32>
      %add3A_206 = arith.addi %iota3A, %add3A_205 : vector<16xi32>
      %and3A = arith.constant 15 : i32
      %and3A_207 = vector.broadcast %and3A : i32 to vector<16xi32>
      %and3A_208 = arith.andi %add3A_206, %and3A_207 : vector<16xi32>
      %shift_right_arithmetic3A = arith.constant 3 : i32
      %shift_right_arithmetic3A_209 = vector.broadcast %shift_right_arithmetic3A : i32 to vector<16xi32>
      %shift_right_arithmetic3A_210 = arith.shrsi %and3A_208, %shift_right_arithmetic3A_209 : vector<16xi32>
      %and3A_211 = arith.constant 7 : i32
      %and3A_212 = vector.broadcast %and3A_211 : i32 to vector<16xi32>
      %and3A_213 = arith.andi %and3A_208, %and3A_212 : vector<16xi32>
      %shift_left3A = arith.constant 7 : i32
      %shift_left3A_214 = vector.broadcast %shift_left3A : i32 to vector<16xi32>
      %shift_left3A_215 = arith.shli %and3A_213, %shift_left3A_214 : vector<16xi32>
      %add3A_216 = arith.constant 0 : i32
      %add3A_217 = vector.broadcast %add3A_216 : i32 to vector<16xi32>
      %add3A_218 = arith.addi %add3A_217, %shift_right_arithmetic3A_210 : vector<16xi32>
      %add3A_219 = arith.constant 0 : i32
      %add3A_220 = arith.addi %add3A_219, %scan3A_203 : i32
      %get3A = arith.index_cast %add3A_220 : i32 to index
      %get3A_221 = arith.constant 0 : index
      %get3A_222 = tpu.vector_load %arg9[%get3A, %get3A_221] {strides = array<i32>} : memref<256x16xf32, #tpu.memory_space<vmem>>, vector<16xf32>,
      %mul3A_223 = vector.broadcast %scan3A_195 : f32 to vector<16xf32>
      %mul3A_224 = arith.mulf %get3A_222, %mul3A_223 : vector<16xf32>
      %add3A_225 = arith.addi %shift_left3A_215, %add3A_4 : vector<16xi32>
      tpu.vector_store_idx %arg10[%add3A_218, %add3A_225], %mul3A_224 : memref<4x1024xf32, #tpu.memory_space<vmem>>[vector<16xi32>, vector<16xi32>], vector<16xf32>,
      %add3A_226 = arith.constant 32 : i32
      %add3A_227 = arith.addi %add3A_226, %scan3A_203 : i32
      %get3A_228 = arith.index_cast %add3A_227 : i32 to index
      %get3A_229 = arith.constant 0 : index
      %get3A_230 = tpu.vector_load %arg9[%get3A_228, %get3A_229] {strides = array<i32>} : memref<256x16xf32, #tpu.memory_space<vmem>>, vector<16xf32>,
      %mul3A_231 = vector.broadcast %scan3A_195 : f32 to vector<16xf32>
      %mul3A_232 = arith.mulf %get3A_230, %mul3A_231 : vector<16xf32>
      %add3A_233 = arith.addi %shift_left3A_215, %add3A_7 : vector<16xi32>
      tpu.vector_store_idx %arg10[%add3A_218, %add3A_233], %mul3A_232 : memref<4x1024xf32, #tpu.memory_space<vmem>>[vector<16xi32>, vector<16xi32>], vector<16xf32>,
      %add3A_234 = arith.constant 64 : i32
      %add3A_235 = arith.addi %add3A_234, %scan3A_203 : i32
      %get3A_236 = arith.index_cast %add3A_235 : i32 to index
      %get3A_237 = arith.constant 0 : index
      %get3A_238 = tpu.vector_load %arg9[%get3A_236, %get3A_237] {strides = array<i32>} : memref<256x16xf32, #tpu.memory_space<vmem>>, vector<16xf32>,
      %mul3A_239 = vector.broadcast %scan3A_195 : f32 to vector<16xf32>
      %mul3A_240 = arith.mulf %get3A_238, %mul3A_239 : vector<16xf32>
      %add3A_241 = arith.addi %shift_left3A_215, %add3A_10 : vector<16xi32>
      tpu.vector_store_idx %arg10[%add3A_218, %add3A_241], %mul3A_240 : memref<4x1024xf32, #tpu.memory_space<vmem>>[vector<16xi32>, vector<16xi32>], vector<16xf32>,
      %add3A_242 = arith.constant 96 : i32
      %add3A_243 = arith.addi %add3A_242, %scan3A_203 : i32
      %get3A_244 = arith.index_cast %add3A_243 : i32 to index
      %get3A_245 = arith.constant 0 : index
      %get3A_246 = tpu.vector_load %arg9[%get3A_244, %get3A_245] {strides = array<i32>} : memref<256x16xf32, #tpu.memory_space<vmem>>, vector<16xf32>,
      %mul3A_247 = vector.broadcast %scan3A_195 : f32 to vector<16xf32>
      %mul3A_248 = arith.mulf %get3A_246, %mul3A_247 : vector<16xf32>
      %add3A_249 = arith.addi %shift_left3A_215, %add3A_13 : vector<16xi32>
      tpu.vector_store_idx %arg10[%add3A_218, %add3A_249], %mul3A_248 : memref<4x1024xf32, #tpu.memory_space<vmem>>[vector<16xi32>, vector<16xi32>], vector<16xf32>,
      %add3A_250 = arith.constant 128 : i32
      %add3A_251 = arith.addi %add3A_250, %scan3A_203 : i32
      %get3A_252 = arith.index_cast %add3A_251 : i32 to index
      %get3A_253 = arith.constant 0 : index
      %get3A_254 = tpu.vector_load %arg9[%get3A_252, %get3A_253] {strides = array<i32>} : memref<256x16xf32, #tpu.memory_space<vmem>>, vector<16xf32>,
      %mul3A_255 = vector.broadcast %scan3A_195 : f32 to vector<16xf32>
      %mul3A_256 = arith.mulf %get3A_254, %mul3A_255 : vector<16xf32>
      %add3A_257 = arith.addi %shift_left3A_215, %add3A_16 : vector<16xi32>
      tpu.vector_store_idx %arg10[%add3A_218, %add3A_257], %mul3A_256 : memref<4x1024xf32, #tpu.memory_space<vmem>>[vector<16xi32>, vector<16xi32>], vector<16xf32>,
      %add3A_258 = arith.constant 160 : i32
      %add3A_259 = arith.addi %add3A_258, %scan3A_203 : i32
      %get3A_260 = arith.index_cast %add3A_259 : i32 to index
      %get3A_261 = arith.constant 0 : index
      %get3A_262 = tpu.vector_load %arg9[%get3A_260, %get3A_261] {strides = array<i32>} : memref<256x16xf32, #tpu.memory_space<vmem>>, vector<16xf32>,
      %mul3A_263 = vector.broadcast %scan3A_195 : f32 to vector<16xf32>
      %mul3A_264 = arith.mulf %get3A_262, %mul3A_263 : vector<16xf32>
      %add3A_265 = arith.addi %shift_left3A_215, %add3A_19 : vector<16xi32>
      tpu.vector_store_idx %arg10[%add3A_218, %add3A_265], %mul3A_264 : memref<4x1024xf32, #tpu.memory_space<vmem>>[vector<16xi32>, vector<16xi32>], vector<16xf32>,
      %add3A_266 = arith.constant 192 : i32
      %add3A_267 = arith.addi %add3A_266, %scan3A_203 : i32
      %get3A_268 = arith.index_cast %add3A_267 : i32 to index
      %get3A_269 = arith.constant 0 : index
      %get3A_270 = tpu.vector_load %arg9[%get3A_268, %get3A_269] {strides = array<i32>} : memref<256x16xf32, #tpu.memory_space<vmem>>, vector<16xf32>,
      %mul3A_271 = vector.broadcast %scan3A_195 : f32 to vector<16xf32>
      %mul3A_272 = arith.mulf %get3A_270, %mul3A_271 : vector<16xf32>
      %add3A_273 = arith.addi %shift_left3A_215, %add3A_22 : vector<16xi32>
      tpu.vector_store_idx %arg10[%add3A_218, %add3A_273], %mul3A_272 : memref<4x1024xf32, #tpu.memory_space<vmem>>[vector<16xi32>, vector<16xi32>], vector<16xf32>,
      %add3A_274 = arith.constant 224 : i32
      %add3A_275 = arith.addi %add3A_274, %scan3A_203 : i32
      %get3A_276 = arith.index_cast %add3A_275 : i32 to index
      %get3A_277 = arith.constant 0 : index
      %get3A_278 = tpu.vector_load %arg9[%get3A_276, %get3A_277] {strides = array<i32>} : memref<256x16xf32, #tpu.memory_space<vmem>>, vector<16xf32>,
      %mul3A_279 = vector.broadcast %scan3A_195 : f32 to vector<16xf32>
      %mul3A_280 = arith.mulf %get3A_278, %mul3A_279 : vector<16xf32>
      %add3A_281 = arith.addi %shift_left3A_215, %add3A_25 : vector<16xi32>
      tpu.vector_store_idx %arg10[%add3A_218, %add3A_281], %mul3A_280 : memref<4x1024xf32, #tpu.memory_space<vmem>>[vector<16xi32>, vector<16xi32>], vector<16xf32>,
      %add3A_282 = arith.constant 2 : i32
      %add3A_283 = vector.broadcast %add3A_282 : i32 to vector<16xi32>
      %add3A_284 = arith.addi %add3A_283, %shift_right_arithmetic3A_210 : vector<16xi32>
      %add3A_285 = arith.constant 16 : i32
      %add3A_286 = arith.addi %add3A_285, %scan3A_203 : i32
      %get3A_287 = arith.index_cast %add3A_286 : i32 to index
      %get3A_288 = arith.constant 0 : index
      %get3A_289 = tpu.vector_load %arg9[%get3A_287, %get3A_288] {strides = array<i32>} : memref<256x16xf32, #tpu.memory_space<vmem>>, vector<16xf32>,
      %mul3A_290 = vector.broadcast %scan3A_195 : f32 to vector<16xf32>
      %mul3A_291 = arith.mulf %get3A_289, %mul3A_290 : vector<16xf32>
      %add3A_292 = arith.addi %shift_left3A_215, %add3A_4 : vector<16xi32>
      tpu.vector_store_idx %arg10[%add3A_284, %add3A_292], %mul3A_291 : memref<4x1024xf32, #tpu.memory_space<vmem>>[vector<16xi32>, vector<16xi32>], vector<16xf32>,
      %add3A_293 = arith.constant 48 : i32
      %add3A_294 = arith.addi %add3A_293, %scan3A_203 : i32
      %get3A_295 = arith.index_cast %add3A_294 : i32 to index
      %get3A_296 = arith.constant 0 : index
      %get3A_297 = tpu.vector_load %arg9[%get3A_295, %get3A_296] {strides = array<i32>} : memref<256x16xf32, #tpu.memory_space<vmem>>, vector<16xf32>,
      %mul3A_298 = vector.broadcast %scan3A_195 : f32 to vector<16xf32>
      %mul3A_299 = arith.mulf %get3A_297, %mul3A_298 : vector<16xf32>
      %add3A_300 = arith.addi %shift_left3A_215, %add3A_7 : vector<16xi32>
      tpu.vector_store_idx %arg10[%add3A_284, %add3A_300], %mul3A_299 : memref<4x1024xf32, #tpu.memory_space<vmem>>[vector<16xi32>, vector<16xi32>], vector<16xf32>,
      %add3A_301 = arith.constant 80 : i32
      %add3A_302 = arith.addi %add3A_301, %scan3A_203 : i32
      %get3A_303 = arith.index_cast %add3A_302 : i32 to index
      %get3A_304 = arith.constant 0 : index
      %get3A_305 = tpu.vector_load %arg9[%get3A_303, %get3A_304] {strides = array<i32>} : memref<256x16xf32, #tpu.memory_space<vmem>>, vector<16xf32>,
      %mul3A_306 = vector.broadcast %scan3A_195 : f32 to vector<16xf32>
      %mul3A_307 = arith.mulf %get3A_305, %mul3A_306 : vector<16xf32>
      %add3A_308 = arith.addi %shift_left3A_215, %add3A_10 : vector<16xi32>
      tpu.vector_store_idx %arg10[%add3A_284, %add3A_308], %mul3A_307 : memref<4x1024xf32, #tpu.memory_space<vmem>>[vector<16xi32>, vector<16xi32>], vector<16xf32>,
      %add3A_309 = arith.constant 112 : i32
      %add3A_310 = arith.addi %add3A_309, %scan3A_203 : i32
      %get3A_311 = arith.index_cast %add3A_310 : i32 to index
      %get3A_312 = arith.constant 0 : index
      %get3A_313 = tpu.vector_load %arg9[%get3A_311, %get3A_312] {strides = array<i32>} : memref<256x16xf32, #tpu.memory_space<vmem>>, vector<16xf32>,
      %mul3A_314 = vector.broadcast %scan3A_195 : f32 to vector<16xf32>
      %mul3A_315 = arith.mulf %get3A_313, %mul3A_314 : vector<16xf32>
      %add3A_316 = arith.addi %shift_left3A_215, %add3A_13 : vector<16xi32>
      tpu.vector_store_idx %arg10[%add3A_284, %add3A_316], %mul3A_315 : memref<4x1024xf32, #tpu.memory_space<vmem>>[vector<16xi32>, vector<16xi32>], vector<16xf32>,
      %add3A_317 = arith.constant 144 : i32
      %add3A_318 = arith.addi %add3A_317, %scan3A_203 : i32
      %get3A_319 = arith.index_cast %add3A_318 : i32 to index
      %get3A_320 = arith.constant 0 : index
      %get3A_321 = tpu.vector_load %arg9[%get3A_319, %get3A_320] {strides = array<i32>} : memref<256x16xf32, #tpu.memory_space<vmem>>, vector<16xf32>,
      %mul3A_322 = vector.broadcast %scan3A_195 : f32 to vector<16xf32>
      %mul3A_323 = arith.mulf %get3A_321, %mul3A_322 : vector<16xf32>
      %add3A_324 = arith.addi %shift_left3A_215, %add3A_16 : vector<16xi32>
      tpu.vector_store_idx %arg10[%add3A_284, %add3A_324], %mul3A_323 : memref<4x1024xf32, #tpu.memory_space<vmem>>[vector<16xi32>, vector<16xi32>], vector<16xf32>,
      %add3A_325 = arith.constant 176 : i32
      %add3A_326 = arith.addi %add3A_325, %scan3A_203 : i32
      %get3A_327 = arith.index_cast %add3A_326 : i32 to index
      %get3A_328 = arith.constant 0 : index
      %get3A_329 = tpu.vector_load %arg9[%get3A_327, %get3A_328] {strides = array<i32>} : memref<256x16xf32, #tpu.memory_space<vmem>>, vector<16xf32>,
      %mul3A_330 = vector.broadcast %scan3A_195 : f32 to vector<16xf32>
      %mul3A_331 = arith.mulf %get3A_329, %mul3A_330 : vector<16xf32>
      %add3A_332 = arith.addi %shift_left3A_215, %add3A_19 : vector<16xi32>
      tpu.vector_store_idx %arg10[%add3A_284, %add3A_332], %mul3A_331 : memref<4x1024xf32, #tpu.memory_space<vmem>>[vector<16xi32>, vector<16xi32>], vector<16xf32>,
      %add3A_333 = arith.constant 208 : i32
      %add3A_334 = arith.addi %add3A_333, %scan3A_203 : i32
      %get3A_335 = arith.index_cast %add3A_334 : i32 to index
      %get3A_336 = arith.constant 0 : index
      %get3A_337 = tpu.vector_load %arg9[%get3A_335, %get3A_336] {strides = array<i32>} : memref<256x16xf32, #tpu.memory_space<vmem>>, vector<16xf32>,
      %mul3A_338 = vector.broadcast %scan3A_195 : f32 to vector<16xf32>
      %mul3A_339 = arith.mulf %get3A_337, %mul3A_338 : vector<16xf32>
      %add3A_340 = arith.addi %shift_left3A_215, %add3A_22 : vector<16xi32>
      tpu.vector_store_idx %arg10[%add3A_284, %add3A_340], %mul3A_339 : memref<4x1024xf32, #tpu.memory_space<vmem>>[vector<16xi32>, vector<16xi32>], vector<16xf32>,
      %add3A_341 = arith.constant 240 : i32
      %add3A_342 = arith.addi %add3A_341, %scan3A_203 : i32
      %get3A_343 = arith.index_cast %add3A_342 : i32 to index
      %get3A_344 = arith.constant 0 : index
      %get3A_345 = tpu.vector_load %arg9[%get3A_343, %get3A_344] {strides = array<i32>} : memref<256x16xf32, #tpu.memory_space<vmem>>, vector<16xf32>,
      %mul3A_346 = vector.broadcast %scan3A_195 : f32 to vector<16xf32>
      %mul3A_347 = arith.mulf %get3A_345, %mul3A_346 : vector<16xf32>
      %add3A_348 = arith.addi %shift_left3A_215, %add3A_25 : vector<16xi32>
      tpu.vector_store_idx %arg10[%add3A_284, %add3A_348], %mul3A_347 : memref<4x1024xf32, #tpu.memory_space<vmem>>[vector<16xi32>, vector<16xi32>], vector<16xf32>,
      %scan3A_349 = arith.constant 0 : i32
      scf.yield %scan3A_349 : i32
    }
    %scan3A_202 = arith.constant 16 : i32
    "tpu.region"() ({
      %run_scoped3A = tpu.sem_alloc : memref<!tpu.dma_semaphore, #tpu.memory_space<semaphore_mem>>
      %dma_start3A_203 = arith.constant 0 : i32
      %dma_start3A_204 = arith.constant 0 : i32
      %dma_start3A_205 = tpu.memref_slice %arg5[%dma_start3A_203, %add3A, %dma_start3A_204] : memref<4x32x1024xf32, #tpu.memory_space<hbm>> -> memref<4x1x1024xf32, #tpu.memory_space<hbm>>
      %dma_start3A_206 = tpu.memref_squeeze %dma_start3A_205 : memref<4x1x1024xf32, #tpu.memory_space<hbm>> -> memref<4x1024xf32, #tpu.memory_space<hbm>>
      %dma_start3A_207 = arith.constant 0 : i32
      %dma_start3A_208 = arith.constant 0 : i32
      %dma_start3A_209 = tpu.memref_slice %arg5[%dma_start3A_207, %add3A, %dma_start3A_208] : memref<4x32x1024xf32, #tpu.memory_space<hbm>> -> memref<4x1x1024xf32, #tpu.memory_space<hbm>>
      %dma_start3A_210 = tpu.memref_squeeze %dma_start3A_209 : memref<4x1x1024xf32, #tpu.memory_space<hbm>> -> memref<4x1024xf32, #tpu.memory_space<hbm>>
      tpu.enqueue_dma source(%arg10 : memref<4x1024xf32, #tpu.memory_space<vmem>>) target(%dma_start3A_210 : memref<4x1024xf32, #tpu.memory_space<hbm>>) target_semaphore(%run_scoped3A : memref<!tpu.dma_semaphore, #tpu.memory_space<semaphore_mem>>)
      %dma_wait3A_211 = arith.constant 0 : i32
      %dma_wait3A_212 = arith.constant 0 : i32
      %dma_wait3A_213 = tpu.memref_slice %arg5[%dma_wait3A_211, %add3A, %dma_wait3A_212] : memref<4x32x1024xf32, #tpu.memory_space<hbm>> -> memref<4x1x1024xf32, #tpu.memory_space<hbm>>
      %dma_wait3A_214 = tpu.memref_squeeze %dma_wait3A_213 : memref<4x1x1024xf32, #tpu.memory_space<hbm>> -> memref<4x1024xf32, #tpu.memory_space<hbm>>
      %dma_wait3A_215 = arith.constant 0 : i32
      %dma_wait3A_216 = arith.constant 0 : i32
      %dma_wait3A_217 = tpu.memref_slice %arg5[%dma_wait3A_215, %add3A, %dma_wait3A_216] : memref<4x32x1024xf32, #tpu.memory_space<hbm>> -> memref<4x1x1024xf32, #tpu.memory_space<hbm>>
      %dma_wait3A_218 = tpu.memref_squeeze %dma_wait3A_217 : memref<4x1x1024xf32, #tpu.memory_space<hbm>> -> memref<4x1024xf32, #tpu.memory_space<hbm>>
      tpu.wait_dma2 semaphore(%run_scoped3A : memref<!tpu.dma_semaphore, #tpu.memory_space<semaphore_mem>>) src(%arg10 : memref<4x1024xf32, #tpu.memory_space<vmem>>) dst(%dma_wait3A_218 : memref<4x1024xf32, #tpu.memory_space<hbm>>)
      tpu.yield
    }) : () -> ()
    return
  }
}

</mosaic_0001>

<sc_bundles>
// kernel: kernel.3.cloned.1.call-start
scs
__scs_entry_jumppad:
0x0: {  	(pc) =	sbr.rel $0x88, $3  }
0x1: {  	(tag) =	ssettag $0x0;
	lr =	simm.s32 $0x1  }
0x2: {  	[smem:$0x3F9F] =	sst lr;
	_ =	strace $0xD0000000  }
0x3: {  	_ = 	snop  }
0x4: {  	_ = 	snop  }
0x5: {  	_ = 	snop  }
0x6: {  	_ = 	snop  }
0x7: {  	_ = 	snop  }
__scs_overlays_trampoline_lowered:
0x8: {  	[smem:$0x3FAE] =	sst s0  }
0x9: {  	[smem:$0x3FAF] =	sst s1  }
0xa: {  	[smem:$0x3FB0] =	sst s2  }
0xb: {  	[smem:$0x3FB1] =	sst s3  }
0xc: {  	[smem:$0x3FB2] =	sst s4  }
0xd: {  	[smem:$0x3FB3] =	sst s5  }
0xe: {  	[smem:$0x3FB4] =	sst s6  }
0xf: {  	[smem:$0x3FB5] =	sst s7  }
0x10: {  	[smem:$0x3FB6] =	sst s8  }
0x11: {  	[smem:$0x3FB7] =	sst s9;
	s0 =	simm.s32 @!p0 $0x0  }
0x12: {  	s1 =	sld [smem:$0x3F9D];
	s0 =	simm.s32 @p0 $0x1  }
0x13: {  	[smem:$0x3FB8] =	sst s0;
	s0 =	simm.s32 @!p1 $0x0  }
0x14: {  	s2 =	sld [smem:$0x3F9C];
	s0 =	simm.s32 @p1 $0x1  }
0x15: {  	[smem:$0x3FB9] =	sst s0;
	s0 =	simm.s32 @!p2 $0x0  }
0x16: {  	s3 =	sld [smem:$0x3FDB];
	s0 =	simm.s32 @p2 $0x1  }
0x17: {  	s4 =	simm.s32 $0x1BF5;
	[smem:$0x3FBB] =	sst s0  }
0x18: {  	s0 =	sld [smem:$0x3F9E];
	_ =	swait.ge [sflag:s4], $0x0  }
0x19: {  	s7 =	sld [smem:$0x3F9F]  }
0x1a: {  	s8 =	sadd.s32 $0xFFFFE003, lr  }
0x1b: {  	s9 =	sadd.s32 $0xFFFFFEF7, lr;
	s5 =	simm.s32 $0xFFFFFFFF;
	p2 =	slt.u32 s8, $0xFFFFF086  }
0x1c: {  	p1 =	slt.u32 s9, $0xF7A;
	s5 =	simm.s32 @!p2 $0x0  }
0x1d: {  	s5 =	simm.s32 @p1 $0x1;
	p0 =	seq.s32 s7, s2  }
0x1e: {  	s7 =	smul.u32 @!p0 $0xF7A, s2;
	p2 =	seq.s32 @!p0 s5, $0x0  }
0x1f: {  	s9 =	smul.u32 $0xF7A, s1;
	s8 =	simm.s32 @!p0 $0x1BF5;
	p2 =	por !p2, p0  }
0x20: {  	[sflag:s8] =	ssyncset.s32 @!p0 $0xFFFFF086;
	s6 =	sadd.s32 @!p0 s3, s7;
	s7 =	simm.s32 @!p0 $0x108  }
0x21: {  	s3 =	sadd.s32 s3, s9;
	s6 =	sadd.s32 @!p0 $0x88, s6;
	s7 =	simm.s32 @p2 $0x1082  }
0x22: {  	[simem:s7], [sflag:s8] =	dma.local @!p0 [hbm:s6], $0xF7A  }
0x23: {  	s9 =	sor.u32 $0xD0000000, s2;
	s6 =	simm.s32 $0x108;
	_ =	swait.ge @!p0 [sflag:s8], $0x0  }
0x24: {  	s3 =	sadd.s32 $0x88, s3;
	s6 =	simm.s32 @!p1 $0x1082;
	[sflag:s4] =	ssyncset.s32 $0xFFFFF086  }
0x25: {  	[simem:s6], [sflag:s4] =	dma.local [hbm:s3], $0xF7A  }
0x26: {  	[smem:$0x3F9F] =	sst s1;
	(tag) =	ssettag s2;
	_ =	strace s9  }
0x27: {  	s1 =	sld [smem:$0x3FAF]  }
0x28: {  	s2 =	sld [smem:$0x3FB0]  }
0x29: {  	s4 =	sld [smem:$0x3FB2]  }
0x2a: {  	p0 =	seq.s32 s5, $0x0;
	s5 =	sld [smem:$0x3FB3]  }
0x2b: {  	s6 =	sld [smem:$0x3FB4]  }
0x2c: {  	s7 =	sld [smem:$0x3FB5]  }
0x2d: {  	s3 =	simm.s32 $0x108;
	s8 =	sld [smem:$0x3FB6]  }
0x2e: {  	s3 =	simm.s32 @!p0 $0x1082;
	s9 =	sld [smem:$0x3FB7]  }
0x2f: {  	lr =	sadd.s32 s0, s3;
	s0 =	sld [smem:$0x3FAE]  }
0x30: {  	s3 =	sld [smem:$0x3FB1]  }
0x31: {  	[smem:$0x3FBA] =	sst s10  }
0x32: {  	s10 =	sld [smem:$0x3FB8];
	_ =	sdelay $0x3  }
0x33: {  	p0 =	seq.s32 s10, $0x1;
	s10 =	sld [smem:$0x3FBA];
	_ =	sdelay $0x3  }
0x34: {  	[smem:$0x3FBA] =	sst s10  }
0x35: {  	s10 =	sld [smem:$0x3FB9];
	_ =	sdelay $0x3  }
0x36: {  	p1 =	seq.s32 s10, $0x1;
	s10 =	sld [smem:$0x3FBA];
	_ =	sdelay $0x3  }
0x37: {  	[smem:$0x3FBA] =	sst s10  }
0x38: {  	s10 =	sld [smem:$0x3FBB]  }
0x39: {  	_ = 	snop;
	(pc) =	sbr.ind lr, $3  }
0x3a: {  	_ = 	snop  }
0x3b: {  	_ = 	snop  }
0x3c: {  	p2 =	seq.s32 s10, $0x1;
	s10 =	sld [smem:$0x3FBA]  }
0x3d: {  	_ =	shalt  }
0x3e: {  	_ =	shalt  }
0x3f: {  	_ =	shalt  }
0x40: {  	_ =	shalt  }
0x41: {  	_ =	shalt  }
0x42: {  	_ =	shalt  }
0x43: {  	_ =	shalt  }
0x44: {  	_ =	shalt  }
0x45: {  	_ =	shalt  }
0x46: {  	_ =	shalt  }
0x47: {  	_ =	shalt  }
0x48: {  	_ =	shalt  }
0x49: {  	_ =	shalt  }
0x4a: {  	_ =	shalt  }
0x4b: {  	_ =	shalt  }
0x4c: {  	_ =	shalt  }
0x4d: {  	_ =	shalt  }
0x4e: {  	_ =	shalt  }
0x4f: {  	_ =	shalt  }
0x50: {  	_ =	shalt  }
0x51: {  	_ =	shalt  }
0x52: {  	_ =	shalt  }
0x53: {  	_ =	shalt  }
0x54: {  	_ =	shalt  }
0x55: {  	_ =	shalt  }
0x56: {  	_ =	shalt  }
0x57: {  	_ =	shalt  }
0x58: {  	_ =	shalt  }
0x59: {  	_ =	shalt  }
0x5a: {  	_ =	shalt  }
0x5b: {  	_ =	shalt  }
0x5c: {  	_ =	shalt  }
0x5d: {  	_ =	shalt  }
0x5e: {  	_ =	shalt  }
0x5f: {  	_ =	shalt  }
0x60: {  	_ =	shalt  }
0x61: {  	_ =	shalt  }
0x62: {  	_ =	shalt  }
0x63: {  	_ =	shalt  }
0x64: {  	_ =	shalt  }
0x65: {  	_ =	shalt  }
0x66: {  	_ =	shalt  }
0x67: {  	_ =	shalt  }
0x68: {  	_ =	shalt  }
0x69: {  	_ =	shalt  }
0x6a: {  	_ =	shalt  }
0x6b: {  	_ =	shalt  }
0x6c: {  	_ =	shalt  }
0x6d: {  	_ =	shalt  }
0x6e: {  	_ =	shalt  }
0x6f: {  	_ =	shalt  }
0x70: {  	_ =	shalt  }
0x71: {  	_ =	shalt  }
0x72: {  	_ =	shalt  }
0x73: {  	_ =	shalt  }
0x74: {  	_ =	shalt  }
0x75: {  	_ =	shalt  }
0x76: {  	_ =	shalt  }
0x77: {  	_ =	shalt  }
0x78: {  	_ =	shalt  }
0x79: {  	_ =	shalt  }
0x7a: {  	_ =	shalt  }
0x7b: {  	_ =	shalt  }
0x7c: {  	_ =	shalt  }
0x7d: {  	_ =	shalt  }
0x7e: {  	_ =	shalt  }
0x7f: {  	_ =	shalt  }
0x80: {  	_ =	shalt  }
0x81: {  	_ =	shalt  }
0x82: {  	_ =	shalt  }
0x83: {  	_ =	shalt  }
0x84: {  	_ =	shalt  }
0x85: {  	_ =	shalt  }
0x86: {  	_ =	shalt  }
0x87: {  	_ =	shalt  }
.Lfunc_end0:
.L_simem_size_0:
called_computation_lowered:
.L_overlay_start_0:
0x88: {  	s2 =	sld [smem:$0x3FD9]  }
0x89: {  	s3 =	sld [smem:$0x3FFE];
	_ =	sdelay $0x1  }
0x8a: {  	s1 =	srdreg.scid  }
0x8b: {  	s0 =	sand.u32 $0x1, s1  }
0x8c: {  	s14 =	sshll.u32 s0, $0xA;
	s2 =	sadd.s32 s3, s2  }
0x8d: {  	s2 =	sadd.s32 s2, s14  }
0x8e: {  	[smem:$0x3FC6] =	sst s2  }
0x8f: {  	_ = 	snop  }
0x90: {  	s2 =	sld [smem:$0x3FD0];
	_ =	sdelay $0x2  }
0x91: {  	s4 =	simm.s32 $0xA;
	s5 =	simm.s32 $0x10;
	s15 =	sld [smem:$0x3FC9]  }
0x92: {  	[smem:s5], [sflag:s4] =	dma.local [hbm:s2], $0x1  }
0x93: {  	_ =	swait.eq [sflag:s4], $0x1  }
0x94: {  	[sflag:s4] =	ssyncset.done $0x0  }
0x95: {  	s16 =	sld [smem:$0x10];
	[sflag:s4] =	ssyncadd.s32 $0xFFFFFFFF  }
0x96: {  	s17 =	sld [smem:$0x11];
	(tm) =	ssettm $0x1  }
0x97: {  	s18 =	sld [smem:$0x3FFB];
	_ =	sdelay $0x3  }
0x98: {  	_ =	strace s18  }
0x99: {  	s5 =	sld [smem:$0x3FFC];
	_ =	sdelay $0x3  }
0x9a: {  	_ =	strace s5  }
0x9b: {  	s5 =	sld [smem:$0x3FFD];
	_ =	sdelay $0x3  }
0x9c: {  	_ =	strace s5  }
0x9d: {  	_ =	strace $0x8FFFFFFF  }
0x9e: {  	s19 =	sld [smem:$0x3FDB];
	_ =	sdelay $0x1  }
0x9f: {  	s6 =	simm.s32 $_scs_section_size  }
0xa0: {  	s7 =	simm.s32 $_size__tile_overlayer_lowered;
	s8 =	simm.s32 $_tile_overlayer_lowered  }
0xa1: {  	s22 =	simm.s32 $0x1BFF;
	s21 =	sshll.u32 s8, $0x1;
	s5 =	sadd.s32 s6, s19  }
0xa2: {  	s9 =	simm.s32 $0x0;
	s20 =	sshll.u32 s7, $0x1;
	s7 =	sadd.s32 s21, s5  }
0xa3: {  	[timem:s9], [sflag:s22] =	dma.local [hbm:s7], s20  }
0xa4: {  	_ =	swait.ge [sflag:s22], s20  }
0xa5: {  	s6 =	ssub.s32 $0x0, s20;
	[sflag:s22] =	ssyncset.done $0x0  }
0xa6: {  	[sflag:s22] =	ssyncadd.s32 s6;
	_ =	sdelay $0x1  }
0xa7: {  	s23 =	simm.s32 $0x1B8B  }
0xa8: {  	_ =	swait.ge [sflag:s23], $0x1  }
0xa9: {  	[sflag:s23] =	ssyncset.done $0x0  }
0xaa: {  	s25 =	simm.s32 $0x1B8E;
	s24 =	sld [smem:$0x3FFE];
	[sflag:s23] =	ssyncadd.s32 $0xFFFFFFFF  }
0xab: {  	s26 =	simm.s32 $execute0_lowered;
	[smem:$0x3FD2] =	sst s25  }
0xac: {  	s7 =	sshll.u32 s26, $0x1;
	_ =	strace $0x80000046;
	[dreg:$0x1] =	wrdreg $0xFFFFFFFF  }
0xad: {  	s28 =	simm.s32 $_size_execute0_lowered;
	s5 =	sadd.s32 s5, s7;
	[dreg:$0x0] =	wrdreg $0x0  }
0xae: {  	s7 =	sshll.u32 s28, $0x1;
	[dreg:$0x2] =	wrdreg s5  }
0xaf: {  	[dreg:$0x3] =	wrdreg s7  }
0xb0: {  	[dreg:$0x4] =	wrdreg $0xC0  }
0xb1: {  	_ =	task [dreg:s9], $0x5FFFF  }
0xb2: {  	[dreg:$0x1] =	wrdreg $0xFFFFFFFF  }
0xb3: {  	[dreg:$0x0] =	wrdreg $0x60  }
0xb4: {  	[dreg:$0x2] =	wrdreg s15  }
0xb5: {  	[dreg:$0x3] =	wrdreg s24  }
0xb6: {  	[dreg:$0x4] =	wrdreg s16  }
0xb7: {  	[dreg:$0x5] =	wrdreg s17  }
0xb8: {  	[dreg:$0x6] =	wrdreg $0x9  }
0xb9: {  	_ =	task.clear_ibuf [dreg:s9], $0x7FFFF;
	_ =	strace $0x90000046  }
0xba: {  	s29 =	simm.s32 $0x9;
	_ =	strace $0x80000048  }
0xbb: {  	_ =	swait.ge [sflag:s29], $0x1  }
0xbc: {  	[sflag:s29] =	ssyncadd.s32 $0xFFFFFFFF  }
0xbd: {  	_ =	strace $0x90000048  }
0xbe: {  	_ =	sfence  }
0xbf: {  	s30 =	sld [smem:$0x0];
	_ =	sdelay $0x2  }
0xc0: {  	s31 =	sshll.u32 s1, $0xD;
	s1 =	sshrl.u32 s1, $0x2  }
0xc1: {  	s3 =	sand.u32 $0x4000, s31;
	s1 =	sadd.s32 s1, s30  }
0xc2: {  	s0 =	sor.u32 s3, s0;
	s1 =	sshll.u32 s1, $0x11  }
0xc3: {  	s0 =	sor.u32 s1, s0  }
0xc4: {  	s0 =	sadd.s32 $0x8F2B, s0  }
0xc5: {  	[sflag:s0] =	ssyncadd.remote.s32 $0x1  }
0xc6: {  	_ =	sfence.sel $0xFFFF  }
0xc7: {  	[dreg:$0x0] =	wrdreg $0xFFFFFFFF;
	(pc) =	sbr.abs _section_cstart, $3  }
0xc8: {  	[dreg:$0x1] =	wrdreg $0xFFFFFFFF  }
0xc9: {  	_ =	task.clear_ibuf [dreg:s9], $0x2FFFF;
	_ =	strace $0x9FFFFFFF  }
0xca: {  	(tm) =	ssettm $0x7FFFFFFF  }
0xcb: {  	_ =	shalt  }
tec
execute0_lowered:
.L_overlay_start_1:
0x0: {  	(tag) =	ssettag $0x1  }
0x1: {  	s0 =	rddreg [dreg:$0x0]  }
0x2: {  	s2 =	rddreg [dreg:$0x1]  }
0x3: {  	s1 =	rddreg [dreg:$0x2]  }
0x4: {  	s3 =	rddreg [dreg:$0x3];
	s5 =	simm.s32 $0x0  }
0x5: {  	s4 =	srdreg.scid;
	s20 =	stileid.u32;
	s13 =	simm.s32 $0x400  }
0x6: {  	s14 =	simm.s32 $0x8000;
	s16 =	simm.s32 $0x80;
	s17 =	simm.s32 $0x6400  }
0x7: {  	s18 =	simm.s32 $0x7400;
	s28 =	simm.s32 $0x2;
	s30 =	simm.s32 $0xC400  }
0x8: {  	s31 =	simm.s32 $0x3;
	s19 =	simm.s32 $0x4;
	s11 =	simm.s32 $0xF400  }
0x9: {  	s12 =	simm.s32 $0x11400;
	[smem:$0x7FF] =	sst s5;
	s4 =	sand.u32 $0x1, s4  }
0xa: {  	s5 =	sshll.u32 s20, $0xB;
	s20 =	simm.s32 $0x8400;
	s6 =	ssub.s32 $0x2, s4  }
0xb: {  	s4 =	sshll.u32 s4, $0xA;
	_ =	strace $0x80000047;
	s7 =	sshrl.u32 s6, $0x1  }
0xc: {  	v0 =	vlaneseq.u32;
	s8 =	sor.u32 s4, s5;
	s5 =	sadd.s32 $0xF42C00, s2;
	s2 =	simm.s32 $0xD400  }
0xd: {  	v2 =	vimm.f32 $0.0e+00;
	v1 =	vmul.u32 $0x20, v0;
	s21 =	ssub.s32 s6, s7;
	s22 =	sor.u32 $0x20000, s8;
	[dreg:$0x5] =	wrdreg s8  }
0xe: {  	v3 =	vand.u32 $0x7, v0;
	v5 =	vor.u32 $0x10, v0;
	v7 =	vor.u32 $0x20, v0;
	s4 =	sshrl.u32 s8, $0x3;
	s23 =	sor.u32 $0x40000, s8;
	[dreg:$0x7] =	wrdreg s22  }
0xf: {  	v9 =	vor.u32 $0x30, v0;
	v11 =	vor.u32 $0x40, v0;
	v13 =	vor.u32 $0x50, v0;
	s24 =	sor.u32 $0x60000, s8;
	s25 =	sor.u32 $0x80000, s8;
	[dreg:$0x8] =	wrdreg s23  }
0x10: {  	v15 =	vor.u32 $0x60, v0;
	v17 =	vor.u32 $0x70, v0;
	v19 =	vor.u32 $0x800, v3;
	s7 =	simm.s32 $0xB;
	s6 =	simm.s32 $0xA;
	[dreg:$0x9] =	wrdreg s24  }
0x11: {  	v4 =	vor.u32 $0x200, v1;
	v6 =	vor.u32 $0x400, v1;
	v8 =	vor.u32 $0x600, v1;
	s0 =	sadd.s32 s0, s4;
	[dreg:$0xa] =	wrdreg s25;
	s26 =	sadd.s32 s3, s4  }
0x12: {  	v10 =	vor.u32 $0x800, v1;
	v12 =	vor.u32 $0xA00, v1;
	v14 =	vor.u32 $0xC00, v1;
	s29 =	smax.u32 s21, $0x1;
	s22 =	simm.s32 $0x9400;
	s24 =	simm.s32 $0xA400  }
0x13: {  	v16 =	vor.u32 $0xE00, v1;
	v18 =	vor.u32 $0x10, v1;
	v20 =	vor.u32 $0x210, v1;
	s25 =	simm.s32 $0x1;
	s21 =	simm.s32 $0x9;
	[dreg:$0x6] =	wrdreg s0  }
0x14: {  	v21 =	vor.u32 $0x410, v1;
	v22 =	vor.u32 $0x610, v1;
	v23 =	vor.u32 $0x810, v1;
	s23 =	simm.s32 $0xE400;
	s3 =	simm.s32 $0x5;
	[dreg:$0xb] =	wrdreg s26  }
0x15: {  	v24 =	vor.u32 $0xA10, v1;
	v25 =	vor.u32 $0xC10, v1;
	v26 =	vor.u32 $0xE10, v1;
	s4 =	simm.s32 $0x0;
	[dreg:$0xc] =	wrdreg s29;
	s26 =	simm.s32 $0xB400  }
.LBB2_1:
0x16: {  	[dreg:$0xd] =	wrdreg s4  }
0x17: {  	s0 =	simm.s32 $0x0;
	s29 =	rddreg [dreg:$0x6]  }
0x18: {  	[tilespmem:s0], [sflag:$0xB] =	stream.strided.gather [hbm4b:s29+s13], $0x6400, s14, s13, $0x38;
	[tilespmem:$0x12400] =	vst v63  }
0x19: {  	_ =	swait.ge [sflag:s7], $0x6400  }
0x1a: {  	[sflag:s7] =	ssyncset.done $0x0  }
0x1b: {  	s4 =	simm.s32 $0x40;
	[sflag:s7] =	ssyncadd.s32 $0xFFFF9C00;
	s7 =	simm.s32 $0x0  }
.LBB2_2:
0x1c: {  	p0 =	sne.s32 s4, $0x3FC0;
	[tilespmem:s7+$0x10400] =	vst v2;
	s7 =	smov.u32 s4;
	s4 =	sadd.s32 $0x40, s4  }
.Ltmp0:
0x1d: {  	(pc) =	sbr.rel @p0 .LBB2_2-.Ltmp0, $2  }
0x1e: {  	_ =	sdelay $0x2  }
0x1f: {  	s7 =	sshra.s32 s7, $0x2  }
0x20: {  	[tilespmem:s7+$0x10400] =	vst v2;
	s0 =	simm.s32 $0x0  }
0x21: {  	[tilespmem:s17], [sflag:$0x1] =	stream.indirect.gather [hbm4b:s5+s16], $0x20, s0, s16, $0xb8;
	[tilespmem:$0x12400] =	vst v63  }
0x22: {  	_ = 	snop  }
0x23: {  	[tilespmem:s18], [sflag:$0x2] =	stream.indirect.gather [hbm4b:s5+s16], $0x20, s16, s16, $0xb8;
	[tilespmem:$0x12400] =	vst v63  }
0x24: {  	s10 =	simm.s32 $0x100  }
0x25: {  	[tilespmem:s20], [sflag:$0x3] =	stream.indirect.gather [hbm4b:s5+s16], $0x20, s10, s16, $0xb8;
	[tilespmem:$0x12400] =	vst v63  }
0x26: {  	s15 =	simm.s32 $0x180  }
0x27: {  	[tilespmem:s22], [sflag:$0x4] =	stream.indirect.gather [hbm4b:s5+s16], $0x20, s15, s16, $0xb8;
	[tilespmem:$0x12400] =	vst v63  }
0x28: {  	s29 =	simm.s32 $0x200;
	s15 =	simm.s32 $0x0  }
0x29: {  	[tilespmem:s24], [sflag:$0x5] =	stream.indirect.gather [hbm4b:s5+s16], $0x20, s29, s16, $0xb8;
	[tilespmem:$0x12400] =	vst v63  }
.LBB2_4:
0x2a: {  	s0 =	simm.s32 $0x0  }
0x2b: {  	v27 =	vadd.s32 s0, v0  }
0x2c: {  	_ =	swait.ge [sflag:s25], $0x1000;
	v28 =	vand.u32 $0xF, v27  }
0x2d: {  	p0 =	seq.s32 s15, $0x0;
	[sflag:s25] =	ssyncset.done $0x0;
	v29 =	vor.u32 v1, v28  }
0x2e: {  	s4 =	simm.s32 @!p0 $0x6;
	[sflag:s25] =	ssyncadd.s32 $0xFFFFF000  }
0x2f: {  	v27 =	vshll.u32 v27, $0x7;
	_ =	swait.ge @!p0 [sflag:s4], $0x1000  }
0x30: {  	v30 =	vor.u32 v0, v27;
	v31 =	vand.u32 $0x400, v27;
	[sflag:s4] =	ssyncset.done @!p0 $0x0  }
0x31: {  	v30 =	vand.u32 $0x388, v30;
	v32 =	vor.u32 v3, v31;
	[sflag:s4] =	ssyncadd.s32 @!p0 $0xFFFFF000  }
0x32: {  	v33 =	vor.u32 v30, v32;
	v29 =	vld.idx.msk [tilespmem:v29+s17+$0x0], $0xffff;
	_ =	sdelay $0x1  }
0x33: {  	v34 =	vor.u32 v4, v28;
	_ =	sdelay $0x2  }
0x34: {  	s8 =	simm.s32 $0x0;
	v35 =	vor.u32 v5, v27;
	[tilespmem:v33+s26+$0x0] =	vst.idx.msk $0xffff, v29  }
0x35: {  	v63 =	vand.u32 $0x398, v35;
	[tilespmem:s8+$0x10400] =	vst.add.f32.msk $0xffff, v29  }
0x36: {  	v29 =	vor.u32 v63, v32;
	v34 =	vld.idx.msk [tilespmem:v34+s17+$0x0], $0xffff;
	_ =	sdelay $0x1  }
0x37: {  	v41 =	vor.u32 v6, v28;
	_ =	sdelay $0x2  }
0x38: {  	v36 =	vor.u32 v7, v27;
	[tilespmem:v29+s26+$0x0] =	vst.idx.msk $0xffff, v34  }
0x39: {  	v29 =	vand.u32 $0x3A8, v36;
	[tilespmem:s8+$0x10600] =	vst.add.f32.msk $0xffff, v34  }
0x3a: {  	v42 =	vor.u32 v29, v32;
	v34 =	vld.idx.msk [tilespmem:v41+s17+$0x0], $0xffff;
	_ =	sdelay $0x1  }
0x3b: {  	v43 =	vor.u32 v8, v28;
	_ =	sdelay $0x2  }
0x3c: {  	v37 =	vor.u32 v9, v27;
	[tilespmem:v42+s26+$0x0] =	vst.idx.msk $0xffff, v34  }
0x3d: {  	v44 =	vand.u32 $0x3B8, v37;
	[tilespmem:s8+$0x10800] =	vst.add.f32.msk $0xffff, v34  }
0x3e: {  	v45 =	vor.u32 v44, v32;
	v35 =	vld.idx.msk [tilespmem:v43+s17+$0x0], $0xffff;
	_ =	sdelay $0x1  }
0x3f: {  	v46 =	vor.u32 v10, v28;
	_ =	sdelay $0x2  }
0x40: {  	v38 =	vor.u32 v11, v27;
	[tilespmem:v45+s26+$0x0] =	vst.idx.msk $0xffff, v35  }
0x41: {  	v47 =	vand.u32 $0x3C8, v38;
	[tilespmem:s8+$0x10A00] =	vst.add.f32.msk $0xffff, v35  }
0x42: {  	v48 =	vor.u32 v47, v32;
	v37 =	vld.idx.msk [tilespmem:v46+s17+$0x0], $0xffff;
	_ =	sdelay $0x1  }
0x43: {  	v49 =	vor.u32 v12, v28;
	_ =	sdelay $0x2  }
0x44: {  	v39 =	vor.u32 v13, v27;
	[tilespmem:v48+s26+$0x0] =	vst.idx.msk $0xffff, v37  }
0x45: {  	v50 =	vand.u32 $0x3D8, v39;
	[tilespmem:s8+$0x10C00] =	vst.add.f32.msk $0xffff, v37  }
0x46: {  	v51 =	vor.u32 v50, v32;
	v38 =	vld.idx.msk [tilespmem:v49+s17+$0x0], $0xffff;
	_ =	sdelay $0x1  }
0x47: {  	v52 =	vor.u32 v14, v28;
	_ =	sdelay $0x2  }
0x48: {  	v40 =	vor.u32 v15, v27;
	[tilespmem:v51+s26+$0x0] =	vst.idx.msk $0xffff, v38  }
0x49: {  	v53 =	vand.u32 $0x3E8, v40;
	[tilespmem:s8+$0x10E00] =	vst.add.f32.msk $0xffff, v38  }
0x4a: {  	v54 =	vor.u32 v53, v32;
	v39 =	vld.idx.msk [tilespmem:v52+s17+$0x0], $0xffff;
	_ =	sdelay $0x1  }
0x4b: {  	v55 =	vor.u32 v16, v28;
	_ =	sdelay $0x2  }
0x4c: {  	v27 =	vor.u32 v17, v27;
	[tilespmem:v54+s26+$0x0] =	vst.idx.msk $0xffff, v39  }
0x4d: {  	v27 =	vand.u32 $0x3F8, v27;
	[tilespmem:s8+$0x11000] =	vst.add.f32.msk $0xffff, v39  }
0x4e: {  	v32 =	vor.u32 v27, v32;
	v38 =	vld.idx.msk [tilespmem:v55+s17+$0x0], $0xffff;
	_ =	sdelay $0x1  }
0x4f: {  	v56 =	vor.u32 v18, v28;
	_ =	sdelay $0x2  }
0x50: {  	[tilespmem:v32+s26+$0x0] =	vst.idx.msk $0xffff, v38  }
0x51: {  	v31 =	vor.u32 v19, v31;
	[tilespmem:s8+$0x11200] =	vst.add.f32.msk $0xffff, v38  }
0x52: {  	v30 =	vor.u32 v30, v31;
	v32 =	vld.idx.msk [tilespmem:v56+s17+$0x0], $0xffff;
	_ =	sdelay $0x1  }
0x53: {  	v57 =	vor.u32 v20, v28;
	_ =	sdelay $0x2  }
0x54: {  	[tilespmem:v30+s26+$0x0] =	vst.idx.msk $0xffff, v32  }
0x55: {  	[tilespmem:s8+$0x10500] =	vst.add.f32.msk $0xffff, v32  }
0x56: {  	v30 =	vor.u32 v63, v31;
	v32 =	vld.idx.msk [tilespmem:v57+s17+$0x0], $0xffff;
	_ =	sdelay $0x1  }
0x57: {  	v58 =	vor.u32 v21, v28;
	_ =	sdelay $0x2  }
0x58: {  	[tilespmem:v30+s26+$0x0] =	vst.idx.msk $0xffff, v32  }
0x59: {  	[tilespmem:s8+$0x10700] =	vst.add.f32.msk $0xffff, v32  }
0x5a: {  	v29 =	vor.u32 v29, v31;
	v30 =	vld.idx.msk [tilespmem:v58+s17+$0x0], $0xffff;
	_ =	sdelay $0x1  }
0x5b: {  	v59 =	vor.u32 v22, v28;
	_ =	sdelay $0x2  }
0x5c: {  	[tilespmem:v29+s26+$0x0] =	vst.idx.msk $0xffff, v30  }
0x5d: {  	[tilespmem:s8+$0x10900] =	vst.add.f32.msk $0xffff, v30  }
0x5e: {  	v30 =	vor.u32 v44, v31;
	v29 =	vld.idx.msk [tilespmem:v59+s17+$0x0], $0xffff;
	_ =	sdelay $0x1  }
0x5f: {  	v60 =	vor.u32 v23, v28;
	_ =	sdelay $0x2  }
0x60: {  	[tilespmem:v30+s26+$0x0] =	vst.idx.msk $0xffff, v29  }
0x61: {  	[tilespmem:s8+$0x10B00] =	vst.add.f32.msk $0xffff, v29  }
0x62: {  	v29 =	vor.u32 v47, v31;
	v30 =	vld.idx.msk [tilespmem:v60+s17+$0x0], $0xffff;
	_ =	sdelay $0x1  }
0x63: {  	v61 =	vor.u32 v24, v28;
	_ =	sdelay $0x2  }
0x64: {  	[tilespmem:v29+s26+$0x0] =	vst.idx.msk $0xffff, v30  }
0x65: {  	[tilespmem:s8+$0x10D00] =	vst.add.f32.msk $0xffff, v30  }
0x66: {  	v29 =	vor.u32 v50, v31;
	v30 =	vld.idx.msk [tilespmem:v61+s17+$0x0], $0xffff;
	_ =	sdelay $0x1  }
0x67: {  	v62 =	vor.u32 v25, v28;
	_ =	sdelay $0x2  }
0x68: {  	[tilespmem:v29+s26+$0x0] =	vst.idx.msk $0xffff, v30  }
0x69: {  	[tilespmem:s8+$0x10F00] =	vst.add.f32.msk $0xffff, v30  }
0x6a: {  	v29 =	vor.u32 v53, v31;
	v30 =	vld.idx.msk [tilespmem:v62+s17+$0x0], $0xffff;
	_ =	sdelay $0x1  }
0x6b: {  	v28 =	vor.u32 v26, v28;
	_ =	sdelay $0x2  }
0x6c: {  	[tilespmem:v29+s26+$0x0] =	vst.idx.msk $0xffff, v30  }
0x6d: {  	s9 =	simm.s32 $0x1;
	[tilespmem:s8+$0x11100] =	vst.add.f32.msk $0xffff, v30  }
0x6e: {  	v63 =	vor.u32 v27, v31;
	v27 =	vadd.s32 s9, v0;
	v36 =	vld.idx.msk [tilespmem:v28+s17+$0x0], $0xffff  }
0x6f: {  	v33 =	vshll.u32 v27, $0x7;
	v27 =	vand.u32 $0xF, v27  }
0x70: {  	v38 =	vor.u32 v1, v27;
	v34 =	vor.u32 v9, v33;
	v31 =	vor.u32 v7, v33  }
0x71: {  	v29 =	vand.u32 $0x400, v33;
	v30 =	vor.u32 v5, v33;
	v28 =	vor.u32 v0, v33  }
0x72: {  	v32 =	vor.u32 v3, v29;
	v30 =	vand.u32 $0x398, v30;
	v28 =	vand.u32 $0x388, v28  }
0x73: {  	s7 =	smul.u32 $0x5, s15;
	s10 =	simm.s32 $0x40;
	s4 =	simm.s32 $0x80;
	v31 =	vand.u32 $0x3A8, v31;
	v35 =	vor.u32 v30, v32;
	v37 =	vor.u32 v28, v32;
	[tilespmem:v63+s26+$0x0] =	vst.idx.msk $0xffff, v36  }
.LBB2_5:
0x74: {  	p1 =	sne.s32 s4, $0x3C0;
	v39 =	vor.u32 v11, v33;
	v40 =	vor.u32 v13, v33;
	v41 =	vor.u32 v15, v33;
	[tilespmem:s8+$0x11300] =	vst.add.f32.msk $0xffff, v36;
	s29 =	smov.u32 s4;
	s4 =	sadd.s32 $0x40, s4  }
0x75: {  	v36 =	vld.idx.msk [tilespmem:v38+s17+$0x0], $0xffff;
	v38 =	vand.u32 $0x3C8, v39;
	v39 =	vand.u32 $0x3D8, v40;
	v40 =	vand.u32 $0x3E8, v41  }
0x76: {  	v41 =	vor.u32 v38, v32;
	v42 =	vor.u32 v39, v32;
	v43 =	vor.u32 v40, v32  }
0x77: {  	v33 =	vor.u32 v17, v33  }
0x78: {  	v44 =	vor.u32 v4, v27;
	v33 =	vand.u32 $0x3F8, v33  }
0x79: {  	v45 =	vor.u32 v33, v32;
	_ =	sdelay $0x1  }
0x7a: {  	s8 =	sshra.s32 s10, $0x2;
	s10 =	smov.u32 s29;
	[tilespmem:v37+s26+$0x0] =	vst.idx.msk $0xffff, v36  }
0x7b: {  	[tilespmem:s8+$0x10400] =	vst.add.f32.msk $0xffff, v36  }
0x7c: {  	v36 =	vld.idx.msk [tilespmem:v44+s17+$0x0], $0xffff;
	_ =	sdelay $0x2  }
0x7d: {  	v37 =	vor.u32 v6, v27;
	_ =	sdelay $0x2  }
0x7e: {  	[tilespmem:v35+s26+$0x0] =	vst.idx.msk $0xffff, v36  }
0x7f: {  	[tilespmem:s8+$0x10600] =	vst.add.f32.msk $0xffff, v36  }
0x80: {  	v35 =	vld.idx.msk [tilespmem:v37+s17+$0x0], $0xffff  }
0x81: {  	v36 =	vor.u32 v31, v32;
	_ =	sdelay $0x1  }
0x82: {  	v37 =	vor.u32 v8, v27;
	_ =	sdelay $0x2  }
0x83: {  	[tilespmem:v36+s26+$0x0] =	vst.idx.msk $0xffff, v35  }
0x84: {  	[tilespmem:s8+$0x10800] =	vst.add.f32.msk $0xffff, v35  }
0x85: {  	v34 =	vand.u32 $0x3B8, v34;
	v35 =	vld.idx.msk [tilespmem:v37+s17+$0x0], $0xffff  }
0x86: {  	v32 =	vor.u32 v34, v32;
	_ =	sdelay $0x1  }
0x87: {  	v36 =	vor.u32 v10, v27;
	_ =	sdelay $0x2  }
0x88: {  	[tilespmem:v32+s26+$0x0] =	vst.idx.msk $0xffff, v35  }
0x89: {  	[tilespmem:s8+$0x10A00] =	vst.add.f32.msk $0xffff, v35  }
0x8a: {  	v32 =	vld.idx.msk [tilespmem:v36+s17+$0x0], $0xffff;
	_ =	sdelay $0x2  }
0x8b: {  	v35 =	vor.u32 v12, v27;
	_ =	sdelay $0x2  }
0x8c: {  	[tilespmem:v41+s26+$0x0] =	vst.idx.msk $0xffff, v32  }
0x8d: {  	[tilespmem:s8+$0x10C00] =	vst.add.f32.msk $0xffff, v32  }
0x8e: {  	v32 =	vld.idx.msk [tilespmem:v35+s17+$0x0], $0xffff;
	_ =	sdelay $0x2  }
0x8f: {  	v35 =	vor.u32 v14, v27;
	_ =	sdelay $0x2  }
0x90: {  	[tilespmem:v42+s26+$0x0] =	vst.idx.msk $0xffff, v32  }
0x91: {  	[tilespmem:s8+$0x10E00] =	vst.add.f32.msk $0xffff, v32  }
0x92: {  	v32 =	vld.idx.msk [tilespmem:v35+s17+$0x0], $0xffff;
	_ =	sdelay $0x2  }
0x93: {  	v35 =	vor.u32 v16, v27;
	_ =	sdelay $0x2  }
0x94: {  	[tilespmem:v43+s26+$0x0] =	vst.idx.msk $0xffff, v32  }
0x95: {  	[tilespmem:s8+$0x11000] =	vst.add.f32.msk $0xffff, v32  }
0x96: {  	v32 =	vld.idx.msk [tilespmem:v35+s17+$0x0], $0xffff;
	_ =	sdelay $0x2  }
0x97: {  	v35 =	vor.u32 v18, v27;
	_ =	sdelay $0x2  }
0x98: {  	[tilespmem:v45+s26+$0x0] =	vst.idx.msk $0xffff, v32  }
0x99: {  	[tilespmem:s8+$0x11200] =	vst.add.f32.msk $0xffff, v32  }
0x9a: {  	v29 =	vor.u32 v19, v29;
	v32 =	vld.idx.msk [tilespmem:v35+s17+$0x0], $0xffff  }
0x9b: {  	v28 =	vor.u32 v28, v29;
	v30 =	vor.u32 v30, v29;
	v41 =	vor.u32 v33, v29  }
0x9c: {  	v31 =	vor.u32 v31, v29;
	v33 =	vor.u32 v39, v29;
	v35 =	vor.u32 v40, v29  }
0x9d: {  	v37 =	vor.u32 v38, v29;
	v36 =	vor.u32 v20, v27;
	_ =	sdelay $0x2  }
0x9e: {  	[tilespmem:v28+s26+$0x0] =	vst.idx.msk $0xffff, v32  }
0x9f: {  	[tilespmem:s8+$0x10500] =	vst.add.f32.msk $0xffff, v32  }
0xa0: {  	v28 =	vld.idx.msk [tilespmem:v36+s17+$0x0], $0xffff;
	_ =	sdelay $0x2  }
0xa1: {  	v32 =	vor.u32 v21, v27;
	_ =	sdelay $0x2  }
0xa2: {  	[tilespmem:v30+s26+$0x0] =	vst.idx.msk $0xffff, v28  }
0xa3: {  	[tilespmem:s8+$0x10700] =	vst.add.f32.msk $0xffff, v28  }
0xa4: {  	v28 =	vld.idx.msk [tilespmem:v32+s17+$0x0], $0xffff;
	_ =	sdelay $0x2  }
0xa5: {  	v30 =	vor.u32 v22, v27;
	_ =	sdelay $0x2  }
0xa6: {  	[tilespmem:v31+s26+$0x0] =	vst.idx.msk $0xffff, v28  }
0xa7: {  	[tilespmem:s8+$0x10900] =	vst.add.f32.msk $0xffff, v28  }
0xa8: {  	v28 =	vld.idx.msk [tilespmem:v30+s17+$0x0], $0xffff  }
0xa9: {  	v29 =	vor.u32 v34, v29;
	_ =	sdelay $0x1  }
0xaa: {  	v30 =	vor.u32 v23, v27;
	_ =	sdelay $0x2  }
0xab: {  	[tilespmem:v29+s26+$0x0] =	vst.idx.msk $0xffff, v28  }
0xac: {  	[tilespmem:s8+$0x10B00] =	vst.add.f32.msk $0xffff, v28  }
0xad: {  	v28 =	vld.idx.msk [tilespmem:v30+s17+$0x0], $0xffff;
	_ =	sdelay $0x2  }
0xae: {  	v29 =	vor.u32 v24, v27;
	_ =	sdelay $0x2  }
0xaf: {  	[tilespmem:v37+s26+$0x0] =	vst.idx.msk $0xffff, v28  }
0xb0: {  	[tilespmem:s8+$0x10D00] =	vst.add.f32.msk $0xffff, v28  }
0xb1: {  	v28 =	vld.idx.msk [tilespmem:v29+s17+$0x0], $0xffff;
	_ =	sdelay $0x2  }
0xb2: {  	v29 =	vor.u32 v25, v27;
	_ =	sdelay $0x2  }
0xb3: {  	[tilespmem:v33+s26+$0x0] =	vst.idx.msk $0xffff, v28  }
0xb4: {  	[tilespmem:s8+$0x10F00] =	vst.add.f32.msk $0xffff, v28  }
0xb5: {  	v28 =	vld.idx.msk [tilespmem:v29+s17+$0x0], $0xffff;
	_ =	sdelay $0x2  }
0xb6: {  	v27 =	vor.u32 v26, v27;
	_ =	sdelay $0x2  }
0xb7: {  	[tilespmem:v35+s26+$0x0] =	vst.idx.msk $0xffff, v28  }
0xb8: {  	[tilespmem:s8+$0x11100] =	vst.add.f32.msk $0xffff, v28  }
0xb9: {  	s9 =	sadd.s32 $0x1, s9;
	v36 =	vld.idx.msk [tilespmem:v27+s17+$0x0], $0xffff  }
0xba: {  	v27 =	vadd.s32 s9, v0  }
.Ltmp1:
0xbb: {  	v33 =	vshll.u32 v27, $0x7;
	v27 =	vand.u32 $0xF, v27;
	(pc) =	sbr.rel @p1 .LBB2_5-.Ltmp1, $4  }
0xbc: {  	v38 =	vor.u32 v1, v27;
	v28 =	vor.u32 v0, v33;
	v29 =	vand.u32 $0x400, v33  }
0xbd: {  	v30 =	vor.u32 v5, v33;
	v28 =	vand.u32 $0x388, v28;
	v32 =	vor.u32 v3, v29  }
0xbe: {  	v31 =	vor.u32 v7, v33;
	v30 =	vand.u32 $0x398, v30;
	v37 =	vor.u32 v28, v32  }
0xbf: {  	v34 =	vor.u32 v9, v33;
	v31 =	vand.u32 $0x3A8, v31;
	v35 =	vor.u32 v30, v32;
	[tilespmem:v41+s26+$0x0] =	vst.idx.msk $0xffff, v36  }
0xc0: {  	_ =	sdelay $0x2  }
0xc1: {  	[tilespmem:s8+$0x11300] =	vst.add.f32.msk $0xffff, v36  }
0xc2: {  	v36 =	vld.idx.msk [tilespmem:v38+s17+$0x0], $0xffff;
	_ =	sdelay $0x1  }
0xc3: {  	v51 =	vor.u32 v4, v27;
	_ =	sdelay $0x2  }
0xc4: {  	s4 =	sshra.s32 s10, $0x2;
	[tilespmem:v37+s26+$0x0] =	vst.idx.msk $0xffff, v36  }
0xc5: {  	[tilespmem:s4+$0x10400] =	vst.add.f32.msk $0xffff, v36  }
0xc6: {  	v36 =	vld.idx.msk [tilespmem:v51+s17+$0x0], $0xffff;
	_ =	sdelay $0x1  }
0xc7: {  	v52 =	vor.u32 v6, v27;
	_ =	sdelay $0x2  }
0xc8: {  	[tilespmem:v35+s26+$0x0] =	vst.idx.msk $0xffff, v36  }
0xc9: {  	[tilespmem:s4+$0x10600] =	vst.add.f32.msk $0xffff, v36  }
0xca: {  	v53 =	vor.u32 v31, v32;
	v35 =	vld.idx.msk [tilespmem:v52+s17+$0x0], $0xffff;
	_ =	sdelay $0x1  }
0xcb: {  	v54 =	vor.u32 v8, v27;
	_ =	sdelay $0x2  }
0xcc: {  	[tilespmem:v53+s26+$0x0] =	vst.idx.msk $0xffff, v35  }
0xcd: {  	v34 =	vand.u32 $0x3B8, v34;
	[tilespmem:s4+$0x10800] =	vst.add.f32.msk $0xffff, v35  }
0xce: {  	v55 =	vor.u32 v34, v32;
	v35 =	vld.idx.msk [tilespmem:v54+s17+$0x0], $0xffff;
	_ =	sdelay $0x1  }
0xcf: {  	v56 =	vor.u32 v10, v27;
	_ =	sdelay $0x2  }
0xd0: {  	v57 =	vor.u32 v11, v33;
	[tilespmem:v55+s26+$0x0] =	vst.idx.msk $0xffff, v35  }
0xd1: {  	v58 =	vand.u32 $0x3C8, v57;
	[tilespmem:s4+$0x10A00] =	vst.add.f32.msk $0xffff, v35  }
0xd2: {  	v59 =	vor.u32 v58, v32;
	v37 =	vld.idx.msk [tilespmem:v56+s17+$0x0], $0xffff;
	_ =	sdelay $0x1  }
0xd3: {  	v60 =	vor.u32 v12, v27;
	_ =	sdelay $0x2  }
0xd4: {  	v39 =	vor.u32 v13, v33;
	[tilespmem:v59+s26+$0x0] =	vst.idx.msk $0xffff, v37  }
0xd5: {  	v61 =	vand.u32 $0x3D8, v39;
	[tilespmem:s4+$0x10C00] =	vst.add.f32.msk $0xffff, v37  }
0xd6: {  	v62 =	vor.u32 v61, v32;
	v38 =	vld.idx.msk [tilespmem:v60+s17+$0x0], $0xffff;
	_ =	sdelay $0x1  }
0xd7: {  	v63 =	vor.u32 v14, v27;
	_ =	sdelay $0x2  }
0xd8: {  	v40 =	vor.u32 v15, v33;
	[tilespmem:v62+s26+$0x0] =	vst.idx.msk $0xffff, v38  }
0xd9: {  	v44 =	vand.u32 $0x3E8, v40;
	[tilespmem:s4+$0x10E00] =	vst.add.f32.msk $0xffff, v38  }
0xda: {  	v45 =	vor.u32 v44, v32;
	v39 =	vld.idx.msk [tilespmem:v63+s17+$0x0], $0xffff;
	_ =	sdelay $0x1  }
0xdb: {  	v46 =	vor.u32 v16, v27;
	_ =	sdelay $0x2  }
0xdc: {  	v47 =	vor.u32 v17, v33;
	[tilespmem:v45+s26+$0x0] =	vst.idx.msk $0xffff, v39  }
0xdd: {  	v33 =	vand.u32 $0x3F8, v47;
	[tilespmem:s4+$0x11000] =	vst.add.f32.msk $0xffff, v39  }
0xde: {  	v48 =	vor.u32 v33, v32;
	v38 =	vld.idx.msk [tilespmem:v46+s17+$0x0], $0xffff;
	_ =	sdelay $0x1  }
0xdf: {  	v49 =	vor.u32 v18, v27;
	_ =	sdelay $0x2  }
0xe0: {  	[tilespmem:v48+s26+$0x0] =	vst.idx.msk $0xffff, v38  }
0xe1: {  	v29 =	vor.u32 v19, v29;
	[tilespmem:s4+$0x11200] =	vst.add.f32.msk $0xffff, v38  }
0xe2: {  	v28 =	vor.u32 v28, v29;
	v32 =	vld.idx.msk [tilespmem:v49+s17+$0x0], $0xffff;
	_ =	sdelay $0x1  }
0xe3: {  	v50 =	vor.u32 v20, v27;
	_ =	sdelay $0x2  }
0xe4: {  	[tilespmem:v28+s26+$0x0] =	vst.idx.msk $0xffff, v32  }
0xe5: {  	[tilespmem:s4+$0x10500] =	vst.add.f32.msk $0xffff, v32  }
0xe6: {  	v51 =	vor.u32 v30, v29;
	v52 =	vld.idx.msk [tilespmem:v50+s17+$0x0], $0xffff;
	_ =	sdelay $0x1  }
0xe7: {  	v53 =	vor.u32 v21, v27;
	_ =	sdelay $0x2  }
0xe8: {  	[tilespmem:v51+s26+$0x0] =	vst.idx.msk $0xffff, v52  }
0xe9: {  	[tilespmem:s4+$0x10700] =	vst.add.f32.msk $0xffff, v52  }
0xea: {  	v54 =	vor.u32 v31, v29;
	v30 =	vld.idx.msk [tilespmem:v53+s17+$0x0], $0xffff;
	_ =	sdelay $0x1  }
0xeb: {  	v55 =	vor.u32 v22, v27;
	_ =	sdelay $0x2  }
0xec: {  	[tilespmem:v54+s26+$0x0] =	vst.idx.msk $0xffff, v30  }
0xed: {  	[tilespmem:s4+$0x10900] =	vst.add.f32.msk $0xffff, v30  }
0xee: {  	v56 =	vor.u32 v34, v29;
	v28 =	vld.idx.msk [tilespmem:v55+s17+$0x0], $0xffff;
	_ =	sdelay $0x1  }
0xef: {  	v57 =	vor.u32 v23, v27;
	_ =	sdelay $0x2  }
0xf0: {  	[tilespmem:v56+s26+$0x0] =	vst.idx.msk $0xffff, v28  }
0xf1: {  	[tilespmem:s4+$0x10B00] =	vst.add.f32.msk $0xffff, v28  }
0xf2: {  	v58 =	vor.u32 v58, v29;
	v30 =	vld.idx.msk [tilespmem:v57+s17+$0x0], $0xffff;
	_ =	sdelay $0x1  }
0xf3: {  	v59 =	vor.u32 v24, v27;
	_ =	sdelay $0x2  }
0xf4: {  	[tilespmem:v58+s26+$0x0] =	vst.idx.msk $0xffff, v30  }
0xf5: {  	[tilespmem:s4+$0x10D00] =	vst.add.f32.msk $0xffff, v30  }
0xf6: {  	v60 =	vor.u32 v61, v29;
	v30 =	vld.idx.msk [tilespmem:v59+s17+$0x0], $0xffff;
	_ =	sdelay $0x1  }
0xf7: {  	v61 =	vor.u32 v25, v27;
	_ =	sdelay $0x2  }
0xf8: {  	[tilespmem:v60+s26+$0x0] =	vst.idx.msk $0xffff, v30  }
0xf9: {  	[tilespmem:s4+$0x10F00] =	vst.add.f32.msk $0xffff, v30  }
0xfa: {  	v62 =	vor.u32 v44, v29;
	v30 =	vld.idx.msk [tilespmem:v61+s17+$0x0], $0xffff;
	_ =	sdelay $0x1  }
0xfb: {  	v27 =	vor.u32 v26, v27;
	_ =	sdelay $0x2  }
0xfc: {  	[tilespmem:v62+s26+$0x0] =	vst.idx.msk $0xffff, v30  }
0xfd: {  	[tilespmem:s4+$0x11100] =	vst.add.f32.msk $0xffff, v30  }
0xfe: {  	v63 =	vor.u32 v33, v29;
	v27 =	vld.idx.msk [tilespmem:v27+s17+$0x0], $0xffff;
	_ =	sdelay $0x1  }
0xff: {  	s8 =	smul.u32 $0xA0000, s15;
	p1 =	sne.s32 s15, $0x27  }
.Ltmp2:
0x100: {  	s0 =	rddreg [dreg:$0x5];
	(pc) =	sbr.rel @p1 .LBB2_8-.Ltmp2, $4  }
0x101: {  	s9 =	sor.u32 s0, s8  }
0x102: {  	s9 =	sshrl.u32 s9, $0x3;
	[tilespmem:v63+s26+$0x0] =	vst.idx.msk $0xffff, v27  }
0x103: {  	s29 =	sadd.s32 s1, s9;
	[tilespmem:s4+$0x11300] =	vst.add.f32.msk $0xffff, v27  }
0x104: {  	[hbm4b:s29+s13] =	stream.strided.scatter [tilespmem:s26], [sflag:$0x6], $0x1000, s14, s13, $0x38;
	[tilespmem:$0x12400] =	vst v63  }
.Ltmp3:
0x105: {  	(pc) =	sbr.rel .LBB2_9-.Ltmp3, $4  }
0x106: {  	_ = 	snop  }
0x107: {  	_ =	swait.ge [sflag:s28], $0x1000  }
0x108: {  	[sflag:s28] =	ssyncset.done $0x0  }
0x109: {  	[sflag:s28] =	ssyncadd.s32 $0xFFFFF000  }
.LBB2_8:
0x10a: {  	s4 =	sshll.u32 s7, $0x7  }
0x10b: {  	s4 =	sadd.s32 $0x280, s4  }
.Ltmp4:
0x10c: {  	s4 =	sand.u32 $0x1FF80, s4;
	(pc) =	sbr.rel @p0 .LBB2_10-.Ltmp4, $4  }
0x10d: {  	[tilespmem:s17], [sflag:$0x1] =	stream.indirect.gather [hbm4b:s5+s16], $0x20, s4, s16, $0xb8;
	[tilespmem:$0x12400] =	vst v63  }
0x10e: {  	_ =	swait.ge [sflag:s28], $0x1000  }
0x10f: {  	[sflag:s28] =	ssyncset.done $0x0  }
0x110: {  	[sflag:s28] =	ssyncadd.s32 $0xFFFFF000  }
.LBB2_9:
0x111: {  	s0 =	simm.s32 $0x7  }
0x112: {  	_ =	swait.ge [sflag:s0], $0x1000  }
0x113: {  	[sflag:s0] =	ssyncset.done $0x0  }
0x114: {  	[sflag:s0] =	ssyncadd.s32 $0xFFFFF000  }
.LBB2_10:
0x115: {  	s4 =	simm.s32 $0x0  }
0x116: {  	v27 =	vadd.s32 s4, v0  }
0x117: {  	v28 =	vand.u32 $0xF, v27  }
0x118: {  	v29 =	vor.u32 v1, v28;
	_ =	sdelay $0x1  }
0x119: {  	v27 =	vshll.u32 v27, $0x7  }
0x11a: {  	v30 =	vor.u32 v0, v27;
	v31 =	vand.u32 $0x400, v27  }
0x11b: {  	v30 =	vand.u32 $0x388, v30;
	v32 =	vor.u32 v3, v31  }
0x11c: {  	v33 =	vor.u32 v30, v32;
	v29 =	vld.idx.msk [tilespmem:v29+s18+$0x0], $0xffff;
	_ =	sdelay $0x1  }
0x11d: {  	v34 =	vor.u32 v4, v28;
	_ =	sdelay $0x2  }
0x11e: {  	s9 =	simm.s32 $0x0;
	v35 =	vor.u32 v5, v27;
	[tilespmem:v33+s30+$0x0] =	vst.idx.msk $0xffff, v29  }
0x11f: {  	v63 =	vand.u32 $0x398, v35;
	[tilespmem:s9+$0x10400] =	vst.add.f32.msk $0xffff, v29  }
0x120: {  	v29 =	vor.u32 v63, v32;
	v34 =	vld.idx.msk [tilespmem:v34+s18+$0x0], $0xffff;
	_ =	sdelay $0x1  }
0x121: {  	v41 =	vor.u32 v6, v28;
	_ =	sdelay $0x2  }
0x122: {  	v36 =	vor.u32 v7, v27;
	[tilespmem:v29+s30+$0x0] =	vst.idx.msk $0xffff, v34  }
0x123: {  	v29 =	vand.u32 $0x3A8, v36;
	[tilespmem:s9+$0x10600] =	vst.add.f32.msk $0xffff, v34  }
0x124: {  	v42 =	vor.u32 v29, v32;
	v34 =	vld.idx.msk [tilespmem:v41+s18+$0x0], $0xffff;
	_ =	sdelay $0x1  }
0x125: {  	v43 =	vor.u32 v8, v28;
	_ =	sdelay $0x2  }
0x126: {  	v37 =	vor.u32 v9, v27;
	[tilespmem:v42+s30+$0x0] =	vst.idx.msk $0xffff, v34  }
0x127: {  	v44 =	vand.u32 $0x3B8, v37;
	[tilespmem:s9+$0x10800] =	vst.add.f32.msk $0xffff, v34  }
0x128: {  	v45 =	vor.u32 v44, v32;
	v35 =	vld.idx.msk [tilespmem:v43+s18+$0x0], $0xffff;
	_ =	sdelay $0x1  }
0x129: {  	v46 =	vor.u32 v10, v28;
	_ =	sdelay $0x2  }
0x12a: {  	v38 =	vor.u32 v11, v27;
	[tilespmem:v45+s30+$0x0] =	vst.idx.msk $0xffff, v35  }
0x12b: {  	v47 =	vand.u32 $0x3C8, v38;
	[tilespmem:s9+$0x10A00] =	vst.add.f32.msk $0xffff, v35  }
0x12c: {  	v48 =	vor.u32 v47, v32;
	v37 =	vld.idx.msk [tilespmem:v46+s18+$0x0], $0xffff;
	_ =	sdelay $0x1  }
0x12d: {  	v49 =	vor.u32 v12, v28;
	_ =	sdelay $0x2  }
0x12e: {  	v39 =	vor.u32 v13, v27;
	[tilespmem:v48+s30+$0x0] =	vst.idx.msk $0xffff, v37  }
0x12f: {  	v50 =	vand.u32 $0x3D8, v39;
	[tilespmem:s9+$0x10C00] =	vst.add.f32.msk $0xffff, v37  }
0x130: {  	v51 =	vor.u32 v50, v32;
	v38 =	vld.idx.msk [tilespmem:v49+s18+$0x0], $0xffff;
	_ =	sdelay $0x1  }
0x131: {  	v52 =	vor.u32 v14, v28;
	_ =	sdelay $0x2  }
0x132: {  	v40 =	vor.u32 v15, v27;
	[tilespmem:v51+s30+$0x0] =	vst.idx.msk $0xffff, v38  }
0x133: {  	v53 =	vand.u32 $0x3E8, v40;
	[tilespmem:s9+$0x10E00] =	vst.add.f32.msk $0xffff, v38  }
0x134: {  	v54 =	vor.u32 v53, v32;
	v39 =	vld.idx.msk [tilespmem:v52+s18+$0x0], $0xffff;
	_ =	sdelay $0x1  }
0x135: {  	v55 =	vor.u32 v16, v28;
	_ =	sdelay $0x2  }
0x136: {  	v27 =	vor.u32 v17, v27;
	[tilespmem:v54+s30+$0x0] =	vst.idx.msk $0xffff, v39  }
0x137: {  	v27 =	vand.u32 $0x3F8, v27;
	[tilespmem:s9+$0x11000] =	vst.add.f32.msk $0xffff, v39  }
0x138: {  	v32 =	vor.u32 v27, v32;
	v38 =	vld.idx.msk [tilespmem:v55+s18+$0x0], $0xffff;
	_ =	sdelay $0x1  }
0x139: {  	v56 =	vor.u32 v18, v28;
	_ =	sdelay $0x2  }
0x13a: {  	[tilespmem:v32+s30+$0x0] =	vst.idx.msk $0xffff, v38  }
0x13b: {  	v31 =	vor.u32 v19, v31;
	[tilespmem:s9+$0x11200] =	vst.add.f32.msk $0xffff, v38  }
0x13c: {  	v30 =	vor.u32 v30, v31;
	v32 =	vld.idx.msk [tilespmem:v56+s18+$0x0], $0xffff;
	_ =	sdelay $0x1  }
0x13d: {  	v57 =	vor.u32 v20, v28;
	_ =	sdelay $0x2  }
0x13e: {  	[tilespmem:v30+s30+$0x0] =	vst.idx.msk $0xffff, v32  }
0x13f: {  	[tilespmem:s9+$0x10500] =	vst.add.f32.msk $0xffff, v32  }
0x140: {  	v30 =	vor.u32 v63, v31;
	v32 =	vld.idx.msk [tilespmem:v57+s18+$0x0], $0xffff;
	_ =	sdelay $0x1  }
0x141: {  	v58 =	vor.u32 v21, v28;
	_ =	sdelay $0x2  }
0x142: {  	[tilespmem:v30+s30+$0x0] =	vst.idx.msk $0xffff, v32  }
0x143: {  	[tilespmem:s9+$0x10700] =	vst.add.f32.msk $0xffff, v32  }
0x144: {  	v29 =	vor.u32 v29, v31;
	v30 =	vld.idx.msk [tilespmem:v58+s18+$0x0], $0xffff;
	_ =	sdelay $0x1  }
0x145: {  	v59 =	vor.u32 v22, v28;
	_ =	sdelay $0x2  }
0x146: {  	[tilespmem:v29+s30+$0x0] =	vst.idx.msk $0xffff, v30  }
0x147: {  	[tilespmem:s9+$0x10900] =	vst.add.f32.msk $0xffff, v30  }
0x148: {  	v30 =	vor.u32 v44, v31;
	v29 =	vld.idx.msk [tilespmem:v59+s18+$0x0], $0xffff;
	_ =	sdelay $0x1  }
0x149: {  	v60 =	vor.u32 v23, v28;
	_ =	sdelay $0x2  }
0x14a: {  	[tilespmem:v30+s30+$0x0] =	vst.idx.msk $0xffff, v29  }
0x14b: {  	[tilespmem:s9+$0x10B00] =	vst.add.f32.msk $0xffff, v29  }
0x14c: {  	v29 =	vor.u32 v47, v31;
	v30 =	vld.idx.msk [tilespmem:v60+s18+$0x0], $0xffff;
	_ =	sdelay $0x1  }
0x14d: {  	v61 =	vor.u32 v24, v28;
	_ =	sdelay $0x2  }
0x14e: {  	[tilespmem:v29+s30+$0x0] =	vst.idx.msk $0xffff, v30  }
0x14f: {  	[tilespmem:s9+$0x10D00] =	vst.add.f32.msk $0xffff, v30  }
0x150: {  	v29 =	vor.u32 v50, v31;
	v30 =	vld.idx.msk [tilespmem:v61+s18+$0x0], $0xffff;
	_ =	sdelay $0x1  }
0x151: {  	v62 =	vor.u32 v25, v28;
	_ =	sdelay $0x2  }
0x152: {  	[tilespmem:v29+s30+$0x0] =	vst.idx.msk $0xffff, v30  }
0x153: {  	[tilespmem:s9+$0x10F00] =	vst.add.f32.msk $0xffff, v30  }
0x154: {  	v29 =	vor.u32 v53, v31;
	v30 =	vld.idx.msk [tilespmem:v62+s18+$0x0], $0xffff;
	_ =	sdelay $0x1  }
0x155: {  	v28 =	vor.u32 v26, v28;
	_ =	sdelay $0x2  }
0x156: {  	[tilespmem:v29+s30+$0x0] =	vst.idx.msk $0xffff, v30  }
0x157: {  	s10 =	simm.s32 $0x1;
	[tilespmem:s9+$0x11100] =	vst.add.f32.msk $0xffff, v30  }
0x158: {  	v63 =	vor.u32 v27, v31;
	v27 =	vadd.s32 s10, v0;
	v36 =	vld.idx.msk [tilespmem:v28+s18+$0x0], $0xffff  }
0x159: {  	v33 =	vshll.u32 v27, $0x7;
	v27 =	vand.u32 $0xF, v27  }
0x15a: {  	v38 =	vor.u32 v1, v27;
	v34 =	vor.u32 v9, v33;
	v31 =	vor.u32 v7, v33  }
0x15b: {  	v29 =	vand.u32 $0x400, v33;
	v30 =	vor.u32 v5, v33;
	v28 =	vor.u32 v0, v33  }
0x15c: {  	v32 =	vor.u32 v3, v29;
	v30 =	vand.u32 $0x398, v30;
	v28 =	vand.u32 $0x388, v28  }
0x15d: {  	s29 =	simm.s32 $0x80;
	s4 =	simm.s32 $0x40;
	v31 =	vand.u32 $0x3A8, v31;
	v35 =	vor.u32 v30, v32;
	v37 =	vor.u32 v28, v32;
	[tilespmem:v63+s30+$0x0] =	vst.idx.msk $0xffff, v36  }
.LBB2_11:
0x15e: {  	p2 =	sne.s32 s29, $0x3C0;
	v39 =	vor.u32 v11, v33;
	v40 =	vor.u32 v13, v33;
	v41 =	vor.u32 v15, v33;
	[tilespmem:s9+$0x11300] =	vst.add.f32.msk $0xffff, v36;
	s0 =	smov.u32 s29;
	s29 =	sadd.s32 $0x40, s29  }
0x15f: {  	v36 =	vld.idx.msk [tilespmem:v38+s18+$0x0], $0xffff;
	v38 =	vand.u32 $0x3C8, v39;
	v39 =	vand.u32 $0x3D8, v40;
	v40 =	vand.u32 $0x3E8, v41  }
0x160: {  	v41 =	vor.u32 v38, v32;
	v42 =	vor.u32 v39, v32;
	v43 =	vor.u32 v40, v32  }
0x161: {  	v33 =	vor.u32 v17, v33  }
0x162: {  	v44 =	vor.u32 v4, v27;
	v33 =	vand.u32 $0x3F8, v33  }
0x163: {  	v45 =	vor.u32 v33, v32;
	_ =	sdelay $0x1  }
0x164: {  	s9 =	sshra.s32 s4, $0x2;
	s4 =	smov.u32 s0;
	[tilespmem:v37+s30+$0x0] =	vst.idx.msk $0xffff, v36  }
0x165: {  	[tilespmem:s9+$0x10400] =	vst.add.f32.msk $0xffff, v36  }
0x166: {  	v36 =	vld.idx.msk [tilespmem:v44+s18+$0x0], $0xffff;
	_ =	sdelay $0x2  }
0x167: {  	v37 =	vor.u32 v6, v27;
	_ =	sdelay $0x2  }
0x168: {  	[tilespmem:v35+s30+$0x0] =	vst.idx.msk $0xffff, v36  }
0x169: {  	[tilespmem:s9+$0x10600] =	vst.add.f32.msk $0xffff, v36  }
0x16a: {  	v35 =	vld.idx.msk [tilespmem:v37+s18+$0x0], $0xffff  }
0x16b: {  	v36 =	vor.u32 v31, v32;
	_ =	sdelay $0x1  }
0x16c: {  	v37 =	vor.u32 v8, v27;
	_ =	sdelay $0x2  }
0x16d: {  	[tilespmem:v36+s30+$0x0] =	vst.idx.msk $0xffff, v35  }
0x16e: {  	[tilespmem:s9+$0x10800] =	vst.add.f32.msk $0xffff, v35  }
0x16f: {  	v34 =	vand.u32 $0x3B8, v34;
	v35 =	vld.idx.msk [tilespmem:v37+s18+$0x0], $0xffff  }
0x170: {  	v32 =	vor.u32 v34, v32;
	_ =	sdelay $0x1  }
0x171: {  	v36 =	vor.u32 v10, v27;
	_ =	sdelay $0x2  }
0x172: {  	[tilespmem:v32+s30+$0x0] =	vst.idx.msk $0xffff, v35  }
0x173: {  	[tilespmem:s9+$0x10A00] =	vst.add.f32.msk $0xffff, v35  }
0x174: {  	v32 =	vld.idx.msk [tilespmem:v36+s18+$0x0], $0xffff;
	_ =	sdelay $0x2  }
0x175: {  	v35 =	vor.u32 v12, v27;
	_ =	sdelay $0x2  }
0x176: {  	[tilespmem:v41+s30+$0x0] =	vst.idx.msk $0xffff, v32  }
0x177: {  	[tilespmem:s9+$0x10C00] =	vst.add.f32.msk $0xffff, v32  }
0x178: {  	v32 =	vld.idx.msk [tilespmem:v35+s18+$0x0], $0xffff;
	_ =	sdelay $0x2  }
0x179: {  	v35 =	vor.u32 v14, v27;
	_ =	sdelay $0x2  }
0x17a: {  	[tilespmem:v42+s30+$0x0] =	vst.idx.msk $0xffff, v32  }
0x17b: {  	[tilespmem:s9+$0x10E00] =	vst.add.f32.msk $0xffff, v32  }
0x17c: {  	v32 =	vld.idx.msk [tilespmem:v35+s18+$0x0], $0xffff;
	_ =	sdelay $0x2  }
0x17d: {  	v35 =	vor.u32 v16, v27;
	_ =	sdelay $0x2  }
0x17e: {  	[tilespmem:v43+s30+$0x0] =	vst.idx.msk $0xffff, v32  }
0x17f: {  	[tilespmem:s9+$0x11000] =	vst.add.f32.msk $0xffff, v32  }
0x180: {  	v32 =	vld.idx.msk [tilespmem:v35+s18+$0x0], $0xffff;
	_ =	sdelay $0x2  }
0x181: {  	v35 =	vor.u32 v18, v27;
	_ =	sdelay $0x2  }
0x182: {  	[tilespmem:v45+s30+$0x0] =	vst.idx.msk $0xffff, v32  }
0x183: {  	[tilespmem:s9+$0x11200] =	vst.add.f32.msk $0xffff, v32  }
0x184: {  	v29 =	vor.u32 v19, v29;
	v32 =	vld.idx.msk [tilespmem:v35+s18+$0x0], $0xffff  }
0x185: {  	v28 =	vor.u32 v28, v29;
	v30 =	vor.u32 v30, v29;
	v41 =	vor.u32 v33, v29  }
0x186: {  	v31 =	vor.u32 v31, v29;
	v33 =	vor.u32 v39, v29;
	v35 =	vor.u32 v40, v29  }
0x187: {  	v37 =	vor.u32 v38, v29;
	v36 =	vor.u32 v20, v27;
	_ =	sdelay $0x2  }
0x188: {  	[tilespmem:v28+s30+$0x0] =	vst.idx.msk $0xffff, v32  }
0x189: {  	[tilespmem:s9+$0x10500] =	vst.add.f32.msk $0xffff, v32  }
0x18a: {  	v28 =	vld.idx.msk [tilespmem:v36+s18+$0x0], $0xffff;
	_ =	sdelay $0x2  }
0x18b: {  	v32 =	vor.u32 v21, v27;
	_ =	sdelay $0x2  }
0x18c: {  	[tilespmem:v30+s30+$0x0] =	vst.idx.msk $0xffff, v28  }
0x18d: {  	[tilespmem:s9+$0x10700] =	vst.add.f32.msk $0xffff, v28  }
0x18e: {  	v28 =	vld.idx.msk [tilespmem:v32+s18+$0x0], $0xffff;
	_ =	sdelay $0x2  }
0x18f: {  	v30 =	vor.u32 v22, v27;
	_ =	sdelay $0x2  }
0x190: {  	[tilespmem:v31+s30+$0x0] =	vst.idx.msk $0xffff, v28  }
0x191: {  	[tilespmem:s9+$0x10900] =	vst.add.f32.msk $0xffff, v28  }
0x192: {  	v28 =	vld.idx.msk [tilespmem:v30+s18+$0x0], $0xffff  }
0x193: {  	v29 =	vor.u32 v34, v29;
	_ =	sdelay $0x1  }
0x194: {  	v30 =	vor.u32 v23, v27;
	_ =	sdelay $0x2  }
0x195: {  	[tilespmem:v29+s30+$0x0] =	vst.idx.msk $0xffff, v28  }
0x196: {  	[tilespmem:s9+$0x10B00] =	vst.add.f32.msk $0xffff, v28  }
0x197: {  	v28 =	vld.idx.msk [tilespmem:v30+s18+$0x0], $0xffff;
	_ =	sdelay $0x2  }
0x198: {  	v29 =	vor.u32 v24, v27;
	_ =	sdelay $0x2  }
0x199: {  	[tilespmem:v37+s30+$0x0] =	vst.idx.msk $0xffff, v28  }
0x19a: {  	[tilespmem:s9+$0x10D00] =	vst.add.f32.msk $0xffff, v28  }
0x19b: {  	v28 =	vld.idx.msk [tilespmem:v29+s18+$0x0], $0xffff;
	_ =	sdelay $0x2  }
0x19c: {  	v29 =	vor.u32 v25, v27;
	_ =	sdelay $0x2  }
0x19d: {  	[tilespmem:v33+s30+$0x0] =	vst.idx.msk $0xffff, v28  }
0x19e: {  	[tilespmem:s9+$0x10F00] =	vst.add.f32.msk $0xffff, v28  }
0x19f: {  	v28 =	vld.idx.msk [tilespmem:v29+s18+$0x0], $0xffff;
	_ =	sdelay $0x2  }
0x1a0: {  	v27 =	vor.u32 v26, v27;
	_ =	sdelay $0x2  }
0x1a1: {  	[tilespmem:v35+s30+$0x0] =	vst.idx.msk $0xffff, v28  }
0x1a2: {  	[tilespmem:s9+$0x11100] =	vst.add.f32.msk $0xffff, v28  }
0x1a3: {  	s10 =	sadd.s32 $0x1, s10;
	v36 =	vld.idx.msk [tilespmem:v27+s18+$0x0], $0xffff  }
0x1a4: {  	v27 =	vadd.s32 s10, v0  }
.Ltmp5:
0x1a5: {  	v33 =	vshll.u32 v27, $0x7;
	v27 =	vand.u32 $0xF, v27;
	(pc) =	sbr.rel @p2 .LBB2_11-.Ltmp5, $4  }
0x1a6: {  	v38 =	vor.u32 v1, v27;
	v28 =	vor.u32 v0, v33;
	v29 =	vand.u32 $0x400, v33  }
0x1a7: {  	v30 =	vor.u32 v5, v33;
	v28 =	vand.u32 $0x388, v28;
	v32 =	vor.u32 v3, v29  }
0x1a8: {  	v31 =	vor.u32 v7, v33;
	v30 =	vand.u32 $0x398, v30;
	v37 =	vor.u32 v28, v32  }
0x1a9: {  	v34 =	vor.u32 v9, v33;
	v31 =	vand.u32 $0x3A8, v31;
	v35 =	vor.u32 v30, v32;
	[tilespmem:v41+s30+$0x0] =	vst.idx.msk $0xffff, v36  }
0x1aa: {  	_ =	sdelay $0x2  }
0x1ab: {  	[tilespmem:s9+$0x11300] =	vst.add.f32.msk $0xffff, v36  }
0x1ac: {  	v36 =	vld.idx.msk [tilespmem:v38+s18+$0x0], $0xffff;
	_ =	sdelay $0x1  }
0x1ad: {  	v51 =	vor.u32 v4, v27;
	_ =	sdelay $0x2  }
0x1ae: {  	s4 =	sshra.s32 s4, $0x2;
	[tilespmem:v37+s30+$0x0] =	vst.idx.msk $0xffff, v36  }
0x1af: {  	[tilespmem:s4+$0x10400] =	vst.add.f32.msk $0xffff, v36  }
0x1b0: {  	v36 =	vld.idx.msk [tilespmem:v51+s18+$0x0], $0xffff;
	_ =	sdelay $0x1  }
0x1b1: {  	v52 =	vor.u32 v6, v27;
	_ =	sdelay $0x2  }
0x1b2: {  	[tilespmem:v35+s30+$0x0] =	vst.idx.msk $0xffff, v36  }
0x1b3: {  	[tilespmem:s4+$0x10600] =	vst.add.f32.msk $0xffff, v36  }
0x1b4: {  	v53 =	vor.u32 v31, v32;
	v35 =	vld.idx.msk [tilespmem:v52+s18+$0x0], $0xffff;
	_ =	sdelay $0x1  }
0x1b5: {  	v54 =	vor.u32 v8, v27;
	_ =	sdelay $0x2  }
0x1b6: {  	[tilespmem:v53+s30+$0x0] =	vst.idx.msk $0xffff, v35  }
0x1b7: {  	v34 =	vand.u32 $0x3B8, v34;
	[tilespmem:s4+$0x10800] =	vst.add.f32.msk $0xffff, v35  }
0x1b8: {  	v55 =	vor.u32 v34, v32;
	v35 =	vld.idx.msk [tilespmem:v54+s18+$0x0], $0xffff;
	_ =	sdelay $0x1  }
0x1b9: {  	v56 =	vor.u32 v10, v27;
	_ =	sdelay $0x2  }
0x1ba: {  	v57 =	vor.u32 v11, v33;
	[tilespmem:v55+s30+$0x0] =	vst.idx.msk $0xffff, v35  }
0x1bb: {  	v58 =	vand.u32 $0x3C8, v57;
	[tilespmem:s4+$0x10A00] =	vst.add.f32.msk $0xffff, v35  }
0x1bc: {  	v59 =	vor.u32 v58, v32;
	v37 =	vld.idx.msk [tilespmem:v56+s18+$0x0], $0xffff;
	_ =	sdelay $0x1  }
0x1bd: {  	v60 =	vor.u32 v12, v27;
	_ =	sdelay $0x2  }
0x1be: {  	v39 =	vor.u32 v13, v33;
	[tilespmem:v59+s30+$0x0] =	vst.idx.msk $0xffff, v37  }
0x1bf: {  	v61 =	vand.u32 $0x3D8, v39;
	[tilespmem:s4+$0x10C00] =	vst.add.f32.msk $0xffff, v37  }
0x1c0: {  	v62 =	vor.u32 v61, v32;
	v38 =	vld.idx.msk [tilespmem:v60+s18+$0x0], $0xffff;
	_ =	sdelay $0x1  }
0x1c1: {  	v63 =	vor.u32 v14, v27;
	_ =	sdelay $0x2  }
0x1c2: {  	v40 =	vor.u32 v15, v33;
	[tilespmem:v62+s30+$0x0] =	vst.idx.msk $0xffff, v38  }
0x1c3: {  	v44 =	vand.u32 $0x3E8, v40;
	[tilespmem:s4+$0x10E00] =	vst.add.f32.msk $0xffff, v38  }
0x1c4: {  	v45 =	vor.u32 v44, v32;
	v39 =	vld.idx.msk [tilespmem:v63+s18+$0x0], $0xffff;
	_ =	sdelay $0x1  }
0x1c5: {  	v46 =	vor.u32 v16, v27;
	_ =	sdelay $0x2  }
0x1c6: {  	v47 =	vor.u32 v17, v33;
	[tilespmem:v45+s30+$0x0] =	vst.idx.msk $0xffff, v39  }
0x1c7: {  	v33 =	vand.u32 $0x3F8, v47;
	[tilespmem:s4+$0x11000] =	vst.add.f32.msk $0xffff, v39  }
0x1c8: {  	v48 =	vor.u32 v33, v32;
	v38 =	vld.idx.msk [tilespmem:v46+s18+$0x0], $0xffff;
	_ =	sdelay $0x1  }
0x1c9: {  	v49 =	vor.u32 v18, v27;
	_ =	sdelay $0x2  }
0x1ca: {  	[tilespmem:v48+s30+$0x0] =	vst.idx.msk $0xffff, v38  }
0x1cb: {  	v29 =	vor.u32 v19, v29;
	[tilespmem:s4+$0x11200] =	vst.add.f32.msk $0xffff, v38  }
0x1cc: {  	v28 =	vor.u32 v28, v29;
	v32 =	vld.idx.msk [tilespmem:v49+s18+$0x0], $0xffff;
	_ =	sdelay $0x1  }
0x1cd: {  	v50 =	vor.u32 v20, v27;
	_ =	sdelay $0x2  }
0x1ce: {  	[tilespmem:v28+s30+$0x0] =	vst.idx.msk $0xffff, v32  }
0x1cf: {  	[tilespmem:s4+$0x10500] =	vst.add.f32.msk $0xffff, v32  }
0x1d0: {  	v51 =	vor.u32 v30, v29;
	v52 =	vld.idx.msk [tilespmem:v50+s18+$0x0], $0xffff;
	_ =	sdelay $0x1  }
0x1d1: {  	v53 =	vor.u32 v21, v27;
	_ =	sdelay $0x2  }
0x1d2: {  	[tilespmem:v51+s30+$0x0] =	vst.idx.msk $0xffff, v52  }
0x1d3: {  	[tilespmem:s4+$0x10700] =	vst.add.f32.msk $0xffff, v52  }
0x1d4: {  	v54 =	vor.u32 v31, v29;
	v30 =	vld.idx.msk [tilespmem:v53+s18+$0x0], $0xffff;
	_ =	sdelay $0x1  }
0x1d5: {  	v55 =	vor.u32 v22, v27;
	_ =	sdelay $0x2  }
0x1d6: {  	[tilespmem:v54+s30+$0x0] =	vst.idx.msk $0xffff, v30  }
0x1d7: {  	[tilespmem:s4+$0x10900] =	vst.add.f32.msk $0xffff, v30  }
0x1d8: {  	v56 =	vor.u32 v34, v29;
	v28 =	vld.idx.msk [tilespmem:v55+s18+$0x0], $0xffff;
	_ =	sdelay $0x1  }
0x1d9: {  	v57 =	vor.u32 v23, v27;
	_ =	sdelay $0x2  }
0x1da: {  	[tilespmem:v56+s30+$0x0] =	vst.idx.msk $0xffff, v28  }
0x1db: {  	[tilespmem:s4+$0x10B00] =	vst.add.f32.msk $0xffff, v28  }
0x1dc: {  	v58 =	vor.u32 v58, v29;
	v30 =	vld.idx.msk [tilespmem:v57+s18+$0x0], $0xffff;
	_ =	sdelay $0x1  }
0x1dd: {  	v59 =	vor.u32 v24, v27;
	_ =	sdelay $0x2  }
0x1de: {  	[tilespmem:v58+s30+$0x0] =	vst.idx.msk $0xffff, v30  }
0x1df: {  	[tilespmem:s4+$0x10D00] =	vst.add.f32.msk $0xffff, v30  }
0x1e0: {  	v60 =	vor.u32 v61, v29;
	v30 =	vld.idx.msk [tilespmem:v59+s18+$0x0], $0xffff;
	_ =	sdelay $0x1  }
0x1e1: {  	v61 =	vor.u32 v25, v27;
	_ =	sdelay $0x2  }
0x1e2: {  	[tilespmem:v60+s30+$0x0] =	vst.idx.msk $0xffff, v30  }
0x1e3: {  	[tilespmem:s4+$0x10F00] =	vst.add.f32.msk $0xffff, v30  }
0x1e4: {  	v62 =	vor.u32 v44, v29;
	v30 =	vld.idx.msk [tilespmem:v61+s18+$0x0], $0xffff;
	_ =	sdelay $0x1  }
0x1e5: {  	v27 =	vor.u32 v26, v27;
	_ =	sdelay $0x2  }
0x1e6: {  	[tilespmem:v62+s30+$0x0] =	vst.idx.msk $0xffff, v30  }
0x1e7: {  	[tilespmem:s4+$0x11100] =	vst.add.f32.msk $0xffff, v30  }
0x1e8: {  	v63 =	vor.u32 v33, v29;
	v27 =	vld.idx.msk [tilespmem:v27+s18+$0x0], $0xffff;
	_ =	sdelay $0x2  }
.Ltmp6:
0x1e9: {  	s0 =	rddreg [dreg:$0x7];
	(pc) =	sbr.rel @p1 .LBB2_14-.Ltmp6, $4  }
0x1ea: {  	s0 =	sadd.s32 s0, s8  }
0x1eb: {  	s0 =	sshrl.u32 s0, $0x3;
	[tilespmem:v63+s30+$0x0] =	vst.idx.msk $0xffff, v27  }
0x1ec: {  	s0 =	sadd.s32 s1, s0;
	[tilespmem:s4+$0x11300] =	vst.add.f32.msk $0xffff, v27  }
0x1ed: {  	[hbm4b:s0+s13] =	stream.strided.scatter [tilespmem:s30], [sflag:$0x7], $0x1000, s14, s13, $0x38;
	[tilespmem:$0x12400] =	vst v63  }
.Ltmp7:
0x1ee: {  	(pc) =	sbr.rel .LBB2_15-.Ltmp7, $4  }
0x1ef: {  	_ = 	snop  }
0x1f0: {  	_ =	swait.ge [sflag:s31], $0x1000  }
0x1f1: {  	[sflag:s31] =	ssyncset.done $0x0  }
0x1f2: {  	[sflag:s31] =	ssyncadd.s32 $0xFFFFF000  }
.LBB2_14:
0x1f3: {  	s0 =	sshll.u32 s7, $0x7  }
0x1f4: {  	s0 =	sadd.s32 $0x300, s0  }
.Ltmp8:
0x1f5: {  	s0 =	sand.u32 $0x1FF80, s0;
	(pc) =	sbr.rel @p0 .LBB2_16-.Ltmp8, $4  }
0x1f6: {  	[tilespmem:s18], [sflag:$0x2] =	stream.indirect.gather [hbm4b:s5+s16], $0x20, s0, s16, $0xb8;
	[tilespmem:$0x12400] =	vst v63  }
0x1f7: {  	_ =	swait.ge [sflag:s31], $0x1000  }
0x1f8: {  	[sflag:s31] =	ssyncset.done $0x0  }
0x1f9: {  	[sflag:s31] =	ssyncadd.s32 $0xFFFFF000  }
.LBB2_15:
0x1fa: {  	s0 =	simm.s32 $0x8  }
0x1fb: {  	_ =	swait.ge [sflag:s0], $0x1000  }
0x1fc: {  	[sflag:s0] =	ssyncset.done $0x0  }
0x1fd: {  	[sflag:s0] =	ssyncadd.s32 $0xFFFFF000  }
.LBB2_16:
0x1fe: {  	s0 =	simm.s32 $0x0  }
0x1ff: {  	v27 =	vadd.s32 s0, v0  }
0x200: {  	v28 =	vand.u32 $0xF, v27  }
0x201: {  	v29 =	vor.u32 v1, v28;
	_ =	sdelay $0x1  }
0x202: {  	v27 =	vshll.u32 v27, $0x7  }
0x203: {  	v30 =	vor.u32 v0, v27;
	v31 =	vand.u32 $0x400, v27  }
0x204: {  	v30 =	vand.u32 $0x388, v30;
	v32 =	vor.u32 v3, v31  }
0x205: {  	v33 =	vor.u32 v30, v32;
	v29 =	vld.idx.msk [tilespmem:v29+s20+$0x0], $0xffff;
	_ =	sdelay $0x1  }
0x206: {  	v34 =	vor.u32 v4, v28;
	_ =	sdelay $0x2  }
0x207: {  	s9 =	simm.s32 $0x0;
	v35 =	vor.u32 v5, v27;
	[tilespmem:v33+s2+$0x0] =	vst.idx.msk $0xffff, v29  }
0x208: {  	v63 =	vand.u32 $0x398, v35;
	[tilespmem:s9+$0x10400] =	vst.add.f32.msk $0xffff, v29  }
0x209: {  	v29 =	vor.u32 v63, v32;
	v34 =	vld.idx.msk [tilespmem:v34+s20+$0x0], $0xffff;
	_ =	sdelay $0x1  }
0x20a: {  	v41 =	vor.u32 v6, v28;
	_ =	sdelay $0x2  }
0x20b: {  	v36 =	vor.u32 v7, v27;
	[tilespmem:v29+s2+$0x0] =	vst.idx.msk $0xffff, v34  }
0x20c: {  	v29 =	vand.u32 $0x3A8, v36;
	[tilespmem:s9+$0x10600] =	vst.add.f32.msk $0xffff, v34  }
0x20d: {  	v42 =	vor.u32 v29, v32;
	v34 =	vld.idx.msk [tilespmem:v41+s20+$0x0], $0xffff;
	_ =	sdelay $0x1  }
0x20e: {  	v43 =	vor.u32 v8, v28;
	_ =	sdelay $0x2  }
0x20f: {  	v37 =	vor.u32 v9, v27;
	[tilespmem:v42+s2+$0x0] =	vst.idx.msk $0xffff, v34  }
0x210: {  	v44 =	vand.u32 $0x3B8, v37;
	[tilespmem:s9+$0x10800] =	vst.add.f32.msk $0xffff, v34  }
0x211: {  	v45 =	vor.u32 v44, v32;
	v35 =	vld.idx.msk [tilespmem:v43+s20+$0x0], $0xffff;
	_ =	sdelay $0x1  }
0x212: {  	v46 =	vor.u32 v10, v28;
	_ =	sdelay $0x2  }
0x213: {  	v38 =	vor.u32 v11, v27;
	[tilespmem:v45+s2+$0x0] =	vst.idx.msk $0xffff, v35  }
0x214: {  	v47 =	vand.u32 $0x3C8, v38;
	[tilespmem:s9+$0x10A00] =	vst.add.f32.msk $0xffff, v35  }
0x215: {  	v48 =	vor.u32 v47, v32;
	v37 =	vld.idx.msk [tilespmem:v46+s20+$0x0], $0xffff;
	_ =	sdelay $0x1  }
0x216: {  	v49 =	vor.u32 v12, v28;
	_ =	sdelay $0x2  }
0x217: {  	v39 =	vor.u32 v13, v27;
	[tilespmem:v48+s2+$0x0] =	vst.idx.msk $0xffff, v37  }
0x218: {  	v50 =	vand.u32 $0x3D8, v39;
	[tilespmem:s9+$0x10C00] =	vst.add.f32.msk $0xffff, v37  }
0x219: {  	v51 =	vor.u32 v50, v32;
	v38 =	vld.idx.msk [tilespmem:v49+s20+$0x0], $0xffff;
	_ =	sdelay $0x1  }
0x21a: {  	v52 =	vor.u32 v14, v28;
	_ =	sdelay $0x2  }
0x21b: {  	v40 =	vor.u32 v15, v27;
	[tilespmem:v51+s2+$0x0] =	vst.idx.msk $0xffff, v38  }
0x21c: {  	v53 =	vand.u32 $0x3E8, v40;
	[tilespmem:s9+$0x10E00] =	vst.add.f32.msk $0xffff, v38  }
0x21d: {  	v54 =	vor.u32 v53, v32;
	v39 =	vld.idx.msk [tilespmem:v52+s20+$0x0], $0xffff;
	_ =	sdelay $0x1  }
0x21e: {  	v55 =	vor.u32 v16, v28;
	_ =	sdelay $0x2  }
0x21f: {  	v27 =	vor.u32 v17, v27;
	[tilespmem:v54+s2+$0x0] =	vst.idx.msk $0xffff, v39  }
0x220: {  	v27 =	vand.u32 $0x3F8, v27;
	[tilespmem:s9+$0x11000] =	vst.add.f32.msk $0xffff, v39  }
0x221: {  	v32 =	vor.u32 v27, v32;
	v38 =	vld.idx.msk [tilespmem:v55+s20+$0x0], $0xffff;
	_ =	sdelay $0x1  }
0x222: {  	v56 =	vor.u32 v18, v28;
	_ =	sdelay $0x2  }
0x223: {  	[tilespmem:v32+s2+$0x0] =	vst.idx.msk $0xffff, v38  }
0x224: {  	v31 =	vor.u32 v19, v31;
	[tilespmem:s9+$0x11200] =	vst.add.f32.msk $0xffff, v38  }
0x225: {  	v30 =	vor.u32 v30, v31;
	v32 =	vld.idx.msk [tilespmem:v56+s20+$0x0], $0xffff;
	_ =	sdelay $0x1  }
0x226: {  	v57 =	vor.u32 v20, v28;
	_ =	sdelay $0x2  }
0x227: {  	[tilespmem:v30+s2+$0x0] =	vst.idx.msk $0xffff, v32  }
0x228: {  	[tilespmem:s9+$0x10500] =	vst.add.f32.msk $0xffff, v32  }
0x229: {  	v30 =	vor.u32 v63, v31;
	v32 =	vld.idx.msk [tilespmem:v57+s20+$0x0], $0xffff;
	_ =	sdelay $0x1  }
0x22a: {  	v58 =	vor.u32 v21, v28;
	_ =	sdelay $0x2  }
0x22b: {  	[tilespmem:v30+s2+$0x0] =	vst.idx.msk $0xffff, v32  }
0x22c: {  	[tilespmem:s9+$0x10700] =	vst.add.f32.msk $0xffff, v32  }
0x22d: {  	v29 =	vor.u32 v29, v31;
	v30 =	vld.idx.msk [tilespmem:v58+s20+$0x0], $0xffff;
	_ =	sdelay $0x1  }
0x22e: {  	v59 =	vor.u32 v22, v28;
	_ =	sdelay $0x2  }
0x22f: {  	[tilespmem:v29+s2+$0x0] =	vst.idx.msk $0xffff, v30  }
0x230: {  	[tilespmem:s9+$0x10900] =	vst.add.f32.msk $0xffff, v30  }
0x231: {  	v30 =	vor.u32 v44, v31;
	v29 =	vld.idx.msk [tilespmem:v59+s20+$0x0], $0xffff;
	_ =	sdelay $0x1  }
0x232: {  	v60 =	vor.u32 v23, v28;
	_ =	sdelay $0x2  }
0x233: {  	[tilespmem:v30+s2+$0x0] =	vst.idx.msk $0xffff, v29  }
0x234: {  	[tilespmem:s9+$0x10B00] =	vst.add.f32.msk $0xffff, v29  }
0x235: {  	v29 =	vor.u32 v47, v31;
	v30 =	vld.idx.msk [tilespmem:v60+s20+$0x0], $0xffff;
	_ =	sdelay $0x1  }
0x236: {  	v61 =	vor.u32 v24, v28;
	_ =	sdelay $0x2  }
0x237: {  	[tilespmem:v29+s2+$0x0] =	vst.idx.msk $0xffff, v30  }
0x238: {  	[tilespmem:s9+$0x10D00] =	vst.add.f32.msk $0xffff, v30  }
0x239: {  	v29 =	vor.u32 v50, v31;
	v30 =	vld.idx.msk [tilespmem:v61+s20+$0x0], $0xffff;
	_ =	sdelay $0x1  }
0x23a: {  	v62 =	vor.u32 v25, v28;
	_ =	sdelay $0x2  }
0x23b: {  	[tilespmem:v29+s2+$0x0] =	vst.idx.msk $0xffff, v30  }
0x23c: {  	[tilespmem:s9+$0x10F00] =	vst.add.f32.msk $0xffff, v30  }
0x23d: {  	v29 =	vor.u32 v53, v31;
	v30 =	vld.idx.msk [tilespmem:v62+s20+$0x0], $0xffff;
	_ =	sdelay $0x1  }
0x23e: {  	v28 =	vor.u32 v26, v28;
	_ =	sdelay $0x2  }
0x23f: {  	[tilespmem:v29+s2+$0x0] =	vst.idx.msk $0xffff, v30  }
0x240: {  	s10 =	simm.s32 $0x1;
	[tilespmem:s9+$0x11100] =	vst.add.f32.msk $0xffff, v30  }
0x241: {  	v63 =	vor.u32 v27, v31;
	v27 =	vadd.s32 s10, v0;
	v36 =	vld.idx.msk [tilespmem:v28+s20+$0x0], $0xffff  }
0x242: {  	v33 =	vshll.u32 v27, $0x7;
	v27 =	vand.u32 $0xF, v27  }
0x243: {  	v38 =	vor.u32 v1, v27;
	v34 =	vor.u32 v9, v33;
	v31 =	vor.u32 v7, v33  }
0x244: {  	v29 =	vand.u32 $0x400, v33;
	v30 =	vor.u32 v5, v33;
	v28 =	vor.u32 v0, v33  }
0x245: {  	v32 =	vor.u32 v3, v29;
	v30 =	vand.u32 $0x398, v30;
	v28 =	vand.u32 $0x388, v28  }
0x246: {  	s4 =	simm.s32 $0x40;
	s29 =	simm.s32 $0x80;
	v31 =	vand.u32 $0x3A8, v31;
	v35 =	vor.u32 v30, v32;
	v37 =	vor.u32 v28, v32;
	[tilespmem:v63+s2+$0x0] =	vst.idx.msk $0xffff, v36  }
.LBB2_17:
0x247: {  	p2 =	sne.s32 s29, $0x3C0;
	v39 =	vor.u32 v11, v33;
	v40 =	vor.u32 v13, v33;
	v41 =	vor.u32 v15, v33;
	[tilespmem:s9+$0x11300] =	vst.add.f32.msk $0xffff, v36;
	s0 =	smov.u32 s29;
	s29 =	sadd.s32 $0x40, s29  }
0x248: {  	v36 =	vld.idx.msk [tilespmem:v38+s20+$0x0], $0xffff;
	v38 =	vand.u32 $0x3C8, v39;
	v39 =	vand.u32 $0x3D8, v40;
	v40 =	vand.u32 $0x3E8, v41  }
0x249: {  	v41 =	vor.u32 v38, v32;
	v42 =	vor.u32 v39, v32;
	v43 =	vor.u32 v40, v32  }
0x24a: {  	v33 =	vor.u32 v17, v33  }
0x24b: {  	v44 =	vor.u32 v4, v27;
	v33 =	vand.u32 $0x3F8, v33  }
0x24c: {  	v45 =	vor.u32 v33, v32;
	_ =	sdelay $0x1  }
0x24d: {  	s9 =	sshra.s32 s4, $0x2;
	s4 =	smov.u32 s0;
	[tilespmem:v37+s2+$0x0] =	vst.idx.msk $0xffff, v36  }
0x24e: {  	[tilespmem:s9+$0x10400] =	vst.add.f32.msk $0xffff, v36  }
0x24f: {  	v36 =	vld.idx.msk [tilespmem:v44+s20+$0x0], $0xffff;
	_ =	sdelay $0x2  }
0x250: {  	v37 =	vor.u32 v6, v27;
	_ =	sdelay $0x2  }
0x251: {  	[tilespmem:v35+s2+$0x0] =	vst.idx.msk $0xffff, v36  }
0x252: {  	[tilespmem:s9+$0x10600] =	vst.add.f32.msk $0xffff, v36  }
0x253: {  	v35 =	vld.idx.msk [tilespmem:v37+s20+$0x0], $0xffff  }
0x254: {  	v36 =	vor.u32 v31, v32;
	_ =	sdelay $0x1  }
0x255: {  	v37 =	vor.u32 v8, v27;
	_ =	sdelay $0x2  }
0x256: {  	[tilespmem:v36+s2+$0x0] =	vst.idx.msk $0xffff, v35  }
0x257: {  	[tilespmem:s9+$0x10800] =	vst.add.f32.msk $0xffff, v35  }
0x258: {  	v34 =	vand.u32 $0x3B8, v34;
	v35 =	vld.idx.msk [tilespmem:v37+s20+$0x0], $0xffff  }
0x259: {  	v32 =	vor.u32 v34, v32;
	_ =	sdelay $0x1  }
0x25a: {  	v36 =	vor.u32 v10, v27;
	_ =	sdelay $0x2  }
0x25b: {  	[tilespmem:v32+s2+$0x0] =	vst.idx.msk $0xffff, v35  }
0x25c: {  	[tilespmem:s9+$0x10A00] =	vst.add.f32.msk $0xffff, v35  }
0x25d: {  	v32 =	vld.idx.msk [tilespmem:v36+s20+$0x0], $0xffff;
	_ =	sdelay $0x2  }
0x25e: {  	v35 =	vor.u32 v12, v27;
	_ =	sdelay $0x2  }
0x25f: {  	[tilespmem:v41+s2+$0x0] =	vst.idx.msk $0xffff, v32  }
0x260: {  	[tilespmem:s9+$0x10C00] =	vst.add.f32.msk $0xffff, v32  }
0x261: {  	v32 =	vld.idx.msk [tilespmem:v35+s20+$0x0], $0xffff;
	_ =	sdelay $0x2  }
0x262: {  	v35 =	vor.u32 v14, v27;
	_ =	sdelay $0x2  }
0x263: {  	[tilespmem:v42+s2+$0x0] =	vst.idx.msk $0xffff, v32  }
0x264: {  	[tilespmem:s9+$0x10E00] =	vst.add.f32.msk $0xffff, v32  }
0x265: {  	v32 =	vld.idx.msk [tilespmem:v35+s20+$0x0], $0xffff;
	_ =	sdelay $0x2  }
0x266: {  	v35 =	vor.u32 v16, v27;
	_ =	sdelay $0x2  }
0x267: {  	[tilespmem:v43+s2+$0x0] =	vst.idx.msk $0xffff, v32  }
0x268: {  	[tilespmem:s9+$0x11000] =	vst.add.f32.msk $0xffff, v32  }
0x269: {  	v32 =	vld.idx.msk [tilespmem:v35+s20+$0x0], $0xffff;
	_ =	sdelay $0x2  }
0x26a: {  	v35 =	vor.u32 v18, v27;
	_ =	sdelay $0x2  }
0x26b: {  	[tilespmem:v45+s2+$0x0] =	vst.idx.msk $0xffff, v32  }
0x26c: {  	[tilespmem:s9+$0x11200] =	vst.add.f32.msk $0xffff, v32  }
0x26d: {  	v29 =	vor.u32 v19, v29;
	v32 =	vld.idx.msk [tilespmem:v35+s20+$0x0], $0xffff  }
0x26e: {  	v28 =	vor.u32 v28, v29;
	v30 =	vor.u32 v30, v29;
	v41 =	vor.u32 v33, v29  }
0x26f: {  	v31 =	vor.u32 v31, v29;
	v33 =	vor.u32 v39, v29;
	v35 =	vor.u32 v40, v29  }
0x270: {  	v37 =	vor.u32 v38, v29;
	v36 =	vor.u32 v20, v27;
	_ =	sdelay $0x2  }
0x271: {  	[tilespmem:v28+s2+$0x0] =	vst.idx.msk $0xffff, v32  }
0x272: {  	[tilespmem:s9+$0x10500] =	vst.add.f32.msk $0xffff, v32  }
0x273: {  	v28 =	vld.idx.msk [tilespmem:v36+s20+$0x0], $0xffff;
	_ =	sdelay $0x2  }
0x274: {  	v32 =	vor.u32 v21, v27;
	_ =	sdelay $0x2  }
0x275: {  	[tilespmem:v30+s2+$0x0] =	vst.idx.msk $0xffff, v28  }
0x276: {  	[tilespmem:s9+$0x10700] =	vst.add.f32.msk $0xffff, v28  }
0x277: {  	v28 =	vld.idx.msk [tilespmem:v32+s20+$0x0], $0xffff;
	_ =	sdelay $0x2  }
0x278: {  	v30 =	vor.u32 v22, v27;
	_ =	sdelay $0x2  }
0x279: {  	[tilespmem:v31+s2+$0x0] =	vst.idx.msk $0xffff, v28  }
0x27a: {  	[tilespmem:s9+$0x10900] =	vst.add.f32.msk $0xffff, v28  }
0x27b: {  	v28 =	vld.idx.msk [tilespmem:v30+s20+$0x0], $0xffff  }
0x27c: {  	v29 =	vor.u32 v34, v29;
	_ =	sdelay $0x1  }
0x27d: {  	v30 =	vor.u32 v23, v27;
	_ =	sdelay $0x2  }
0x27e: {  	[tilespmem:v29+s2+$0x0] =	vst.idx.msk $0xffff, v28  }
0x27f: {  	[tilespmem:s9+$0x10B00] =	vst.add.f32.msk $0xffff, v28  }
0x280: {  	v28 =	vld.idx.msk [tilespmem:v30+s20+$0x0], $0xffff;
	_ =	sdelay $0x2  }
0x281: {  	v29 =	vor.u32 v24, v27;
	_ =	sdelay $0x2  }
0x282: {  	[tilespmem:v37+s2+$0x0] =	vst.idx.msk $0xffff, v28  }
0x283: {  	[tilespmem:s9+$0x10D00] =	vst.add.f32.msk $0xffff, v28  }
0x284: {  	v28 =	vld.idx.msk [tilespmem:v29+s20+$0x0], $0xffff;
	_ =	sdelay $0x2  }
0x285: {  	v29 =	vor.u32 v25, v27;
	_ =	sdelay $0x2  }
0x286: {  	[tilespmem:v33+s2+$0x0] =	vst.idx.msk $0xffff, v28  }
0x287: {  	[tilespmem:s9+$0x10F00] =	vst.add.f32.msk $0xffff, v28  }
0x288: {  	v28 =	vld.idx.msk [tilespmem:v29+s20+$0x0], $0xffff;
	_ =	sdelay $0x2  }
0x289: {  	v27 =	vor.u32 v26, v27;
	_ =	sdelay $0x2  }
0x28a: {  	[tilespmem:v35+s2+$0x0] =	vst.idx.msk $0xffff, v28  }
0x28b: {  	[tilespmem:s9+$0x11100] =	vst.add.f32.msk $0xffff, v28  }
0x28c: {  	s10 =	sadd.s32 $0x1, s10;
	v36 =	vld.idx.msk [tilespmem:v27+s20+$0x0], $0xffff  }
0x28d: {  	v27 =	vadd.s32 s10, v0  }
.Ltmp9:
0x28e: {  	v33 =	vshll.u32 v27, $0x7;
	v27 =	vand.u32 $0xF, v27;
	(pc) =	sbr.rel @p2 .LBB2_17-.Ltmp9, $4  }
0x28f: {  	v38 =	vor.u32 v1, v27;
	v28 =	vor.u32 v0, v33;
	v29 =	vand.u32 $0x400, v33  }
0x290: {  	v30 =	vor.u32 v5, v33;
	v28 =	vand.u32 $0x388, v28;
	v32 =	vor.u32 v3, v29  }
0x291: {  	v31 =	vor.u32 v7, v33;
	v30 =	vand.u32 $0x398, v30;
	v37 =	vor.u32 v28, v32  }
0x292: {  	v34 =	vor.u32 v9, v33;
	v31 =	vand.u32 $0x3A8, v31;
	v35 =	vor.u32 v30, v32;
	[tilespmem:v41+s2+$0x0] =	vst.idx.msk $0xffff, v36  }
0x293: {  	_ =	sdelay $0x2  }
0x294: {  	[tilespmem:s9+$0x11300] =	vst.add.f32.msk $0xffff, v36  }
0x295: {  	v36 =	vld.idx.msk [tilespmem:v38+s20+$0x0], $0xffff;
	_ =	sdelay $0x1  }
0x296: {  	v51 =	vor.u32 v4, v27;
	_ =	sdelay $0x2  }
0x297: {  	s4 =	sshra.s32 s4, $0x2;
	[tilespmem:v37+s2+$0x0] =	vst.idx.msk $0xffff, v36  }
0x298: {  	[tilespmem:s4+$0x10400] =	vst.add.f32.msk $0xffff, v36  }
0x299: {  	v36 =	vld.idx.msk [tilespmem:v51+s20+$0x0], $0xffff;
	_ =	sdelay $0x1  }
0x29a: {  	v52 =	vor.u32 v6, v27;
	_ =	sdelay $0x2  }
0x29b: {  	[tilespmem:v35+s2+$0x0] =	vst.idx.msk $0xffff, v36  }
0x29c: {  	[tilespmem:s4+$0x10600] =	vst.add.f32.msk $0xffff, v36  }
0x29d: {  	v53 =	vor.u32 v31, v32;
	v35 =	vld.idx.msk [tilespmem:v52+s20+$0x0], $0xffff;
	_ =	sdelay $0x1  }
0x29e: {  	v54 =	vor.u32 v8, v27;
	_ =	sdelay $0x2  }
0x29f: {  	[tilespmem:v53+s2+$0x0] =	vst.idx.msk $0xffff, v35  }
0x2a0: {  	v34 =	vand.u32 $0x3B8, v34;
	[tilespmem:s4+$0x10800] =	vst.add.f32.msk $0xffff, v35  }
0x2a1: {  	v55 =	vor.u32 v34, v32;
	v35 =	vld.idx.msk [tilespmem:v54+s20+$0x0], $0xffff;
	_ =	sdelay $0x1  }
0x2a2: {  	v56 =	vor.u32 v10, v27;
	_ =	sdelay $0x2  }
0x2a3: {  	v57 =	vor.u32 v11, v33;
	[tilespmem:v55+s2+$0x0] =	vst.idx.msk $0xffff, v35  }
0x2a4: {  	v58 =	vand.u32 $0x3C8, v57;
	[tilespmem:s4+$0x10A00] =	vst.add.f32.msk $0xffff, v35  }
0x2a5: {  	v59 =	vor.u32 v58, v32;
	v37 =	vld.idx.msk [tilespmem:v56+s20+$0x0], $0xffff;
	_ =	sdelay $0x1  }
0x2a6: {  	v60 =	vor.u32 v12, v27;
	_ =	sdelay $0x2  }
0x2a7: {  	v39 =	vor.u32 v13, v33;
	[tilespmem:v59+s2+$0x0] =	vst.idx.msk $0xffff, v37  }
0x2a8: {  	v61 =	vand.u32 $0x3D8, v39;
	[tilespmem:s4+$0x10C00] =	vst.add.f32.msk $0xffff, v37  }
0x2a9: {  	v62 =	vor.u32 v61, v32;
	v38 =	vld.idx.msk [tilespmem:v60+s20+$0x0], $0xffff;
	_ =	sdelay $0x1  }
0x2aa: {  	v63 =	vor.u32 v14, v27;
	_ =	sdelay $0x2  }
0x2ab: {  	v40 =	vor.u32 v15, v33;
	[tilespmem:v62+s2+$0x0] =	vst.idx.msk $0xffff, v38  }
0x2ac: {  	v44 =	vand.u32 $0x3E8, v40;
	[tilespmem:s4+$0x10E00] =	vst.add.f32.msk $0xffff, v38  }
0x2ad: {  	v45 =	vor.u32 v44, v32;
	v39 =	vld.idx.msk [tilespmem:v63+s20+$0x0], $0xffff;
	_ =	sdelay $0x1  }
0x2ae: {  	v46 =	vor.u32 v16, v27;
	_ =	sdelay $0x2  }
0x2af: {  	v47 =	vor.u32 v17, v33;
	[tilespmem:v45+s2+$0x0] =	vst.idx.msk $0xffff, v39  }
0x2b0: {  	v33 =	vand.u32 $0x3F8, v47;
	[tilespmem:s4+$0x11000] =	vst.add.f32.msk $0xffff, v39  }
0x2b1: {  	v48 =	vor.u32 v33, v32;
	v38 =	vld.idx.msk [tilespmem:v46+s20+$0x0], $0xffff;
	_ =	sdelay $0x1  }
0x2b2: {  	v49 =	vor.u32 v18, v27;
	_ =	sdelay $0x2  }
0x2b3: {  	[tilespmem:v48+s2+$0x0] =	vst.idx.msk $0xffff, v38  }
0x2b4: {  	v29 =	vor.u32 v19, v29;
	[tilespmem:s4+$0x11200] =	vst.add.f32.msk $0xffff, v38  }
0x2b5: {  	v28 =	vor.u32 v28, v29;
	v32 =	vld.idx.msk [tilespmem:v49+s20+$0x0], $0xffff;
	_ =	sdelay $0x1  }
0x2b6: {  	v50 =	vor.u32 v20, v27;
	_ =	sdelay $0x2  }
0x2b7: {  	[tilespmem:v28+s2+$0x0] =	vst.idx.msk $0xffff, v32  }
0x2b8: {  	[tilespmem:s4+$0x10500] =	vst.add.f32.msk $0xffff, v32  }
0x2b9: {  	v51 =	vor.u32 v30, v29;
	v52 =	vld.idx.msk [tilespmem:v50+s20+$0x0], $0xffff;
	_ =	sdelay $0x1  }
0x2ba: {  	v53 =	vor.u32 v21, v27;
	_ =	sdelay $0x2  }
0x2bb: {  	[tilespmem:v51+s2+$0x0] =	vst.idx.msk $0xffff, v52  }
0x2bc: {  	[tilespmem:s4+$0x10700] =	vst.add.f32.msk $0xffff, v52  }
0x2bd: {  	v54 =	vor.u32 v31, v29;
	v30 =	vld.idx.msk [tilespmem:v53+s20+$0x0], $0xffff;
	_ =	sdelay $0x1  }
0x2be: {  	v55 =	vor.u32 v22, v27;
	_ =	sdelay $0x2  }
0x2bf: {  	[tilespmem:v54+s2+$0x0] =	vst.idx.msk $0xffff, v30  }
0x2c0: {  	[tilespmem:s4+$0x10900] =	vst.add.f32.msk $0xffff, v30  }
0x2c1: {  	v56 =	vor.u32 v34, v29;
	v28 =	vld.idx.msk [tilespmem:v55+s20+$0x0], $0xffff;
	_ =	sdelay $0x1  }
0x2c2: {  	v57 =	vor.u32 v23, v27;
	_ =	sdelay $0x2  }
0x2c3: {  	[tilespmem:v56+s2+$0x0] =	vst.idx.msk $0xffff, v28  }
0x2c4: {  	[tilespmem:s4+$0x10B00] =	vst.add.f32.msk $0xffff, v28  }
0x2c5: {  	v58 =	vor.u32 v58, v29;
	v30 =	vld.idx.msk [tilespmem:v57+s20+$0x0], $0xffff;
	_ =	sdelay $0x1  }
0x2c6: {  	v59 =	vor.u32 v24, v27;
	_ =	sdelay $0x2  }
0x2c7: {  	[tilespmem:v58+s2+$0x0] =	vst.idx.msk $0xffff, v30  }
0x2c8: {  	[tilespmem:s4+$0x10D00] =	vst.add.f32.msk $0xffff, v30  }
0x2c9: {  	v60 =	vor.u32 v61, v29;
	v30 =	vld.idx.msk [tilespmem:v59+s20+$0x0], $0xffff;
	_ =	sdelay $0x1  }
0x2ca: {  	v61 =	vor.u32 v25, v27;
	_ =	sdelay $0x2  }
0x2cb: {  	[tilespmem:v60+s2+$0x0] =	vst.idx.msk $0xffff, v30  }
0x2cc: {  	[tilespmem:s4+$0x10F00] =	vst.add.f32.msk $0xffff, v30  }
0x2cd: {  	v62 =	vor.u32 v44, v29;
	v30 =	vld.idx.msk [tilespmem:v61+s20+$0x0], $0xffff;
	_ =	sdelay $0x1  }
0x2ce: {  	v27 =	vor.u32 v26, v27;
	_ =	sdelay $0x2  }
0x2cf: {  	[tilespmem:v62+s2+$0x0] =	vst.idx.msk $0xffff, v30  }
0x2d0: {  	[tilespmem:s4+$0x11100] =	vst.add.f32.msk $0xffff, v30  }
0x2d1: {  	v63 =	vor.u32 v33, v29;
	v27 =	vld.idx.msk [tilespmem:v27+s20+$0x0], $0xffff;
	_ =	sdelay $0x2  }
.Ltmp10:
0x2d2: {  	s0 =	rddreg [dreg:$0x8];
	(pc) =	sbr.rel @p1 .LBB2_20-.Ltmp10, $4  }
0x2d3: {  	s0 =	sadd.s32 s0, s8  }
0x2d4: {  	s0 =	sshrl.u32 s0, $0x3;
	[tilespmem:v63+s2+$0x0] =	vst.idx.msk $0xffff, v27  }
0x2d5: {  	s0 =	sadd.s32 s1, s0;
	[tilespmem:s4+$0x11300] =	vst.add.f32.msk $0xffff, v27  }
0x2d6: {  	[hbm4b:s0+s13] =	stream.strided.scatter [tilespmem:s2], [sflag:$0x8], $0x1000, s14, s13, $0x38;
	[tilespmem:$0x12400] =	vst v63  }
.Ltmp11:
0x2d7: {  	(pc) =	sbr.rel .LBB2_21-.Ltmp11, $4  }
0x2d8: {  	_ = 	snop  }
0x2d9: {  	_ =	swait.ge [sflag:s19], $0x1000  }
0x2da: {  	[sflag:s19] =	ssyncset.done $0x0  }
0x2db: {  	[sflag:s19] =	ssyncadd.s32 $0xFFFFF000  }
.LBB2_20:
0x2dc: {  	s0 =	sshll.u32 s7, $0x7  }
0x2dd: {  	s0 =	sadd.s32 $0x380, s0  }
.Ltmp12:
0x2de: {  	s0 =	sand.u32 $0x1FF80, s0;
	(pc) =	sbr.rel @p0 .LBB2_22-.Ltmp12, $4  }
0x2df: {  	[tilespmem:s20], [sflag:$0x3] =	stream.indirect.gather [hbm4b:s5+s16], $0x20, s0, s16, $0xb8;
	[tilespmem:$0x12400] =	vst v63  }
0x2e0: {  	_ =	swait.ge [sflag:s19], $0x1000  }
0x2e1: {  	[sflag:s19] =	ssyncset.done $0x0  }
0x2e2: {  	[sflag:s19] =	ssyncadd.s32 $0xFFFFF000  }
.LBB2_21:
0x2e3: {  	_ =	swait.ge [sflag:s21], $0x1000  }
0x2e4: {  	[sflag:s21] =	ssyncset.done $0x0  }
0x2e5: {  	[sflag:s21] =	ssyncadd.s32 $0xFFFFF000  }
.LBB2_22:
0x2e6: {  	s0 =	simm.s32 $0x0  }
0x2e7: {  	v27 =	vadd.s32 s0, v0  }
0x2e8: {  	v28 =	vand.u32 $0xF, v27  }
0x2e9: {  	v29 =	vor.u32 v1, v28;
	_ =	sdelay $0x1  }
0x2ea: {  	v27 =	vshll.u32 v27, $0x7  }
0x2eb: {  	v30 =	vor.u32 v0, v27;
	v31 =	vand.u32 $0x400, v27  }
0x2ec: {  	v30 =	vand.u32 $0x388, v30;
	v32 =	vor.u32 v3, v31  }
0x2ed: {  	v33 =	vor.u32 v30, v32;
	v29 =	vld.idx.msk [tilespmem:v29+s22+$0x0], $0xffff;
	_ =	sdelay $0x1  }
0x2ee: {  	v34 =	vor.u32 v4, v28;
	_ =	sdelay $0x2  }
0x2ef: {  	s9 =	simm.s32 $0x0;
	v35 =	vor.u32 v5, v27;
	[tilespmem:v33+s23+$0x0] =	vst.idx.msk $0xffff, v29  }
0x2f0: {  	v63 =	vand.u32 $0x398, v35;
	[tilespmem:s9+$0x10400] =	vst.add.f32.msk $0xffff, v29  }
0x2f1: {  	v29 =	vor.u32 v63, v32;
	v34 =	vld.idx.msk [tilespmem:v34+s22+$0x0], $0xffff;
	_ =	sdelay $0x1  }
0x2f2: {  	v41 =	vor.u32 v6, v28;
	_ =	sdelay $0x2  }
0x2f3: {  	v36 =	vor.u32 v7, v27;
	[tilespmem:v29+s23+$0x0] =	vst.idx.msk $0xffff, v34  }
0x2f4: {  	v29 =	vand.u32 $0x3A8, v36;
	[tilespmem:s9+$0x10600] =	vst.add.f32.msk $0xffff, v34  }
0x2f5: {  	v42 =	vor.u32 v29, v32;
	v34 =	vld.idx.msk [tilespmem:v41+s22+$0x0], $0xffff;
	_ =	sdelay $0x1  }
0x2f6: {  	v43 =	vor.u32 v8, v28;
	_ =	sdelay $0x2  }
0x2f7: {  	v37 =	vor.u32 v9, v27;
	[tilespmem:v42+s23+$0x0] =	vst.idx.msk $0xffff, v34  }
0x2f8: {  	v44 =	vand.u32 $0x3B8, v37;
	[tilespmem:s9+$0x10800] =	vst.add.f32.msk $0xffff, v34  }
0x2f9: {  	v45 =	vor.u32 v44, v32;
	v35 =	vld.idx.msk [tilespmem:v43+s22+$0x0], $0xffff;
	_ =	sdelay $0x1  }
0x2fa: {  	v46 =	vor.u32 v10, v28;
	_ =	sdelay $0x2  }
0x2fb: {  	v38 =	vor.u32 v11, v27;
	[tilespmem:v45+s23+$0x0] =	vst.idx.msk $0xffff, v35  }
0x2fc: {  	v47 =	vand.u32 $0x3C8, v38;
	[tilespmem:s9+$0x10A00] =	vst.add.f32.msk $0xffff, v35  }
0x2fd: {  	v48 =	vor.u32 v47, v32;
	v37 =	vld.idx.msk [tilespmem:v46+s22+$0x0], $0xffff;
	_ =	sdelay $0x1  }
0x2fe: {  	v49 =	vor.u32 v12, v28;
	_ =	sdelay $0x2  }
0x2ff: {  	v39 =	vor.u32 v13, v27;
	[tilespmem:v48+s23+$0x0] =	vst.idx.msk $0xffff, v37  }
0x300: {  	v50 =	vand.u32 $0x3D8, v39;
	[tilespmem:s9+$0x10C00] =	vst.add.f32.msk $0xffff, v37  }
0x301: {  	v51 =	vor.u32 v50, v32;
	v38 =	vld.idx.msk [tilespmem:v49+s22+$0x0], $0xffff;
	_ =	sdelay $0x1  }
0x302: {  	v52 =	vor.u32 v14, v28;
	_ =	sdelay $0x2  }
0x303: {  	v40 =	vor.u32 v15, v27;
	[tilespmem:v51+s23+$0x0] =	vst.idx.msk $0xffff, v38  }
0x304: {  	v53 =	vand.u32 $0x3E8, v40;
	[tilespmem:s9+$0x10E00] =	vst.add.f32.msk $0xffff, v38  }
0x305: {  	v54 =	vor.u32 v53, v32;
	v39 =	vld.idx.msk [tilespmem:v52+s22+$0x0], $0xffff;
	_ =	sdelay $0x1  }
0x306: {  	v55 =	vor.u32 v16, v28;
	_ =	sdelay $0x2  }
0x307: {  	v27 =	vor.u32 v17, v27;
	[tilespmem:v54+s23+$0x0] =	vst.idx.msk $0xffff, v39  }
0x308: {  	v27 =	vand.u32 $0x3F8, v27;
	[tilespmem:s9+$0x11000] =	vst.add.f32.msk $0xffff, v39  }
0x309: {  	v32 =	vor.u32 v27, v32;
	v38 =	vld.idx.msk [tilespmem:v55+s22+$0x0], $0xffff;
	_ =	sdelay $0x1  }
0x30a: {  	v56 =	vor.u32 v18, v28;
	_ =	sdelay $0x2  }
0x30b: {  	[tilespmem:v32+s23+$0x0] =	vst.idx.msk $0xffff, v38  }
0x30c: {  	v31 =	vor.u32 v19, v31;
	[tilespmem:s9+$0x11200] =	vst.add.f32.msk $0xffff, v38  }
0x30d: {  	v30 =	vor.u32 v30, v31;
	v32 =	vld.idx.msk [tilespmem:v56+s22+$0x0], $0xffff;
	_ =	sdelay $0x1  }
0x30e: {  	v57 =	vor.u32 v20, v28;
	_ =	sdelay $0x2  }
0x30f: {  	[tilespmem:v30+s23+$0x0] =	vst.idx.msk $0xffff, v32  }
0x310: {  	[tilespmem:s9+$0x10500] =	vst.add.f32.msk $0xffff, v32  }
0x311: {  	v30 =	vor.u32 v63, v31;
	v32 =	vld.idx.msk [tilespmem:v57+s22+$0x0], $0xffff;
	_ =	sdelay $0x1  }
0x312: {  	v58 =	vor.u32 v21, v28;
	_ =	sdelay $0x2  }
0x313: {  	[tilespmem:v30+s23+$0x0] =	vst.idx.msk $0xffff, v32  }
0x314: {  	[tilespmem:s9+$0x10700] =	vst.add.f32.msk $0xffff, v32  }
0x315: {  	v29 =	vor.u32 v29, v31;
	v30 =	vld.idx.msk [tilespmem:v58+s22+$0x0], $0xffff;
	_ =	sdelay $0x1  }
0x316: {  	v59 =	vor.u32 v22, v28;
	_ =	sdelay $0x2  }
0x317: {  	[tilespmem:v29+s23+$0x0] =	vst.idx.msk $0xffff, v30  }
0x318: {  	[tilespmem:s9+$0x10900] =	vst.add.f32.msk $0xffff, v30  }
0x319: {  	v30 =	vor.u32 v44, v31;
	v29 =	vld.idx.msk [tilespmem:v59+s22+$0x0], $0xffff;
	_ =	sdelay $0x1  }
0x31a: {  	v60 =	vor.u32 v23, v28;
	_ =	sdelay $0x2  }
0x31b: {  	[tilespmem:v30+s23+$0x0] =	vst.idx.msk $0xffff, v29  }
0x31c: {  	[tilespmem:s9+$0x10B00] =	vst.add.f32.msk $0xffff, v29  }
0x31d: {  	v29 =	vor.u32 v47, v31;
	v30 =	vld.idx.msk [tilespmem:v60+s22+$0x0], $0xffff;
	_ =	sdelay $0x1  }
0x31e: {  	v61 =	vor.u32 v24, v28;
	_ =	sdelay $0x2  }
0x31f: {  	[tilespmem:v29+s23+$0x0] =	vst.idx.msk $0xffff, v30  }
0x320: {  	[tilespmem:s9+$0x10D00] =	vst.add.f32.msk $0xffff, v30  }
0x321: {  	v29 =	vor.u32 v50, v31;
	v30 =	vld.idx.msk [tilespmem:v61+s22+$0x0], $0xffff;
	_ =	sdelay $0x1  }
0x322: {  	v62 =	vor.u32 v25, v28;
	_ =	sdelay $0x2  }
0x323: {  	[tilespmem:v29+s23+$0x0] =	vst.idx.msk $0xffff, v30  }
0x324: {  	[tilespmem:s9+$0x10F00] =	vst.add.f32.msk $0xffff, v30  }
0x325: {  	v29 =	vor.u32 v53, v31;
	v30 =	vld.idx.msk [tilespmem:v62+s22+$0x0], $0xffff;
	_ =	sdelay $0x1  }
0x326: {  	v28 =	vor.u32 v26, v28;
	_ =	sdelay $0x2  }
0x327: {  	[tilespmem:v29+s23+$0x0] =	vst.idx.msk $0xffff, v30  }
0x328: {  	s10 =	simm.s32 $0x1;
	[tilespmem:s9+$0x11100] =	vst.add.f32.msk $0xffff, v30  }
0x329: {  	v63 =	vor.u32 v27, v31;
	v27 =	vadd.s32 s10, v0;
	v36 =	vld.idx.msk [tilespmem:v28+s22+$0x0], $0xffff  }
0x32a: {  	v33 =	vshll.u32 v27, $0x7;
	v27 =	vand.u32 $0xF, v27  }
0x32b: {  	v38 =	vor.u32 v1, v27;
	v34 =	vor.u32 v9, v33;
	v31 =	vor.u32 v7, v33  }
0x32c: {  	v29 =	vand.u32 $0x400, v33;
	v30 =	vor.u32 v5, v33;
	v28 =	vor.u32 v0, v33  }
0x32d: {  	v32 =	vor.u32 v3, v29;
	v30 =	vand.u32 $0x398, v30;
	v28 =	vand.u32 $0x388, v28  }
0x32e: {  	s4 =	simm.s32 $0x40;
	s29 =	simm.s32 $0x80;
	v31 =	vand.u32 $0x3A8, v31;
	v35 =	vor.u32 v30, v32;
	v37 =	vor.u32 v28, v32;
	[tilespmem:v63+s23+$0x0] =	vst.idx.msk $0xffff, v36  }
.LBB2_23:
0x32f: {  	p2 =	sne.s32 s29, $0x3C0;
	v39 =	vor.u32 v11, v33;
	v40 =	vor.u32 v13, v33;
	v41 =	vor.u32 v15, v33;
	[tilespmem:s9+$0x11300] =	vst.add.f32.msk $0xffff, v36;
	s0 =	smov.u32 s29;
	s29 =	sadd.s32 $0x40, s29  }
0x330: {  	v36 =	vld.idx.msk [tilespmem:v38+s22+$0x0], $0xffff;
	v38 =	vand.u32 $0x3C8, v39;
	v39 =	vand.u32 $0x3D8, v40;
	v40 =	vand.u32 $0x3E8, v41  }
0x331: {  	v41 =	vor.u32 v38, v32;
	v42 =	vor.u32 v39, v32;
	v43 =	vor.u32 v40, v32  }
0x332: {  	v33 =	vor.u32 v17, v33  }
0x333: {  	v44 =	vor.u32 v4, v27;
	v33 =	vand.u32 $0x3F8, v33  }
0x334: {  	v45 =	vor.u32 v33, v32;
	_ =	sdelay $0x1  }
0x335: {  	s9 =	sshra.s32 s4, $0x2;
	s4 =	smov.u32 s0;
	[tilespmem:v37+s23+$0x0] =	vst.idx.msk $0xffff, v36  }
0x336: {  	[tilespmem:s9+$0x10400] =	vst.add.f32.msk $0xffff, v36  }
0x337: {  	v36 =	vld.idx.msk [tilespmem:v44+s22+$0x0], $0xffff;
	_ =	sdelay $0x2  }
0x338: {  	v37 =	vor.u32 v6, v27;
	_ =	sdelay $0x2  }
0x339: {  	[tilespmem:v35+s23+$0x0] =	vst.idx.msk $0xffff, v36  }
0x33a: {  	[tilespmem:s9+$0x10600] =	vst.add.f32.msk $0xffff, v36  }
0x33b: {  	v35 =	vld.idx.msk [tilespmem:v37+s22+$0x0], $0xffff  }
0x33c: {  	v36 =	vor.u32 v31, v32;
	_ =	sdelay $0x1  }
0x33d: {  	v37 =	vor.u32 v8, v27;
	_ =	sdelay $0x2  }
0x33e: {  	[tilespmem:v36+s23+$0x0] =	vst.idx.msk $0xffff, v35  }
0x33f: {  	[tilespmem:s9+$0x10800] =	vst.add.f32.msk $0xffff, v35  }
0x340: {  	v34 =	vand.u32 $0x3B8, v34;
	v35 =	vld.idx.msk [tilespmem:v37+s22+$0x0], $0xffff  }
0x341: {  	v32 =	vor.u32 v34, v32;
	_ =	sdelay $0x1  }
0x342: {  	v36 =	vor.u32 v10, v27;
	_ =	sdelay $0x2  }
0x343: {  	[tilespmem:v32+s23+$0x0] =	vst.idx.msk $0xffff, v35  }
0x344: {  	[tilespmem:s9+$0x10A00] =	vst.add.f32.msk $0xffff, v35  }
0x345: {  	v32 =	vld.idx.msk [tilespmem:v36+s22+$0x0], $0xffff;
	_ =	sdelay $0x2  }
0x346: {  	v35 =	vor.u32 v12, v27;
	_ =	sdelay $0x2  }
0x347: {  	[tilespmem:v41+s23+$0x0] =	vst.idx.msk $0xffff, v32  }
0x348: {  	[tilespmem:s9+$0x10C00] =	vst.add.f32.msk $0xffff, v32  }
0x349: {  	v32 =	vld.idx.msk [tilespmem:v35+s22+$0x0], $0xffff;
	_ =	sdelay $0x2  }
0x34a: {  	v35 =	vor.u32 v14, v27;
	_ =	sdelay $0x2  }
0x34b: {  	[tilespmem:v42+s23+$0x0] =	vst.idx.msk $0xffff, v32  }
0x34c: {  	[tilespmem:s9+$0x10E00] =	vst.add.f32.msk $0xffff, v32  }
0x34d: {  	v32 =	vld.idx.msk [tilespmem:v35+s22+$0x0], $0xffff;
	_ =	sdelay $0x2  }
0x34e: {  	v35 =	vor.u32 v16, v27;
	_ =	sdelay $0x2  }
0x34f: {  	[tilespmem:v43+s23+$0x0] =	vst.idx.msk $0xffff, v32  }
0x350: {  	[tilespmem:s9+$0x11000] =	vst.add.f32.msk $0xffff, v32  }
0x351: {  	v32 =	vld.idx.msk [tilespmem:v35+s22+$0x0], $0xffff;
	_ =	sdelay $0x2  }
0x352: {  	v35 =	vor.u32 v18, v27;
	_ =	sdelay $0x2  }
0x353: {  	[tilespmem:v45+s23+$0x0] =	vst.idx.msk $0xffff, v32  }
0x354: {  	[tilespmem:s9+$0x11200] =	vst.add.f32.msk $0xffff, v32  }
0x355: {  	v29 =	vor.u32 v19, v29;
	v32 =	vld.idx.msk [tilespmem:v35+s22+$0x0], $0xffff  }
0x356: {  	v28 =	vor.u32 v28, v29;
	v30 =	vor.u32 v30, v29;
	v41 =	vor.u32 v33, v29  }
0x357: {  	v31 =	vor.u32 v31, v29;
	v33 =	vor.u32 v39, v29;
	v35 =	vor.u32 v40, v29  }
0x358: {  	v37 =	vor.u32 v38, v29;
	v36 =	vor.u32 v20, v27;
	_ =	sdelay $0x2  }
0x359: {  	[tilespmem:v28+s23+$0x0] =	vst.idx.msk $0xffff, v32  }
0x35a: {  	[tilespmem:s9+$0x10500] =	vst.add.f32.msk $0xffff, v32  }
0x35b: {  	v28 =	vld.idx.msk [tilespmem:v36+s22+$0x0], $0xffff;
	_ =	sdelay $0x2  }
0x35c: {  	v32 =	vor.u32 v21, v27;
	_ =	sdelay $0x2  }
0x35d: {  	[tilespmem:v30+s23+$0x0] =	vst.idx.msk $0xffff, v28  }
0x35e: {  	[tilespmem:s9+$0x10700] =	vst.add.f32.msk $0xffff, v28  }
0x35f: {  	v28 =	vld.idx.msk [tilespmem:v32+s22+$0x0], $0xffff;
	_ =	sdelay $0x2  }
0x360: {  	v30 =	vor.u32 v22, v27;
	_ =	sdelay $0x2  }
0x361: {  	[tilespmem:v31+s23+$0x0] =	vst.idx.msk $0xffff, v28  }
0x362: {  	[tilespmem:s9+$0x10900] =	vst.add.f32.msk $0xffff, v28  }
0x363: {  	v28 =	vld.idx.msk [tilespmem:v30+s22+$0x0], $0xffff  }
0x364: {  	v29 =	vor.u32 v34, v29;
	_ =	sdelay $0x1  }
0x365: {  	v30 =	vor.u32 v23, v27;
	_ =	sdelay $0x2  }
0x366: {  	[tilespmem:v29+s23+$0x0] =	vst.idx.msk $0xffff, v28  }
0x367: {  	[tilespmem:s9+$0x10B00] =	vst.add.f32.msk $0xffff, v28  }
0x368: {  	v28 =	vld.idx.msk [tilespmem:v30+s22+$0x0], $0xffff;
	_ =	sdelay $0x2  }
0x369: {  	v29 =	vor.u32 v24, v27;
	_ =	sdelay $0x2  }
0x36a: {  	[tilespmem:v37+s23+$0x0] =	vst.idx.msk $0xffff, v28  }
0x36b: {  	[tilespmem:s9+$0x10D00] =	vst.add.f32.msk $0xffff, v28  }
0x36c: {  	v28 =	vld.idx.msk [tilespmem:v29+s22+$0x0], $0xffff;
	_ =	sdelay $0x2  }
0x36d: {  	v29 =	vor.u32 v25, v27;
	_ =	sdelay $0x2  }
0x36e: {  	[tilespmem:v33+s23+$0x0] =	vst.idx.msk $0xffff, v28  }
0x36f: {  	[tilespmem:s9+$0x10F00] =	vst.add.f32.msk $0xffff, v28  }
0x370: {  	v28 =	vld.idx.msk [tilespmem:v29+s22+$0x0], $0xffff;
	_ =	sdelay $0x2  }
0x371: {  	v27 =	vor.u32 v26, v27;
	_ =	sdelay $0x2  }
0x372: {  	[tilespmem:v35+s23+$0x0] =	vst.idx.msk $0xffff, v28  }
0x373: {  	[tilespmem:s9+$0x11100] =	vst.add.f32.msk $0xffff, v28  }
0x374: {  	s10 =	sadd.s32 $0x1, s10;
	v36 =	vld.idx.msk [tilespmem:v27+s22+$0x0], $0xffff  }
0x375: {  	v27 =	vadd.s32 s10, v0  }
.Ltmp13:
0x376: {  	v33 =	vshll.u32 v27, $0x7;
	v27 =	vand.u32 $0xF, v27;
	(pc) =	sbr.rel @p2 .LBB2_23-.Ltmp13, $4  }
0x377: {  	v38 =	vor.u32 v1, v27;
	v28 =	vor.u32 v0, v33;
	v29 =	vand.u32 $0x400, v33  }
0x378: {  	v30 =	vor.u32 v5, v33;
	v28 =	vand.u32 $0x388, v28;
	v32 =	vor.u32 v3, v29  }
0x379: {  	v31 =	vor.u32 v7, v33;
	v30 =	vand.u32 $0x398, v30;
	v37 =	vor.u32 v28, v32  }
0x37a: {  	v34 =	vor.u32 v9, v33;
	v31 =	vand.u32 $0x3A8, v31;
	v35 =	vor.u32 v30, v32;
	[tilespmem:v41+s23+$0x0] =	vst.idx.msk $0xffff, v36  }
0x37b: {  	_ =	sdelay $0x2  }
0x37c: {  	[tilespmem:s9+$0x11300] =	vst.add.f32.msk $0xffff, v36  }
0x37d: {  	v36 =	vld.idx.msk [tilespmem:v38+s22+$0x0], $0xffff;
	_ =	sdelay $0x1  }
0x37e: {  	v51 =	vor.u32 v4, v27;
	_ =	sdelay $0x2  }
0x37f: {  	s4 =	sshra.s32 s4, $0x2;
	[tilespmem:v37+s23+$0x0] =	vst.idx.msk $0xffff, v36  }
0x380: {  	[tilespmem:s4+$0x10400] =	vst.add.f32.msk $0xffff, v36  }
0x381: {  	v36 =	vld.idx.msk [tilespmem:v51+s22+$0x0], $0xffff;
	_ =	sdelay $0x1  }
0x382: {  	v52 =	vor.u32 v6, v27;
	_ =	sdelay $0x2  }
0x383: {  	[tilespmem:v35+s23+$0x0] =	vst.idx.msk $0xffff, v36  }
0x384: {  	[tilespmem:s4+$0x10600] =	vst.add.f32.msk $0xffff, v36  }
0x385: {  	v53 =	vor.u32 v31, v32;
	v35 =	vld.idx.msk [tilespmem:v52+s22+$0x0], $0xffff;
	_ =	sdelay $0x1  }
0x386: {  	v54 =	vor.u32 v8, v27;
	_ =	sdelay $0x2  }
0x387: {  	[tilespmem:v53+s23+$0x0] =	vst.idx.msk $0xffff, v35  }
0x388: {  	v34 =	vand.u32 $0x3B8, v34;
	[tilespmem:s4+$0x10800] =	vst.add.f32.msk $0xffff, v35  }
0x389: {  	v55 =	vor.u32 v34, v32;
	v35 =	vld.idx.msk [tilespmem:v54+s22+$0x0], $0xffff;
	_ =	sdelay $0x1  }
0x38a: {  	v56 =	vor.u32 v10, v27;
	_ =	sdelay $0x2  }
0x38b: {  	v57 =	vor.u32 v11, v33;
	[tilespmem:v55+s23+$0x0] =	vst.idx.msk $0xffff, v35  }
0x38c: {  	v58 =	vand.u32 $0x3C8, v57;
	[tilespmem:s4+$0x10A00] =	vst.add.f32.msk $0xffff, v35  }
0x38d: {  	v59 =	vor.u32 v58, v32;
	v37 =	vld.idx.msk [tilespmem:v56+s22+$0x0], $0xffff;
	_ =	sdelay $0x1  }
0x38e: {  	v60 =	vor.u32 v12, v27;
	_ =	sdelay $0x2  }
0x38f: {  	v39 =	vor.u32 v13, v33;
	[tilespmem:v59+s23+$0x0] =	vst.idx.msk $0xffff, v37  }
0x390: {  	v61 =	vand.u32 $0x3D8, v39;
	[tilespmem:s4+$0x10C00] =	vst.add.f32.msk $0xffff, v37  }
0x391: {  	v62 =	vor.u32 v61, v32;
	v38 =	vld.idx.msk [tilespmem:v60+s22+$0x0], $0xffff;
	_ =	sdelay $0x1  }
0x392: {  	v63 =	vor.u32 v14, v27;
	_ =	sdelay $0x2  }
0x393: {  	v40 =	vor.u32 v15, v33;
	[tilespmem:v62+s23+$0x0] =	vst.idx.msk $0xffff, v38  }
0x394: {  	v44 =	vand.u32 $0x3E8, v40;
	[tilespmem:s4+$0x10E00] =	vst.add.f32.msk $0xffff, v38  }
0x395: {  	v45 =	vor.u32 v44, v32;
	v39 =	vld.idx.msk [tilespmem:v63+s22+$0x0], $0xffff;
	_ =	sdelay $0x1  }
0x396: {  	v46 =	vor.u32 v16, v27;
	_ =	sdelay $0x2  }
0x397: {  	v47 =	vor.u32 v17, v33;
	[tilespmem:v45+s23+$0x0] =	vst.idx.msk $0xffff, v39  }
0x398: {  	v33 =	vand.u32 $0x3F8, v47;
	[tilespmem:s4+$0x11000] =	vst.add.f32.msk $0xffff, v39  }
0x399: {  	v48 =	vor.u32 v33, v32;
	v38 =	vld.idx.msk [tilespmem:v46+s22+$0x0], $0xffff;
	_ =	sdelay $0x1  }
0x39a: {  	v49 =	vor.u32 v18, v27;
	_ =	sdelay $0x2  }
0x39b: {  	[tilespmem:v48+s23+$0x0] =	vst.idx.msk $0xffff, v38  }
0x39c: {  	v29 =	vor.u32 v19, v29;
	[tilespmem:s4+$0x11200] =	vst.add.f32.msk $0xffff, v38  }
0x39d: {  	v28 =	vor.u32 v28, v29;
	v32 =	vld.idx.msk [tilespmem:v49+s22+$0x0], $0xffff;
	_ =	sdelay $0x1  }
0x39e: {  	v50 =	vor.u32 v20, v27;
	_ =	sdelay $0x2  }
0x39f: {  	[tilespmem:v28+s23+$0x0] =	vst.idx.msk $0xffff, v32  }
0x3a0: {  	[tilespmem:s4+$0x10500] =	vst.add.f32.msk $0xffff, v32  }
0x3a1: {  	v51 =	vor.u32 v30, v29;
	v52 =	vld.idx.msk [tilespmem:v50+s22+$0x0], $0xffff;
	_ =	sdelay $0x1  }
0x3a2: {  	v53 =	vor.u32 v21, v27;
	_ =	sdelay $0x2  }
0x3a3: {  	[tilespmem:v51+s23+$0x0] =	vst.idx.msk $0xffff, v52  }
0x3a4: {  	[tilespmem:s4+$0x10700] =	vst.add.f32.msk $0xffff, v52  }
0x3a5: {  	v54 =	vor.u32 v31, v29;
	v30 =	vld.idx.msk [tilespmem:v53+s22+$0x0], $0xffff;
	_ =	sdelay $0x1  }
0x3a6: {  	v55 =	vor.u32 v22, v27;
	_ =	sdelay $0x2  }
0x3a7: {  	[tilespmem:v54+s23+$0x0] =	vst.idx.msk $0xffff, v30  }
0x3a8: {  	[tilespmem:s4+$0x10900] =	vst.add.f32.msk $0xffff, v30  }
0x3a9: {  	v56 =	vor.u32 v34, v29;
	v28 =	vld.idx.msk [tilespmem:v55+s22+$0x0], $0xffff;
	_ =	sdelay $0x1  }
0x3aa: {  	v57 =	vor.u32 v23, v27;
	_ =	sdelay $0x2  }
0x3ab: {  	[tilespmem:v56+s23+$0x0] =	vst.idx.msk $0xffff, v28  }
0x3ac: {  	[tilespmem:s4+$0x10B00] =	vst.add.f32.msk $0xffff, v28  }
0x3ad: {  	v58 =	vor.u32 v58, v29;
	v30 =	vld.idx.msk [tilespmem:v57+s22+$0x0], $0xffff;
	_ =	sdelay $0x1  }
0x3ae: {  	v59 =	vor.u32 v24, v27;
	_ =	sdelay $0x2  }
0x3af: {  	[tilespmem:v58+s23+$0x0] =	vst.idx.msk $0xffff, v30  }
0x3b0: {  	[tilespmem:s4+$0x10D00] =	vst.add.f32.msk $0xffff, v30  }
0x3b1: {  	v60 =	vor.u32 v61, v29;
	v30 =	vld.idx.msk [tilespmem:v59+s22+$0x0], $0xffff;
	_ =	sdelay $0x1  }
0x3b2: {  	v61 =	vor.u32 v25, v27;
	_ =	sdelay $0x2  }
0x3b3: {  	[tilespmem:v60+s23+$0x0] =	vst.idx.msk $0xffff, v30  }
0x3b4: {  	[tilespmem:s4+$0x10F00] =	vst.add.f32.msk $0xffff, v30  }
0x3b5: {  	v62 =	vor.u32 v44, v29;
	v30 =	vld.idx.msk [tilespmem:v61+s22+$0x0], $0xffff;
	_ =	sdelay $0x1  }
0x3b6: {  	v27 =	vor.u32 v26, v27;
	_ =	sdelay $0x2  }
0x3b7: {  	[tilespmem:v62+s23+$0x0] =	vst.idx.msk $0xffff, v30  }
0x3b8: {  	[tilespmem:s4+$0x11100] =	vst.add.f32.msk $0xffff, v30  }
0x3b9: {  	v63 =	vor.u32 v33, v29;
	v27 =	vld.idx.msk [tilespmem:v27+s22+$0x0], $0xffff;
	_ =	sdelay $0x2  }
.Ltmp14:
0x3ba: {  	s0 =	rddreg [dreg:$0x9];
	(pc) =	sbr.rel @p1 .LBB2_26-.Ltmp14, $4  }
0x3bb: {  	s0 =	sadd.s32 s0, s8  }
0x3bc: {  	s0 =	sshrl.u32 s0, $0x3;
	[tilespmem:v63+s23+$0x0] =	vst.idx.msk $0xffff, v27  }
0x3bd: {  	s0 =	sadd.s32 s1, s0;
	[tilespmem:s4+$0x11300] =	vst.add.f32.msk $0xffff, v27  }
0x3be: {  	[hbm4b:s0+s13] =	stream.strided.scatter [tilespmem:s23], [sflag:$0x9], $0x1000, s14, s13, $0x38;
	[tilespmem:$0x12400] =	vst v63  }
.Ltmp15:
0x3bf: {  	(pc) =	sbr.rel .LBB2_27-.Ltmp15, $4  }
0x3c0: {  	_ = 	snop  }
0x3c1: {  	_ =	swait.ge [sflag:s3], $0x1000  }
0x3c2: {  	[sflag:s3] =	ssyncset.done $0x0  }
0x3c3: {  	[sflag:s3] =	ssyncadd.s32 $0xFFFFF000  }
.LBB2_26:
0x3c4: {  	s0 =	smul.u32 $0xA00, s15;
	_ =	sdelay $0x1  }
0x3c5: {  	s4 =	smul.u32 $0x280, s15;
	s0 =	sadd.s32 $0x1000, s0  }
0x3c6: {  	s0 =	sand.u32 $0x7F000, s0  }
0x3c7: {  	s4 =	sand.u32 $0x380, s4;
	s0 =	sshrl.u32 s0, $0x2  }
.Ltmp16:
0x3c8: {  	s0 =	sor.u32 s4, s0;
	(pc) =	sbr.rel @p0 .LBB2_28-.Ltmp16, $4  }
0x3c9: {  	[tilespmem:s22], [sflag:$0x4] =	stream.indirect.gather [hbm4b:s5+s16], $0x20, s0, s16, $0xb8;
	[tilespmem:$0x12400] =	vst v63  }
0x3ca: {  	_ =	swait.ge [sflag:s3], $0x1000  }
0x3cb: {  	[sflag:s3] =	ssyncset.done $0x0  }
0x3cc: {  	[sflag:s3] =	ssyncadd.s32 $0xFFFFF000  }
.LBB2_27:
0x3cd: {  	_ =	swait.ge [sflag:s6], $0x1000  }
0x3ce: {  	[sflag:s6] =	ssyncset.done $0x0  }
0x3cf: {  	[sflag:s6] =	ssyncadd.s32 $0xFFFFF000  }
.LBB2_28:
0x3d0: {  	s0 =	simm.s32 $0x0  }
0x3d1: {  	v27 =	vadd.s32 s0, v0  }
0x3d2: {  	v28 =	vand.u32 $0xF, v27  }
0x3d3: {  	v29 =	vor.u32 v1, v28;
	_ =	sdelay $0x1  }
0x3d4: {  	v27 =	vshll.u32 v27, $0x7  }
0x3d5: {  	v30 =	vor.u32 v0, v27;
	v31 =	vand.u32 $0x400, v27  }
0x3d6: {  	v30 =	vand.u32 $0x388, v30;
	v32 =	vor.u32 v3, v31  }
0x3d7: {  	v33 =	vor.u32 v30, v32;
	v29 =	vld.idx.msk [tilespmem:v29+s24+$0x0], $0xffff;
	_ =	sdelay $0x1  }
0x3d8: {  	v34 =	vor.u32 v4, v28;
	_ =	sdelay $0x2  }
0x3d9: {  	s9 =	simm.s32 $0x0;
	v35 =	vor.u32 v5, v27;
	[tilespmem:v33+s11+$0x0] =	vst.idx.msk $0xffff, v29  }
0x3da: {  	v63 =	vand.u32 $0x398, v35;
	[tilespmem:s9+$0x10400] =	vst.add.f32.msk $0xffff, v29  }
0x3db: {  	v29 =	vor.u32 v63, v32;
	v34 =	vld.idx.msk [tilespmem:v34+s24+$0x0], $0xffff;
	_ =	sdelay $0x1  }
0x3dc: {  	v41 =	vor.u32 v6, v28;
	_ =	sdelay $0x2  }
0x3dd: {  	v36 =	vor.u32 v7, v27;
	[tilespmem:v29+s11+$0x0] =	vst.idx.msk $0xffff, v34  }
0x3de: {  	v29 =	vand.u32 $0x3A8, v36;
	[tilespmem:s9+$0x10600] =	vst.add.f32.msk $0xffff, v34  }
0x3df: {  	v42 =	vor.u32 v29, v32;
	v34 =	vld.idx.msk [tilespmem:v41+s24+$0x0], $0xffff;
	_ =	sdelay $0x1  }
0x3e0: {  	v43 =	vor.u32 v8, v28;
	_ =	sdelay $0x2  }
0x3e1: {  	v37 =	vor.u32 v9, v27;
	[tilespmem:v42+s11+$0x0] =	vst.idx.msk $0xffff, v34  }
0x3e2: {  	v44 =	vand.u32 $0x3B8, v37;
	[tilespmem:s9+$0x10800] =	vst.add.f32.msk $0xffff, v34  }
0x3e3: {  	v45 =	vor.u32 v44, v32;
	v35 =	vld.idx.msk [tilespmem:v43+s24+$0x0], $0xffff;
	_ =	sdelay $0x1  }
0x3e4: {  	v46 =	vor.u32 v10, v28;
	_ =	sdelay $0x2  }
0x3e5: {  	v38 =	vor.u32 v11, v27;
	[tilespmem:v45+s11+$0x0] =	vst.idx.msk $0xffff, v35  }
0x3e6: {  	v47 =	vand.u32 $0x3C8, v38;
	[tilespmem:s9+$0x10A00] =	vst.add.f32.msk $0xffff, v35  }
0x3e7: {  	v48 =	vor.u32 v47, v32;
	v37 =	vld.idx.msk [tilespmem:v46+s24+$0x0], $0xffff;
	_ =	sdelay $0x1  }
0x3e8: {  	v49 =	vor.u32 v12, v28;
	_ =	sdelay $0x2  }
0x3e9: {  	v39 =	vor.u32 v13, v27;
	[tilespmem:v48+s11+$0x0] =	vst.idx.msk $0xffff, v37  }
0x3ea: {  	v50 =	vand.u32 $0x3D8, v39;
	[tilespmem:s9+$0x10C00] =	vst.add.f32.msk $0xffff, v37  }
0x3eb: {  	v51 =	vor.u32 v50, v32;
	v38 =	vld.idx.msk [tilespmem:v49+s24+$0x0], $0xffff;
	_ =	sdelay $0x1  }
0x3ec: {  	v52 =	vor.u32 v14, v28;
	_ =	sdelay $0x2  }
0x3ed: {  	v40 =	vor.u32 v15, v27;
	[tilespmem:v51+s11+$0x0] =	vst.idx.msk $0xffff, v38  }
0x3ee: {  	v53 =	vand.u32 $0x3E8, v40;
	[tilespmem:s9+$0x10E00] =	vst.add.f32.msk $0xffff, v38  }
0x3ef: {  	v54 =	vor.u32 v53, v32;
	v39 =	vld.idx.msk [tilespmem:v52+s24+$0x0], $0xffff;
	_ =	sdelay $0x1  }
0x3f0: {  	v55 =	vor.u32 v16, v28;
	_ =	sdelay $0x2  }
0x3f1: {  	v27 =	vor.u32 v17, v27;
	[tilespmem:v54+s11+$0x0] =	vst.idx.msk $0xffff, v39  }
0x3f2: {  	v27 =	vand.u32 $0x3F8, v27;
	[tilespmem:s9+$0x11000] =	vst.add.f32.msk $0xffff, v39  }
0x3f3: {  	v32 =	vor.u32 v27, v32;
	v38 =	vld.idx.msk [tilespmem:v55+s24+$0x0], $0xffff;
	_ =	sdelay $0x1  }
0x3f4: {  	v56 =	vor.u32 v18, v28;
	_ =	sdelay $0x2  }
0x3f5: {  	[tilespmem:v32+s11+$0x0] =	vst.idx.msk $0xffff, v38  }
0x3f6: {  	v31 =	vor.u32 v19, v31;
	[tilespmem:s9+$0x11200] =	vst.add.f32.msk $0xffff, v38  }
0x3f7: {  	v30 =	vor.u32 v30, v31;
	v32 =	vld.idx.msk [tilespmem:v56+s24+$0x0], $0xffff;
	_ =	sdelay $0x1  }
0x3f8: {  	v57 =	vor.u32 v20, v28;
	_ =	sdelay $0x2  }
0x3f9: {  	[tilespmem:v30+s11+$0x0] =	vst.idx.msk $0xffff, v32  }
0x3fa: {  	[tilespmem:s9+$0x10500] =	vst.add.f32.msk $0xffff, v32  }
0x3fb: {  	v30 =	vor.u32 v63, v31;
	v32 =	vld.idx.msk [tilespmem:v57+s24+$0x0], $0xffff;
	_ =	sdelay $0x1  }
0x3fc: {  	v58 =	vor.u32 v21, v28;
	_ =	sdelay $0x2  }
0x3fd: {  	[tilespmem:v30+s11+$0x0] =	vst.idx.msk $0xffff, v32  }
0x3fe: {  	[tilespmem:s9+$0x10700] =	vst.add.f32.msk $0xffff, v32  }
0x3ff: {  	v29 =	vor.u32 v29, v31;
	v30 =	vld.idx.msk [tilespmem:v58+s24+$0x0], $0xffff;
	_ =	sdelay $0x1  }
0x400: {  	v59 =	vor.u32 v22, v28;
	_ =	sdelay $0x2  }
0x401: {  	[tilespmem:v29+s11+$0x0] =	vst.idx.msk $0xffff, v30  }
0x402: {  	[tilespmem:s9+$0x10900] =	vst.add.f32.msk $0xffff, v30  }
0x403: {  	v30 =	vor.u32 v44, v31;
	v29 =	vld.idx.msk [tilespmem:v59+s24+$0x0], $0xffff;
	_ =	sdelay $0x1  }
0x404: {  	v60 =	vor.u32 v23, v28;
	_ =	sdelay $0x2  }
0x405: {  	[tilespmem:v30+s11+$0x0] =	vst.idx.msk $0xffff, v29  }
0x406: {  	[tilespmem:s9+$0x10B00] =	vst.add.f32.msk $0xffff, v29  }
0x407: {  	v29 =	vor.u32 v47, v31;
	v30 =	vld.idx.msk [tilespmem:v60+s24+$0x0], $0xffff;
	_ =	sdelay $0x1  }
0x408: {  	v61 =	vor.u32 v24, v28;
	_ =	sdelay $0x2  }
0x409: {  	[tilespmem:v29+s11+$0x0] =	vst.idx.msk $0xffff, v30  }
0x40a: {  	[tilespmem:s9+$0x10D00] =	vst.add.f32.msk $0xffff, v30  }
0x40b: {  	v29 =	vor.u32 v50, v31;
	v30 =	vld.idx.msk [tilespmem:v61+s24+$0x0], $0xffff;
	_ =	sdelay $0x1  }
0x40c: {  	v62 =	vor.u32 v25, v28;
	_ =	sdelay $0x2  }
0x40d: {  	[tilespmem:v29+s11+$0x0] =	vst.idx.msk $0xffff, v30  }
0x40e: {  	[tilespmem:s9+$0x10F00] =	vst.add.f32.msk $0xffff, v30  }
0x40f: {  	v29 =	vor.u32 v53, v31;
	v30 =	vld.idx.msk [tilespmem:v62+s24+$0x0], $0xffff;
	_ =	sdelay $0x1  }
0x410: {  	v28 =	vor.u32 v26, v28;
	_ =	sdelay $0x2  }
0x411: {  	[tilespmem:v29+s11+$0x0] =	vst.idx.msk $0xffff, v30  }
0x412: {  	s10 =	simm.s32 $0x1;
	[tilespmem:s9+$0x11100] =	vst.add.f32.msk $0xffff, v30  }
0x413: {  	v63 =	vor.u32 v27, v31;
	v27 =	vadd.s32 s10, v0;
	v36 =	vld.idx.msk [tilespmem:v28+s24+$0x0], $0xffff  }
0x414: {  	v33 =	vshll.u32 v27, $0x7;
	v27 =	vand.u32 $0xF, v27  }
0x415: {  	v38 =	vor.u32 v1, v27;
	v34 =	vor.u32 v9, v33;
	v31 =	vor.u32 v7, v33  }
0x416: {  	v29 =	vand.u32 $0x400, v33;
	v30 =	vor.u32 v5, v33;
	v28 =	vor.u32 v0, v33  }
0x417: {  	v32 =	vor.u32 v3, v29;
	v30 =	vand.u32 $0x398, v30;
	v28 =	vand.u32 $0x388, v28  }
0x418: {  	s4 =	simm.s32 $0x40;
	s29 =	simm.s32 $0x80;
	v31 =	vand.u32 $0x3A8, v31;
	v35 =	vor.u32 v30, v32;
	v37 =	vor.u32 v28, v32;
	[tilespmem:v63+s11+$0x0] =	vst.idx.msk $0xffff, v36  }
.LBB2_29:
0x419: {  	p0 =	sne.s32 s29, $0x3C0;
	v39 =	vor.u32 v11, v33;
	v40 =	vor.u32 v13, v33;
	v41 =	vor.u32 v15, v33;
	[tilespmem:s9+$0x11300] =	vst.add.f32.msk $0xffff, v36;
	s0 =	smov.u32 s29;
	s29 =	sadd.s32 $0x40, s29  }
0x41a: {  	v36 =	vld.idx.msk [tilespmem:v38+s24+$0x0], $0xffff;
	v38 =	vand.u32 $0x3C8, v39;
	v39 =	vand.u32 $0x3D8, v40;
	v40 =	vand.u32 $0x3E8, v41  }
0x41b: {  	v41 =	vor.u32 v38, v32;
	v42 =	vor.u32 v39, v32;
	v43 =	vor.u32 v40, v32  }
0x41c: {  	v33 =	vor.u32 v17, v33  }
0x41d: {  	v44 =	vor.u32 v4, v27;
	v33 =	vand.u32 $0x3F8, v33  }
0x41e: {  	v45 =	vor.u32 v33, v32;
	_ =	sdelay $0x1  }
0x41f: {  	s9 =	sshra.s32 s4, $0x2;
	s4 =	smov.u32 s0;
	[tilespmem:v37+s11+$0x0] =	vst.idx.msk $0xffff, v36  }
0x420: {  	[tilespmem:s9+$0x10400] =	vst.add.f32.msk $0xffff, v36  }
0x421: {  	v36 =	vld.idx.msk [tilespmem:v44+s24+$0x0], $0xffff;
	_ =	sdelay $0x2  }
0x422: {  	v37 =	vor.u32 v6, v27;
	_ =	sdelay $0x2  }
0x423: {  	[tilespmem:v35+s11+$0x0] =	vst.idx.msk $0xffff, v36  }
0x424: {  	[tilespmem:s9+$0x10600] =	vst.add.f32.msk $0xffff, v36  }
0x425: {  	v35 =	vld.idx.msk [tilespmem:v37+s24+$0x0], $0xffff  }
0x426: {  	v36 =	vor.u32 v31, v32;
	_ =	sdelay $0x1  }
0x427: {  	v37 =	vor.u32 v8, v27;
	_ =	sdelay $0x2  }
0x428: {  	[tilespmem:v36+s11+$0x0] =	vst.idx.msk $0xffff, v35  }
0x429: {  	[tilespmem:s9+$0x10800] =	vst.add.f32.msk $0xffff, v35  }
0x42a: {  	v34 =	vand.u32 $0x3B8, v34;
	v35 =	vld.idx.msk [tilespmem:v37+s24+$0x0], $0xffff  }
0x42b: {  	v32 =	vor.u32 v34, v32;
	_ =	sdelay $0x1  }
0x42c: {  	v36 =	vor.u32 v10, v27;
	_ =	sdelay $0x2  }
0x42d: {  	[tilespmem:v32+s11+$0x0] =	vst.idx.msk $0xffff, v35  }
0x42e: {  	[tilespmem:s9+$0x10A00] =	vst.add.f32.msk $0xffff, v35  }
0x42f: {  	v32 =	vld.idx.msk [tilespmem:v36+s24+$0x0], $0xffff;
	_ =	sdelay $0x2  }
0x430: {  	v35 =	vor.u32 v12, v27;
	_ =	sdelay $0x2  }
0x431: {  	[tilespmem:v41+s11+$0x0] =	vst.idx.msk $0xffff, v32  }
0x432: {  	[tilespmem:s9+$0x10C00] =	vst.add.f32.msk $0xffff, v32  }
0x433: {  	v32 =	vld.idx.msk [tilespmem:v35+s24+$0x0], $0xffff;
	_ =	sdelay $0x2  }
0x434: {  	v35 =	vor.u32 v14, v27;
	_ =	sdelay $0x2  }
0x435: {  	[tilespmem:v42+s11+$0x0] =	vst.idx.msk $0xffff, v32  }
0x436: {  	[tilespmem:s9+$0x10E00] =	vst.add.f32.msk $0xffff, v32  }
0x437: {  	v32 =	vld.idx.msk [tilespmem:v35+s24+$0x0], $0xffff;
	_ =	sdelay $0x2  }
0x438: {  	v35 =	vor.u32 v16, v27;
	_ =	sdelay $0x2  }
0x439: {  	[tilespmem:v43+s11+$0x0] =	vst.idx.msk $0xffff, v32  }
0x43a: {  	[tilespmem:s9+$0x11000] =	vst.add.f32.msk $0xffff, v32  }
0x43b: {  	v32 =	vld.idx.msk [tilespmem:v35+s24+$0x0], $0xffff;
	_ =	sdelay $0x2  }
0x43c: {  	v35 =	vor.u32 v18, v27;
	_ =	sdelay $0x2  }
0x43d: {  	[tilespmem:v45+s11+$0x0] =	vst.idx.msk $0xffff, v32  }
0x43e: {  	[tilespmem:s9+$0x11200] =	vst.add.f32.msk $0xffff, v32  }
0x43f: {  	v29 =	vor.u32 v19, v29;
	v32 =	vld.idx.msk [tilespmem:v35+s24+$0x0], $0xffff  }
0x440: {  	v28 =	vor.u32 v28, v29;
	v30 =	vor.u32 v30, v29;
	v41 =	vor.u32 v33, v29  }
0x441: {  	v31 =	vor.u32 v31, v29;
	v33 =	vor.u32 v39, v29;
	v35 =	vor.u32 v40, v29  }
0x442: {  	v37 =	vor.u32 v38, v29;
	v36 =	vor.u32 v20, v27;
	_ =	sdelay $0x2  }
0x443: {  	[tilespmem:v28+s11+$0x0] =	vst.idx.msk $0xffff, v32  }
0x444: {  	[tilespmem:s9+$0x10500] =	vst.add.f32.msk $0xffff, v32  }
0x445: {  	v28 =	vld.idx.msk [tilespmem:v36+s24+$0x0], $0xffff;
	_ =	sdelay $0x2  }
0x446: {  	v32 =	vor.u32 v21, v27;
	_ =	sdelay $0x2  }
0x447: {  	[tilespmem:v30+s11+$0x0] =	vst.idx.msk $0xffff, v28  }
0x448: {  	[tilespmem:s9+$0x10700] =	vst.add.f32.msk $0xffff, v28  }
0x449: {  	v28 =	vld.idx.msk [tilespmem:v32+s24+$0x0], $0xffff;
	_ =	sdelay $0x2  }
0x44a: {  	v30 =	vor.u32 v22, v27;
	_ =	sdelay $0x2  }
0x44b: {  	[tilespmem:v31+s11+$0x0] =	vst.idx.msk $0xffff, v28  }
0x44c: {  	[tilespmem:s9+$0x10900] =	vst.add.f32.msk $0xffff, v28  }
0x44d: {  	v28 =	vld.idx.msk [tilespmem:v30+s24+$0x0], $0xffff  }
0x44e: {  	v29 =	vor.u32 v34, v29;
	_ =	sdelay $0x1  }
0x44f: {  	v30 =	vor.u32 v23, v27;
	_ =	sdelay $0x2  }
0x450: {  	[tilespmem:v29+s11+$0x0] =	vst.idx.msk $0xffff, v28  }
0x451: {  	[tilespmem:s9+$0x10B00] =	vst.add.f32.msk $0xffff, v28  }
0x452: {  	v28 =	vld.idx.msk [tilespmem:v30+s24+$0x0], $0xffff;
	_ =	sdelay $0x2  }
0x453: {  	v29 =	vor.u32 v24, v27;
	_ =	sdelay $0x2  }
0x454: {  	[tilespmem:v37+s11+$0x0] =	vst.idx.msk $0xffff, v28  }
0x455: {  	[tilespmem:s9+$0x10D00] =	vst.add.f32.msk $0xffff, v28  }
0x456: {  	v28 =	vld.idx.msk [tilespmem:v29+s24+$0x0], $0xffff;
	_ =	sdelay $0x2  }
0x457: {  	v29 =	vor.u32 v25, v27;
	_ =	sdelay $0x2  }
0x458: {  	[tilespmem:v33+s11+$0x0] =	vst.idx.msk $0xffff, v28  }
0x459: {  	[tilespmem:s9+$0x10F00] =	vst.add.f32.msk $0xffff, v28  }
0x45a: {  	v28 =	vld.idx.msk [tilespmem:v29+s24+$0x0], $0xffff;
	_ =	sdelay $0x2  }
0x45b: {  	v27 =	vor.u32 v26, v27;
	_ =	sdelay $0x2  }
0x45c: {  	[tilespmem:v35+s11+$0x0] =	vst.idx.msk $0xffff, v28  }
0x45d: {  	[tilespmem:s9+$0x11100] =	vst.add.f32.msk $0xffff, v28  }
0x45e: {  	s10 =	sadd.s32 $0x1, s10;
	v36 =	vld.idx.msk [tilespmem:v27+s24+$0x0], $0xffff  }
0x45f: {  	v27 =	vadd.s32 s10, v0  }
.Ltmp17:
0x460: {  	v33 =	vshll.u32 v27, $0x7;
	v27 =	vand.u32 $0xF, v27;
	(pc) =	sbr.rel @p0 .LBB2_29-.Ltmp17, $4  }
0x461: {  	v38 =	vor.u32 v1, v27;
	v28 =	vor.u32 v0, v33;
	v29 =	vand.u32 $0x400, v33  }
0x462: {  	v30 =	vor.u32 v5, v33;
	v28 =	vand.u32 $0x388, v28;
	v32 =	vor.u32 v3, v29  }
0x463: {  	v31 =	vor.u32 v7, v33;
	v30 =	vand.u32 $0x398, v30;
	v37 =	vor.u32 v28, v32  }
0x464: {  	v34 =	vor.u32 v9, v33;
	v31 =	vand.u32 $0x3A8, v31;
	v35 =	vor.u32 v30, v32;
	[tilespmem:v41+s11+$0x0] =	vst.idx.msk $0xffff, v36  }
0x465: {  	_ =	sdelay $0x2  }
0x466: {  	[tilespmem:s9+$0x11300] =	vst.add.f32.msk $0xffff, v36  }
0x467: {  	v36 =	vld.idx.msk [tilespmem:v38+s24+$0x0], $0xffff;
	_ =	sdelay $0x1  }
0x468: {  	v51 =	vor.u32 v4, v27;
	_ =	sdelay $0x2  }
0x469: {  	s4 =	sshra.s32 s4, $0x2;
	[tilespmem:v37+s11+$0x0] =	vst.idx.msk $0xffff, v36  }
0x46a: {  	[tilespmem:s4+$0x10400] =	vst.add.f32.msk $0xffff, v36  }
0x46b: {  	v36 =	vld.idx.msk [tilespmem:v51+s24+$0x0], $0xffff;
	_ =	sdelay $0x1  }
0x46c: {  	v52 =	vor.u32 v6, v27;
	_ =	sdelay $0x2  }
0x46d: {  	[tilespmem:v35+s11+$0x0] =	vst.idx.msk $0xffff, v36  }
0x46e: {  	[tilespmem:s4+$0x10600] =	vst.add.f32.msk $0xffff, v36  }
0x46f: {  	v53 =	vor.u32 v31, v32;
	v35 =	vld.idx.msk [tilespmem:v52+s24+$0x0], $0xffff;
	_ =	sdelay $0x1  }
0x470: {  	v54 =	vor.u32 v8, v27;
	_ =	sdelay $0x2  }
0x471: {  	[tilespmem:v53+s11+$0x0] =	vst.idx.msk $0xffff, v35  }
0x472: {  	v34 =	vand.u32 $0x3B8, v34;
	[tilespmem:s4+$0x10800] =	vst.add.f32.msk $0xffff, v35  }
0x473: {  	v55 =	vor.u32 v34, v32;
	v35 =	vld.idx.msk [tilespmem:v54+s24+$0x0], $0xffff;
	_ =	sdelay $0x1  }
0x474: {  	v56 =	vor.u32 v10, v27;
	_ =	sdelay $0x2  }
0x475: {  	v57 =	vor.u32 v11, v33;
	[tilespmem:v55+s11+$0x0] =	vst.idx.msk $0xffff, v35  }
0x476: {  	v58 =	vand.u32 $0x3C8, v57;
	[tilespmem:s4+$0x10A00] =	vst.add.f32.msk $0xffff, v35  }
0x477: {  	v59 =	vor.u32 v58, v32;
	v37 =	vld.idx.msk [tilespmem:v56+s24+$0x0], $0xffff;
	_ =	sdelay $0x1  }
0x478: {  	v60 =	vor.u32 v12, v27;
	_ =	sdelay $0x2  }
0x479: {  	v39 =	vor.u32 v13, v33;
	[tilespmem:v59+s11+$0x0] =	vst.idx.msk $0xffff, v37  }
0x47a: {  	v61 =	vand.u32 $0x3D8, v39;
	[tilespmem:s4+$0x10C00] =	vst.add.f32.msk $0xffff, v37  }
0x47b: {  	v62 =	vor.u32 v61, v32;
	v38 =	vld.idx.msk [tilespmem:v60+s24+$0x0], $0xffff;
	_ =	sdelay $0x1  }
0x47c: {  	v63 =	vor.u32 v14, v27;
	_ =	sdelay $0x2  }
0x47d: {  	v40 =	vor.u32 v15, v33;
	[tilespmem:v62+s11+$0x0] =	vst.idx.msk $0xffff, v38  }
0x47e: {  	v44 =	vand.u32 $0x3E8, v40;
	[tilespmem:s4+$0x10E00] =	vst.add.f32.msk $0xffff, v38  }
0x47f: {  	v45 =	vor.u32 v44, v32;
	v39 =	vld.idx.msk [tilespmem:v63+s24+$0x0], $0xffff;
	_ =	sdelay $0x1  }
0x480: {  	v46 =	vor.u32 v16, v27;
	_ =	sdelay $0x2  }
0x481: {  	v47 =	vor.u32 v17, v33;
	[tilespmem:v45+s11+$0x0] =	vst.idx.msk $0xffff, v39  }
0x482: {  	v33 =	vand.u32 $0x3F8, v47;
	[tilespmem:s4+$0x11000] =	vst.add.f32.msk $0xffff, v39  }
0x483: {  	v48 =	vor.u32 v33, v32;
	v38 =	vld.idx.msk [tilespmem:v46+s24+$0x0], $0xffff;
	_ =	sdelay $0x1  }
0x484: {  	v49 =	vor.u32 v18, v27;
	_ =	sdelay $0x2  }
0x485: {  	[tilespmem:v48+s11+$0x0] =	vst.idx.msk $0xffff, v38  }
0x486: {  	v29 =	vor.u32 v19, v29;
	[tilespmem:s4+$0x11200] =	vst.add.f32.msk $0xffff, v38  }
0x487: {  	v28 =	vor.u32 v28, v29;
	v32 =	vld.idx.msk [tilespmem:v49+s24+$0x0], $0xffff;
	_ =	sdelay $0x1  }
0x488: {  	v50 =	vor.u32 v20, v27;
	_ =	sdelay $0x2  }
0x489: {  	[tilespmem:v28+s11+$0x0] =	vst.idx.msk $0xffff, v32  }
0x48a: {  	[tilespmem:s4+$0x10500] =	vst.add.f32.msk $0xffff, v32  }
0x48b: {  	v51 =	vor.u32 v30, v29;
	v52 =	vld.idx.msk [tilespmem:v50+s24+$0x0], $0xffff;
	_ =	sdelay $0x1  }
0x48c: {  	v53 =	vor.u32 v21, v27;
	_ =	sdelay $0x2  }
0x48d: {  	[tilespmem:v51+s11+$0x0] =	vst.idx.msk $0xffff, v52  }
0x48e: {  	[tilespmem:s4+$0x10700] =	vst.add.f32.msk $0xffff, v52  }
0x48f: {  	v54 =	vor.u32 v31, v29;
	v30 =	vld.idx.msk [tilespmem:v53+s24+$0x0], $0xffff;
	_ =	sdelay $0x1  }
0x490: {  	v55 =	vor.u32 v22, v27;
	_ =	sdelay $0x2  }
0x491: {  	[tilespmem:v54+s11+$0x0] =	vst.idx.msk $0xffff, v30  }
0x492: {  	[tilespmem:s4+$0x10900] =	vst.add.f32.msk $0xffff, v30  }
0x493: {  	v56 =	vor.u32 v34, v29;
	v28 =	vld.idx.msk [tilespmem:v55+s24+$0x0], $0xffff;
	_ =	sdelay $0x1  }
0x494: {  	v57 =	vor.u32 v23, v27;
	_ =	sdelay $0x2  }
0x495: {  	[tilespmem:v56+s11+$0x0] =	vst.idx.msk $0xffff, v28  }
0x496: {  	[tilespmem:s4+$0x10B00] =	vst.add.f32.msk $0xffff, v28  }
0x497: {  	v58 =	vor.u32 v58, v29;
	v30 =	vld.idx.msk [tilespmem:v57+s24+$0x0], $0xffff;
	_ =	sdelay $0x1  }
0x498: {  	v59 =	vor.u32 v24, v27;
	_ =	sdelay $0x2  }
0x499: {  	[tilespmem:v58+s11+$0x0] =	vst.idx.msk $0xffff, v30  }
0x49a: {  	[tilespmem:s4+$0x10D00] =	vst.add.f32.msk $0xffff, v30  }
0x49b: {  	v60 =	vor.u32 v61, v29;
	v30 =	vld.idx.msk [tilespmem:v59+s24+$0x0], $0xffff;
	_ =	sdelay $0x1  }
0x49c: {  	v61 =	vor.u32 v25, v27;
	_ =	sdelay $0x2  }
0x49d: {  	[tilespmem:v60+s11+$0x0] =	vst.idx.msk $0xffff, v30  }
0x49e: {  	[tilespmem:s4+$0x10F00] =	vst.add.f32.msk $0xffff, v30  }
0x49f: {  	v62 =	vor.u32 v44, v29;
	v30 =	vld.idx.msk [tilespmem:v61+s24+$0x0], $0xffff;
	_ =	sdelay $0x1  }
0x4a0: {  	v27 =	vor.u32 v26, v27;
	_ =	sdelay $0x2  }
0x4a1: {  	[tilespmem:v62+s11+$0x0] =	vst.idx.msk $0xffff, v30  }
0x4a2: {  	[tilespmem:s4+$0x11100] =	vst.add.f32.msk $0xffff, v30  }
0x4a3: {  	v63 =	vor.u32 v33, v29;
	v27 =	vld.idx.msk [tilespmem:v27+s24+$0x0], $0xffff;
	_ =	sdelay $0x1  }
0x4a4: {  	p0 =	seq.s32 s15, $0x27  }
.Ltmp18:
0x4a5: {  	s0 =	rddreg [dreg:$0xa];
	(pc) =	sbr.rel @p0 .LBB2_32-.Ltmp18, $4  }
0x4a6: {  	s0 =	sadd.s32 s0, s8  }
0x4a7: {  	s0 =	sshrl.u32 s0, $0x3;
	[tilespmem:v63+s11+$0x0] =	vst.idx.msk $0xffff, v27  }
0x4a8: {  	s0 =	sadd.s32 s1, s0;
	[tilespmem:s4+$0x11300] =	vst.add.f32.msk $0xffff, v27  }
0x4a9: {  	[hbm4b:s0+s13] =	stream.strided.scatter [tilespmem:s11], [sflag:$0xA], $0x1000, s14, s13, $0x38;
	[tilespmem:$0x12400] =	vst v63  }
.Ltmp19:
0x4aa: {  	(pc) =	sbr.rel .LBB2_4-.Ltmp19, $4  }
0x4ab: {  	s0 =	sshll.u32 s7, $0x7  }
0x4ac: {  	s0 =	sadd.s32 $0x480, s0  }
0x4ad: {  	s15 =	sadd.s32 $0x1, s15;
	s0 =	sand.u32 $0x1FF80, s0  }
0x4ae: {  	[tilespmem:s24], [sflag:$0x5] =	stream.indirect.gather [hbm4b:s5+s16], $0x20, s0, s16, $0xb8;
	[tilespmem:$0x12400] =	vst v63  }
.LBB2_32:
0x4af: {  	s0 =	simm.s32 $0x6  }
0x4b0: {  	_ =	swait.ge [sflag:s0], $0x1000  }
0x4b1: {  	[sflag:s0] =	ssyncset.done $0x0  }
0x4b2: {  	s9 =	simm.s32 $0x7;
	[sflag:s0] =	ssyncadd.s32 $0xFFFFF000  }
0x4b3: {  	_ =	swait.ge [sflag:s9], $0x1000  }
0x4b4: {  	[sflag:s9] =	ssyncset.done $0x0  }
0x4b5: {  	s10 =	simm.s32 $0x8;
	[sflag:s9] =	ssyncadd.s32 $0xFFFFF000  }
0x4b6: {  	_ =	swait.ge [sflag:s10], $0x1000  }
0x4b7: {  	[sflag:s10] =	ssyncset.done $0x0  }
0x4b8: {  	[sflag:s10] =	ssyncadd.s32 $0xFFFFF000  }
0x4b9: {  	_ =	swait.ge [sflag:s21], $0x1000  }
0x4ba: {  	[sflag:s21] =	ssyncset.done $0x0  }
0x4bb: {  	s15 =	simm.s32 $0x0;
	[sflag:s21] =	ssyncadd.s32 $0xFFFFF000  }
0x4bc: {  	v27 =	vmul.u32 $0x80, v0;
	v28 =	vmov s15;
	_ =	swait.ge [sflag:s6], $0x1000  }
0x4bd: {  	v28 =	vshll.u32 v28, $0x7;
	[sflag:s6] =	ssyncset.done $0x0  }
0x4be: {  	s7 =	simm.s32 $0x10C00;
	v28 =	vadd.s32 v27, v28;
	[sflag:s6] =	ssyncadd.s32 $0xFFFFF000  }
0x4bf: {  	v30 =	vor.u32 v0, v28;
	v31 =	vand.u32 $0x400, v28;
	v29 =	vld [tilespmem:s7+$0xFFFFF800]  }
0x4c0: {  	v30 =	vand.u32 $0x388, v30;
	v32 =	vor.u32 v3, v31  }
0x4c1: {  	v33 =	vor.u32 v30, v32;
	_ =	sdelay $0x2  }
0x4c2: {  	v29 =	vmul.f32 $4.999999890e-03, v29;
	_ =	sdelay $0x1  }
0x4c3: {  	[tilespmem:v33+s12+$0x0] =	vst.idx.msk $0xffff, v29  }
0x4c4: {  	v29 =	vor.u32 v5, v28;
	v33 =	vld [tilespmem:s7+$0xFFFFFA00]  }
0x4c5: {  	v29 =	vand.u32 $0x398, v29  }
0x4c6: {  	v34 =	vor.u32 v29, v32;
	_ =	sdelay $0x2  }
0x4c7: {  	v33 =	vmul.f32 $4.999999890e-03, v33;
	_ =	sdelay $0x1  }
0x4c8: {  	[tilespmem:v34+s12+$0x0] =	vst.idx.msk $0xffff, v33  }
0x4c9: {  	v59 =	vor.u32 v7, v28;
	v34 =	vld [tilespmem:s7+$0xFFFFFC00]  }
0x4ca: {  	v33 =	vand.u32 $0x3A8, v59  }
0x4cb: {  	v35 =	vor.u32 v33, v32;
	_ =	sdelay $0x2  }
0x4cc: {  	v34 =	vmul.f32 $4.999999890e-03, v34;
	_ =	sdelay $0x1  }
0x4cd: {  	[tilespmem:v35+s12+$0x0] =	vst.idx.msk $0xffff, v34  }
0x4ce: {  	v60 =	vor.u32 v9, v28;
	v35 =	vld [tilespmem:s7+$0xFFFFFE00]  }
0x4cf: {  	v34 =	vand.u32 $0x3B8, v60  }
0x4d0: {  	v36 =	vor.u32 v34, v32;
	_ =	sdelay $0x2  }
0x4d1: {  	v35 =	vmul.f32 $4.999999890e-03, v35;
	_ =	sdelay $0x1  }
0x4d2: {  	[tilespmem:v36+s12+$0x0] =	vst.idx.msk $0xffff, v35  }
0x4d3: {  	v61 =	vor.u32 v11, v28;
	v36 =	vld [tilespmem:s7+$0x0]  }
0x4d4: {  	v35 =	vand.u32 $0x3C8, v61  }
0x4d5: {  	v37 =	vor.u32 v35, v32;
	_ =	sdelay $0x2  }
0x4d6: {  	v36 =	vmul.f32 $4.999999890e-03, v36;
	_ =	sdelay $0x1  }
0x4d7: {  	[tilespmem:v37+s12+$0x0] =	vst.idx.msk $0xffff, v36  }
0x4d8: {  	v62 =	vor.u32 v13, v28;
	v37 =	vld [tilespmem:s7+$0x200]  }
0x4d9: {  	v36 =	vand.u32 $0x3D8, v62  }
0x4da: {  	v38 =	vor.u32 v36, v32;
	_ =	sdelay $0x2  }
0x4db: {  	v37 =	vmul.f32 $4.999999890e-03, v37;
	_ =	sdelay $0x1  }
0x4dc: {  	[tilespmem:v38+s12+$0x0] =	vst.idx.msk $0xffff, v37  }
0x4dd: {  	v63 =	vor.u32 v15, v28;
	v38 =	vld [tilespmem:s7+$0x400]  }
0x4de: {  	v37 =	vand.u32 $0x3E8, v63  }
0x4df: {  	v39 =	vor.u32 v37, v32;
	_ =	sdelay $0x2  }
0x4e0: {  	v38 =	vmul.f32 $4.999999890e-03, v38;
	_ =	sdelay $0x1  }
0x4e1: {  	[tilespmem:v39+s12+$0x0] =	vst.idx.msk $0xffff, v38  }
0x4e2: {  	v28 =	vor.u32 v17, v28;
	v38 =	vld [tilespmem:s7+$0x600]  }
0x4e3: {  	v28 =	vand.u32 $0x3F8, v28  }
0x4e4: {  	v32 =	vor.u32 v28, v32;
	_ =	sdelay $0x2  }
0x4e5: {  	v38 =	vmul.f32 $4.999999890e-03, v38;
	_ =	sdelay $0x1  }
0x4e6: {  	[tilespmem:v32+s12+$0x0] =	vst.idx.msk $0xffff, v38  }
0x4e7: {  	v32 =	vld [tilespmem:s7+$0xFFFFF900]  }
0x4e8: {  	v31 =	vor.u32 v19, v31  }
0x4e9: {  	v30 =	vor.u32 v30, v31;
	_ =	sdelay $0x2  }
0x4ea: {  	v32 =	vmul.f32 $4.999999890e-03, v32;
	_ =	sdelay $0x1  }
0x4eb: {  	[tilespmem:v30+s12+$0x0] =	vst.idx.msk $0xffff, v32  }
0x4ec: {  	v30 =	vld [tilespmem:s7+$0xFFFFFB00];
	_ =	sdelay $0x1  }
0x4ed: {  	v29 =	vor.u32 v29, v31;
	_ =	sdelay $0x2  }
0x4ee: {  	v30 =	vmul.f32 $4.999999890e-03, v30;
	_ =	sdelay $0x1  }
0x4ef: {  	[tilespmem:v29+s12+$0x0] =	vst.idx.msk $0xffff, v30  }
0x4f0: {  	v29 =	vld [tilespmem:s7+$0xFFFFFD00];
	_ =	sdelay $0x1  }
0x4f1: {  	v30 =	vor.u32 v33, v31;
	_ =	sdelay $0x2  }
0x4f2: {  	v29 =	vmul.f32 $4.999999890e-03, v29;
	_ =	sdelay $0x1  }
0x4f3: {  	[tilespmem:v30+s12+$0x0] =	vst.idx.msk $0xffff, v29  }
0x4f4: {  	v29 =	vld [tilespmem:s7+$0xFFFFFF00];
	_ =	sdelay $0x1  }
0x4f5: {  	v30 =	vor.u32 v34, v31;
	_ =	sdelay $0x2  }
0x4f6: {  	v29 =	vmul.f32 $4.999999890e-03, v29;
	_ =	sdelay $0x1  }
0x4f7: {  	[tilespmem:v30+s12+$0x0] =	vst.idx.msk $0xffff, v29  }
0x4f8: {  	v29 =	vld [tilespmem:s7+$0x100];
	_ =	sdelay $0x1  }
0x4f9: {  	v30 =	vor.u32 v35, v31;
	_ =	sdelay $0x2  }
0x4fa: {  	v29 =	vmul.f32 $4.999999890e-03, v29;
	_ =	sdelay $0x1  }
0x4fb: {  	[tilespmem:v30+s12+$0x0] =	vst.idx.msk $0xffff, v29  }
0x4fc: {  	v29 =	vld [tilespmem:s7+$0x300];
	_ =	sdelay $0x1  }
0x4fd: {  	v30 =	vor.u32 v36, v31;
	_ =	sdelay $0x2  }
0x4fe: {  	v29 =	vmul.f32 $4.999999890e-03, v29;
	_ =	sdelay $0x1  }
0x4ff: {  	[tilespmem:v30+s12+$0x0] =	vst.idx.msk $0xffff, v29  }
0x500: {  	v29 =	vld [tilespmem:s7+$0x500];
	_ =	sdelay $0x1  }
0x501: {  	v30 =	vor.u32 v37, v31;
	_ =	sdelay $0x2  }
0x502: {  	v29 =	vmul.f32 $4.999999890e-03, v29;
	_ =	sdelay $0x1  }
0x503: {  	[tilespmem:v30+s12+$0x0] =	vst.idx.msk $0xffff, v29  }
0x504: {  	v29 =	vld [tilespmem:s7+$0x700];
	_ =	sdelay $0x1  }
0x505: {  	v28 =	vor.u32 v28, v31  }
0x506: {  	s29 =	simm.s32 $0x1  }
0x507: {  	v30 =	vmov s29  }
0x508: {  	s4 =	simm.s32 $0x2;
	v30 =	vshll.u32 v30, $0x7;
	v29 =	vmul.f32 $4.999999890e-03, v29  }
.LBB2_33:
0x509: {  	p0 =	sne.s32 s4, $0xF  }
0x50a: {  	v30 =	vadd.s32 v27, v30;
	[tilespmem:v28+s12+$0x0] =	vst.idx.msk $0xffff, v29;
	s7 =	sadd.s32 $0x10, s7;
	s8 =	smov.u32 s4;
	s4 =	sadd.s32 $0x1, s4  }
0x50b: {  	v28 =	vld [tilespmem:s7+$0xFFFFF800];
	v29 =	vor.u32 v0, v30;
	v31 =	vand.u32 $0x400, v30;
	v32 =	vor.u32 v5, v30  }
0x50c: {  	v29 =	vand.u32 $0x388, v29;
	v33 =	vor.u32 v3, v31;
	v32 =	vand.u32 $0x398, v32  }
0x50d: {  	v36 =	vor.u32 v7, v30;
	v34 =	vor.u32 v29, v33;
	v35 =	vor.u32 v32, v33  }
0x50e: {  	v37 =	vor.u32 v9, v30;
	v38 =	vor.u32 v11, v30;
	v36 =	vand.u32 $0x3A8, v36  }
0x50f: {  	v37 =	vand.u32 $0x3B8, v37;
	v38 =	vand.u32 $0x3C8, v38;
	v39 =	vor.u32 v36, v33  }
0x510: {  	v40 =	vor.u32 v37, v33;
	v41 =	vor.u32 v38, v33;
	v28 =	vmul.f32 $4.999999890e-03, v28  }
0x511: {  	v42 =	vor.u32 v13, v30;
	v43 =	vor.u32 v15, v30;
	v30 =	vor.u32 v17, v30  }
0x512: {  	[tilespmem:v34+s12+$0x0] =	vst.idx.msk $0xffff, v28;
	v28 =	vand.u32 $0x3D8, v42;
	v34 =	vand.u32 $0x3E8, v43;
	v42 =	vand.u32 $0x3F8, v30  }
0x513: {  	v43 =	vld [tilespmem:s7+$0xFFFFFA00];
	v44 =	vor.u32 v28, v33;
	v45 =	vor.u32 v34, v33;
	v33 =	vor.u32 v42, v33  }
0x514: {  	v46 =	vor.u32 v19, v31  }
0x515: {  	v47 =	vor.u32 v29, v46;
	v32 =	vor.u32 v32, v46;
	v36 =	vor.u32 v36, v46  }
0x516: {  	v37 =	vor.u32 v37, v46;
	v31 =	vor.u32 v38, v46;
	v30 =	vor.u32 v28, v46  }
0x517: {  	v29 =	vor.u32 v34, v46;
	v28 =	vor.u32 v42, v46  }
0x518: {  	v34 =	vmul.f32 $4.999999890e-03, v43;
	_ =	sdelay $0x1  }
0x519: {  	[tilespmem:v35+s12+$0x0] =	vst.idx.msk $0xffff, v34  }
0x51a: {  	v34 =	vld [tilespmem:s7+$0xFFFFFC00];
	_ =	sdelay $0x4  }
0x51b: {  	v34 =	vmul.f32 $4.999999890e-03, v34;
	_ =	sdelay $0x1  }
0x51c: {  	[tilespmem:v39+s12+$0x0] =	vst.idx.msk $0xffff, v34  }
0x51d: {  	v34 =	vld [tilespmem:s7+$0xFFFFFE00];
	_ =	sdelay $0x4  }
0x51e: {  	v34 =	vmul.f32 $4.999999890e-03, v34;
	_ =	sdelay $0x1  }
0x51f: {  	[tilespmem:v40+s12+$0x0] =	vst.idx.msk $0xffff, v34  }
0x520: {  	v34 =	vld [tilespmem:s7+$0x0];
	_ =	sdelay $0x4  }
0x521: {  	v34 =	vmul.f32 $4.999999890e-03, v34;
	_ =	sdelay $0x1  }
0x522: {  	[tilespmem:v41+s12+$0x0] =	vst.idx.msk $0xffff, v34  }
0x523: {  	v34 =	vld [tilespmem:s7+$0x200];
	_ =	sdelay $0x4  }
0x524: {  	v34 =	vmul.f32 $4.999999890e-03, v34;
	_ =	sdelay $0x1  }
0x525: {  	[tilespmem:v44+s12+$0x0] =	vst.idx.msk $0xffff, v34  }
0x526: {  	v34 =	vld [tilespmem:s7+$0x400];
	_ =	sdelay $0x4  }
0x527: {  	v34 =	vmul.f32 $4.999999890e-03, v34;
	_ =	sdelay $0x1  }
0x528: {  	[tilespmem:v45+s12+$0x0] =	vst.idx.msk $0xffff, v34  }
0x529: {  	v34 =	vld [tilespmem:s7+$0x600];
	_ =	sdelay $0x4  }
0x52a: {  	v34 =	vmul.f32 $4.999999890e-03, v34;
	_ =	sdelay $0x1  }
0x52b: {  	[tilespmem:v33+s12+$0x0] =	vst.idx.msk $0xffff, v34  }
0x52c: {  	v33 =	vld [tilespmem:s7+$0xFFFFF900];
	_ =	sdelay $0x4  }
0x52d: {  	v33 =	vmul.f32 $4.999999890e-03, v33;
	_ =	sdelay $0x1  }
0x52e: {  	[tilespmem:v47+s12+$0x0] =	vst.idx.msk $0xffff, v33  }
0x52f: {  	v33 =	vld [tilespmem:s7+$0xFFFFFB00];
	_ =	sdelay $0x4  }
0x530: {  	v33 =	vmul.f32 $4.999999890e-03, v33;
	_ =	sdelay $0x1  }
0x531: {  	[tilespmem:v32+s12+$0x0] =	vst.idx.msk $0xffff, v33  }
0x532: {  	v32 =	vld [tilespmem:s7+$0xFFFFFD00];
	_ =	sdelay $0x4  }
0x533: {  	v32 =	vmul.f32 $4.999999890e-03, v32;
	_ =	sdelay $0x1  }
0x534: {  	[tilespmem:v36+s12+$0x0] =	vst.idx.msk $0xffff, v32  }
0x535: {  	v32 =	vld [tilespmem:s7+$0xFFFFFF00];
	_ =	sdelay $0x4  }
0x536: {  	v32 =	vmul.f32 $4.999999890e-03, v32;
	_ =	sdelay $0x1  }
0x537: {  	[tilespmem:v37+s12+$0x0] =	vst.idx.msk $0xffff, v32  }
0x538: {  	v32 =	vld [tilespmem:s7+$0x100];
	_ =	sdelay $0x4  }
0x539: {  	v32 =	vmul.f32 $4.999999890e-03, v32;
	_ =	sdelay $0x1  }
0x53a: {  	[tilespmem:v31+s12+$0x0] =	vst.idx.msk $0xffff, v32  }
0x53b: {  	v31 =	vld [tilespmem:s7+$0x300];
	_ =	sdelay $0x4  }
0x53c: {  	v31 =	vmul.f32 $4.999999890e-03, v31;
	_ =	sdelay $0x1  }
0x53d: {  	[tilespmem:v30+s12+$0x0] =	vst.idx.msk $0xffff, v31  }
0x53e: {  	v30 =	vld [tilespmem:s7+$0x500];
	_ =	sdelay $0x4  }
0x53f: {  	v30 =	vmul.f32 $4.999999890e-03, v30;
	_ =	sdelay $0x1  }
0x540: {  	[tilespmem:v29+s12+$0x0] =	vst.idx.msk $0xffff, v30  }
0x541: {  	v29 =	vld [tilespmem:s7+$0x700];
	_ =	sdelay $0x1  }
.Ltmp20:
0x542: {  	(pc) =	sbr.rel @p0 .LBB2_33-.Ltmp20, $3  }
0x543: {  	_ =	sdelay $0x1  }
0x544: {  	v30 =	vmov s8;
	v29 =	vmul.f32 $4.999999890e-03, v29  }
0x545: {  	v30 =	vshll.u32 v30, $0x7  }
0x546: {  	_ =	sdelay $0x3  }
0x547: {  	v27 =	vadd.s32 v27, v30;
	[tilespmem:v28+s12+$0x0] =	vst.idx.msk $0xffff, v29;
	s4 =	sadd.s32 $0x10, s7  }
0x548: {  	v28 =	vld [tilespmem:s4+$0xFFFFF800];
	v52 =	vor.u32 v0, v27;
	v30 =	vand.u32 $0x400, v27  }
0x549: {  	v29 =	vand.u32 $0x388, v52;
	v31 =	vor.u32 v3, v30  }
0x54a: {  	v32 =	vor.u32 v29, v31;
	_ =	sdelay $0x2  }
0x54b: {  	v28 =	vmul.f32 $4.999999890e-03, v28;
	_ =	sdelay $0x1  }
0x54c: {  	[tilespmem:v32+s12+$0x0] =	vst.idx.msk $0xffff, v28  }
0x54d: {  	v53 =	vor.u32 v5, v27;
	v32 =	vld [tilespmem:s4+$0xFFFFFA00]  }
0x54e: {  	v28 =	vand.u32 $0x398, v53  }
0x54f: {  	v33 =	vor.u32 v28, v31;
	_ =	sdelay $0x2  }
0x550: {  	v32 =	vmul.f32 $4.999999890e-03, v32;
	_ =	sdelay $0x1  }
0x551: {  	[tilespmem:v33+s12+$0x0] =	vst.idx.msk $0xffff, v32  }
0x552: {  	v54 =	vor.u32 v7, v27;
	v33 =	vld [tilespmem:s4+$0xFFFFFC00]  }
0x553: {  	v32 =	vand.u32 $0x3A8, v54  }
0x554: {  	v34 =	vor.u32 v32, v31;
	_ =	sdelay $0x2  }
0x555: {  	v33 =	vmul.f32 $4.999999890e-03, v33;
	_ =	sdelay $0x1  }
0x556: {  	[tilespmem:v34+s12+$0x0] =	vst.idx.msk $0xffff, v33  }
0x557: {  	v55 =	vor.u32 v9, v27;
	v34 =	vld [tilespmem:s4+$0xFFFFFE00]  }
0x558: {  	v33 =	vand.u32 $0x3B8, v55  }
0x559: {  	v35 =	vor.u32 v33, v31;
	_ =	sdelay $0x2  }
0x55a: {  	v34 =	vmul.f32 $4.999999890e-03, v34;
	_ =	sdelay $0x1  }
0x55b: {  	[tilespmem:v35+s12+$0x0] =	vst.idx.msk $0xffff, v34  }
0x55c: {  	v56 =	vor.u32 v11, v27;
	v35 =	vld [tilespmem:s4+$0x0]  }
0x55d: {  	v34 =	vand.u32 $0x3C8, v56  }
0x55e: {  	v36 =	vor.u32 v34, v31;
	_ =	sdelay $0x2  }
0x55f: {  	v35 =	vmul.f32 $4.999999890e-03, v35;
	_ =	sdelay $0x1  }
0x560: {  	[tilespmem:v36+s12+$0x0] =	vst.idx.msk $0xffff, v35  }
0x561: {  	v57 =	vor.u32 v13, v27;
	v36 =	vld [tilespmem:s4+$0x200]  }
0x562: {  	v35 =	vand.u32 $0x3D8, v57  }
0x563: {  	v37 =	vor.u32 v35, v31;
	_ =	sdelay $0x2  }
0x564: {  	v36 =	vmul.f32 $4.999999890e-03, v36;
	_ =	sdelay $0x1  }
0x565: {  	[tilespmem:v37+s12+$0x0] =	vst.idx.msk $0xffff, v36  }
0x566: {  	v58 =	vor.u32 v15, v27;
	v37 =	vld [tilespmem:s4+$0x400]  }
0x567: {  	v36 =	vand.u32 $0x3E8, v58  }
0x568: {  	v38 =	vor.u32 v36, v31;
	_ =	sdelay $0x2  }
0x569: {  	v37 =	vmul.f32 $4.999999890e-03, v37;
	_ =	sdelay $0x1  }
0x56a: {  	[tilespmem:v38+s12+$0x0] =	vst.idx.msk $0xffff, v37  }
0x56b: {  	v27 =	vor.u32 v17, v27;
	v37 =	vld [tilespmem:s4+$0x600]  }
0x56c: {  	v27 =	vand.u32 $0x3F8, v27  }
0x56d: {  	v31 =	vor.u32 v27, v31;
	_ =	sdelay $0x2  }
0x56e: {  	v37 =	vmul.f32 $4.999999890e-03, v37;
	_ =	sdelay $0x1  }
0x56f: {  	[tilespmem:v31+s12+$0x0] =	vst.idx.msk $0xffff, v37  }
0x570: {  	v31 =	vld [tilespmem:s4+$0xFFFFF900]  }
0x571: {  	v30 =	vor.u32 v19, v30  }
0x572: {  	v29 =	vor.u32 v29, v30;
	_ =	sdelay $0x2  }
0x573: {  	v31 =	vmul.f32 $4.999999890e-03, v31;
	_ =	sdelay $0x1  }
0x574: {  	[tilespmem:v29+s12+$0x0] =	vst.idx.msk $0xffff, v31  }
0x575: {  	v29 =	vld [tilespmem:s4+$0xFFFFFB00];
	_ =	sdelay $0x1  }
0x576: {  	v28 =	vor.u32 v28, v30;
	_ =	sdelay $0x2  }
0x577: {  	v29 =	vmul.f32 $4.999999890e-03, v29;
	_ =	sdelay $0x1  }
0x578: {  	[tilespmem:v28+s12+$0x0] =	vst.idx.msk $0xffff, v29  }
0x579: {  	v28 =	vld [tilespmem:s4+$0xFFFFFD00];
	_ =	sdelay $0x1  }
0x57a: {  	v59 =	vor.u32 v32, v30;
	_ =	sdelay $0x2  }
0x57b: {  	v28 =	vmul.f32 $4.999999890e-03, v28;
	_ =	sdelay $0x1  }
0x57c: {  	[tilespmem:v59+s12+$0x0] =	vst.idx.msk $0xffff, v28  }
0x57d: {  	v28 =	vld [tilespmem:s4+$0xFFFFFF00];
	_ =	sdelay $0x1  }
0x57e: {  	v60 =	vor.u32 v33, v30;
	_ =	sdelay $0x2  }
0x57f: {  	v28 =	vmul.f32 $4.999999890e-03, v28;
	_ =	sdelay $0x1  }
0x580: {  	[tilespmem:v60+s12+$0x0] =	vst.idx.msk $0xffff, v28  }
0x581: {  	v28 =	vld [tilespmem:s4+$0x100];
	_ =	sdelay $0x1  }
0x582: {  	v61 =	vor.u32 v34, v30;
	_ =	sdelay $0x2  }
0x583: {  	v28 =	vmul.f32 $4.999999890e-03, v28;
	_ =	sdelay $0x1  }
0x584: {  	[tilespmem:v61+s12+$0x0] =	vst.idx.msk $0xffff, v28  }
0x585: {  	v28 =	vld [tilespmem:s4+$0x300];
	_ =	sdelay $0x1  }
0x586: {  	v62 =	vor.u32 v35, v30;
	_ =	sdelay $0x2  }
0x587: {  	v28 =	vmul.f32 $4.999999890e-03, v28;
	_ =	sdelay $0x1  }
0x588: {  	[tilespmem:v62+s12+$0x0] =	vst.idx.msk $0xffff, v28  }
0x589: {  	v28 =	vld [tilespmem:s4+$0x500];
	_ =	sdelay $0x1  }
0x58a: {  	v63 =	vor.u32 v36, v30;
	_ =	sdelay $0x2  }
0x58b: {  	v28 =	vmul.f32 $4.999999890e-03, v28;
	_ =	sdelay $0x1  }
0x58c: {  	[tilespmem:v63+s12+$0x0] =	vst.idx.msk $0xffff, v28  }
0x58d: {  	v28 =	vld [tilespmem:s4+$0x700];
	_ =	sdelay $0x1  }
0x58e: {  	v27 =	vor.u32 v27, v30;
	_ =	sdelay $0x2  }
0x58f: {  	v28 =	vmul.f32 $4.999999890e-03, v28;
	_ =	sdelay $0x1  }
0x590: {  	s0 =	rddreg [dreg:$0xb];
	s7 =	simm.s32 $0xB;
	[tilespmem:v27+s12+$0x0] =	vst.idx.msk $0xffff, v28  }
0x591: {  	[hbm4b:s0+s13] =	stream.strided.scatter [tilespmem:s12], [sflag:$0xB], $0x1000, s14, s13, $0x38;
	[tilespmem:$0x12400] =	vst v63  }
0x592: {  	_ =	swait.ge [sflag:s7], $0x1000  }
0x593: {  	s15 =	rddreg [dreg:$0xd]  }
0x594: {  	s29 =	rddreg [dreg:$0xc];
	s4 =	sadd.s32 $0x1, s15  }
0x595: {  	p0 =	sne.s32 s4, s29  }
.Ltmp21:
0x596: {  	_ = 	snop;
	(pc) =	sbr.rel @p0 .LBB2_1-.Ltmp21, $3  }
0x597: {  	_ =	sdelay $0x1  }
0x598: {  	[sflag:s7] =	ssyncset.done $0x0  }
0x599: {  	[sflag:s7] =	ssyncadd.s32 $0xFFFFF000  }
0x59a: {  	_ =	sfence.sel $0x180000  }
0x59b: {  	[bflag:$0x0] =	sbarrier.arrive $0xFFFF  }
0x59c: {  	_ =	strace $0x90000047  }
0x59d: {  	s0 =	stileid.u32;
	[bflag:$0x2] =	sbarrier.arrive $0xFFFF  }
0x59e: {  	p0 =	sne.s32 s0, $0x0;
	s0 =	rddreg [dreg:$0x4]  }
0x59f: {  	s0 =	sadd.s32 @!p0 $0x100000, s0  }
0x5a0: {  	[sflag:s0] =	ssyncadd.tile.s32 @!p0 $0x1;
	_ =	shalt  }
.Lfunc_end2:
_tile_overlayer_lowered:
.L_overlay_start_2:
0x5a1: {  	(tag) =	ssettag $0x2  }
0x5a2: {  	s0 =	rddreg [dreg:$0x0];
	s2 =	stileid.u32  }
0x5a3: {  	s1 =	rddreg [dreg:$0x1];
	p0 =	sne.s32 s2, $0x0  }
0x5a4: {  	s3 =	rddreg [dreg:$0x2];
	[bflag:$0x3] =	sbarrier.arrive $0xFFFF;
	s2 =	simm.s32 @!p0 $0x1C0B  }
0x5a5: {  	[timem:s3], [sflag:s2] =	dma.local @!p0 [hbm:s0], s1  }
0x5a6: {  	s0 =	simm.s32 @!p0 $0xB  }
0x5a7: {  	_ =	swait.ge @!p0 [sflag:s0], s1  }
0x5a8: {  	s1 =	ssub.s32 @!p0 $0x0, s1;
	[sflag:s0] =	ssyncset.done @!p0 $0x0  }
0x5a9: {  	[sflag:s0] =	ssyncadd.s32 @!p0 s1  }
0x5aa: {  	[bflag:$0x3] =	sbarrier.arrive $0xFFFF  }
0x5ab: {  	_ =	shalt  }

</sc_bundles>
